<compile_context>
chip_gen: v7x
topology: tpu7x:2x2x1
jax: 0.10.2.dev20260603
libtpu: 0.0.44.dev20260713+nightly
codegen_flags: <defaults>
</compile_context>

<pallas_src>
import functools

import numpy as np

import jax
import jax.numpy as jnp
from jax import lax
from jax.experimental import pallas as pl
from jax.experimental.pallas import tpu as pltpu
from jax.experimental.pallas import tpu_sc as plsc

NC, NS, LANES = 2, 16, 16
CH = 128
BLK = 1024


def _sc_hist_body(cpt, n_pad, ei, deg_out, ones_v, dslab, zeros_v, deg_sp, sem):
    c = lax.axis_index("c")
    s = lax.axis_index("s")
    w = c * NS + s
    rpt = n_pad // NS

    for j in range(CH // LANES):
        ones_v[pl.ds(j * LANES, LANES)] = jnp.ones((LANES,), jnp.float32)

    def zero_body(i, _):
        zeros_v[pl.ds(i * LANES, LANES)] = jnp.zeros((LANES,), jnp.float32)
        return 0
    lax.fori_loop(0, rpt // LANES, zero_body, 0)

    pltpu.sync_copy(zeros_v, deg_sp.at[pl.ds(s * rpt, rpt)])
    plsc.subcore_barrier()

    pltpu.sync_copy(ei.at[1, pl.ds(w * cpt, cpt), :], dslab)
    descs = [
        pltpu.async_copy(ones_v, deg_sp.at[dslab.at[k]], sem, add=True)
        for k in range(cpt)
    ]
    for d in descs:
        d.wait()

    plsc.subcore_barrier()
    pltpu.sync_copy(deg_sp.at[pl.ds(s * rpt, rpt)],
                    deg_out.at[c, pl.ds(s * rpt, rpt)])


def _sc_agg_body(ng, gsz, n_pad, ei, hs_hbm, s_out,
                 gbuf0, gbuf1, sidx, didx, acc_sp, sem0, sem1):
    c = lax.axis_index("c")
    s = lax.axis_index("s")
    w = c * NS + s
    cpt = ng * gsz
    rpt = n_pad // NS

    def zero_row(r, _):
        for j in range(CH // LANES):
            gbuf0[r, pl.ds(j * LANES, LANES)] = jnp.zeros((LANES,), jnp.float32)
        return 0
    lax.fori_loop(0, CH, zero_row, 0)
    for k in range(rpt // CH):
        pltpu.sync_copy(gbuf0, acc_sp.at[pl.ds(s * rpt + k * CH, CH), :])
    plsc.subcore_barrier()

    for gi in range(ng):
        base = w * cpt + gi * gsz
        pltpu.sync_copy(ei.at[0, pl.ds(base, gsz), :], sidx)
        pltpu.sync_copy(ei.at[1, pl.ds(base, gsz), :], didx)
        pltpu.async_copy(hs_hbm.at[sidx.at[0]], gbuf0, sem0)

        def body(j, _):
            k0 = 2 * j
            k1 = k0 + 1
            pltpu.async_copy(hs_hbm.at[sidx.at[k1]], gbuf1, sem1)
            pltpu.make_async_copy(hs_hbm.at[sidx.at[k0]], gbuf0, sem0).wait()
            pltpu.sync_copy(gbuf0, acc_sp.at[didx.at[k0]], add=True)

            @pl.when(j < gsz // 2 - 1)
            def _():
                pltpu.async_copy(hs_hbm.at[sidx.at[k0 + 2]], gbuf0, sem0)

            pltpu.make_async_copy(hs_hbm.at[sidx.at[k1]], gbuf1, sem1).wait()
            pltpu.sync_copy(gbuf1, acc_sp.at[didx.at[k1]], add=True)
            return 0
        lax.fori_loop(0, gsz // 2, body, 0)

    plsc.subcore_barrier()
    for k in range(rpt // CH):
        r0 = s * rpt + k * CH
        pltpu.sync_copy(acc_sp.at[pl.ds(r0, CH), :],
                        s_out.at[c, pl.ds(r0, CH), :])


def _dinv_col(deg_ref, i):
    d = deg_ref[0, pl.ds(i * BLK, BLK)] + deg_ref[1, pl.ds(i * BLK, BLK)]
    return lax.rsqrt(d + 1.0)[:, None]


def _tc1_body(x_ref, deg_ref, w_ref, hs_ref):
    i = pl.program_id(0)
    h = jnp.dot(x_ref[...], w_ref[...], preferred_element_type=jnp.float32)
    hs_ref[...] = h * _dinv_col(deg_ref, i)


def _tc2_body(s_ref, hs_ref, deg_ref, b1_ref, wc_ref, bc_ref, y_ref, z_ref):
    i = pl.program_id(0)
    dinv = _dinv_col(deg_ref, i)
    z = dinv * (s_ref[0] + s_ref[1] + hs_ref[...]) + b1_ref[...]
    z_ref[...] = z
    y_ref[...] = (jnp.dot(z, wc_ref[...], preferred_element_type=jnp.float32)
                  + bc_ref[...])


def kernel(x, edge_index, W1, b1, Wc, bc):
    n, f_in = x.shape
    h_dim = W1.shape[1]
    e = edge_index.shape[1]

    n_pad = ((n + NS * CH) // (NS * CH)) * (NS * CH)
    ng = 2
    cpt = -(-e // (NC * NS * CH))
    cpt = ((cpt + 2 * ng - 1) // (2 * ng)) * (2 * ng)
    gsz = cpt // ng
    nch = NC * NS * cpt
    pad = nch * CH - e

    ar = np.arange(pad, dtype=np.int32)
    fill = jnp.asarray(np.stack([ar % n, n + ar % (n_pad - n)]), jnp.int32)
    ei = jnp.concatenate([edge_index.astype(jnp.int32), fill], axis=1)
    ei = ei.reshape(2, nch, CH)

    mesh = plsc.VectorSubcoreMesh(core_axis_name="c", subcore_axis_name="s",
                                  num_cores=NC, num_subcores=NS)

    sc_hist = pl.kernel(
        functools.partial(_sc_hist_body, cpt, n_pad),
        out_type=jax.ShapeDtypeStruct((NC, n_pad), jnp.float32),
        mesh=mesh,
        scratch_types=[
            pltpu.VMEM((CH,), jnp.float32),
            pltpu.VMEM((cpt, CH), jnp.int32),
            pltpu.VMEM((n_pad // NS,), jnp.float32),
            pltpu.VMEM_SHARED((n_pad,), jnp.float32),
            pltpu.SemaphoreType.DMA,
        ],
    )
    deg = sc_hist(ei)

    grid = -(-n // BLK)

    hs = pl.pallas_call(
        _tc1_body,
        grid=(grid,),
        in_specs=[
            pl.BlockSpec((BLK, f_in), lambda i: (i, 0)),
            pl.BlockSpec((NC, n_pad), lambda i: (0, 0)),
            pl.BlockSpec((f_in, h_dim), lambda i: (0, 0)),
        ],
        out_specs=pl.BlockSpec((BLK, h_dim), lambda i: (i, 0)),
        out_shape=jax.ShapeDtypeStruct((n, h_dim), jnp.float32),
    )(x, deg, W1)

    sc_agg = pl.kernel(
        functools.partial(_sc_agg_body, ng, gsz, n_pad),
        out_type=jax.ShapeDtypeStruct((NC, n_pad, h_dim), jnp.float32),
        mesh=mesh,
        scratch_types=[
            pltpu.VMEM((CH, h_dim), jnp.float32),
            pltpu.VMEM((CH, h_dim), jnp.float32),
            pltpu.VMEM((gsz, CH), jnp.int32),
            pltpu.VMEM((gsz, CH), jnp.int32),
            pltpu.VMEM_SHARED((n_pad, h_dim), jnp.float32),
            pltpu.SemaphoreType.DMA,
            pltpu.SemaphoreType.DMA,
        ],
    )
    s_part = sc_agg(ei, hs)

    y, z = pl.pallas_call(
        _tc2_body,
        grid=(grid,),
        in_specs=[
            pl.BlockSpec((NC, BLK, h_dim), lambda i: (0, i, 0)),
            pl.BlockSpec((BLK, h_dim), lambda i: (i, 0)),
            pl.BlockSpec((NC, n_pad), lambda i: (0, 0)),
            pl.BlockSpec((1, h_dim), lambda i: (0, 0)),
            pl.BlockSpec((h_dim, 1), lambda i: (0, 0)),
            pl.BlockSpec((1, 1), lambda i: (0, 0)),
        ],
        out_specs=[
            pl.BlockSpec((BLK, 1), lambda i: (i, 0)),
            pl.BlockSpec((BLK, h_dim), lambda i: (i, 0)),
        ],
        out_shape=[
            jax.ShapeDtypeStruct((n, 1), jnp.float32),
            jax.ShapeDtypeStruct((n, h_dim), jnp.float32),
        ],
    )(s_part, hs, deg, b1.reshape(1, h_dim), Wc, bc.reshape(1, 1))

    return (y, z)

# --- scband reference (transcript-rebuilt; emitter-appended) ---
"""Pipeline reference for scband-gcn-adv-68693706932764 (READ-ONLY COPY).

The authoritative reference and input builder live on the scoring server;
editing this copy changes nothing except your own understanding.
"""

import jax, jax.numpy as jnp
import numpy as np

N, E, F_IN, H = 10000, 320000, 128, 128

def setup_inputs(seed: int = 0) -> dict:
    key = jax.random.key(seed)
    k1, k2, k3, k4, k5, k6 = jax.random.split(key, 6)
    x = jax.random.normal(k1, (N, F_IN), dtype=jnp.float32)
    edge_index = jax.random.randint(k2, (2, E), 0, N)
    # GCNConv weight (glorot) and bias
    lim1 = float(np.sqrt(6.0 / (F_IN + H)))
    W1 = jax.random.uniform(k3, (F_IN, H), minval=-lim1, maxval=lim1, dtype=jnp.float32)
    b1 = jnp.zeros((H,), dtype=jnp.float32)
    # classifier Linear(nhid, 1) with xavier_uniform init
    limc = float(np.sqrt(6.0 / (H + 1)))
    Wc = jax.random.uniform(k4, (H, 1), minval=-limc, maxval=limc, dtype=jnp.float32)
    bc = jnp.zeros((1,), dtype=jnp.float32)
    return {"x": x, "edge_index": edge_index, "W1": W1, "b1": b1, "Wc": Wc, "bc": bc}

def _gcn_conv(x, src, dst, W, b):
    n = x.shape[0]
    # add self-loops (GCNConv default add_self_loops=True)
    loop = jnp.arange(n, dtype=src.dtype)
    src = jnp.concatenate([src, loop])
    dst = jnp.concatenate([dst, loop])
    # symmetric normalization D^{-1/2} A D^{-1/2}
    deg = jnp.zeros((n,), dtype=x.dtype).at[dst].add(1.0)
    dinv = jnp.where(deg > 0, 1.0 / jnp.sqrt(deg), 0.0)
    norm = dinv[src] * dinv[dst]
    h = x @ W
    msg = h[src] * norm[:, None]
    out = jnp.zeros((n, h.shape[1]), dtype=x.dtype).at[dst].add(msg)
    return out + b

def reference(x, edge_index, W1, b1, Wc, bc):
    # GCN_adv.forward: z = GCN_Body(x, edge_index); y = classifier(z); return (y, z)
    src, dst = edge_index[0], edge_index[1]
    z = _gcn_conv(x, src, dst, W1, b1)
    y = z @ Wc + bc
    return (y, z)

if __name__ == "__main__":
    import jax
    _d = setup_inputs()
    print(jax.jit(kernel)(*tuple(_d.values())))

</pallas_src>

<mosaic_0001>
#map = affine_map<(d0, d1) -> (0, 0, 0)>
#map1 = affine_map<(d0, d1) -> (0, 0)>
module attributes {stable_mosaic.version = 14 : i64} {
  func.func @_sc_agg_body(%arg0: i32, %arg1: i32, %arg2: memref<2x2560x128xi32, #tpu.memory_space<hbm>>, %arg3: memref<10000x128xf32, #tpu.memory_space<hbm>>, %arg4: memref<2x10240x128xf32, #tpu.memory_space<hbm>>, %arg5: memref<128x128xf32, #tpu.memory_space<vmem>>, %arg6: memref<128x128xf32, #tpu.memory_space<vmem>>, %arg7: memref<40x128xi32, #tpu.memory_space<vmem>>, %arg8: memref<40x128xi32, #tpu.memory_space<vmem>>, %arg9: memref<10240x128xf32, #tpu.memory_space<vmem_shared>>, %arg10: memref<!tpu.dma_semaphore, #tpu.memory_space<semaphore_mem>>, %arg11: memref<!tpu.dma_semaphore, #tpu.memory_space<semaphore_mem>>) attributes {dimension_semantics = [#tpu.dimension_semantics<core_parallel>, #tpu.dimension_semantics<subcore_parallel>], iteration_bounds = array<i64: 2, 16>, scalar_prefetch = 0 : i64, scratch_operands = 7 : i64, tpu.core_type = #tpu.core_type<sc_vector_subcore>, window_params = [{transform_indices = #map}, {transform_indices = #map1}, {transform_indices = #map}]} {
    %mul3A = arith.constant 16 : i32
    %mul3A_0 = arith.muli %arg0, %mul3A : i32
    %add3A = arith.addi %mul3A_0, %arg1 : i32
    %scan3A = arith.constant 0 : i32
    %scan3A_1 = arith.constant 0 : i32
    %scan3A_2 = arith.constant 128 : i32
    %scan3A_3 = arith.addi %scan3A_1, %scan3A_2 : i32
    %scan3A_4 = arith.constant 1 : i32
    %scan3A_5 = scf.for %scan3A_86 = %scan3A_1 to %scan3A_3 step %scan3A_4 iter_args(%scan3A_87 = %scan3A) -> (i32)  : i32 {
      %broadcast_in_dim3A = arith.constant 0.000000e+00 : f32
      %broadcast_in_dim3A_88 = vector.broadcast %broadcast_in_dim3A : f32 to vector<16xf32>
      %swap3A = arith.index_cast %scan3A_86 : i32 to index
      %swap3A_89 = arith.constant 0 : index
      %swap3A_90 = tpu.vector_load %arg5[%swap3A, %swap3A_89] {strides = array<i32>} : memref<128x128xf32, #tpu.memory_space<vmem>>, vector<1x16xf32>,
      %swap3A_91 = vector.shape_cast %swap3A_90 : vector<1x16xf32> to vector<16xf32>
      %swap3A_92 = vector.shape_cast %broadcast_in_dim3A_88 : vector<16xf32> to vector<1x16xf32>
      tpu.vector_store %arg5[%swap3A, %swap3A_89], %swap3A_92 {strides = array<i32>} : memref<128x128xf32, #tpu.memory_space<vmem>>, vector<1x16xf32>,
      %broadcast_in_dim3A_93 = arith.constant 0.000000e+00 : f32
      %broadcast_in_dim3A_94 = vector.broadcast %broadcast_in_dim3A_93 : f32 to vector<16xf32>
      %swap3A_95 = arith.index_cast %scan3A_86 : i32 to index
      %swap3A_96 = arith.constant 16 : index
      %swap3A_97 = tpu.vector_load %arg5[%swap3A_95, %swap3A_96] {strides = array<i32>} : memref<128x128xf32, #tpu.memory_space<vmem>>, vector<1x16xf32>,
      %swap3A_98 = vector.shape_cast %swap3A_97 : vector<1x16xf32> to vector<16xf32>
      %swap3A_99 = vector.shape_cast %broadcast_in_dim3A_94 : vector<16xf32> to vector<1x16xf32>
      tpu.vector_store %arg5[%swap3A_95, %swap3A_96], %swap3A_99 {strides = array<i32>} : memref<128x128xf32, #tpu.memory_space<vmem>>, vector<1x16xf32>,
      %broadcast_in_dim3A_100 = arith.constant 0.000000e+00 : f32
      %broadcast_in_dim3A_101 = vector.broadcast %broadcast_in_dim3A_100 : f32 to vector<16xf32>
      %swap3A_102 = arith.index_cast %scan3A_86 : i32 to index
      %swap3A_103 = arith.constant 32 : index
      %swap3A_104 = tpu.vector_load %arg5[%swap3A_102, %swap3A_103] {strides = array<i32>} : memref<128x128xf32, #tpu.memory_space<vmem>>, vector<1x16xf32>,
      %swap3A_105 = vector.shape_cast %swap3A_104 : vector<1x16xf32> to vector<16xf32>
      %swap3A_106 = vector.shape_cast %broadcast_in_dim3A_101 : vector<16xf32> to vector<1x16xf32>
      tpu.vector_store %arg5[%swap3A_102, %swap3A_103], %swap3A_106 {strides = array<i32>} : memref<128x128xf32, #tpu.memory_space<vmem>>, vector<1x16xf32>,
      %broadcast_in_dim3A_107 = arith.constant 0.000000e+00 : f32
      %broadcast_in_dim3A_108 = vector.broadcast %broadcast_in_dim3A_107 : f32 to vector<16xf32>
      %swap3A_109 = arith.index_cast %scan3A_86 : i32 to index
      %swap3A_110 = arith.constant 48 : index
      %swap3A_111 = tpu.vector_load %arg5[%swap3A_109, %swap3A_110] {strides = array<i32>} : memref<128x128xf32, #tpu.memory_space<vmem>>, vector<1x16xf32>,
      %swap3A_112 = vector.shape_cast %swap3A_111 : vector<1x16xf32> to vector<16xf32>
      %swap3A_113 = vector.shape_cast %broadcast_in_dim3A_108 : vector<16xf32> to vector<1x16xf32>
      tpu.vector_store %arg5[%swap3A_109, %swap3A_110], %swap3A_113 {strides = array<i32>} : memref<128x128xf32, #tpu.memory_space<vmem>>, vector<1x16xf32>,
      %broadcast_in_dim3A_114 = arith.constant 0.000000e+00 : f32
      %broadcast_in_dim3A_115 = vector.broadcast %broadcast_in_dim3A_114 : f32 to vector<16xf32>
      %swap3A_116 = arith.index_cast %scan3A_86 : i32 to index
      %swap3A_117 = arith.constant 64 : index
      %swap3A_118 = tpu.vector_load %arg5[%swap3A_116, %swap3A_117] {strides = array<i32>} : memref<128x128xf32, #tpu.memory_space<vmem>>, vector<1x16xf32>,
      %swap3A_119 = vector.shape_cast %swap3A_118 : vector<1x16xf32> to vector<16xf32>
      %swap3A_120 = vector.shape_cast %broadcast_in_dim3A_115 : vector<16xf32> to vector<1x16xf32>
      tpu.vector_store %arg5[%swap3A_116, %swap3A_117], %swap3A_120 {strides = array<i32>} : memref<128x128xf32, #tpu.memory_space<vmem>>, vector<1x16xf32>,
      %broadcast_in_dim3A_121 = arith.constant 0.000000e+00 : f32
      %broadcast_in_dim3A_122 = vector.broadcast %broadcast_in_dim3A_121 : f32 to vector<16xf32>
      %swap3A_123 = arith.index_cast %scan3A_86 : i32 to index
      %swap3A_124 = arith.constant 80 : index
      %swap3A_125 = tpu.vector_load %arg5[%swap3A_123, %swap3A_124] {strides = array<i32>} : memref<128x128xf32, #tpu.memory_space<vmem>>, vector<1x16xf32>,
      %swap3A_126 = vector.shape_cast %swap3A_125 : vector<1x16xf32> to vector<16xf32>
      %swap3A_127 = vector.shape_cast %broadcast_in_dim3A_122 : vector<16xf32> to vector<1x16xf32>
      tpu.vector_store %arg5[%swap3A_123, %swap3A_124], %swap3A_127 {strides = array<i32>} : memref<128x128xf32, #tpu.memory_space<vmem>>, vector<1x16xf32>,
      %broadcast_in_dim3A_128 = arith.constant 0.000000e+00 : f32
      %broadcast_in_dim3A_129 = vector.broadcast %broadcast_in_dim3A_128 : f32 to vector<16xf32>
      %swap3A_130 = arith.index_cast %scan3A_86 : i32 to index
      %swap3A_131 = arith.constant 96 : index
      %swap3A_132 = tpu.vector_load %arg5[%swap3A_130, %swap3A_131] {strides = array<i32>} : memref<128x128xf32, #tpu.memory_space<vmem>>, vector<1x16xf32>,
      %swap3A_133 = vector.shape_cast %swap3A_132 : vector<1x16xf32> to vector<16xf32>
      %swap3A_134 = vector.shape_cast %broadcast_in_dim3A_129 : vector<16xf32> to vector<1x16xf32>
      tpu.vector_store %arg5[%swap3A_130, %swap3A_131], %swap3A_134 {strides = array<i32>} : memref<128x128xf32, #tpu.memory_space<vmem>>, vector<1x16xf32>,
      %broadcast_in_dim3A_135 = arith.constant 0.000000e+00 : f32
      %broadcast_in_dim3A_136 = vector.broadcast %broadcast_in_dim3A_135 : f32 to vector<16xf32>
      %swap3A_137 = arith.index_cast %scan3A_86 : i32 to index
      %swap3A_138 = arith.constant 112 : index
      %swap3A_139 = tpu.vector_load %arg5[%swap3A_137, %swap3A_138] {strides = array<i32>} : memref<128x128xf32, #tpu.memory_space<vmem>>, vector<1x16xf32>,
      %swap3A_140 = vector.shape_cast %swap3A_139 : vector<1x16xf32> to vector<16xf32>
      %swap3A_141 = vector.shape_cast %broadcast_in_dim3A_136 : vector<16xf32> to vector<1x16xf32>
      tpu.vector_store %arg5[%swap3A_137, %swap3A_138], %swap3A_141 {strides = array<i32>} : memref<128x128xf32, #tpu.memory_space<vmem>>, vector<1x16xf32>,
      %scan3A_142 = arith.constant 0 : i32
      scf.yield %scan3A_142 : i32
    }
    %scan3A_6 = arith.constant 128 : i32
    %mul3A_7 = arith.constant 640 : i32
    %mul3A_8 = arith.muli %arg1, %mul3A_7 : i32
    %add3A_9 = arith.constant 0 : i32
    %add3A_10 = arith.addi %mul3A_8, %add3A_9 : i32
    "tpu.region"() ({
      %run_scoped3A_86 = tpu.sem_alloc : memref<!tpu.dma_semaphore, #tpu.memory_space<semaphore_mem>>
      %dma_start3A_87 = arith.constant 0 : i32
      %dma_start3A_88 = tpu.memref_slice %arg9[%add3A_10, %dma_start3A_87] : memref<10240x128xf32, #tpu.memory_space<vmem_shared>> -> memref<128x128xf32, #tpu.memory_space<vmem_shared>>
      %dma_start3A_89 = arith.constant 0 : i32
      %dma_start3A_90 = tpu.memref_slice %arg9[%add3A_10, %dma_start3A_89] : memref<10240x128xf32, #tpu.memory_space<vmem_shared>> -> memref<128x128xf32, #tpu.memory_space<vmem_shared>>
      tpu.enqueue_dma source(%arg5 : memref<128x128xf32, #tpu.memory_space<vmem>>) target(%dma_start3A_90 : memref<128x128xf32, #tpu.memory_space<vmem_shared>>) target_semaphore(%run_scoped3A_86 : memref<!tpu.dma_semaphore, #tpu.memory_space<semaphore_mem>>)
      %dma_wait3A = arith.constant 0 : i32
      %dma_wait3A_91 = tpu.memref_slice %arg9[%add3A_10, %dma_wait3A] : memref<10240x128xf32, #tpu.memory_space<vmem_shared>> -> memref<128x128xf32, #tpu.memory_space<vmem_shared>>
      %dma_wait3A_92 = arith.constant 0 : i32
      %dma_wait3A_93 = tpu.memref_slice %arg9[%add3A_10, %dma_wait3A_92] : memref<10240x128xf32, #tpu.memory_space<vmem_shared>> -> memref<128x128xf32, #tpu.memory_space<vmem_shared>>
      tpu.wait_dma2 semaphore(%run_scoped3A_86 : memref<!tpu.dma_semaphore, #tpu.memory_space<semaphore_mem>>) src(%arg5 : memref<128x128xf32, #tpu.memory_space<vmem>>) dst(%dma_wait3A_93 : memref<128x128xf32, #tpu.memory_space<vmem_shared>>)
      tpu.yield
    }) : () -> ()
    %mul3A_11 = arith.constant 640 : i32
    %mul3A_12 = arith.muli %arg1, %mul3A_11 : i32
    %add3A_13 = arith.constant 128 : i32
    %add3A_14 = arith.addi %mul3A_12, %add3A_13 : i32
    "tpu.region"() ({
      %run_scoped3A_86 = tpu.sem_alloc : memref<!tpu.dma_semaphore, #tpu.memory_space<semaphore_mem>>
      %dma_start3A_87 = arith.constant 0 : i32
      %dma_start3A_88 = tpu.memref_slice %arg9[%add3A_14, %dma_start3A_87] : memref<10240x128xf32, #tpu.memory_space<vmem_shared>> -> memref<128x128xf32, #tpu.memory_space<vmem_shared>>
      %dma_start3A_89 = arith.constant 0 : i32
      %dma_start3A_90 = tpu.memref_slice %arg9[%add3A_14, %dma_start3A_89] : memref<10240x128xf32, #tpu.memory_space<vmem_shared>> -> memref<128x128xf32, #tpu.memory_space<vmem_shared>>
      tpu.enqueue_dma source(%arg5 : memref<128x128xf32, #tpu.memory_space<vmem>>) target(%dma_start3A_90 : memref<128x128xf32, #tpu.memory_space<vmem_shared>>) target_semaphore(%run_scoped3A_86 : memref<!tpu.dma_semaphore, #tpu.memory_space<semaphore_mem>>)
      %dma_wait3A = arith.constant 0 : i32
      %dma_wait3A_91 = tpu.memref_slice %arg9[%add3A_14, %dma_wait3A] : memref<10240x128xf32, #tpu.memory_space<vmem_shared>> -> memref<128x128xf32, #tpu.memory_space<vmem_shared>>
      %dma_wait3A_92 = arith.constant 0 : i32
      %dma_wait3A_93 = tpu.memref_slice %arg9[%add3A_14, %dma_wait3A_92] : memref<10240x128xf32, #tpu.memory_space<vmem_shared>> -> memref<128x128xf32, #tpu.memory_space<vmem_shared>>
      tpu.wait_dma2 semaphore(%run_scoped3A_86 : memref<!tpu.dma_semaphore, #tpu.memory_space<semaphore_mem>>) src(%arg5 : memref<128x128xf32, #tpu.memory_space<vmem>>) dst(%dma_wait3A_93 : memref<128x128xf32, #tpu.memory_space<vmem_shared>>)
      tpu.yield
    }) : () -> ()
    %mul3A_15 = arith.constant 640 : i32
    %mul3A_16 = arith.muli %arg1, %mul3A_15 : i32
    %add3A_17 = arith.constant 256 : i32
    %add3A_18 = arith.addi %mul3A_16, %add3A_17 : i32
    "tpu.region"() ({
      %run_scoped3A_86 = tpu.sem_alloc : memref<!tpu.dma_semaphore, #tpu.memory_space<semaphore_mem>>
      %dma_start3A_87 = arith.constant 0 : i32
      %dma_start3A_88 = tpu.memref_slice %arg9[%add3A_18, %dma_start3A_87] : memref<10240x128xf32, #tpu.memory_space<vmem_shared>> -> memref<128x128xf32, #tpu.memory_space<vmem_shared>>
      %dma_start3A_89 = arith.constant 0 : i32
      %dma_start3A_90 = tpu.memref_slice %arg9[%add3A_18, %dma_start3A_89] : memref<10240x128xf32, #tpu.memory_space<vmem_shared>> -> memref<128x128xf32, #tpu.memory_space<vmem_shared>>
      tpu.enqueue_dma source(%arg5 : memref<128x128xf32, #tpu.memory_space<vmem>>) target(%dma_start3A_90 : memref<128x128xf32, #tpu.memory_space<vmem_shared>>) target_semaphore(%run_scoped3A_86 : memref<!tpu.dma_semaphore, #tpu.memory_space<semaphore_mem>>)
      %dma_wait3A = arith.constant 0 : i32
      %dma_wait3A_91 = tpu.memref_slice %arg9[%add3A_18, %dma_wait3A] : memref<10240x128xf32, #tpu.memory_space<vmem_shared>> -> memref<128x128xf32, #tpu.memory_space<vmem_shared>>
      %dma_wait3A_92 = arith.constant 0 : i32
      %dma_wait3A_93 = tpu.memref_slice %arg9[%add3A_18, %dma_wait3A_92] : memref<10240x128xf32, #tpu.memory_space<vmem_shared>> -> memref<128x128xf32, #tpu.memory_space<vmem_shared>>
      tpu.wait_dma2 semaphore(%run_scoped3A_86 : memref<!tpu.dma_semaphore, #tpu.memory_space<semaphore_mem>>) src(%arg5 : memref<128x128xf32, #tpu.memory_space<vmem>>) dst(%dma_wait3A_93 : memref<128x128xf32, #tpu.memory_space<vmem_shared>>)
      tpu.yield
    }) : () -> ()
    %mul3A_19 = arith.constant 640 : i32
    %mul3A_20 = arith.muli %arg1, %mul3A_19 : i32
    %add3A_21 = arith.constant 384 : i32
    %add3A_22 = arith.addi %mul3A_20, %add3A_21 : i32
    "tpu.region"() ({
      %run_scoped3A_86 = tpu.sem_alloc : memref<!tpu.dma_semaphore, #tpu.memory_space<semaphore_mem>>
      %dma_start3A_87 = arith.constant 0 : i32
      %dma_start3A_88 = tpu.memref_slice %arg9[%add3A_22, %dma_start3A_87] : memref<10240x128xf32, #tpu.memory_space<vmem_shared>> -> memref<128x128xf32, #tpu.memory_space<vmem_shared>>
      %dma_start3A_89 = arith.constant 0 : i32
      %dma_start3A_90 = tpu.memref_slice %arg9[%add3A_22, %dma_start3A_89] : memref<10240x128xf32, #tpu.memory_space<vmem_shared>> -> memref<128x128xf32, #tpu.memory_space<vmem_shared>>
      tpu.enqueue_dma source(%arg5 : memref<128x128xf32, #tpu.memory_space<vmem>>) target(%dma_start3A_90 : memref<128x128xf32, #tpu.memory_space<vmem_shared>>) target_semaphore(%run_scoped3A_86 : memref<!tpu.dma_semaphore, #tpu.memory_space<semaphore_mem>>)
      %dma_wait3A = arith.constant 0 : i32
      %dma_wait3A_91 = tpu.memref_slice %arg9[%add3A_22, %dma_wait3A] : memref<10240x128xf32, #tpu.memory_space<vmem_shared>> -> memref<128x128xf32, #tpu.memory_space<vmem_shared>>
      %dma_wait3A_92 = arith.constant 0 : i32
      %dma_wait3A_93 = tpu.memref_slice %arg9[%add3A_22, %dma_wait3A_92] : memref<10240x128xf32, #tpu.memory_space<vmem_shared>> -> memref<128x128xf32, #tpu.memory_space<vmem_shared>>
      tpu.wait_dma2 semaphore(%run_scoped3A_86 : memref<!tpu.dma_semaphore, #tpu.memory_space<semaphore_mem>>) src(%arg5 : memref<128x128xf32, #tpu.memory_space<vmem>>) dst(%dma_wait3A_93 : memref<128x128xf32, #tpu.memory_space<vmem_shared>>)
      tpu.yield
    }) : () -> ()
    %mul3A_23 = arith.constant 640 : i32
    %mul3A_24 = arith.muli %arg1, %mul3A_23 : i32
    %add3A_25 = arith.constant 512 : i32
    %add3A_26 = arith.addi %mul3A_24, %add3A_25 : i32
    "tpu.region"() ({
      %run_scoped3A_86 = tpu.sem_alloc : memref<!tpu.dma_semaphore, #tpu.memory_space<semaphore_mem>>
      %dma_start3A_87 = arith.constant 0 : i32
      %dma_start3A_88 = tpu.memref_slice %arg9[%add3A_26, %dma_start3A_87] : memref<10240x128xf32, #tpu.memory_space<vmem_shared>> -> memref<128x128xf32, #tpu.memory_space<vmem_shared>>
      %dma_start3A_89 = arith.constant 0 : i32
      %dma_start3A_90 = tpu.memref_slice %arg9[%add3A_26, %dma_start3A_89] : memref<10240x128xf32, #tpu.memory_space<vmem_shared>> -> memref<128x128xf32, #tpu.memory_space<vmem_shared>>
      tpu.enqueue_dma source(%arg5 : memref<128x128xf32, #tpu.memory_space<vmem>>) target(%dma_start3A_90 : memref<128x128xf32, #tpu.memory_space<vmem_shared>>) target_semaphore(%run_scoped3A_86 : memref<!tpu.dma_semaphore, #tpu.memory_space<semaphore_mem>>)
      %dma_wait3A = arith.constant 0 : i32
      %dma_wait3A_91 = tpu.memref_slice %arg9[%add3A_26, %dma_wait3A] : memref<10240x128xf32, #tpu.memory_space<vmem_shared>> -> memref<128x128xf32, #tpu.memory_space<vmem_shared>>
      %dma_wait3A_92 = arith.constant 0 : i32
      %dma_wait3A_93 = tpu.memref_slice %arg9[%add3A_26, %dma_wait3A_92] : memref<10240x128xf32, #tpu.memory_space<vmem_shared>> -> memref<128x128xf32, #tpu.memory_space<vmem_shared>>
      tpu.wait_dma2 semaphore(%run_scoped3A_86 : memref<!tpu.dma_semaphore, #tpu.memory_space<semaphore_mem>>) src(%arg5 : memref<128x128xf32, #tpu.memory_space<vmem>>) dst(%dma_wait3A_93 : memref<128x128xf32, #tpu.memory_space<vmem_shared>>)
      tpu.yield
    }) : () -> ()
    %barrier3A = arith.constant 0 : index
    tpu.barrier barrier_id(%barrier3A)
    %mul3A_27 = arith.constant 80 : i32
    %mul3A_28 = arith.muli %add3A, %mul3A_27 : i32
    %add3A_29 = arith.constant 0 : i32
    %add3A_30 = arith.addi %mul3A_28, %add3A_29 : i32
    %run_scoped3A = arith.constant 0 : i32
    "tpu.region"() ({
      %run_scoped3A_86 = tpu.sem_alloc : memref<!tpu.dma_semaphore, #tpu.memory_space<semaphore_mem>>
      %dma_start3A_87 = arith.constant 0 : i32
      %dma_start3A_88 = tpu.memref_slice %arg2[%run_scoped3A, %add3A_30, %dma_start3A_87] : memref<2x2560x128xi32, #tpu.memory_space<hbm>> -> memref<1x40x128xi32, #tpu.memory_space<hbm>>
      %dma_start3A_89 = tpu.memref_squeeze %dma_start3A_88 : memref<1x40x128xi32, #tpu.memory_space<hbm>> -> memref<40x128xi32, #tpu.memory_space<hbm>>
      %dma_start3A_90 = arith.constant 0 : i32
      %dma_start3A_91 = tpu.memref_slice %arg2[%run_scoped3A, %add3A_30, %dma_start3A_90] : memref<2x2560x128xi32, #tpu.memory_space<hbm>> -> memref<1x40x128xi32, #tpu.memory_space<hbm>>
      %dma_start3A_92 = tpu.memref_squeeze %dma_start3A_91 : memref<1x40x128xi32, #tpu.memory_space<hbm>> -> memref<40x128xi32, #tpu.memory_space<hbm>>
      tpu.enqueue_dma source(%dma_start3A_92 : memref<40x128xi32, #tpu.memory_space<hbm>>) target(%arg7 : memref<40x128xi32, #tpu.memory_space<vmem>>) target_semaphore(%run_scoped3A_86 : memref<!tpu.dma_semaphore, #tpu.memory_space<semaphore_mem>>)
      %dma_wait3A = arith.constant 0 : i32
      %dma_wait3A_93 = tpu.memref_slice %arg2[%run_scoped3A, %add3A_30, %dma_wait3A] : memref<2x2560x128xi32, #tpu.memory_space<hbm>> -> memref<1x40x128xi32, #tpu.memory_space<hbm>>
      %dma_wait3A_94 = tpu.memref_squeeze %dma_wait3A_93 : memref<1x40x128xi32, #tpu.memory_space<hbm>> -> memref<40x128xi32, #tpu.memory_space<hbm>>
      %dma_wait3A_95 = arith.constant 0 : i32
      %dma_wait3A_96 = tpu.memref_slice %arg2[%run_scoped3A, %add3A_30, %dma_wait3A_95] : memref<2x2560x128xi32, #tpu.memory_space<hbm>> -> memref<1x40x128xi32, #tpu.memory_space<hbm>>
      %dma_wait3A_97 = tpu.memref_squeeze %dma_wait3A_96 : memref<1x40x128xi32, #tpu.memory_space<hbm>> -> memref<40x128xi32, #tpu.memory_space<hbm>>
      tpu.wait_dma2 semaphore(%run_scoped3A_86 : memref<!tpu.dma_semaphore, #tpu.memory_space<semaphore_mem>>) src(%dma_wait3A_97 : memref<40x128xi32, #tpu.memory_space<hbm>>) dst(%arg7 : memref<40x128xi32, #tpu.memory_space<vmem>>)
      tpu.yield
    }) : () -> ()
    %run_scoped3A_31 = arith.constant 1 : i32
    "tpu.region"() ({
      %run_scoped3A_86 = tpu.sem_alloc : memref<!tpu.dma_semaphore, #tpu.memory_space<semaphore_mem>>
      %dma_start3A_87 = arith.constant 0 : i32
      %dma_start3A_88 = tpu.memref_slice %arg2[%run_scoped3A_31, %add3A_30, %dma_start3A_87] : memref<2x2560x128xi32, #tpu.memory_space<hbm>> -> memref<1x40x128xi32, #tpu.memory_space<hbm>>
      %dma_start3A_89 = tpu.memref_squeeze %dma_start3A_88 : memref<1x40x128xi32, #tpu.memory_space<hbm>> -> memref<40x128xi32, #tpu.memory_space<hbm>>
      %dma_start3A_90 = arith.constant 0 : i32
      %dma_start3A_91 = tpu.memref_slice %arg2[%run_scoped3A_31, %add3A_30, %dma_start3A_90] : memref<2x2560x128xi32, #tpu.memory_space<hbm>> -> memref<1x40x128xi32, #tpu.memory_space<hbm>>
      %dma_start3A_92 = tpu.memref_squeeze %dma_start3A_91 : memref<1x40x128xi32, #tpu.memory_space<hbm>> -> memref<40x128xi32, #tpu.memory_space<hbm>>
      tpu.enqueue_dma source(%dma_start3A_92 : memref<40x128xi32, #tpu.memory_space<hbm>>) target(%arg8 : memref<40x128xi32, #tpu.memory_space<vmem>>) target_semaphore(%run_scoped3A_86 : memref<!tpu.dma_semaphore, #tpu.memory_space<semaphore_mem>>)
      %dma_wait3A = arith.constant 0 : i32
      %dma_wait3A_93 = tpu.memref_slice %arg2[%run_scoped3A_31, %add3A_30, %dma_wait3A] : memref<2x2560x128xi32, #tpu.memory_space<hbm>> -> memref<1x40x128xi32, #tpu.memory_space<hbm>>
      %dma_wait3A_94 = tpu.memref_squeeze %dma_wait3A_93 : memref<1x40x128xi32, #tpu.memory_space<hbm>> -> memref<40x128xi32, #tpu.memory_space<hbm>>
      %dma_wait3A_95 = arith.constant 0 : i32
      %dma_wait3A_96 = tpu.memref_slice %arg2[%run_scoped3A_31, %add3A_30, %dma_wait3A_95] : memref<2x2560x128xi32, #tpu.memory_space<hbm>> -> memref<1x40x128xi32, #tpu.memory_space<hbm>>
      %dma_wait3A_97 = tpu.memref_squeeze %dma_wait3A_96 : memref<1x40x128xi32, #tpu.memory_space<hbm>> -> memref<40x128xi32, #tpu.memory_space<hbm>>
      tpu.wait_dma2 semaphore(%run_scoped3A_86 : memref<!tpu.dma_semaphore, #tpu.memory_space<semaphore_mem>>) src(%dma_wait3A_97 : memref<40x128xi32, #tpu.memory_space<hbm>>) dst(%arg8 : memref<40x128xi32, #tpu.memory_space<vmem>>)
      tpu.yield
    }) : () -> ()
    %dma_start3A = arith.constant 0 : i32
    %dma_start3A_32 = arith.constant 0 : i32
    %dma_start3A_33 = tpu.memref_slice %arg7[%dma_start3A, %dma_start3A_32] : memref<40x128xi32, #tpu.memory_space<vmem>> -> memref<1x128xi32, #tpu.memory_space<vmem>>
    %dma_start3A_34 = tpu.memref_squeeze %dma_start3A_33 : memref<1x128xi32, #tpu.memory_space<vmem>> -> memref<128xi32, #tpu.memory_space<vmem>>
    %dma_start3A_35 = arith.constant 0 : i32
    %dma_start3A_36 = arith.constant 0 : i32
    %dma_start3A_37 = tpu.memref_slice %arg3[%dma_start3A_35, %dma_start3A_36] : memref<10000x128xf32, #tpu.memory_space<hbm>> -> memref<10000x128xf32, #tpu.memory_space<hbm>>
    tpu.enqueue_indirect_dma source(%dma_start3A_37 : memref<10000x128xf32, #tpu.memory_space<hbm>>) target(%arg5 : memref<128x128xf32, #tpu.memory_space<vmem>>) offsets(%dma_start3A_34 : memref<128xi32, #tpu.memory_space<vmem>>) semaphore(%arg10 : memref<!tpu.dma_semaphore, #tpu.memory_space<semaphore_mem>>)
    %scan3A_38 = arith.constant 0 : i32
    %scan3A_39 = arith.constant 0 : i32
    %scan3A_40 = arith.constant 20 : i32
    %scan3A_41 = arith.addi %scan3A_39, %scan3A_40 : i32
    %scan3A_42 = arith.constant 1 : i32
    %scan3A_43 = scf.for %scan3A_86 = %scan3A_39 to %scan3A_41 step %scan3A_42 iter_args(%scan3A_87 = %scan3A_38) -> (i32)  : i32 {
      %mul3A_88 = arith.constant 2 : i32
      %mul3A_89 = arith.muli %mul3A_88, %scan3A_86 : i32
      %add3A_90 = arith.constant 1 : i32
      %add3A_91 = arith.addi %mul3A_89, %add3A_90 : i32
      %dma_start3A_92 = arith.constant 0 : i32
      %dma_start3A_93 = tpu.memref_slice %arg7[%add3A_91, %dma_start3A_92] : memref<40x128xi32, #tpu.memory_space<vmem>> -> memref<1x128xi32, #tpu.memory_space<vmem>>
      %dma_start3A_94 = tpu.memref_squeeze %dma_start3A_93 : memref<1x128xi32, #tpu.memory_space<vmem>> -> memref<128xi32, #tpu.memory_space<vmem>>
      %dma_start3A_95 = arith.constant 0 : i32
      %dma_start3A_96 = arith.constant 0 : i32
      %dma_start3A_97 = tpu.memref_slice %arg3[%dma_start3A_95, %dma_start3A_96] : memref<10000x128xf32, #tpu.memory_space<hbm>> -> memref<10000x128xf32, #tpu.memory_space<hbm>>
      tpu.enqueue_indirect_dma source(%dma_start3A_97 : memref<10000x128xf32, #tpu.memory_space<hbm>>) target(%arg6 : memref<128x128xf32, #tpu.memory_space<vmem>>) offsets(%dma_start3A_94 : memref<128xi32, #tpu.memory_space<vmem>>) semaphore(%arg11 : memref<!tpu.dma_semaphore, #tpu.memory_space<semaphore_mem>>)
      %dma_wait3A = arith.constant 0 : i32
      %dma_wait3A_98 = tpu.memref_slice %arg7[%mul3A_89, %dma_wait3A] : memref<40x128xi32, #tpu.memory_space<vmem>> -> memref<1x128xi32, #tpu.memory_space<vmem>>
      %dma_wait3A_99 = tpu.memref_squeeze %dma_wait3A_98 : memref<1x128xi32, #tpu.memory_space<vmem>> -> memref<128xi32, #tpu.memory_space<vmem>>
      %dma_wait3A_100 = arith.constant 0 : i32
      %dma_wait3A_101 = arith.constant 0 : i32
      %dma_wait3A_102 = tpu.memref_slice %arg3[%dma_wait3A_100, %dma_wait3A_101] : memref<10000x128xf32, #tpu.memory_space<hbm>> -> memref<10000x128xf32, #tpu.memory_space<hbm>>
      tpu.wait_indirect_dma semaphore(%arg10 : memref<!tpu.dma_semaphore, #tpu.memory_space<semaphore_mem>>) src(%dma_wait3A_102 : memref<10000x128xf32, #tpu.memory_space<hbm>>) dst(%arg5 : memref<128x128xf32, #tpu.memory_space<vmem>>)
      "tpu.region"() ({
        %run_scoped3A_112 = tpu.sem_alloc : memref<!tpu.dma_semaphore, #tpu.memory_space<semaphore_mem>>
        %dma_start3A_113 = arith.constant 0 : i32
        %dma_start3A_114 = tpu.memref_slice %arg8[%mul3A_89, %dma_start3A_113] : memref<40x128xi32, #tpu.memory_space<vmem>> -> memref<1x128xi32, #tpu.memory_space<vmem>>
        %dma_start3A_115 = tpu.memref_squeeze %dma_start3A_114 : memref<1x128xi32, #tpu.memory_space<vmem>> -> memref<128xi32, #tpu.memory_space<vmem>>
        %dma_start3A_116 = arith.constant 0 : i32
        %dma_start3A_117 = arith.constant 0 : i32
        %dma_start3A_118 = tpu.memref_slice %arg9[%dma_start3A_116, %dma_start3A_117] : memref<10240x128xf32, #tpu.memory_space<vmem_shared>> -> memref<10240x128xf32, #tpu.memory_space<vmem_shared>>
        tpu.enqueue_indirect_dma source(%arg5 : memref<128x128xf32, #tpu.memory_space<vmem>>) target(%dma_start3A_118 : memref<10240x128xf32, #tpu.memory_space<vmem_shared>>) offsets(%dma_start3A_115 : memref<128xi32, #tpu.memory_space<vmem>>) semaphore(%run_scoped3A_112 : memref<!tpu.dma_semaphore, #tpu.memory_space<semaphore_mem>>) {add = true}
        %dma_wait3A_119 = arith.constant 0 : i32
        %dma_wait3A_120 = tpu.memref_slice %arg8[%mul3A_89, %dma_wait3A_119] : memref<40x128xi32, #tpu.memory_space<vmem>> -> memref<1x128xi32, #tpu.memory_space<vmem>>
        %dma_wait3A_121 = tpu.memref_squeeze %dma_wait3A_120 : memref<1x128xi32, #tpu.memory_space<vmem>> -> memref<128xi32, #tpu.memory_space<vmem>>
        %dma_wait3A_122 = arith.constant 0 : i32
        %dma_wait3A_123 = arith.constant 0 : i32
        %dma_wait3A_124 = tpu.memref_slice %arg9[%dma_wait3A_122, %dma_wait3A_123] : memref<10240x128xf32, #tpu.memory_space<vmem_shared>> -> memref<10240x128xf32, #tpu.memory_space<vmem_shared>>
        tpu.wait_indirect_dma semaphore(%run_scoped3A_112 : memref<!tpu.dma_semaphore, #tpu.memory_space<semaphore_mem>>) src(%arg5 : memref<128x128xf32, #tpu.memory_space<vmem>>) dst(%dma_wait3A_124 : memref<10240x128xf32, #tpu.memory_space<vmem_shared>>)
        tpu.yield
      }) : () -> ()
      %lt3A = arith.constant 19 : i32
      %lt3A_103 = arith.cmpi slt, %scan3A_86, %lt3A : i32
      %convert_element_type3A = arith.extui %lt3A_103 : i1 to i32
      %cond3A = arith.constant 0 : i32
      %cond3A_104 = arith.cmpi ne, %convert_element_type3A, %cond3A : i32
      scf.if %cond3A_104 {
        %add3A_112 = arith.constant 2 : i32
        %add3A_113 = arith.addi %mul3A_89, %add3A_112 : i32
        %dma_start3A_114 = arith.constant 0 : i32
        %dma_start3A_115 = tpu.memref_slice %arg7[%add3A_113, %dma_start3A_114] : memref<40x128xi32, #tpu.memory_space<vmem>> -> memref<1x128xi32, #tpu.memory_space<vmem>>
        %dma_start3A_116 = tpu.memref_squeeze %dma_start3A_115 : memref<1x128xi32, #tpu.memory_space<vmem>> -> memref<128xi32, #tpu.memory_space<vmem>>
        %dma_start3A_117 = arith.constant 0 : i32
        %dma_start3A_118 = arith.constant 0 : i32
        %dma_start3A_119 = tpu.memref_slice %arg3[%dma_start3A_117, %dma_start3A_118] : memref<10000x128xf32, #tpu.memory_space<hbm>> -> memref<10000x128xf32, #tpu.memory_space<hbm>>
        tpu.enqueue_indirect_dma source(%dma_start3A_119 : memref<10000x128xf32, #tpu.memory_space<hbm>>) target(%arg5 : memref<128x128xf32, #tpu.memory_space<vmem>>) offsets(%dma_start3A_116 : memref<128xi32, #tpu.memory_space<vmem>>) semaphore(%arg10 : memref<!tpu.dma_semaphore, #tpu.memory_space<semaphore_mem>>)
      } else {
      }
      %dma_wait3A_105 = arith.constant 0 : i32
      %dma_wait3A_106 = tpu.memref_slice %arg7[%add3A_91, %dma_wait3A_105] : memref<40x128xi32, #tpu.memory_space<vmem>> -> memref<1x128xi32, #tpu.memory_space<vmem>>
      %dma_wait3A_107 = tpu.memref_squeeze %dma_wait3A_106 : memref<1x128xi32, #tpu.memory_space<vmem>> -> memref<128xi32, #tpu.memory_space<vmem>>
      %dma_wait3A_108 = arith.constant 0 : i32
      %dma_wait3A_109 = arith.constant 0 : i32
      %dma_wait3A_110 = tpu.memref_slice %arg3[%dma_wait3A_108, %dma_wait3A_109] : memref<10000x128xf32, #tpu.memory_space<hbm>> -> memref<10000x128xf32, #tpu.memory_space<hbm>>
      tpu.wait_indirect_dma semaphore(%arg11 : memref<!tpu.dma_semaphore, #tpu.memory_space<semaphore_mem>>) src(%dma_wait3A_110 : memref<10000x128xf32, #tpu.memory_space<hbm>>) dst(%arg6 : memref<128x128xf32, #tpu.memory_space<vmem>>)
      "tpu.region"() ({
        %run_scoped3A_112 = tpu.sem_alloc : memref<!tpu.dma_semaphore, #tpu.memory_space<semaphore_mem>>
        %dma_start3A_113 = arith.constant 0 : i32
        %dma_start3A_114 = tpu.memref_slice %arg8[%add3A_91, %dma_start3A_113] : memref<40x128xi32, #tpu.memory_space<vmem>> -> memref<1x128xi32, #tpu.memory_space<vmem>>
        %dma_start3A_115 = tpu.memref_squeeze %dma_start3A_114 : memref<1x128xi32, #tpu.memory_space<vmem>> -> memref<128xi32, #tpu.memory_space<vmem>>
        %dma_start3A_116 = arith.constant 0 : i32
        %dma_start3A_117 = arith.constant 0 : i32
        %dma_start3A_118 = tpu.memref_slice %arg9[%dma_start3A_116, %dma_start3A_117] : memref<10240x128xf32, #tpu.memory_space<vmem_shared>> -> memref<10240x128xf32, #tpu.memory_space<vmem_shared>>
        tpu.enqueue_indirect_dma source(%arg6 : memref<128x128xf32, #tpu.memory_space<vmem>>) target(%dma_start3A_118 : memref<10240x128xf32, #tpu.memory_space<vmem_shared>>) offsets(%dma_start3A_115 : memref<128xi32, #tpu.memory_space<vmem>>) semaphore(%run_scoped3A_112 : memref<!tpu.dma_semaphore, #tpu.memory_space<semaphore_mem>>) {add = true}
        %dma_wait3A_119 = arith.constant 0 : i32
        %dma_wait3A_120 = tpu.memref_slice %arg8[%add3A_91, %dma_wait3A_119] : memref<40x128xi32, #tpu.memory_space<vmem>> -> memref<1x128xi32, #tpu.memory_space<vmem>>
        %dma_wait3A_121 = tpu.memref_squeeze %dma_wait3A_120 : memref<1x128xi32, #tpu.memory_space<vmem>> -> memref<128xi32, #tpu.memory_space<vmem>>
        %dma_wait3A_122 = arith.constant 0 : i32
        %dma_wait3A_123 = arith.constant 0 : i32
        %dma_wait3A_124 = tpu.memref_slice %arg9[%dma_wait3A_122, %dma_wait3A_123] : memref<10240x128xf32, #tpu.memory_space<vmem_shared>> -> memref<10240x128xf32, #tpu.memory_space<vmem_shared>>
        tpu.wait_indirect_dma semaphore(%run_scoped3A_112 : memref<!tpu.dma_semaphore, #tpu.memory_space<semaphore_mem>>) src(%arg6 : memref<128x128xf32, #tpu.memory_space<vmem>>) dst(%dma_wait3A_124 : memref<10240x128xf32, #tpu.memory_space<vmem_shared>>)
        tpu.yield
      }) : () -> ()
      %scan3A_111 = arith.constant 0 : i32
      scf.yield %scan3A_111 : i32
    }
    %scan3A_44 = arith.constant 20 : i32
    %mul3A_45 = arith.constant 80 : i32
    %mul3A_46 = arith.muli %add3A, %mul3A_45 : i32
    %add3A_47 = arith.constant 40 : i32
    %add3A_48 = arith.addi %mul3A_46, %add3A_47 : i32
    %run_scoped3A_49 = arith.constant 0 : i32
    "tpu.region"() ({
      %run_scoped3A_86 = tpu.sem_alloc : memref<!tpu.dma_semaphore, #tpu.memory_space<semaphore_mem>>
      %dma_start3A_87 = arith.constant 0 : i32
      %dma_start3A_88 = tpu.memref_slice %arg2[%run_scoped3A_49, %add3A_48, %dma_start3A_87] : memref<2x2560x128xi32, #tpu.memory_space<hbm>> -> memref<1x40x128xi32, #tpu.memory_space<hbm>>
      %dma_start3A_89 = tpu.memref_squeeze %dma_start3A_88 : memref<1x40x128xi32, #tpu.memory_space<hbm>> -> memref<40x128xi32, #tpu.memory_space<hbm>>
      %dma_start3A_90 = arith.constant 0 : i32
      %dma_start3A_91 = tpu.memref_slice %arg2[%run_scoped3A_49, %add3A_48, %dma_start3A_90] : memref<2x2560x128xi32, #tpu.memory_space<hbm>> -> memref<1x40x128xi32, #tpu.memory_space<hbm>>
      %dma_start3A_92 = tpu.memref_squeeze %dma_start3A_91 : memref<1x40x128xi32, #tpu.memory_space<hbm>> -> memref<40x128xi32, #tpu.memory_space<hbm>>
      tpu.enqueue_dma source(%dma_start3A_92 : memref<40x128xi32, #tpu.memory_space<hbm>>) target(%arg7 : memref<40x128xi32, #tpu.memory_space<vmem>>) target_semaphore(%run_scoped3A_86 : memref<!tpu.dma_semaphore, #tpu.memory_space<semaphore_mem>>)
      %dma_wait3A = arith.constant 0 : i32
      %dma_wait3A_93 = tpu.memref_slice %arg2[%run_scoped3A_49, %add3A_48, %dma_wait3A] : memref<2x2560x128xi32, #tpu.memory_space<hbm>> -> memref<1x40x128xi32, #tpu.memory_space<hbm>>
      %dma_wait3A_94 = tpu.memref_squeeze %dma_wait3A_93 : memref<1x40x128xi32, #tpu.memory_space<hbm>> -> memref<40x128xi32, #tpu.memory_space<hbm>>
      %dma_wait3A_95 = arith.constant 0 : i32
      %dma_wait3A_96 = tpu.memref_slice %arg2[%run_scoped3A_49, %add3A_48, %dma_wait3A_95] : memref<2x2560x128xi32, #tpu.memory_space<hbm>> -> memref<1x40x128xi32, #tpu.memory_space<hbm>>
      %dma_wait3A_97 = tpu.memref_squeeze %dma_wait3A_96 : memref<1x40x128xi32, #tpu.memory_space<hbm>> -> memref<40x128xi32, #tpu.memory_space<hbm>>
      tpu.wait_dma2 semaphore(%run_scoped3A_86 : memref<!tpu.dma_semaphore, #tpu.memory_space<semaphore_mem>>) src(%dma_wait3A_97 : memref<40x128xi32, #tpu.memory_space<hbm>>) dst(%arg7 : memref<40x128xi32, #tpu.memory_space<vmem>>)
      tpu.yield
    }) : () -> ()
    %run_scoped3A_50 = arith.constant 1 : i32
    "tpu.region"() ({
      %run_scoped3A_86 = tpu.sem_alloc : memref<!tpu.dma_semaphore, #tpu.memory_space<semaphore_mem>>
      %dma_start3A_87 = arith.constant 0 : i32
      %dma_start3A_88 = tpu.memref_slice %arg2[%run_scoped3A_50, %add3A_48, %dma_start3A_87] : memref<2x2560x128xi32, #tpu.memory_space<hbm>> -> memref<1x40x128xi32, #tpu.memory_space<hbm>>
      %dma_start3A_89 = tpu.memref_squeeze %dma_start3A_88 : memref<1x40x128xi32, #tpu.memory_space<hbm>> -> memref<40x128xi32, #tpu.memory_space<hbm>>
      %dma_start3A_90 = arith.constant 0 : i32
      %dma_start3A_91 = tpu.memref_slice %arg2[%run_scoped3A_50, %add3A_48, %dma_start3A_90] : memref<2x2560x128xi32, #tpu.memory_space<hbm>> -> memref<1x40x128xi32, #tpu.memory_space<hbm>>
      %dma_start3A_92 = tpu.memref_squeeze %dma_start3A_91 : memref<1x40x128xi32, #tpu.memory_space<hbm>> -> memref<40x128xi32, #tpu.memory_space<hbm>>
      tpu.enqueue_dma source(%dma_start3A_92 : memref<40x128xi32, #tpu.memory_space<hbm>>) target(%arg8 : memref<40x128xi32, #tpu.memory_space<vmem>>) target_semaphore(%run_scoped3A_86 : memref<!tpu.dma_semaphore, #tpu.memory_space<semaphore_mem>>)
      %dma_wait3A = arith.constant 0 : i32
      %dma_wait3A_93 = tpu.memref_slice %arg2[%run_scoped3A_50, %add3A_48, %dma_wait3A] : memref<2x2560x128xi32, #tpu.memory_space<hbm>> -> memref<1x40x128xi32, #tpu.memory_space<hbm>>
      %dma_wait3A_94 = tpu.memref_squeeze %dma_wait3A_93 : memref<1x40x128xi32, #tpu.memory_space<hbm>> -> memref<40x128xi32, #tpu.memory_space<hbm>>
      %dma_wait3A_95 = arith.constant 0 : i32
      %dma_wait3A_96 = tpu.memref_slice %arg2[%run_scoped3A_50, %add3A_48, %dma_wait3A_95] : memref<2x2560x128xi32, #tpu.memory_space<hbm>> -> memref<1x40x128xi32, #tpu.memory_space<hbm>>
      %dma_wait3A_97 = tpu.memref_squeeze %dma_wait3A_96 : memref<1x40x128xi32, #tpu.memory_space<hbm>> -> memref<40x128xi32, #tpu.memory_space<hbm>>
      tpu.wait_dma2 semaphore(%run_scoped3A_86 : memref<!tpu.dma_semaphore, #tpu.memory_space<semaphore_mem>>) src(%dma_wait3A_97 : memref<40x128xi32, #tpu.memory_space<hbm>>) dst(%arg8 : memref<40x128xi32, #tpu.memory_space<vmem>>)
      tpu.yield
    }) : () -> ()
    %dma_start3A_51 = arith.constant 0 : i32
    %dma_start3A_52 = arith.constant 0 : i32
    %dma_start3A_53 = tpu.memref_slice %arg7[%dma_start3A_51, %dma_start3A_52] : memref<40x128xi32, #tpu.memory_space<vmem>> -> memref<1x128xi32, #tpu.memory_space<vmem>>
    %dma_start3A_54 = tpu.memref_squeeze %dma_start3A_53 : memref<1x128xi32, #tpu.memory_space<vmem>> -> memref<128xi32, #tpu.memory_space<vmem>>
    %dma_start3A_55 = arith.constant 0 : i32
    %dma_start3A_56 = arith.constant 0 : i32
    %dma_start3A_57 = tpu.memref_slice %arg3[%dma_start3A_55, %dma_start3A_56] : memref<10000x128xf32, #tpu.memory_space<hbm>> -> memref<10000x128xf32, #tpu.memory_space<hbm>>
    tpu.enqueue_indirect_dma source(%dma_start3A_57 : memref<10000x128xf32, #tpu.memory_space<hbm>>) target(%arg5 : memref<128x128xf32, #tpu.memory_space<vmem>>) offsets(%dma_start3A_54 : memref<128xi32, #tpu.memory_space<vmem>>) semaphore(%arg10 : memref<!tpu.dma_semaphore, #tpu.memory_space<semaphore_mem>>)
    %scan3A_58 = arith.constant 0 : i32
    %scan3A_59 = arith.constant 0 : i32
    %scan3A_60 = arith.constant 20 : i32
    %scan3A_61 = arith.addi %scan3A_59, %scan3A_60 : i32
    %scan3A_62 = arith.constant 1 : i32
    %scan3A_63 = scf.for %scan3A_86 = %scan3A_59 to %scan3A_61 step %scan3A_62 iter_args(%scan3A_87 = %scan3A_58) -> (i32)  : i32 {
      %mul3A_88 = arith.constant 2 : i32
      %mul3A_89 = arith.muli %mul3A_88, %scan3A_86 : i32
      %add3A_90 = arith.constant 1 : i32
      %add3A_91 = arith.addi %mul3A_89, %add3A_90 : i32
      %dma_start3A_92 = arith.constant 0 : i32
      %dma_start3A_93 = tpu.memref_slice %arg7[%add3A_91, %dma_start3A_92] : memref<40x128xi32, #tpu.memory_space<vmem>> -> memref<1x128xi32, #tpu.memory_space<vmem>>
      %dma_start3A_94 = tpu.memref_squeeze %dma_start3A_93 : memref<1x128xi32, #tpu.memory_space<vmem>> -> memref<128xi32, #tpu.memory_space<vmem>>
      %dma_start3A_95 = arith.constant 0 : i32
      %dma_start3A_96 = arith.constant 0 : i32
      %dma_start3A_97 = tpu.memref_slice %arg3[%dma_start3A_95, %dma_start3A_96] : memref<10000x128xf32, #tpu.memory_space<hbm>> -> memref<10000x128xf32, #tpu.memory_space<hbm>>
      tpu.enqueue_indirect_dma source(%dma_start3A_97 : memref<10000x128xf32, #tpu.memory_space<hbm>>) target(%arg6 : memref<128x128xf32, #tpu.memory_space<vmem>>) offsets(%dma_start3A_94 : memref<128xi32, #tpu.memory_space<vmem>>) semaphore(%arg11 : memref<!tpu.dma_semaphore, #tpu.memory_space<semaphore_mem>>)
      %dma_wait3A = arith.constant 0 : i32
      %dma_wait3A_98 = tpu.memref_slice %arg7[%mul3A_89, %dma_wait3A] : memref<40x128xi32, #tpu.memory_space<vmem>> -> memref<1x128xi32, #tpu.memory_space<vmem>>
      %dma_wait3A_99 = tpu.memref_squeeze %dma_wait3A_98 : memref<1x128xi32, #tpu.memory_space<vmem>> -> memref<128xi32, #tpu.memory_space<vmem>>
      %dma_wait3A_100 = arith.constant 0 : i32
      %dma_wait3A_101 = arith.constant 0 : i32
      %dma_wait3A_102 = tpu.memref_slice %arg3[%dma_wait3A_100, %dma_wait3A_101] : memref<10000x128xf32, #tpu.memory_space<hbm>> -> memref<10000x128xf32, #tpu.memory_space<hbm>>
      tpu.wait_indirect_dma semaphore(%arg10 : memref<!tpu.dma_semaphore, #tpu.memory_space<semaphore_mem>>) src(%dma_wait3A_102 : memref<10000x128xf32, #tpu.memory_space<hbm>>) dst(%arg5 : memref<128x128xf32, #tpu.memory_space<vmem>>)
      "tpu.region"() ({
        %run_scoped3A_112 = tpu.sem_alloc : memref<!tpu.dma_semaphore, #tpu.memory_space<semaphore_mem>>
        %dma_start3A_113 = arith.constant 0 : i32
        %dma_start3A_114 = tpu.memref_slice %arg8[%mul3A_89, %dma_start3A_113] : memref<40x128xi32, #tpu.memory_space<vmem>> -> memref<1x128xi32, #tpu.memory_space<vmem>>
        %dma_start3A_115 = tpu.memref_squeeze %dma_start3A_114 : memref<1x128xi32, #tpu.memory_space<vmem>> -> memref<128xi32, #tpu.memory_space<vmem>>
        %dma_start3A_116 = arith.constant 0 : i32
        %dma_start3A_117 = arith.constant 0 : i32
        %dma_start3A_118 = tpu.memref_slice %arg9[%dma_start3A_116, %dma_start3A_117] : memref<10240x128xf32, #tpu.memory_space<vmem_shared>> -> memref<10240x128xf32, #tpu.memory_space<vmem_shared>>
        tpu.enqueue_indirect_dma source(%arg5 : memref<128x128xf32, #tpu.memory_space<vmem>>) target(%dma_start3A_118 : memref<10240x128xf32, #tpu.memory_space<vmem_shared>>) offsets(%dma_start3A_115 : memref<128xi32, #tpu.memory_space<vmem>>) semaphore(%run_scoped3A_112 : memref<!tpu.dma_semaphore, #tpu.memory_space<semaphore_mem>>) {add = true}
        %dma_wait3A_119 = arith.constant 0 : i32
        %dma_wait3A_120 = tpu.memref_slice %arg8[%mul3A_89, %dma_wait3A_119] : memref<40x128xi32, #tpu.memory_space<vmem>> -> memref<1x128xi32, #tpu.memory_space<vmem>>
        %dma_wait3A_121 = tpu.memref_squeeze %dma_wait3A_120 : memref<1x128xi32, #tpu.memory_space<vmem>> -> memref<128xi32, #tpu.memory_space<vmem>>
        %dma_wait3A_122 = arith.constant 0 : i32
        %dma_wait3A_123 = arith.constant 0 : i32
        %dma_wait3A_124 = tpu.memref_slice %arg9[%dma_wait3A_122, %dma_wait3A_123] : memref<10240x128xf32, #tpu.memory_space<vmem_shared>> -> memref<10240x128xf32, #tpu.memory_space<vmem_shared>>
        tpu.wait_indirect_dma semaphore(%run_scoped3A_112 : memref<!tpu.dma_semaphore, #tpu.memory_space<semaphore_mem>>) src(%arg5 : memref<128x128xf32, #tpu.memory_space<vmem>>) dst(%dma_wait3A_124 : memref<10240x128xf32, #tpu.memory_space<vmem_shared>>)
        tpu.yield
      }) : () -> ()
      %lt3A = arith.constant 19 : i32
      %lt3A_103 = arith.cmpi slt, %scan3A_86, %lt3A : i32
      %convert_element_type3A = arith.extui %lt3A_103 : i1 to i32
      %cond3A = arith.constant 0 : i32
      %cond3A_104 = arith.cmpi ne, %convert_element_type3A, %cond3A : i32
      scf.if %cond3A_104 {
        %add3A_112 = arith.constant 2 : i32
        %add3A_113 = arith.addi %mul3A_89, %add3A_112 : i32
        %dma_start3A_114 = arith.constant 0 : i32
        %dma_start3A_115 = tpu.memref_slice %arg7[%add3A_113, %dma_start3A_114] : memref<40x128xi32, #tpu.memory_space<vmem>> -> memref<1x128xi32, #tpu.memory_space<vmem>>
        %dma_start3A_116 = tpu.memref_squeeze %dma_start3A_115 : memref<1x128xi32, #tpu.memory_space<vmem>> -> memref<128xi32, #tpu.memory_space<vmem>>
        %dma_start3A_117 = arith.constant 0 : i32
        %dma_start3A_118 = arith.constant 0 : i32
        %dma_start3A_119 = tpu.memref_slice %arg3[%dma_start3A_117, %dma_start3A_118] : memref<10000x128xf32, #tpu.memory_space<hbm>> -> memref<10000x128xf32, #tpu.memory_space<hbm>>
        tpu.enqueue_indirect_dma source(%dma_start3A_119 : memref<10000x128xf32, #tpu.memory_space<hbm>>) target(%arg5 : memref<128x128xf32, #tpu.memory_space<vmem>>) offsets(%dma_start3A_116 : memref<128xi32, #tpu.memory_space<vmem>>) semaphore(%arg10 : memref<!tpu.dma_semaphore, #tpu.memory_space<semaphore_mem>>)
      } else {
      }
      %dma_wait3A_105 = arith.constant 0 : i32
      %dma_wait3A_106 = tpu.memref_slice %arg7[%add3A_91, %dma_wait3A_105] : memref<40x128xi32, #tpu.memory_space<vmem>> -> memref<1x128xi32, #tpu.memory_space<vmem>>
      %dma_wait3A_107 = tpu.memref_squeeze %dma_wait3A_106 : memref<1x128xi32, #tpu.memory_space<vmem>> -> memref<128xi32, #tpu.memory_space<vmem>>
      %dma_wait3A_108 = arith.constant 0 : i32
      %dma_wait3A_109 = arith.constant 0 : i32
      %dma_wait3A_110 = tpu.memref_slice %arg3[%dma_wait3A_108, %dma_wait3A_109] : memref<10000x128xf32, #tpu.memory_space<hbm>> -> memref<10000x128xf32, #tpu.memory_space<hbm>>
      tpu.wait_indirect_dma semaphore(%arg11 : memref<!tpu.dma_semaphore, #tpu.memory_space<semaphore_mem>>) src(%dma_wait3A_110 : memref<10000x128xf32, #tpu.memory_space<hbm>>) dst(%arg6 : memref<128x128xf32, #tpu.memory_space<vmem>>)
      "tpu.region"() ({
        %run_scoped3A_112 = tpu.sem_alloc : memref<!tpu.dma_semaphore, #tpu.memory_space<semaphore_mem>>
        %dma_start3A_113 = arith.constant 0 : i32
        %dma_start3A_114 = tpu.memref_slice %arg8[%add3A_91, %dma_start3A_113] : memref<40x128xi32, #tpu.memory_space<vmem>> -> memref<1x128xi32, #tpu.memory_space<vmem>>
        %dma_start3A_115 = tpu.memref_squeeze %dma_start3A_114 : memref<1x128xi32, #tpu.memory_space<vmem>> -> memref<128xi32, #tpu.memory_space<vmem>>
        %dma_start3A_116 = arith.constant 0 : i32
        %dma_start3A_117 = arith.constant 0 : i32
        %dma_start3A_118 = tpu.memref_slice %arg9[%dma_start3A_116, %dma_start3A_117] : memref<10240x128xf32, #tpu.memory_space<vmem_shared>> -> memref<10240x128xf32, #tpu.memory_space<vmem_shared>>
        tpu.enqueue_indirect_dma source(%arg6 : memref<128x128xf32, #tpu.memory_space<vmem>>) target(%dma_start3A_118 : memref<10240x128xf32, #tpu.memory_space<vmem_shared>>) offsets(%dma_start3A_115 : memref<128xi32, #tpu.memory_space<vmem>>) semaphore(%run_scoped3A_112 : memref<!tpu.dma_semaphore, #tpu.memory_space<semaphore_mem>>) {add = true}
        %dma_wait3A_119 = arith.constant 0 : i32
        %dma_wait3A_120 = tpu.memref_slice %arg8[%add3A_91, %dma_wait3A_119] : memref<40x128xi32, #tpu.memory_space<vmem>> -> memref<1x128xi32, #tpu.memory_space<vmem>>
        %dma_wait3A_121 = tpu.memref_squeeze %dma_wait3A_120 : memref<1x128xi32, #tpu.memory_space<vmem>> -> memref<128xi32, #tpu.memory_space<vmem>>
        %dma_wait3A_122 = arith.constant 0 : i32
        %dma_wait3A_123 = arith.constant 0 : i32
        %dma_wait3A_124 = tpu.memref_slice %arg9[%dma_wait3A_122, %dma_wait3A_123] : memref<10240x128xf32, #tpu.memory_space<vmem_shared>> -> memref<10240x128xf32, #tpu.memory_space<vmem_shared>>
        tpu.wait_indirect_dma semaphore(%run_scoped3A_112 : memref<!tpu.dma_semaphore, #tpu.memory_space<semaphore_mem>>) src(%arg6 : memref<128x128xf32, #tpu.memory_space<vmem>>) dst(%dma_wait3A_124 : memref<10240x128xf32, #tpu.memory_space<vmem_shared>>)
        tpu.yield
      }) : () -> ()
      %scan3A_111 = arith.constant 0 : i32
      scf.yield %scan3A_111 : i32
    }
    %scan3A_64 = arith.constant 20 : i32
    %barrier3A_65 = arith.constant 0 : index
    tpu.barrier barrier_id(%barrier3A_65)
    %mul3A_66 = arith.constant 640 : i32
    %mul3A_67 = arith.muli %arg1, %mul3A_66 : i32
    %add3A_68 = arith.constant 0 : i32
    %add3A_69 = arith.addi %mul3A_67, %add3A_68 : i32
    "tpu.region"() ({
      %run_scoped3A_86 = tpu.sem_alloc : memref<!tpu.dma_semaphore, #tpu.memory_space<semaphore_mem>>
      %dma_start3A_87 = arith.constant 0 : i32
      %dma_start3A_88 = tpu.memref_slice %arg4[%arg0, %add3A_69, %dma_start3A_87] : memref<2x10240x128xf32, #tpu.memory_space<hbm>> -> memref<1x128x128xf32, #tpu.memory_space<hbm>>
      %dma_start3A_89 = tpu.memref_squeeze %dma_start3A_88 : memref<1x128x128xf32, #tpu.memory_space<hbm>> -> memref<128x128xf32, #tpu.memory_space<hbm>>
      %dma_start3A_90 = arith.constant 0 : i32
      %dma_start3A_91 = tpu.memref_slice %arg9[%add3A_69, %dma_start3A_90] : memref<10240x128xf32, #tpu.memory_space<vmem_shared>> -> memref<128x128xf32, #tpu.memory_space<vmem_shared>>
      tpu.enqueue_dma source(%dma_start3A_91 : memref<128x128xf32, #tpu.memory_space<vmem_shared>>) target(%dma_start3A_89 : memref<128x128xf32, #tpu.memory_space<hbm>>) target_semaphore(%run_scoped3A_86 : memref<!tpu.dma_semaphore, #tpu.memory_space<semaphore_mem>>)
      %dma_wait3A = arith.constant 0 : i32
      %dma_wait3A_92 = tpu.memref_slice %arg4[%arg0, %add3A_69, %dma_wait3A] : memref<2x10240x128xf32, #tpu.memory_space<hbm>> -> memref<1x128x128xf32, #tpu.memory_space<hbm>>
      %dma_wait3A_93 = tpu.memref_squeeze %dma_wait3A_92 : memref<1x128x128xf32, #tpu.memory_space<hbm>> -> memref<128x128xf32, #tpu.memory_space<hbm>>
      %dma_wait3A_94 = arith.constant 0 : i32
      %dma_wait3A_95 = tpu.memref_slice %arg9[%add3A_69, %dma_wait3A_94] : memref<10240x128xf32, #tpu.memory_space<vmem_shared>> -> memref<128x128xf32, #tpu.memory_space<vmem_shared>>
      tpu.wait_dma2 semaphore(%run_scoped3A_86 : memref<!tpu.dma_semaphore, #tpu.memory_space<semaphore_mem>>) src(%dma_wait3A_95 : memref<128x128xf32, #tpu.memory_space<vmem_shared>>) dst(%dma_wait3A_93 : memref<128x128xf32, #tpu.memory_space<hbm>>)
      tpu.yield
    }) : () -> ()
    %mul3A_70 = arith.constant 640 : i32
    %mul3A_71 = arith.muli %arg1, %mul3A_70 : i32
    %add3A_72 = arith.constant 128 : i32
    %add3A_73 = arith.addi %mul3A_71, %add3A_72 : i32
    "tpu.region"() ({
      %run_scoped3A_86 = tpu.sem_alloc : memref<!tpu.dma_semaphore, #tpu.memory_space<semaphore_mem>>
      %dma_start3A_87 = arith.constant 0 : i32
      %dma_start3A_88 = tpu.memref_slice %arg4[%arg0, %add3A_73, %dma_start3A_87] : memref<2x10240x128xf32, #tpu.memory_space<hbm>> -> memref<1x128x128xf32, #tpu.memory_space<hbm>>
      %dma_start3A_89 = tpu.memref_squeeze %dma_start3A_88 : memref<1x128x128xf32, #tpu.memory_space<hbm>> -> memref<128x128xf32, #tpu.memory_space<hbm>>
      %dma_start3A_90 = arith.constant 0 : i32
      %dma_start3A_91 = tpu.memref_slice %arg9[%add3A_73, %dma_start3A_90] : memref<10240x128xf32, #tpu.memory_space<vmem_shared>> -> memref<128x128xf32, #tpu.memory_space<vmem_shared>>
      tpu.enqueue_dma source(%dma_start3A_91 : memref<128x128xf32, #tpu.memory_space<vmem_shared>>) target(%dma_start3A_89 : memref<128x128xf32, #tpu.memory_space<hbm>>) target_semaphore(%run_scoped3A_86 : memref<!tpu.dma_semaphore, #tpu.memory_space<semaphore_mem>>)
      %dma_wait3A = arith.constant 0 : i32
      %dma_wait3A_92 = tpu.memref_slice %arg4[%arg0, %add3A_73, %dma_wait3A] : memref<2x10240x128xf32, #tpu.memory_space<hbm>> -> memref<1x128x128xf32, #tpu.memory_space<hbm>>
      %dma_wait3A_93 = tpu.memref_squeeze %dma_wait3A_92 : memref<1x128x128xf32, #tpu.memory_space<hbm>> -> memref<128x128xf32, #tpu.memory_space<hbm>>
      %dma_wait3A_94 = arith.constant 0 : i32
      %dma_wait3A_95 = tpu.memref_slice %arg9[%add3A_73, %dma_wait3A_94] : memref<10240x128xf32, #tpu.memory_space<vmem_shared>> -> memref<128x128xf32, #tpu.memory_space<vmem_shared>>
      tpu.wait_dma2 semaphore(%run_scoped3A_86 : memref<!tpu.dma_semaphore, #tpu.memory_space<semaphore_mem>>) src(%dma_wait3A_95 : memref<128x128xf32, #tpu.memory_space<vmem_shared>>) dst(%dma_wait3A_93 : memref<128x128xf32, #tpu.memory_space<hbm>>)
      tpu.yield
    }) : () -> ()
    %mul3A_74 = arith.constant 640 : i32
    %mul3A_75 = arith.muli %arg1, %mul3A_74 : i32
    %add3A_76 = arith.constant 256 : i32
    %add3A_77 = arith.addi %mul3A_75, %add3A_76 : i32
    "tpu.region"() ({
      %run_scoped3A_86 = tpu.sem_alloc : memref<!tpu.dma_semaphore, #tpu.memory_space<semaphore_mem>>
      %dma_start3A_87 = arith.constant 0 : i32
      %dma_start3A_88 = tpu.memref_slice %arg4[%arg0, %add3A_77, %dma_start3A_87] : memref<2x10240x128xf32, #tpu.memory_space<hbm>> -> memref<1x128x128xf32, #tpu.memory_space<hbm>>
      %dma_start3A_89 = tpu.memref_squeeze %dma_start3A_88 : memref<1x128x128xf32, #tpu.memory_space<hbm>> -> memref<128x128xf32, #tpu.memory_space<hbm>>
      %dma_start3A_90 = arith.constant 0 : i32
      %dma_start3A_91 = tpu.memref_slice %arg9[%add3A_77, %dma_start3A_90] : memref<10240x128xf32, #tpu.memory_space<vmem_shared>> -> memref<128x128xf32, #tpu.memory_space<vmem_shared>>
      tpu.enqueue_dma source(%dma_start3A_91 : memref<128x128xf32, #tpu.memory_space<vmem_shared>>) target(%dma_start3A_89 : memref<128x128xf32, #tpu.memory_space<hbm>>) target_semaphore(%run_scoped3A_86 : memref<!tpu.dma_semaphore, #tpu.memory_space<semaphore_mem>>)
      %dma_wait3A = arith.constant 0 : i32
      %dma_wait3A_92 = tpu.memref_slice %arg4[%arg0, %add3A_77, %dma_wait3A] : memref<2x10240x128xf32, #tpu.memory_space<hbm>> -> memref<1x128x128xf32, #tpu.memory_space<hbm>>
      %dma_wait3A_93 = tpu.memref_squeeze %dma_wait3A_92 : memref<1x128x128xf32, #tpu.memory_space<hbm>> -> memref<128x128xf32, #tpu.memory_space<hbm>>
      %dma_wait3A_94 = arith.constant 0 : i32
      %dma_wait3A_95 = tpu.memref_slice %arg9[%add3A_77, %dma_wait3A_94] : memref<10240x128xf32, #tpu.memory_space<vmem_shared>> -> memref<128x128xf32, #tpu.memory_space<vmem_shared>>
      tpu.wait_dma2 semaphore(%run_scoped3A_86 : memref<!tpu.dma_semaphore, #tpu.memory_space<semaphore_mem>>) src(%dma_wait3A_95 : memref<128x128xf32, #tpu.memory_space<vmem_shared>>) dst(%dma_wait3A_93 : memref<128x128xf32, #tpu.memory_space<hbm>>)
      tpu.yield
    }) : () -> ()
    %mul3A_78 = arith.constant 640 : i32
    %mul3A_79 = arith.muli %arg1, %mul3A_78 : i32
    %add3A_80 = arith.constant 384 : i32
    %add3A_81 = arith.addi %mul3A_79, %add3A_80 : i32
    "tpu.region"() ({
      %run_scoped3A_86 = tpu.sem_alloc : memref<!tpu.dma_semaphore, #tpu.memory_space<semaphore_mem>>
      %dma_start3A_87 = arith.constant 0 : i32
      %dma_start3A_88 = tpu.memref_slice %arg4[%arg0, %add3A_81, %dma_start3A_87] : memref<2x10240x128xf32, #tpu.memory_space<hbm>> -> memref<1x128x128xf32, #tpu.memory_space<hbm>>
      %dma_start3A_89 = tpu.memref_squeeze %dma_start3A_88 : memref<1x128x128xf32, #tpu.memory_space<hbm>> -> memref<128x128xf32, #tpu.memory_space<hbm>>
      %dma_start3A_90 = arith.constant 0 : i32
      %dma_start3A_91 = tpu.memref_slice %arg9[%add3A_81, %dma_start3A_90] : memref<10240x128xf32, #tpu.memory_space<vmem_shared>> -> memref<128x128xf32, #tpu.memory_space<vmem_shared>>
      tpu.enqueue_dma source(%dma_start3A_91 : memref<128x128xf32, #tpu.memory_space<vmem_shared>>) target(%dma_start3A_89 : memref<128x128xf32, #tpu.memory_space<hbm>>) target_semaphore(%run_scoped3A_86 : memref<!tpu.dma_semaphore, #tpu.memory_space<semaphore_mem>>)
      %dma_wait3A = arith.constant 0 : i32
      %dma_wait3A_92 = tpu.memref_slice %arg4[%arg0, %add3A_81, %dma_wait3A] : memref<2x10240x128xf32, #tpu.memory_space<hbm>> -> memref<1x128x128xf32, #tpu.memory_space<hbm>>
      %dma_wait3A_93 = tpu.memref_squeeze %dma_wait3A_92 : memref<1x128x128xf32, #tpu.memory_space<hbm>> -> memref<128x128xf32, #tpu.memory_space<hbm>>
      %dma_wait3A_94 = arith.constant 0 : i32
      %dma_wait3A_95 = tpu.memref_slice %arg9[%add3A_81, %dma_wait3A_94] : memref<10240x128xf32, #tpu.memory_space<vmem_shared>> -> memref<128x128xf32, #tpu.memory_space<vmem_shared>>
      tpu.wait_dma2 semaphore(%run_scoped3A_86 : memref<!tpu.dma_semaphore, #tpu.memory_space<semaphore_mem>>) src(%dma_wait3A_95 : memref<128x128xf32, #tpu.memory_space<vmem_shared>>) dst(%dma_wait3A_93 : memref<128x128xf32, #tpu.memory_space<hbm>>)
      tpu.yield
    }) : () -> ()
    %mul3A_82 = arith.constant 640 : i32
    %mul3A_83 = arith.muli %arg1, %mul3A_82 : i32
    %add3A_84 = arith.constant 512 : i32
    %add3A_85 = arith.addi %mul3A_83, %add3A_84 : i32
    "tpu.region"() ({
      %run_scoped3A_86 = tpu.sem_alloc : memref<!tpu.dma_semaphore, #tpu.memory_space<semaphore_mem>>
      %dma_start3A_87 = arith.constant 0 : i32
      %dma_start3A_88 = tpu.memref_slice %arg4[%arg0, %add3A_85, %dma_start3A_87] : memref<2x10240x128xf32, #tpu.memory_space<hbm>> -> memref<1x128x128xf32, #tpu.memory_space<hbm>>
      %dma_start3A_89 = tpu.memref_squeeze %dma_start3A_88 : memref<1x128x128xf32, #tpu.memory_space<hbm>> -> memref<128x128xf32, #tpu.memory_space<hbm>>
      %dma_start3A_90 = arith.constant 0 : i32
      %dma_start3A_91 = tpu.memref_slice %arg9[%add3A_85, %dma_start3A_90] : memref<10240x128xf32, #tpu.memory_space<vmem_shared>> -> memref<128x128xf32, #tpu.memory_space<vmem_shared>>
      tpu.enqueue_dma source(%dma_start3A_91 : memref<128x128xf32, #tpu.memory_space<vmem_shared>>) target(%dma_start3A_89 : memref<128x128xf32, #tpu.memory_space<hbm>>) target_semaphore(%run_scoped3A_86 : memref<!tpu.dma_semaphore, #tpu.memory_space<semaphore_mem>>)
      %dma_wait3A = arith.constant 0 : i32
      %dma_wait3A_92 = tpu.memref_slice %arg4[%arg0, %add3A_85, %dma_wait3A] : memref<2x10240x128xf32, #tpu.memory_space<hbm>> -> memref<1x128x128xf32, #tpu.memory_space<hbm>>
      %dma_wait3A_93 = tpu.memref_squeeze %dma_wait3A_92 : memref<1x128x128xf32, #tpu.memory_space<hbm>> -> memref<128x128xf32, #tpu.memory_space<hbm>>
      %dma_wait3A_94 = arith.constant 0 : i32
      %dma_wait3A_95 = tpu.memref_slice %arg9[%add3A_85, %dma_wait3A_94] : memref<10240x128xf32, #tpu.memory_space<vmem_shared>> -> memref<128x128xf32, #tpu.memory_space<vmem_shared>>
      tpu.wait_dma2 semaphore(%run_scoped3A_86 : memref<!tpu.dma_semaphore, #tpu.memory_space<semaphore_mem>>) src(%dma_wait3A_95 : memref<128x128xf32, #tpu.memory_space<vmem_shared>>) dst(%dma_wait3A_93 : memref<128x128xf32, #tpu.memory_space<hbm>>)
      tpu.yield
    }) : () -> ()
    return
  }
}

#map = affine_map<(d0, d1) -> (0, 0, 0)>
#map1 = affine_map<(d0, d1) -> (0, 0)>
module attributes {stable_mosaic.version = 14 : i64} {
  func.func @_sc_hist_body(%arg0: i32, %arg1: i32, %arg2: memref<2x2560x128xi32, #tpu.memory_space<hbm>>, %arg3: memref<2x10240xf32, #tpu.memory_space<hbm>>, %arg4: memref<128xf32, #tpu.memory_space<vmem>>, %arg5: memref<80x128xi32, #tpu.memory_space<vmem>>, %arg6: memref<640xf32, #tpu.memory_space<vmem>>, %arg7: memref<10240xf32, #tpu.memory_space<vmem_shared>>, %arg8: memref<!tpu.dma_semaphore, #tpu.memory_space<semaphore_mem>>) attributes {dimension_semantics = [#tpu.dimension_semantics<core_parallel>, #tpu.dimension_semantics<subcore_parallel>], iteration_bounds = array<i64: 2, 16>, scalar_prefetch = 0 : i64, scratch_operands = 5 : i64, tpu.core_type = #tpu.core_type<sc_vector_subcore>, window_params = [{transform_indices = #map}, {transform_indices = #map1}]} {
    %mul3A = arith.constant 16 : i32
    %mul3A_0 = arith.muli %arg0, %mul3A : i32
    %add3A = arith.addi %mul3A_0, %arg1 : i32
    %broadcast_in_dim3A = arith.constant 1.000000e+00 : f32
    %broadcast_in_dim3A_1 = vector.broadcast %broadcast_in_dim3A : f32 to vector<16xf32>
    %swap3A = arith.constant 0 : index
    %swap3A_2 = tpu.vector_load %arg4[%swap3A] {strides = array<i32>} : memref<128xf32, #tpu.memory_space<vmem>>, vector<16xf32>,
    %swap3A_3 = vector.shape_cast %swap3A_2 : vector<16xf32> to vector<16xf32>
    %swap3A_4 = vector.shape_cast %broadcast_in_dim3A_1 : vector<16xf32> to vector<16xf32>
    tpu.vector_store %arg4[%swap3A], %swap3A_4 {strides = array<i32>} : memref<128xf32, #tpu.memory_space<vmem>>, vector<16xf32>,
    %broadcast_in_dim3A_5 = arith.constant 1.000000e+00 : f32
    %broadcast_in_dim3A_6 = vector.broadcast %broadcast_in_dim3A_5 : f32 to vector<16xf32>
    %swap3A_7 = arith.constant 16 : index
    %swap3A_8 = tpu.vector_load %arg4[%swap3A_7] {strides = array<i32>} : memref<128xf32, #tpu.memory_space<vmem>>, vector<16xf32>,
    %swap3A_9 = vector.shape_cast %swap3A_8 : vector<16xf32> to vector<16xf32>
    %swap3A_10 = vector.shape_cast %broadcast_in_dim3A_6 : vector<16xf32> to vector<16xf32>
    tpu.vector_store %arg4[%swap3A_7], %swap3A_10 {strides = array<i32>} : memref<128xf32, #tpu.memory_space<vmem>>, vector<16xf32>,
    %broadcast_in_dim3A_11 = arith.constant 1.000000e+00 : f32
    %broadcast_in_dim3A_12 = vector.broadcast %broadcast_in_dim3A_11 : f32 to vector<16xf32>
    %swap3A_13 = arith.constant 32 : index
    %swap3A_14 = tpu.vector_load %arg4[%swap3A_13] {strides = array<i32>} : memref<128xf32, #tpu.memory_space<vmem>>, vector<16xf32>,
    %swap3A_15 = vector.shape_cast %swap3A_14 : vector<16xf32> to vector<16xf32>
    %swap3A_16 = vector.shape_cast %broadcast_in_dim3A_12 : vector<16xf32> to vector<16xf32>
    tpu.vector_store %arg4[%swap3A_13], %swap3A_16 {strides = array<i32>} : memref<128xf32, #tpu.memory_space<vmem>>, vector<16xf32>,
    %broadcast_in_dim3A_17 = arith.constant 1.000000e+00 : f32
    %broadcast_in_dim3A_18 = vector.broadcast %broadcast_in_dim3A_17 : f32 to vector<16xf32>
    %swap3A_19 = arith.constant 48 : index
    %swap3A_20 = tpu.vector_load %arg4[%swap3A_19] {strides = array<i32>} : memref<128xf32, #tpu.memory_space<vmem>>, vector<16xf32>,
    %swap3A_21 = vector.shape_cast %swap3A_20 : vector<16xf32> to vector<16xf32>
    %swap3A_22 = vector.shape_cast %broadcast_in_dim3A_18 : vector<16xf32> to vector<16xf32>
    tpu.vector_store %arg4[%swap3A_19], %swap3A_22 {strides = array<i32>} : memref<128xf32, #tpu.memory_space<vmem>>, vector<16xf32>,
    %broadcast_in_dim3A_23 = arith.constant 1.000000e+00 : f32
    %broadcast_in_dim3A_24 = vector.broadcast %broadcast_in_dim3A_23 : f32 to vector<16xf32>
    %swap3A_25 = arith.constant 64 : index
    %swap3A_26 = tpu.vector_load %arg4[%swap3A_25] {strides = array<i32>} : memref<128xf32, #tpu.memory_space<vmem>>, vector<16xf32>,
    %swap3A_27 = vector.shape_cast %swap3A_26 : vector<16xf32> to vector<16xf32>
    %swap3A_28 = vector.shape_cast %broadcast_in_dim3A_24 : vector<16xf32> to vector<16xf32>
    tpu.vector_store %arg4[%swap3A_25], %swap3A_28 {strides = array<i32>} : memref<128xf32, #tpu.memory_space<vmem>>, vector<16xf32>,
    %broadcast_in_dim3A_29 = arith.constant 1.000000e+00 : f32
    %broadcast_in_dim3A_30 = vector.broadcast %broadcast_in_dim3A_29 : f32 to vector<16xf32>
    %swap3A_31 = arith.constant 80 : index
    %swap3A_32 = tpu.vector_load %arg4[%swap3A_31] {strides = array<i32>} : memref<128xf32, #tpu.memory_space<vmem>>, vector<16xf32>,
    %swap3A_33 = vector.shape_cast %swap3A_32 : vector<16xf32> to vector<16xf32>
    %swap3A_34 = vector.shape_cast %broadcast_in_dim3A_30 : vector<16xf32> to vector<16xf32>
    tpu.vector_store %arg4[%swap3A_31], %swap3A_34 {strides = array<i32>} : memref<128xf32, #tpu.memory_space<vmem>>, vector<16xf32>,
    %broadcast_in_dim3A_35 = arith.constant 1.000000e+00 : f32
    %broadcast_in_dim3A_36 = vector.broadcast %broadcast_in_dim3A_35 : f32 to vector<16xf32>
    %swap3A_37 = arith.constant 96 : index
    %swap3A_38 = tpu.vector_load %arg4[%swap3A_37] {strides = array<i32>} : memref<128xf32, #tpu.memory_space<vmem>>, vector<16xf32>,
    %swap3A_39 = vector.shape_cast %swap3A_38 : vector<16xf32> to vector<16xf32>
    %swap3A_40 = vector.shape_cast %broadcast_in_dim3A_36 : vector<16xf32> to vector<16xf32>
    tpu.vector_store %arg4[%swap3A_37], %swap3A_40 {strides = array<i32>} : memref<128xf32, #tpu.memory_space<vmem>>, vector<16xf32>,
    %broadcast_in_dim3A_41 = arith.constant 1.000000e+00 : f32
    %broadcast_in_dim3A_42 = vector.broadcast %broadcast_in_dim3A_41 : f32 to vector<16xf32>
    %swap3A_43 = arith.constant 112 : index
    %swap3A_44 = tpu.vector_load %arg4[%swap3A_43] {strides = array<i32>} : memref<128xf32, #tpu.memory_space<vmem>>, vector<16xf32>,
    %swap3A_45 = vector.shape_cast %swap3A_44 : vector<16xf32> to vector<16xf32>
    %swap3A_46 = vector.shape_cast %broadcast_in_dim3A_42 : vector<16xf32> to vector<16xf32>
    tpu.vector_store %arg4[%swap3A_43], %swap3A_46 {strides = array<i32>} : memref<128xf32, #tpu.memory_space<vmem>>, vector<16xf32>,
    %scan3A = arith.constant 0 : i32
    %scan3A_47 = arith.constant 0 : i32
    %scan3A_48 = arith.constant 40 : i32
    %scan3A_49 = arith.addi %scan3A_47, %scan3A_48 : i32
    %scan3A_50 = arith.constant 1 : i32
    %scan3A_51 = scf.for %scan3A_1020 = %scan3A_47 to %scan3A_49 step %scan3A_50 iter_args(%scan3A_1021 = %scan3A) -> (i32)  : i32 {
      %broadcast_in_dim3A_1022 = arith.constant 0.000000e+00 : f32
      %broadcast_in_dim3A_1023 = vector.broadcast %broadcast_in_dim3A_1022 : f32 to vector<16xf32>
      %mul3A_1024 = arith.constant 16 : i32
      %mul3A_1025 = arith.muli %scan3A_1020, %mul3A_1024 : i32
      %swap3A_1026 = arith.index_cast %mul3A_1025 : i32 to index
      %swap3A_1027 = tpu.vector_load %arg6[%swap3A_1026] {strides = array<i32>} : memref<640xf32, #tpu.memory_space<vmem>>, vector<16xf32>,
      %swap3A_1028 = vector.shape_cast %swap3A_1027 : vector<16xf32> to vector<16xf32>
      %swap3A_1029 = vector.shape_cast %broadcast_in_dim3A_1023 : vector<16xf32> to vector<16xf32>
      tpu.vector_store %arg6[%swap3A_1026], %swap3A_1029 {strides = array<i32>} : memref<640xf32, #tpu.memory_space<vmem>>, vector<16xf32>,
      %scan3A_1030 = arith.constant 0 : i32
      scf.yield %scan3A_1030 : i32
    }
    %scan3A_52 = arith.constant 40 : i32
    %mul3A_53 = arith.constant 640 : i32
    %mul3A_54 = arith.muli %arg1, %mul3A_53 : i32
    "tpu.region"() ({
      %run_scoped3A_1020 = tpu.sem_alloc : memref<!tpu.dma_semaphore, #tpu.memory_space<semaphore_mem>>
      %dma_start3A_1021 = tpu.memref_slice %arg7[%mul3A_54] : memref<10240xf32, #tpu.memory_space<vmem_shared>> -> memref<640xf32, #tpu.memory_space<vmem_shared>>
      %dma_start3A_1022 = tpu.memref_slice %arg7[%mul3A_54] : memref<10240xf32, #tpu.memory_space<vmem_shared>> -> memref<640xf32, #tpu.memory_space<vmem_shared>>
      tpu.enqueue_dma source(%arg6 : memref<640xf32, #tpu.memory_space<vmem>>) target(%dma_start3A_1022 : memref<640xf32, #tpu.memory_space<vmem_shared>>) target_semaphore(%run_scoped3A_1020 : memref<!tpu.dma_semaphore, #tpu.memory_space<semaphore_mem>>)
      %dma_wait3A_1023 = tpu.memref_slice %arg7[%mul3A_54] : memref<10240xf32, #tpu.memory_space<vmem_shared>> -> memref<640xf32, #tpu.memory_space<vmem_shared>>
      %dma_wait3A_1024 = tpu.memref_slice %arg7[%mul3A_54] : memref<10240xf32, #tpu.memory_space<vmem_shared>> -> memref<640xf32, #tpu.memory_space<vmem_shared>>
      tpu.wait_dma2 semaphore(%run_scoped3A_1020 : memref<!tpu.dma_semaphore, #tpu.memory_space<semaphore_mem>>) src(%arg6 : memref<640xf32, #tpu.memory_space<vmem>>) dst(%dma_wait3A_1024 : memref<640xf32, #tpu.memory_space<vmem_shared>>)
      tpu.yield
    }) : () -> ()
    %barrier3A = arith.constant 0 : index
    tpu.barrier barrier_id(%barrier3A)
    %mul3A_55 = arith.constant 80 : i32
    %mul3A_56 = arith.muli %add3A, %mul3A_55 : i32
    %run_scoped3A = arith.constant 1 : i32
    "tpu.region"() ({
      %run_scoped3A_1020 = tpu.sem_alloc : memref<!tpu.dma_semaphore, #tpu.memory_space<semaphore_mem>>
      %dma_start3A_1021 = arith.constant 0 : i32
      %dma_start3A_1022 = tpu.memref_slice %arg2[%run_scoped3A, %mul3A_56, %dma_start3A_1021] : memref<2x2560x128xi32, #tpu.memory_space<hbm>> -> memref<1x80x128xi32, #tpu.memory_space<hbm>>
      %dma_start3A_1023 = tpu.memref_squeeze %dma_start3A_1022 : memref<1x80x128xi32, #tpu.memory_space<hbm>> -> memref<80x128xi32, #tpu.memory_space<hbm>>
      %dma_start3A_1024 = arith.constant 0 : i32
      %dma_start3A_1025 = tpu.memref_slice %arg2[%run_scoped3A, %mul3A_56, %dma_start3A_1024] : memref<2x2560x128xi32, #tpu.memory_space<hbm>> -> memref<1x80x128xi32, #tpu.memory_space<hbm>>
      %dma_start3A_1026 = tpu.memref_squeeze %dma_start3A_1025 : memref<1x80x128xi32, #tpu.memory_space<hbm>> -> memref<80x128xi32, #tpu.memory_space<hbm>>
      tpu.enqueue_dma source(%dma_start3A_1026 : memref<80x128xi32, #tpu.memory_space<hbm>>) target(%arg5 : memref<80x128xi32, #tpu.memory_space<vmem>>) target_semaphore(%run_scoped3A_1020 : memref<!tpu.dma_semaphore, #tpu.memory_space<semaphore_mem>>)
      %dma_wait3A_1027 = arith.constant 0 : i32
      %dma_wait3A_1028 = tpu.memref_slice %arg2[%run_scoped3A, %mul3A_56, %dma_wait3A_1027] : memref<2x2560x128xi32, #tpu.memory_space<hbm>> -> memref<1x80x128xi32, #tpu.memory_space<hbm>>
      %dma_wait3A_1029 = tpu.memref_squeeze %dma_wait3A_1028 : memref<1x80x128xi32, #tpu.memory_space<hbm>> -> memref<80x128xi32, #tpu.memory_space<hbm>>
      %dma_wait3A_1030 = arith.constant 0 : i32
      %dma_wait3A_1031 = tpu.memref_slice %arg2[%run_scoped3A, %mul3A_56, %dma_wait3A_1030] : memref<2x2560x128xi32, #tpu.memory_space<hbm>> -> memref<1x80x128xi32, #tpu.memory_space<hbm>>
      %dma_wait3A_1032 = tpu.memref_squeeze %dma_wait3A_1031 : memref<1x80x128xi32, #tpu.memory_space<hbm>> -> memref<80x128xi32, #tpu.memory_space<hbm>>
      tpu.wait_dma2 semaphore(%run_scoped3A_1020 : memref<!tpu.dma_semaphore, #tpu.memory_space<semaphore_mem>>) src(%dma_wait3A_1032 : memref<80x128xi32, #tpu.memory_space<hbm>>) dst(%arg5 : memref<80x128xi32, #tpu.memory_space<vmem>>)
      tpu.yield
    }) : () -> ()
    %dma_start3A = arith.constant 0 : i32
    %dma_start3A_57 = arith.constant 0 : i32
    %dma_start3A_58 = tpu.memref_slice %arg5[%dma_start3A, %dma_start3A_57] : memref<80x128xi32, #tpu.memory_space<vmem>> -> memref<1x128xi32, #tpu.memory_space<vmem>>
    %dma_start3A_59 = tpu.memref_squeeze %dma_start3A_58 : memref<1x128xi32, #tpu.memory_space<vmem>> -> memref<128xi32, #tpu.memory_space<vmem>>
    %dma_start3A_60 = arith.constant 0 : i32
    %dma_start3A_61 = tpu.memref_slice %arg7[%dma_start3A_60] : memref<10240xf32, #tpu.memory_space<vmem_shared>> -> memref<10240xf32, #tpu.memory_space<vmem_shared>>
    tpu.enqueue_indirect_dma source(%arg4 : memref<128xf32, #tpu.memory_space<vmem>>) target(%dma_start3A_61 : memref<10240xf32, #tpu.memory_space<vmem_shared>>) offsets(%dma_start3A_59 : memref<128xi32, #tpu.memory_space<vmem>>) semaphore(%arg8 : memref<!tpu.dma_semaphore, #tpu.memory_space<semaphore_mem>>) {add = true}
    %dma_start3A_62 = arith.constant 1 : i32
    %dma_start3A_63 = arith.constant 0 : i32
    %dma_start3A_64 = tpu.memref_slice %arg5[%dma_start3A_62, %dma_start3A_63] : memref<80x128xi32, #tpu.memory_space<vmem>> -> memref<1x128xi32, #tpu.memory_space<vmem>>
    %dma_start3A_65 = tpu.memref_squeeze %dma_start3A_64 : memref<1x128xi32, #tpu.memory_space<vmem>> -> memref<128xi32, #tpu.memory_space<vmem>>
    %dma_start3A_66 = arith.constant 0 : i32
    %dma_start3A_67 = tpu.memref_slice %arg7[%dma_start3A_66] : memref<10240xf32, #tpu.memory_space<vmem_shared>> -> memref<10240xf32, #tpu.memory_space<vmem_shared>>
    tpu.enqueue_indirect_dma source(%arg4 : memref<128xf32, #tpu.memory_space<vmem>>) target(%dma_start3A_67 : memref<10240xf32, #tpu.memory_space<vmem_shared>>) offsets(%dma_start3A_65 : memref<128xi32, #tpu.memory_space<vmem>>) semaphore(%arg8 : memref<!tpu.dma_semaphore, #tpu.memory_space<semaphore_mem>>) {add = true}
    %dma_start3A_68 = arith.constant 2 : i32
    %dma_start3A_69 = arith.constant 0 : i32
    %dma_start3A_70 = tpu.memref_slice %arg5[%dma_start3A_68, %dma_start3A_69] : memref<80x128xi32, #tpu.memory_space<vmem>> -> memref<1x128xi32, #tpu.memory_space<vmem>>
    %dma_start3A_71 = tpu.memref_squeeze %dma_start3A_70 : memref<1x128xi32, #tpu.memory_space<vmem>> -> memref<128xi32, #tpu.memory_space<vmem>>
    %dma_start3A_72 = arith.constant 0 : i32
    %dma_start3A_73 = tpu.memref_slice %arg7[%dma_start3A_72] : memref<10240xf32, #tpu.memory_space<vmem_shared>> -> memref<10240xf32, #tpu.memory_space<vmem_shared>>
    tpu.enqueue_indirect_dma source(%arg4 : memref<128xf32, #tpu.memory_space<vmem>>) target(%dma_start3A_73 : memref<10240xf32, #tpu.memory_space<vmem_shared>>) offsets(%dma_start3A_71 : memref<128xi32, #tpu.memory_space<vmem>>) semaphore(%arg8 : memref<!tpu.dma_semaphore, #tpu.memory_space<semaphore_mem>>) {add = true}
    %dma_start3A_74 = arith.constant 3 : i32
    %dma_start3A_75 = arith.constant 0 : i32
    %dma_start3A_76 = tpu.memref_slice %arg5[%dma_start3A_74, %dma_start3A_75] : memref<80x128xi32, #tpu.memory_space<vmem>> -> memref<1x128xi32, #tpu.memory_space<vmem>>
    %dma_start3A_77 = tpu.memref_squeeze %dma_start3A_76 : memref<1x128xi32, #tpu.memory_space<vmem>> -> memref<128xi32, #tpu.memory_space<vmem>>
    %dma_start3A_78 = arith.constant 0 : i32
    %dma_start3A_79 = tpu.memref_slice %arg7[%dma_start3A_78] : memref<10240xf32, #tpu.memory_space<vmem_shared>> -> memref<10240xf32, #tpu.memory_space<vmem_shared>>
    tpu.enqueue_indirect_dma source(%arg4 : memref<128xf32, #tpu.memory_space<vmem>>) target(%dma_start3A_79 : memref<10240xf32, #tpu.memory_space<vmem_shared>>) offsets(%dma_start3A_77 : memref<128xi32, #tpu.memory_space<vmem>>) semaphore(%arg8 : memref<!tpu.dma_semaphore, #tpu.memory_space<semaphore_mem>>) {add = true}
    %dma_start3A_80 = arith.constant 4 : i32
    %dma_start3A_81 = arith.constant 0 : i32
    %dma_start3A_82 = tpu.memref_slice %arg5[%dma_start3A_80, %dma_start3A_81] : memref<80x128xi32, #tpu.memory_space<vmem>> -> memref<1x128xi32, #tpu.memory_space<vmem>>
    %dma_start3A_83 = tpu.memref_squeeze %dma_start3A_82 : memref<1x128xi32, #tpu.memory_space<vmem>> -> memref<128xi32, #tpu.memory_space<vmem>>
    %dma_start3A_84 = arith.constant 0 : i32
    %dma_start3A_85 = tpu.memref_slice %arg7[%dma_start3A_84] : memref<10240xf32, #tpu.memory_space<vmem_shared>> -> memref<10240xf32, #tpu.memory_space<vmem_shared>>
    tpu.enqueue_indirect_dma source(%arg4 : memref<128xf32, #tpu.memory_space<vmem>>) target(%dma_start3A_85 : memref<10240xf32, #tpu.memory_space<vmem_shared>>) offsets(%dma_start3A_83 : memref<128xi32, #tpu.memory_space<vmem>>) semaphore(%arg8 : memref<!tpu.dma_semaphore, #tpu.memory_space<semaphore_mem>>) {add = true}
    %dma_start3A_86 = arith.constant 5 : i32
    %dma_start3A_87 = arith.constant 0 : i32
    %dma_start3A_88 = tpu.memref_slice %arg5[%dma_start3A_86, %dma_start3A_87] : memref<80x128xi32, #tpu.memory_space<vmem>> -> memref<1x128xi32, #tpu.memory_space<vmem>>
    %dma_start3A_89 = tpu.memref_squeeze %dma_start3A_88 : memref<1x128xi32, #tpu.memory_space<vmem>> -> memref<128xi32, #tpu.memory_space<vmem>>
    %dma_start3A_90 = arith.constant 0 : i32
    %dma_start3A_91 = tpu.memref_slice %arg7[%dma_start3A_90] : memref<10240xf32, #tpu.memory_space<vmem_shared>> -> memref<10240xf32, #tpu.memory_space<vmem_shared>>
    tpu.enqueue_indirect_dma source(%arg4 : memref<128xf32, #tpu.memory_space<vmem>>) target(%dma_start3A_91 : memref<10240xf32, #tpu.memory_space<vmem_shared>>) offsets(%dma_start3A_89 : memref<128xi32, #tpu.memory_space<vmem>>) semaphore(%arg8 : memref<!tpu.dma_semaphore, #tpu.memory_space<semaphore_mem>>) {add = true}
    %dma_start3A_92 = arith.constant 6 : i32
    %dma_start3A_93 = arith.constant 0 : i32
    %dma_start3A_94 = tpu.memref_slice %arg5[%dma_start3A_92, %dma_start3A_93] : memref<80x128xi32, #tpu.memory_space<vmem>> -> memref<1x128xi32, #tpu.memory_space<vmem>>
    %dma_start3A_95 = tpu.memref_squeeze %dma_start3A_94 : memref<1x128xi32, #tpu.memory_space<vmem>> -> memref<128xi32, #tpu.memory_space<vmem>>
    %dma_start3A_96 = arith.constant 0 : i32
    %dma_start3A_97 = tpu.memref_slice %arg7[%dma_start3A_96] : memref<10240xf32, #tpu.memory_space<vmem_shared>> -> memref<10240xf32, #tpu.memory_space<vmem_shared>>
    tpu.enqueue_indirect_dma source(%arg4 : memref<128xf32, #tpu.memory_space<vmem>>) target(%dma_start3A_97 : memref<10240xf32, #tpu.memory_space<vmem_shared>>) offsets(%dma_start3A_95 : memref<128xi32, #tpu.memory_space<vmem>>) semaphore(%arg8 : memref<!tpu.dma_semaphore, #tpu.memory_space<semaphore_mem>>) {add = true}
    %dma_start3A_98 = arith.constant 7 : i32
    %dma_start3A_99 = arith.constant 0 : i32
    %dma_start3A_100 = tpu.memref_slice %arg5[%dma_start3A_98, %dma_start3A_99] : memref<80x128xi32, #tpu.memory_space<vmem>> -> memref<1x128xi32, #tpu.memory_space<vmem>>
    %dma_start3A_101 = tpu.memref_squeeze %dma_start3A_100 : memref<1x128xi32, #tpu.memory_space<vmem>> -> memref<128xi32, #tpu.memory_space<vmem>>
    %dma_start3A_102 = arith.constant 0 : i32
    %dma_start3A_103 = tpu.memref_slice %arg7[%dma_start3A_102] : memref<10240xf32, #tpu.memory_space<vmem_shared>> -> memref<10240xf32, #tpu.memory_space<vmem_shared>>
    tpu.enqueue_indirect_dma source(%arg4 : memref<128xf32, #tpu.memory_space<vmem>>) target(%dma_start3A_103 : memref<10240xf32, #tpu.memory_space<vmem_shared>>) offsets(%dma_start3A_101 : memref<128xi32, #tpu.memory_space<vmem>>) semaphore(%arg8 : memref<!tpu.dma_semaphore, #tpu.memory_space<semaphore_mem>>) {add = true}
    %dma_start3A_104 = arith.constant 8 : i32
    %dma_start3A_105 = arith.constant 0 : i32
    %dma_start3A_106 = tpu.memref_slice %arg5[%dma_start3A_104, %dma_start3A_105] : memref<80x128xi32, #tpu.memory_space<vmem>> -> memref<1x128xi32, #tpu.memory_space<vmem>>
    %dma_start3A_107 = tpu.memref_squeeze %dma_start3A_106 : memref<1x128xi32, #tpu.memory_space<vmem>> -> memref<128xi32, #tpu.memory_space<vmem>>
    %dma_start3A_108 = arith.constant 0 : i32
    %dma_start3A_109 = tpu.memref_slice %arg7[%dma_start3A_108] : memref<10240xf32, #tpu.memory_space<vmem_shared>> -> memref<10240xf32, #tpu.memory_space<vmem_shared>>
    tpu.enqueue_indirect_dma source(%arg4 : memref<128xf32, #tpu.memory_space<vmem>>) target(%dma_start3A_109 : memref<10240xf32, #tpu.memory_space<vmem_shared>>) offsets(%dma_start3A_107 : memref<128xi32, #tpu.memory_space<vmem>>) semaphore(%arg8 : memref<!tpu.dma_semaphore, #tpu.memory_space<semaphore_mem>>) {add = true}
    %dma_start3A_110 = arith.constant 9 : i32
    %dma_start3A_111 = arith.constant 0 : i32
    %dma_start3A_112 = tpu.memref_slice %arg5[%dma_start3A_110, %dma_start3A_111] : memref<80x128xi32, #tpu.memory_space<vmem>> -> memref<1x128xi32, #tpu.memory_space<vmem>>
    %dma_start3A_113 = tpu.memref_squeeze %dma_start3A_112 : memref<1x128xi32, #tpu.memory_space<vmem>> -> memref<128xi32, #tpu.memory_space<vmem>>
    %dma_start3A_114 = arith.constant 0 : i32
    %dma_start3A_115 = tpu.memref_slice %arg7[%dma_start3A_114] : memref<10240xf32, #tpu.memory_space<vmem_shared>> -> memref<10240xf32, #tpu.memory_space<vmem_shared>>
    tpu.enqueue_indirect_dma source(%arg4 : memref<128xf32, #tpu.memory_space<vmem>>) target(%dma_start3A_115 : memref<10240xf32, #tpu.memory_space<vmem_shared>>) offsets(%dma_start3A_113 : memref<128xi32, #tpu.memory_space<vmem>>) semaphore(%arg8 : memref<!tpu.dma_semaphore, #tpu.memory_space<semaphore_mem>>) {add = true}
    %dma_start3A_116 = arith.constant 10 : i32
    %dma_start3A_117 = arith.constant 0 : i32
    %dma_start3A_118 = tpu.memref_slice %arg5[%dma_start3A_116, %dma_start3A_117] : memref<80x128xi32, #tpu.memory_space<vmem>> -> memref<1x128xi32, #tpu.memory_space<vmem>>
    %dma_start3A_119 = tpu.memref_squeeze %dma_start3A_118 : memref<1x128xi32, #tpu.memory_space<vmem>> -> memref<128xi32, #tpu.memory_space<vmem>>
    %dma_start3A_120 = arith.constant 0 : i32
    %dma_start3A_121 = tpu.memref_slice %arg7[%dma_start3A_120] : memref<10240xf32, #tpu.memory_space<vmem_shared>> -> memref<10240xf32, #tpu.memory_space<vmem_shared>>
    tpu.enqueue_indirect_dma source(%arg4 : memref<128xf32, #tpu.memory_space<vmem>>) target(%dma_start3A_121 : memref<10240xf32, #tpu.memory_space<vmem_shared>>) offsets(%dma_start3A_119 : memref<128xi32, #tpu.memory_space<vmem>>) semaphore(%arg8 : memref<!tpu.dma_semaphore, #tpu.memory_space<semaphore_mem>>) {add = true}
    %dma_start3A_122 = arith.constant 11 : i32
    %dma_start3A_123 = arith.constant 0 : i32
    %dma_start3A_124 = tpu.memref_slice %arg5[%dma_start3A_122, %dma_start3A_123] : memref<80x128xi32, #tpu.memory_space<vmem>> -> memref<1x128xi32, #tpu.memory_space<vmem>>
    %dma_start3A_125 = tpu.memref_squeeze %dma_start3A_124 : memref<1x128xi32, #tpu.memory_space<vmem>> -> memref<128xi32, #tpu.memory_space<vmem>>
    %dma_start3A_126 = arith.constant 0 : i32
    %dma_start3A_127 = tpu.memref_slice %arg7[%dma_start3A_126] : memref<10240xf32, #tpu.memory_space<vmem_shared>> -> memref<10240xf32, #tpu.memory_space<vmem_shared>>
    tpu.enqueue_indirect_dma source(%arg4 : memref<128xf32, #tpu.memory_space<vmem>>) target(%dma_start3A_127 : memref<10240xf32, #tpu.memory_space<vmem_shared>>) offsets(%dma_start3A_125 : memref<128xi32, #tpu.memory_space<vmem>>) semaphore(%arg8 : memref<!tpu.dma_semaphore, #tpu.memory_space<semaphore_mem>>) {add = true}
    %dma_start3A_128 = arith.constant 12 : i32
    %dma_start3A_129 = arith.constant 0 : i32
    %dma_start3A_130 = tpu.memref_slice %arg5[%dma_start3A_128, %dma_start3A_129] : memref<80x128xi32, #tpu.memory_space<vmem>> -> memref<1x128xi32, #tpu.memory_space<vmem>>
    %dma_start3A_131 = tpu.memref_squeeze %dma_start3A_130 : memref<1x128xi32, #tpu.memory_space<vmem>> -> memref<128xi32, #tpu.memory_space<vmem>>
    %dma_start3A_132 = arith.constant 0 : i32
    %dma_start3A_133 = tpu.memref_slice %arg7[%dma_start3A_132] : memref<10240xf32, #tpu.memory_space<vmem_shared>> -> memref<10240xf32, #tpu.memory_space<vmem_shared>>
    tpu.enqueue_indirect_dma source(%arg4 : memref<128xf32, #tpu.memory_space<vmem>>) target(%dma_start3A_133 : memref<10240xf32, #tpu.memory_space<vmem_shared>>) offsets(%dma_start3A_131 : memref<128xi32, #tpu.memory_space<vmem>>) semaphore(%arg8 : memref<!tpu.dma_semaphore, #tpu.memory_space<semaphore_mem>>) {add = true}
    %dma_start3A_134 = arith.constant 13 : i32
    %dma_start3A_135 = arith.constant 0 : i32
    %dma_start3A_136 = tpu.memref_slice %arg5[%dma_start3A_134, %dma_start3A_135] : memref<80x128xi32, #tpu.memory_space<vmem>> -> memref<1x128xi32, #tpu.memory_space<vmem>>
    %dma_start3A_137 = tpu.memref_squeeze %dma_start3A_136 : memref<1x128xi32, #tpu.memory_space<vmem>> -> memref<128xi32, #tpu.memory_space<vmem>>
    %dma_start3A_138 = arith.constant 0 : i32
    %dma_start3A_139 = tpu.memref_slice %arg7[%dma_start3A_138] : memref<10240xf32, #tpu.memory_space<vmem_shared>> -> memref<10240xf32, #tpu.memory_space<vmem_shared>>
    tpu.enqueue_indirect_dma source(%arg4 : memref<128xf32, #tpu.memory_space<vmem>>) target(%dma_start3A_139 : memref<10240xf32, #tpu.memory_space<vmem_shared>>) offsets(%dma_start3A_137 : memref<128xi32, #tpu.memory_space<vmem>>) semaphore(%arg8 : memref<!tpu.dma_semaphore, #tpu.memory_space<semaphore_mem>>) {add = true}
    %dma_start3A_140 = arith.constant 14 : i32
    %dma_start3A_141 = arith.constant 0 : i32
    %dma_start3A_142 = tpu.memref_slice %arg5[%dma_start3A_140, %dma_start3A_141] : memref<80x128xi32, #tpu.memory_space<vmem>> -> memref<1x128xi32, #tpu.memory_space<vmem>>
    %dma_start3A_143 = tpu.memref_squeeze %dma_start3A_142 : memref<1x128xi32, #tpu.memory_space<vmem>> -> memref<128xi32, #tpu.memory_space<vmem>>
    %dma_start3A_144 = arith.constant 0 : i32
    %dma_start3A_145 = tpu.memref_slice %arg7[%dma_start3A_144] : memref<10240xf32, #tpu.memory_space<vmem_shared>> -> memref<10240xf32, #tpu.memory_space<vmem_shared>>
    tpu.enqueue_indirect_dma source(%arg4 : memref<128xf32, #tpu.memory_space<vmem>>) target(%dma_start3A_145 : memref<10240xf32, #tpu.memory_space<vmem_shared>>) offsets(%dma_start3A_143 : memref<128xi32, #tpu.memory_space<vmem>>) semaphore(%arg8 : memref<!tpu.dma_semaphore, #tpu.memory_space<semaphore_mem>>) {add = true}
    %dma_start3A_146 = arith.constant 15 : i32
    %dma_start3A_147 = arith.constant 0 : i32
    %dma_start3A_148 = tpu.memref_slice %arg5[%dma_start3A_146, %dma_start3A_147] : memref<80x128xi32, #tpu.memory_space<vmem>> -> memref<1x128xi32, #tpu.memory_space<vmem>>
    %dma_start3A_149 = tpu.memref_squeeze %dma_start3A_148 : memref<1x128xi32, #tpu.memory_space<vmem>> -> memref<128xi32, #tpu.memory_space<vmem>>
    %dma_start3A_150 = arith.constant 0 : i32
    %dma_start3A_151 = tpu.memref_slice %arg7[%dma_start3A_150] : memref<10240xf32, #tpu.memory_space<vmem_shared>> -> memref<10240xf32, #tpu.memory_space<vmem_shared>>
    tpu.enqueue_indirect_dma source(%arg4 : memref<128xf32, #tpu.memory_space<vmem>>) target(%dma_start3A_151 : memref<10240xf32, #tpu.memory_space<vmem_shared>>) offsets(%dma_start3A_149 : memref<128xi32, #tpu.memory_space<vmem>>) semaphore(%arg8 : memref<!tpu.dma_semaphore, #tpu.memory_space<semaphore_mem>>) {add = true}
    %dma_start3A_152 = arith.constant 16 : i32
    %dma_start3A_153 = arith.constant 0 : i32
    %dma_start3A_154 = tpu.memref_slice %arg5[%dma_start3A_152, %dma_start3A_153] : memref<80x128xi32, #tpu.memory_space<vmem>> -> memref<1x128xi32, #tpu.memory_space<vmem>>
    %dma_start3A_155 = tpu.memref_squeeze %dma_start3A_154 : memref<1x128xi32, #tpu.memory_space<vmem>> -> memref<128xi32, #tpu.memory_space<vmem>>
    %dma_start3A_156 = arith.constant 0 : i32
    %dma_start3A_157 = tpu.memref_slice %arg7[%dma_start3A_156] : memref<10240xf32, #tpu.memory_space<vmem_shared>> -> memref<10240xf32, #tpu.memory_space<vmem_shared>>
    tpu.enqueue_indirect_dma source(%arg4 : memref<128xf32, #tpu.memory_space<vmem>>) target(%dma_start3A_157 : memref<10240xf32, #tpu.memory_space<vmem_shared>>) offsets(%dma_start3A_155 : memref<128xi32, #tpu.memory_space<vmem>>) semaphore(%arg8 : memref<!tpu.dma_semaphore, #tpu.memory_space<semaphore_mem>>) {add = true}
    %dma_start3A_158 = arith.constant 17 : i32
    %dma_start3A_159 = arith.constant 0 : i32
    %dma_start3A_160 = tpu.memref_slice %arg5[%dma_start3A_158, %dma_start3A_159] : memref<80x128xi32, #tpu.memory_space<vmem>> -> memref<1x128xi32, #tpu.memory_space<vmem>>
    %dma_start3A_161 = tpu.memref_squeeze %dma_start3A_160 : memref<1x128xi32, #tpu.memory_space<vmem>> -> memref<128xi32, #tpu.memory_space<vmem>>
    %dma_start3A_162 = arith.constant 0 : i32
    %dma_start3A_163 = tpu.memref_slice %arg7[%dma_start3A_162] : memref<10240xf32, #tpu.memory_space<vmem_shared>> -> memref<10240xf32, #tpu.memory_space<vmem_shared>>
    tpu.enqueue_indirect_dma source(%arg4 : memref<128xf32, #tpu.memory_space<vmem>>) target(%dma_start3A_163 : memref<10240xf32, #tpu.memory_space<vmem_shared>>) offsets(%dma_start3A_161 : memref<128xi32, #tpu.memory_space<vmem>>) semaphore(%arg8 : memref<!tpu.dma_semaphore, #tpu.memory_space<semaphore_mem>>) {add = true}
    %dma_start3A_164 = arith.constant 18 : i32
    %dma_start3A_165 = arith.constant 0 : i32
    %dma_start3A_166 = tpu.memref_slice %arg5[%dma_start3A_164, %dma_start3A_165] : memref<80x128xi32, #tpu.memory_space<vmem>> -> memref<1x128xi32, #tpu.memory_space<vmem>>
    %dma_start3A_167 = tpu.memref_squeeze %dma_start3A_166 : memref<1x128xi32, #tpu.memory_space<vmem>> -> memref<128xi32, #tpu.memory_space<vmem>>
    %dma_start3A_168 = arith.constant 0 : i32
    %dma_start3A_169 = tpu.memref_slice %arg7[%dma_start3A_168] : memref<10240xf32, #tpu.memory_space<vmem_shared>> -> memref<10240xf32, #tpu.memory_space<vmem_shared>>
    tpu.enqueue_indirect_dma source(%arg4 : memref<128xf32, #tpu.memory_space<vmem>>) target(%dma_start3A_169 : memref<10240xf32, #tpu.memory_space<vmem_shared>>) offsets(%dma_start3A_167 : memref<128xi32, #tpu.memory_space<vmem>>) semaphore(%arg8 : memref<!tpu.dma_semaphore, #tpu.memory_space<semaphore_mem>>) {add = true}
    %dma_start3A_170 = arith.constant 19 : i32
    %dma_start3A_171 = arith.constant 0 : i32
    %dma_start3A_172 = tpu.memref_slice %arg5[%dma_start3A_170, %dma_start3A_171] : memref<80x128xi32, #tpu.memory_space<vmem>> -> memref<1x128xi32, #tpu.memory_space<vmem>>
    %dma_start3A_173 = tpu.memref_squeeze %dma_start3A_172 : memref<1x128xi32, #tpu.memory_space<vmem>> -> memref<128xi32, #tpu.memory_space<vmem>>
    %dma_start3A_174 = arith.constant 0 : i32
    %dma_start3A_175 = tpu.memref_slice %arg7[%dma_start3A_174] : memref<10240xf32, #tpu.memory_space<vmem_shared>> -> memref<10240xf32, #tpu.memory_space<vmem_shared>>
    tpu.enqueue_indirect_dma source(%arg4 : memref<128xf32, #tpu.memory_space<vmem>>) target(%dma_start3A_175 : memref<10240xf32, #tpu.memory_space<vmem_shared>>) offsets(%dma_start3A_173 : memref<128xi32, #tpu.memory_space<vmem>>) semaphore(%arg8 : memref<!tpu.dma_semaphore, #tpu.memory_space<semaphore_mem>>) {add = true}
    %dma_start3A_176 = arith.constant 20 : i32
    %dma_start3A_177 = arith.constant 0 : i32
    %dma_start3A_178 = tpu.memref_slice %arg5[%dma_start3A_176, %dma_start3A_177] : memref<80x128xi32, #tpu.memory_space<vmem>> -> memref<1x128xi32, #tpu.memory_space<vmem>>
    %dma_start3A_179 = tpu.memref_squeeze %dma_start3A_178 : memref<1x128xi32, #tpu.memory_space<vmem>> -> memref<128xi32, #tpu.memory_space<vmem>>
    %dma_start3A_180 = arith.constant 0 : i32
    %dma_start3A_181 = tpu.memref_slice %arg7[%dma_start3A_180] : memref<10240xf32, #tpu.memory_space<vmem_shared>> -> memref<10240xf32, #tpu.memory_space<vmem_shared>>
    tpu.enqueue_indirect_dma source(%arg4 : memref<128xf32, #tpu.memory_space<vmem>>) target(%dma_start3A_181 : memref<10240xf32, #tpu.memory_space<vmem_shared>>) offsets(%dma_start3A_179 : memref<128xi32, #tpu.memory_space<vmem>>) semaphore(%arg8 : memref<!tpu.dma_semaphore, #tpu.memory_space<semaphore_mem>>) {add = true}
    %dma_start3A_182 = arith.constant 21 : i32
    %dma_start3A_183 = arith.constant 0 : i32
    %dma_start3A_184 = tpu.memref_slice %arg5[%dma_start3A_182, %dma_start3A_183] : memref<80x128xi32, #tpu.memory_space<vmem>> -> memref<1x128xi32, #tpu.memory_space<vmem>>
    %dma_start3A_185 = tpu.memref_squeeze %dma_start3A_184 : memref<1x128xi32, #tpu.memory_space<vmem>> -> memref<128xi32, #tpu.memory_space<vmem>>
    %dma_start3A_186 = arith.constant 0 : i32
    %dma_start3A_187 = tpu.memref_slice %arg7[%dma_start3A_186] : memref<10240xf32, #tpu.memory_space<vmem_shared>> -> memref<10240xf32, #tpu.memory_space<vmem_shared>>
    tpu.enqueue_indirect_dma source(%arg4 : memref<128xf32, #tpu.memory_space<vmem>>) target(%dma_start3A_187 : memref<10240xf32, #tpu.memory_space<vmem_shared>>) offsets(%dma_start3A_185 : memref<128xi32, #tpu.memory_space<vmem>>) semaphore(%arg8 : memref<!tpu.dma_semaphore, #tpu.memory_space<semaphore_mem>>) {add = true}
    %dma_start3A_188 = arith.constant 22 : i32
    %dma_start3A_189 = arith.constant 0 : i32
    %dma_start3A_190 = tpu.memref_slice %arg5[%dma_start3A_188, %dma_start3A_189] : memref<80x128xi32, #tpu.memory_space<vmem>> -> memref<1x128xi32, #tpu.memory_space<vmem>>
    %dma_start3A_191 = tpu.memref_squeeze %dma_start3A_190 : memref<1x128xi32, #tpu.memory_space<vmem>> -> memref<128xi32, #tpu.memory_space<vmem>>
    %dma_start3A_192 = arith.constant 0 : i32
    %dma_start3A_193 = tpu.memref_slice %arg7[%dma_start3A_192] : memref<10240xf32, #tpu.memory_space<vmem_shared>> -> memref<10240xf32, #tpu.memory_space<vmem_shared>>
    tpu.enqueue_indirect_dma source(%arg4 : memref<128xf32, #tpu.memory_space<vmem>>) target(%dma_start3A_193 : memref<10240xf32, #tpu.memory_space<vmem_shared>>) offsets(%dma_start3A_191 : memref<128xi32, #tpu.memory_space<vmem>>) semaphore(%arg8 : memref<!tpu.dma_semaphore, #tpu.memory_space<semaphore_mem>>) {add = true}
    %dma_start3A_194 = arith.constant 23 : i32
    %dma_start3A_195 = arith.constant 0 : i32
    %dma_start3A_196 = tpu.memref_slice %arg5[%dma_start3A_194, %dma_start3A_195] : memref<80x128xi32, #tpu.memory_space<vmem>> -> memref<1x128xi32, #tpu.memory_space<vmem>>
    %dma_start3A_197 = tpu.memref_squeeze %dma_start3A_196 : memref<1x128xi32, #tpu.memory_space<vmem>> -> memref<128xi32, #tpu.memory_space<vmem>>
    %dma_start3A_198 = arith.constant 0 : i32
    %dma_start3A_199 = tpu.memref_slice %arg7[%dma_start3A_198] : memref<10240xf32, #tpu.memory_space<vmem_shared>> -> memref<10240xf32, #tpu.memory_space<vmem_shared>>
    tpu.enqueue_indirect_dma source(%arg4 : memref<128xf32, #tpu.memory_space<vmem>>) target(%dma_start3A_199 : memref<10240xf32, #tpu.memory_space<vmem_shared>>) offsets(%dma_start3A_197 : memref<128xi32, #tpu.memory_space<vmem>>) semaphore(%arg8 : memref<!tpu.dma_semaphore, #tpu.memory_space<semaphore_mem>>) {add = true}
    %dma_start3A_200 = arith.constant 24 : i32
    %dma_start3A_201 = arith.constant 0 : i32
    %dma_start3A_202 = tpu.memref_slice %arg5[%dma_start3A_200, %dma_start3A_201] : memref<80x128xi32, #tpu.memory_space<vmem>> -> memref<1x128xi32, #tpu.memory_space<vmem>>
    %dma_start3A_203 = tpu.memref_squeeze %dma_start3A_202 : memref<1x128xi32, #tpu.memory_space<vmem>> -> memref<128xi32, #tpu.memory_space<vmem>>
    %dma_start3A_204 = arith.constant 0 : i32
    %dma_start3A_205 = tpu.memref_slice %arg7[%dma_start3A_204] : memref<10240xf32, #tpu.memory_space<vmem_shared>> -> memref<10240xf32, #tpu.memory_space<vmem_shared>>
    tpu.enqueue_indirect_dma source(%arg4 : memref<128xf32, #tpu.memory_space<vmem>>) target(%dma_start3A_205 : memref<10240xf32, #tpu.memory_space<vmem_shared>>) offsets(%dma_start3A_203 : memref<128xi32, #tpu.memory_space<vmem>>) semaphore(%arg8 : memref<!tpu.dma_semaphore, #tpu.memory_space<semaphore_mem>>) {add = true}
    %dma_start3A_206 = arith.constant 25 : i32
    %dma_start3A_207 = arith.constant 0 : i32
    %dma_start3A_208 = tpu.memref_slice %arg5[%dma_start3A_206, %dma_start3A_207] : memref<80x128xi32, #tpu.memory_space<vmem>> -> memref<1x128xi32, #tpu.memory_space<vmem>>
    %dma_start3A_209 = tpu.memref_squeeze %dma_start3A_208 : memref<1x128xi32, #tpu.memory_space<vmem>> -> memref<128xi32, #tpu.memory_space<vmem>>
    %dma_start3A_210 = arith.constant 0 : i32
    %dma_start3A_211 = tpu.memref_slice %arg7[%dma_start3A_210] : memref<10240xf32, #tpu.memory_space<vmem_shared>> -> memref<10240xf32, #tpu.memory_space<vmem_shared>>
    tpu.enqueue_indirect_dma source(%arg4 : memref<128xf32, #tpu.memory_space<vmem>>) target(%dma_start3A_211 : memref<10240xf32, #tpu.memory_space<vmem_shared>>) offsets(%dma_start3A_209 : memref<128xi32, #tpu.memory_space<vmem>>) semaphore(%arg8 : memref<!tpu.dma_semaphore, #tpu.memory_space<semaphore_mem>>) {add = true}
    %dma_start3A_212 = arith.constant 26 : i32
    %dma_start3A_213 = arith.constant 0 : i32
    %dma_start3A_214 = tpu.memref_slice %arg5[%dma_start3A_212, %dma_start3A_213] : memref<80x128xi32, #tpu.memory_space<vmem>> -> memref<1x128xi32, #tpu.memory_space<vmem>>
    %dma_start3A_215 = tpu.memref_squeeze %dma_start3A_214 : memref<1x128xi32, #tpu.memory_space<vmem>> -> memref<128xi32, #tpu.memory_space<vmem>>
    %dma_start3A_216 = arith.constant 0 : i32
    %dma_start3A_217 = tpu.memref_slice %arg7[%dma_start3A_216] : memref<10240xf32, #tpu.memory_space<vmem_shared>> -> memref<10240xf32, #tpu.memory_space<vmem_shared>>
    tpu.enqueue_indirect_dma source(%arg4 : memref<128xf32, #tpu.memory_space<vmem>>) target(%dma_start3A_217 : memref<10240xf32, #tpu.memory_space<vmem_shared>>) offsets(%dma_start3A_215 : memref<128xi32, #tpu.memory_space<vmem>>) semaphore(%arg8 : memref<!tpu.dma_semaphore, #tpu.memory_space<semaphore_mem>>) {add = true}
    %dma_start3A_218 = arith.constant 27 : i32
    %dma_start3A_219 = arith.constant 0 : i32
    %dma_start3A_220 = tpu.memref_slice %arg5[%dma_start3A_218, %dma_start3A_219] : memref<80x128xi32, #tpu.memory_space<vmem>> -> memref<1x128xi32, #tpu.memory_space<vmem>>
    %dma_start3A_221 = tpu.memref_squeeze %dma_start3A_220 : memref<1x128xi32, #tpu.memory_space<vmem>> -> memref<128xi32, #tpu.memory_space<vmem>>
    %dma_start3A_222 = arith.constant 0 : i32
    %dma_start3A_223 = tpu.memref_slice %arg7[%dma_start3A_222] : memref<10240xf32, #tpu.memory_space<vmem_shared>> -> memref<10240xf32, #tpu.memory_space<vmem_shared>>
    tpu.enqueue_indirect_dma source(%arg4 : memref<128xf32, #tpu.memory_space<vmem>>) target(%dma_start3A_223 : memref<10240xf32, #tpu.memory_space<vmem_shared>>) offsets(%dma_start3A_221 : memref<128xi32, #tpu.memory_space<vmem>>) semaphore(%arg8 : memref<!tpu.dma_semaphore, #tpu.memory_space<semaphore_mem>>) {add = true}
    %dma_start3A_224 = arith.constant 28 : i32
    %dma_start3A_225 = arith.constant 0 : i32
    %dma_start3A_226 = tpu.memref_slice %arg5[%dma_start3A_224, %dma_start3A_225] : memref<80x128xi32, #tpu.memory_space<vmem>> -> memref<1x128xi32, #tpu.memory_space<vmem>>
    %dma_start3A_227 = tpu.memref_squeeze %dma_start3A_226 : memref<1x128xi32, #tpu.memory_space<vmem>> -> memref<128xi32, #tpu.memory_space<vmem>>
    %dma_start3A_228 = arith.constant 0 : i32
    %dma_start3A_229 = tpu.memref_slice %arg7[%dma_start3A_228] : memref<10240xf32, #tpu.memory_space<vmem_shared>> -> memref<10240xf32, #tpu.memory_space<vmem_shared>>
    tpu.enqueue_indirect_dma source(%arg4 : memref<128xf32, #tpu.memory_space<vmem>>) target(%dma_start3A_229 : memref<10240xf32, #tpu.memory_space<vmem_shared>>) offsets(%dma_start3A_227 : memref<128xi32, #tpu.memory_space<vmem>>) semaphore(%arg8 : memref<!tpu.dma_semaphore, #tpu.memory_space<semaphore_mem>>) {add = true}
    %dma_start3A_230 = arith.constant 29 : i32
    %dma_start3A_231 = arith.constant 0 : i32
    %dma_start3A_232 = tpu.memref_slice %arg5[%dma_start3A_230, %dma_start3A_231] : memref<80x128xi32, #tpu.memory_space<vmem>> -> memref<1x128xi32, #tpu.memory_space<vmem>>
    %dma_start3A_233 = tpu.memref_squeeze %dma_start3A_232 : memref<1x128xi32, #tpu.memory_space<vmem>> -> memref<128xi32, #tpu.memory_space<vmem>>
    %dma_start3A_234 = arith.constant 0 : i32
    %dma_start3A_235 = tpu.memref_slice %arg7[%dma_start3A_234] : memref<10240xf32, #tpu.memory_space<vmem_shared>> -> memref<10240xf32, #tpu.memory_space<vmem_shared>>
    tpu.enqueue_indirect_dma source(%arg4 : memref<128xf32, #tpu.memory_space<vmem>>) target(%dma_start3A_235 : memref<10240xf32, #tpu.memory_space<vmem_shared>>) offsets(%dma_start3A_233 : memref<128xi32, #tpu.memory_space<vmem>>) semaphore(%arg8 : memref<!tpu.dma_semaphore, #tpu.memory_space<semaphore_mem>>) {add = true}
    %dma_start3A_236 = arith.constant 30 : i32
    %dma_start3A_237 = arith.constant 0 : i32
    %dma_start3A_238 = tpu.memref_slice %arg5[%dma_start3A_236, %dma_start3A_237] : memref<80x128xi32, #tpu.memory_space<vmem>> -> memref<1x128xi32, #tpu.memory_space<vmem>>
    %dma_start3A_239 = tpu.memref_squeeze %dma_start3A_238 : memref<1x128xi32, #tpu.memory_space<vmem>> -> memref<128xi32, #tpu.memory_space<vmem>>
    %dma_start3A_240 = arith.constant 0 : i32
    %dma_start3A_241 = tpu.memref_slice %arg7[%dma_start3A_240] : memref<10240xf32, #tpu.memory_space<vmem_shared>> -> memref<10240xf32, #tpu.memory_space<vmem_shared>>
    tpu.enqueue_indirect_dma source(%arg4 : memref<128xf32, #tpu.memory_space<vmem>>) target(%dma_start3A_241 : memref<10240xf32, #tpu.memory_space<vmem_shared>>) offsets(%dma_start3A_239 : memref<128xi32, #tpu.memory_space<vmem>>) semaphore(%arg8 : memref<!tpu.dma_semaphore, #tpu.memory_space<semaphore_mem>>) {add = true}
    %dma_start3A_242 = arith.constant 31 : i32
    %dma_start3A_243 = arith.constant 0 : i32
    %dma_start3A_244 = tpu.memref_slice %arg5[%dma_start3A_242, %dma_start3A_243] : memref<80x128xi32, #tpu.memory_space<vmem>> -> memref<1x128xi32, #tpu.memory_space<vmem>>
    %dma_start3A_245 = tpu.memref_squeeze %dma_start3A_244 : memref<1x128xi32, #tpu.memory_space<vmem>> -> memref<128xi32, #tpu.memory_space<vmem>>
    %dma_start3A_246 = arith.constant 0 : i32
    %dma_start3A_247 = tpu.memref_slice %arg7[%dma_start3A_246] : memref<10240xf32, #tpu.memory_space<vmem_shared>> -> memref<10240xf32, #tpu.memory_space<vmem_shared>>
    tpu.enqueue_indirect_dma source(%arg4 : memref<128xf32, #tpu.memory_space<vmem>>) target(%dma_start3A_247 : memref<10240xf32, #tpu.memory_space<vmem_shared>>) offsets(%dma_start3A_245 : memref<128xi32, #tpu.memory_space<vmem>>) semaphore(%arg8 : memref<!tpu.dma_semaphore, #tpu.memory_space<semaphore_mem>>) {add = true}
    %dma_start3A_248 = arith.constant 32 : i32
    %dma_start3A_249 = arith.constant 0 : i32
    %dma_start3A_250 = tpu.memref_slice %arg5[%dma_start3A_248, %dma_start3A_249] : memref<80x128xi32, #tpu.memory_space<vmem>> -> memref<1x128xi32, #tpu.memory_space<vmem>>
    %dma_start3A_251 = tpu.memref_squeeze %dma_start3A_250 : memref<1x128xi32, #tpu.memory_space<vmem>> -> memref<128xi32, #tpu.memory_space<vmem>>
    %dma_start3A_252 = arith.constant 0 : i32
    %dma_start3A_253 = tpu.memref_slice %arg7[%dma_start3A_252] : memref<10240xf32, #tpu.memory_space<vmem_shared>> -> memref<10240xf32, #tpu.memory_space<vmem_shared>>
    tpu.enqueue_indirect_dma source(%arg4 : memref<128xf32, #tpu.memory_space<vmem>>) target(%dma_start3A_253 : memref<10240xf32, #tpu.memory_space<vmem_shared>>) offsets(%dma_start3A_251 : memref<128xi32, #tpu.memory_space<vmem>>) semaphore(%arg8 : memref<!tpu.dma_semaphore, #tpu.memory_space<semaphore_mem>>) {add = true}
    %dma_start3A_254 = arith.constant 33 : i32
    %dma_start3A_255 = arith.constant 0 : i32
    %dma_start3A_256 = tpu.memref_slice %arg5[%dma_start3A_254, %dma_start3A_255] : memref<80x128xi32, #tpu.memory_space<vmem>> -> memref<1x128xi32, #tpu.memory_space<vmem>>
    %dma_start3A_257 = tpu.memref_squeeze %dma_start3A_256 : memref<1x128xi32, #tpu.memory_space<vmem>> -> memref<128xi32, #tpu.memory_space<vmem>>
    %dma_start3A_258 = arith.constant 0 : i32
    %dma_start3A_259 = tpu.memref_slice %arg7[%dma_start3A_258] : memref<10240xf32, #tpu.memory_space<vmem_shared>> -> memref<10240xf32, #tpu.memory_space<vmem_shared>>
    tpu.enqueue_indirect_dma source(%arg4 : memref<128xf32, #tpu.memory_space<vmem>>) target(%dma_start3A_259 : memref<10240xf32, #tpu.memory_space<vmem_shared>>) offsets(%dma_start3A_257 : memref<128xi32, #tpu.memory_space<vmem>>) semaphore(%arg8 : memref<!tpu.dma_semaphore, #tpu.memory_space<semaphore_mem>>) {add = true}
    %dma_start3A_260 = arith.constant 34 : i32
    %dma_start3A_261 = arith.constant 0 : i32
    %dma_start3A_262 = tpu.memref_slice %arg5[%dma_start3A_260, %dma_start3A_261] : memref<80x128xi32, #tpu.memory_space<vmem>> -> memref<1x128xi32, #tpu.memory_space<vmem>>
    %dma_start3A_263 = tpu.memref_squeeze %dma_start3A_262 : memref<1x128xi32, #tpu.memory_space<vmem>> -> memref<128xi32, #tpu.memory_space<vmem>>
    %dma_start3A_264 = arith.constant 0 : i32
    %dma_start3A_265 = tpu.memref_slice %arg7[%dma_start3A_264] : memref<10240xf32, #tpu.memory_space<vmem_shared>> -> memref<10240xf32, #tpu.memory_space<vmem_shared>>
    tpu.enqueue_indirect_dma source(%arg4 : memref<128xf32, #tpu.memory_space<vmem>>) target(%dma_start3A_265 : memref<10240xf32, #tpu.memory_space<vmem_shared>>) offsets(%dma_start3A_263 : memref<128xi32, #tpu.memory_space<vmem>>) semaphore(%arg8 : memref<!tpu.dma_semaphore, #tpu.memory_space<semaphore_mem>>) {add = true}
    %dma_start3A_266 = arith.constant 35 : i32
    %dma_start3A_267 = arith.constant 0 : i32
    %dma_start3A_268 = tpu.memref_slice %arg5[%dma_start3A_266, %dma_start3A_267] : memref<80x128xi32, #tpu.memory_space<vmem>> -> memref<1x128xi32, #tpu.memory_space<vmem>>
    %dma_start3A_269 = tpu.memref_squeeze %dma_start3A_268 : memref<1x128xi32, #tpu.memory_space<vmem>> -> memref<128xi32, #tpu.memory_space<vmem>>
    %dma_start3A_270 = arith.constant 0 : i32
    %dma_start3A_271 = tpu.memref_slice %arg7[%dma_start3A_270] : memref<10240xf32, #tpu.memory_space<vmem_shared>> -> memref<10240xf32, #tpu.memory_space<vmem_shared>>
    tpu.enqueue_indirect_dma source(%arg4 : memref<128xf32, #tpu.memory_space<vmem>>) target(%dma_start3A_271 : memref<10240xf32, #tpu.memory_space<vmem_shared>>) offsets(%dma_start3A_269 : memref<128xi32, #tpu.memory_space<vmem>>) semaphore(%arg8 : memref<!tpu.dma_semaphore, #tpu.memory_space<semaphore_mem>>) {add = true}
    %dma_start3A_272 = arith.constant 36 : i32
    %dma_start3A_273 = arith.constant 0 : i32
    %dma_start3A_274 = tpu.memref_slice %arg5[%dma_start3A_272, %dma_start3A_273] : memref<80x128xi32, #tpu.memory_space<vmem>> -> memref<1x128xi32, #tpu.memory_space<vmem>>
    %dma_start3A_275 = tpu.memref_squeeze %dma_start3A_274 : memref<1x128xi32, #tpu.memory_space<vmem>> -> memref<128xi32, #tpu.memory_space<vmem>>
    %dma_start3A_276 = arith.constant 0 : i32
    %dma_start3A_277 = tpu.memref_slice %arg7[%dma_start3A_276] : memref<10240xf32, #tpu.memory_space<vmem_shared>> -> memref<10240xf32, #tpu.memory_space<vmem_shared>>
    tpu.enqueue_indirect_dma source(%arg4 : memref<128xf32, #tpu.memory_space<vmem>>) target(%dma_start3A_277 : memref<10240xf32, #tpu.memory_space<vmem_shared>>) offsets(%dma_start3A_275 : memref<128xi32, #tpu.memory_space<vmem>>) semaphore(%arg8 : memref<!tpu.dma_semaphore, #tpu.memory_space<semaphore_mem>>) {add = true}
    %dma_start3A_278 = arith.constant 37 : i32
    %dma_start3A_279 = arith.constant 0 : i32
    %dma_start3A_280 = tpu.memref_slice %arg5[%dma_start3A_278, %dma_start3A_279] : memref<80x128xi32, #tpu.memory_space<vmem>> -> memref<1x128xi32, #tpu.memory_space<vmem>>
    %dma_start3A_281 = tpu.memref_squeeze %dma_start3A_280 : memref<1x128xi32, #tpu.memory_space<vmem>> -> memref<128xi32, #tpu.memory_space<vmem>>
    %dma_start3A_282 = arith.constant 0 : i32
    %dma_start3A_283 = tpu.memref_slice %arg7[%dma_start3A_282] : memref<10240xf32, #tpu.memory_space<vmem_shared>> -> memref<10240xf32, #tpu.memory_space<vmem_shared>>
    tpu.enqueue_indirect_dma source(%arg4 : memref<128xf32, #tpu.memory_space<vmem>>) target(%dma_start3A_283 : memref<10240xf32, #tpu.memory_space<vmem_shared>>) offsets(%dma_start3A_281 : memref<128xi32, #tpu.memory_space<vmem>>) semaphore(%arg8 : memref<!tpu.dma_semaphore, #tpu.memory_space<semaphore_mem>>) {add = true}
    %dma_start3A_284 = arith.constant 38 : i32
    %dma_start3A_285 = arith.constant 0 : i32
    %dma_start3A_286 = tpu.memref_slice %arg5[%dma_start3A_284, %dma_start3A_285] : memref<80x128xi32, #tpu.memory_space<vmem>> -> memref<1x128xi32, #tpu.memory_space<vmem>>
    %dma_start3A_287 = tpu.memref_squeeze %dma_start3A_286 : memref<1x128xi32, #tpu.memory_space<vmem>> -> memref<128xi32, #tpu.memory_space<vmem>>
    %dma_start3A_288 = arith.constant 0 : i32
    %dma_start3A_289 = tpu.memref_slice %arg7[%dma_start3A_288] : memref<10240xf32, #tpu.memory_space<vmem_shared>> -> memref<10240xf32, #tpu.memory_space<vmem_shared>>
    tpu.enqueue_indirect_dma source(%arg4 : memref<128xf32, #tpu.memory_space<vmem>>) target(%dma_start3A_289 : memref<10240xf32, #tpu.memory_space<vmem_shared>>) offsets(%dma_start3A_287 : memref<128xi32, #tpu.memory_space<vmem>>) semaphore(%arg8 : memref<!tpu.dma_semaphore, #tpu.memory_space<semaphore_mem>>) {add = true}
    %dma_start3A_290 = arith.constant 39 : i32
    %dma_start3A_291 = arith.constant 0 : i32
    %dma_start3A_292 = tpu.memref_slice %arg5[%dma_start3A_290, %dma_start3A_291] : memref<80x128xi32, #tpu.memory_space<vmem>> -> memref<1x128xi32, #tpu.memory_space<vmem>>
    %dma_start3A_293 = tpu.memref_squeeze %dma_start3A_292 : memref<1x128xi32, #tpu.memory_space<vmem>> -> memref<128xi32, #tpu.memory_space<vmem>>
    %dma_start3A_294 = arith.constant 0 : i32
    %dma_start3A_295 = tpu.memref_slice %arg7[%dma_start3A_294] : memref<10240xf32, #tpu.memory_space<vmem_shared>> -> memref<10240xf32, #tpu.memory_space<vmem_shared>>
    tpu.enqueue_indirect_dma source(%arg4 : memref<128xf32, #tpu.memory_space<vmem>>) target(%dma_start3A_295 : memref<10240xf32, #tpu.memory_space<vmem_shared>>) offsets(%dma_start3A_293 : memref<128xi32, #tpu.memory_space<vmem>>) semaphore(%arg8 : memref<!tpu.dma_semaphore, #tpu.memory_space<semaphore_mem>>) {add = true}
    %dma_start3A_296 = arith.constant 40 : i32
    %dma_start3A_297 = arith.constant 0 : i32
    %dma_start3A_298 = tpu.memref_slice %arg5[%dma_start3A_296, %dma_start3A_297] : memref<80x128xi32, #tpu.memory_space<vmem>> -> memref<1x128xi32, #tpu.memory_space<vmem>>
    %dma_start3A_299 = tpu.memref_squeeze %dma_start3A_298 : memref<1x128xi32, #tpu.memory_space<vmem>> -> memref<128xi32, #tpu.memory_space<vmem>>
    %dma_start3A_300 = arith.constant 0 : i32
    %dma_start3A_301 = tpu.memref_slice %arg7[%dma_start3A_300] : memref<10240xf32, #tpu.memory_space<vmem_shared>> -> memref<10240xf32, #tpu.memory_space<vmem_shared>>
    tpu.enqueue_indirect_dma source(%arg4 : memref<128xf32, #tpu.memory_space<vmem>>) target(%dma_start3A_301 : memref<10240xf32, #tpu.memory_space<vmem_shared>>) offsets(%dma_start3A_299 : memref<128xi32, #tpu.memory_space<vmem>>) semaphore(%arg8 : memref<!tpu.dma_semaphore, #tpu.memory_space<semaphore_mem>>) {add = true}
    %dma_start3A_302 = arith.constant 41 : i32
    %dma_start3A_303 = arith.constant 0 : i32
    %dma_start3A_304 = tpu.memref_slice %arg5[%dma_start3A_302, %dma_start3A_303] : memref<80x128xi32, #tpu.memory_space<vmem>> -> memref<1x128xi32, #tpu.memory_space<vmem>>
    %dma_start3A_305 = tpu.memref_squeeze %dma_start3A_304 : memref<1x128xi32, #tpu.memory_space<vmem>> -> memref<128xi32, #tpu.memory_space<vmem>>
    %dma_start3A_306 = arith.constant 0 : i32
    %dma_start3A_307 = tpu.memref_slice %arg7[%dma_start3A_306] : memref<10240xf32, #tpu.memory_space<vmem_shared>> -> memref<10240xf32, #tpu.memory_space<vmem_shared>>
    tpu.enqueue_indirect_dma source(%arg4 : memref<128xf32, #tpu.memory_space<vmem>>) target(%dma_start3A_307 : memref<10240xf32, #tpu.memory_space<vmem_shared>>) offsets(%dma_start3A_305 : memref<128xi32, #tpu.memory_space<vmem>>) semaphore(%arg8 : memref<!tpu.dma_semaphore, #tpu.memory_space<semaphore_mem>>) {add = true}
    %dma_start3A_308 = arith.constant 42 : i32
    %dma_start3A_309 = arith.constant 0 : i32
    %dma_start3A_310 = tpu.memref_slice %arg5[%dma_start3A_308, %dma_start3A_309] : memref<80x128xi32, #tpu.memory_space<vmem>> -> memref<1x128xi32, #tpu.memory_space<vmem>>
    %dma_start3A_311 = tpu.memref_squeeze %dma_start3A_310 : memref<1x128xi32, #tpu.memory_space<vmem>> -> memref<128xi32, #tpu.memory_space<vmem>>
    %dma_start3A_312 = arith.constant 0 : i32
    %dma_start3A_313 = tpu.memref_slice %arg7[%dma_start3A_312] : memref<10240xf32, #tpu.memory_space<vmem_shared>> -> memref<10240xf32, #tpu.memory_space<vmem_shared>>
    tpu.enqueue_indirect_dma source(%arg4 : memref<128xf32, #tpu.memory_space<vmem>>) target(%dma_start3A_313 : memref<10240xf32, #tpu.memory_space<vmem_shared>>) offsets(%dma_start3A_311 : memref<128xi32, #tpu.memory_space<vmem>>) semaphore(%arg8 : memref<!tpu.dma_semaphore, #tpu.memory_space<semaphore_mem>>) {add = true}
    %dma_start3A_314 = arith.constant 43 : i32
    %dma_start3A_315 = arith.constant 0 : i32
    %dma_start3A_316 = tpu.memref_slice %arg5[%dma_start3A_314, %dma_start3A_315] : memref<80x128xi32, #tpu.memory_space<vmem>> -> memref<1x128xi32, #tpu.memory_space<vmem>>
    %dma_start3A_317 = tpu.memref_squeeze %dma_start3A_316 : memref<1x128xi32, #tpu.memory_space<vmem>> -> memref<128xi32, #tpu.memory_space<vmem>>
    %dma_start3A_318 = arith.constant 0 : i32
    %dma_start3A_319 = tpu.memref_slice %arg7[%dma_start3A_318] : memref<10240xf32, #tpu.memory_space<vmem_shared>> -> memref<10240xf32, #tpu.memory_space<vmem_shared>>
    tpu.enqueue_indirect_dma source(%arg4 : memref<128xf32, #tpu.memory_space<vmem>>) target(%dma_start3A_319 : memref<10240xf32, #tpu.memory_space<vmem_shared>>) offsets(%dma_start3A_317 : memref<128xi32, #tpu.memory_space<vmem>>) semaphore(%arg8 : memref<!tpu.dma_semaphore, #tpu.memory_space<semaphore_mem>>) {add = true}
    %dma_start3A_320 = arith.constant 44 : i32
    %dma_start3A_321 = arith.constant 0 : i32
    %dma_start3A_322 = tpu.memref_slice %arg5[%dma_start3A_320, %dma_start3A_321] : memref<80x128xi32, #tpu.memory_space<vmem>> -> memref<1x128xi32, #tpu.memory_space<vmem>>
    %dma_start3A_323 = tpu.memref_squeeze %dma_start3A_322 : memref<1x128xi32, #tpu.memory_space<vmem>> -> memref<128xi32, #tpu.memory_space<vmem>>
    %dma_start3A_324 = arith.constant 0 : i32
    %dma_start3A_325 = tpu.memref_slice %arg7[%dma_start3A_324] : memref<10240xf32, #tpu.memory_space<vmem_shared>> -> memref<10240xf32, #tpu.memory_space<vmem_shared>>
    tpu.enqueue_indirect_dma source(%arg4 : memref<128xf32, #tpu.memory_space<vmem>>) target(%dma_start3A_325 : memref<10240xf32, #tpu.memory_space<vmem_shared>>) offsets(%dma_start3A_323 : memref<128xi32, #tpu.memory_space<vmem>>) semaphore(%arg8 : memref<!tpu.dma_semaphore, #tpu.memory_space<semaphore_mem>>) {add = true}
    %dma_start3A_326 = arith.constant 45 : i32
    %dma_start3A_327 = arith.constant 0 : i32
    %dma_start3A_328 = tpu.memref_slice %arg5[%dma_start3A_326, %dma_start3A_327] : memref<80x128xi32, #tpu.memory_space<vmem>> -> memref<1x128xi32, #tpu.memory_space<vmem>>
    %dma_start3A_329 = tpu.memref_squeeze %dma_start3A_328 : memref<1x128xi32, #tpu.memory_space<vmem>> -> memref<128xi32, #tpu.memory_space<vmem>>
    %dma_start3A_330 = arith.constant 0 : i32
    %dma_start3A_331 = tpu.memref_slice %arg7[%dma_start3A_330] : memref<10240xf32, #tpu.memory_space<vmem_shared>> -> memref<10240xf32, #tpu.memory_space<vmem_shared>>
    tpu.enqueue_indirect_dma source(%arg4 : memref<128xf32, #tpu.memory_space<vmem>>) target(%dma_start3A_331 : memref<10240xf32, #tpu.memory_space<vmem_shared>>) offsets(%dma_start3A_329 : memref<128xi32, #tpu.memory_space<vmem>>) semaphore(%arg8 : memref<!tpu.dma_semaphore, #tpu.memory_space<semaphore_mem>>) {add = true}
    %dma_start3A_332 = arith.constant 46 : i32
    %dma_start3A_333 = arith.constant 0 : i32
    %dma_start3A_334 = tpu.memref_slice %arg5[%dma_start3A_332, %dma_start3A_333] : memref<80x128xi32, #tpu.memory_space<vmem>> -> memref<1x128xi32, #tpu.memory_space<vmem>>
    %dma_start3A_335 = tpu.memref_squeeze %dma_start3A_334 : memref<1x128xi32, #tpu.memory_space<vmem>> -> memref<128xi32, #tpu.memory_space<vmem>>
    %dma_start3A_336 = arith.constant 0 : i32
    %dma_start3A_337 = tpu.memref_slice %arg7[%dma_start3A_336] : memref<10240xf32, #tpu.memory_space<vmem_shared>> -> memref<10240xf32, #tpu.memory_space<vmem_shared>>
    tpu.enqueue_indirect_dma source(%arg4 : memref<128xf32, #tpu.memory_space<vmem>>) target(%dma_start3A_337 : memref<10240xf32, #tpu.memory_space<vmem_shared>>) offsets(%dma_start3A_335 : memref<128xi32, #tpu.memory_space<vmem>>) semaphore(%arg8 : memref<!tpu.dma_semaphore, #tpu.memory_space<semaphore_mem>>) {add = true}
    %dma_start3A_338 = arith.constant 47 : i32
    %dma_start3A_339 = arith.constant 0 : i32
    %dma_start3A_340 = tpu.memref_slice %arg5[%dma_start3A_338, %dma_start3A_339] : memref<80x128xi32, #tpu.memory_space<vmem>> -> memref<1x128xi32, #tpu.memory_space<vmem>>
    %dma_start3A_341 = tpu.memref_squeeze %dma_start3A_340 : memref<1x128xi32, #tpu.memory_space<vmem>> -> memref<128xi32, #tpu.memory_space<vmem>>
    %dma_start3A_342 = arith.constant 0 : i32
    %dma_start3A_343 = tpu.memref_slice %arg7[%dma_start3A_342] : memref<10240xf32, #tpu.memory_space<vmem_shared>> -> memref<10240xf32, #tpu.memory_space<vmem_shared>>
    tpu.enqueue_indirect_dma source(%arg4 : memref<128xf32, #tpu.memory_space<vmem>>) target(%dma_start3A_343 : memref<10240xf32, #tpu.memory_space<vmem_shared>>) offsets(%dma_start3A_341 : memref<128xi32, #tpu.memory_space<vmem>>) semaphore(%arg8 : memref<!tpu.dma_semaphore, #tpu.memory_space<semaphore_mem>>) {add = true}
    %dma_start3A_344 = arith.constant 48 : i32
    %dma_start3A_345 = arith.constant 0 : i32
    %dma_start3A_346 = tpu.memref_slice %arg5[%dma_start3A_344, %dma_start3A_345] : memref<80x128xi32, #tpu.memory_space<vmem>> -> memref<1x128xi32, #tpu.memory_space<vmem>>
    %dma_start3A_347 = tpu.memref_squeeze %dma_start3A_346 : memref<1x128xi32, #tpu.memory_space<vmem>> -> memref<128xi32, #tpu.memory_space<vmem>>
    %dma_start3A_348 = arith.constant 0 : i32
    %dma_start3A_349 = tpu.memref_slice %arg7[%dma_start3A_348] : memref<10240xf32, #tpu.memory_space<vmem_shared>> -> memref<10240xf32, #tpu.memory_space<vmem_shared>>
    tpu.enqueue_indirect_dma source(%arg4 : memref<128xf32, #tpu.memory_space<vmem>>) target(%dma_start3A_349 : memref<10240xf32, #tpu.memory_space<vmem_shared>>) offsets(%dma_start3A_347 : memref<128xi32, #tpu.memory_space<vmem>>) semaphore(%arg8 : memref<!tpu.dma_semaphore, #tpu.memory_space<semaphore_mem>>) {add = true}
    %dma_start3A_350 = arith.constant 49 : i32
    %dma_start3A_351 = arith.constant 0 : i32
    %dma_start3A_352 = tpu.memref_slice %arg5[%dma_start3A_350, %dma_start3A_351] : memref<80x128xi32, #tpu.memory_space<vmem>> -> memref<1x128xi32, #tpu.memory_space<vmem>>
    %dma_start3A_353 = tpu.memref_squeeze %dma_start3A_352 : memref<1x128xi32, #tpu.memory_space<vmem>> -> memref<128xi32, #tpu.memory_space<vmem>>
    %dma_start3A_354 = arith.constant 0 : i32
    %dma_start3A_355 = tpu.memref_slice %arg7[%dma_start3A_354] : memref<10240xf32, #tpu.memory_space<vmem_shared>> -> memref<10240xf32, #tpu.memory_space<vmem_shared>>
    tpu.enqueue_indirect_dma source(%arg4 : memref<128xf32, #tpu.memory_space<vmem>>) target(%dma_start3A_355 : memref<10240xf32, #tpu.memory_space<vmem_shared>>) offsets(%dma_start3A_353 : memref<128xi32, #tpu.memory_space<vmem>>) semaphore(%arg8 : memref<!tpu.dma_semaphore, #tpu.memory_space<semaphore_mem>>) {add = true}
    %dma_start3A_356 = arith.constant 50 : i32
    %dma_start3A_357 = arith.constant 0 : i32
    %dma_start3A_358 = tpu.memref_slice %arg5[%dma_start3A_356, %dma_start3A_357] : memref<80x128xi32, #tpu.memory_space<vmem>> -> memref<1x128xi32, #tpu.memory_space<vmem>>
    %dma_start3A_359 = tpu.memref_squeeze %dma_start3A_358 : memref<1x128xi32, #tpu.memory_space<vmem>> -> memref<128xi32, #tpu.memory_space<vmem>>
    %dma_start3A_360 = arith.constant 0 : i32
    %dma_start3A_361 = tpu.memref_slice %arg7[%dma_start3A_360] : memref<10240xf32, #tpu.memory_space<vmem_shared>> -> memref<10240xf32, #tpu.memory_space<vmem_shared>>
    tpu.enqueue_indirect_dma source(%arg4 : memref<128xf32, #tpu.memory_space<vmem>>) target(%dma_start3A_361 : memref<10240xf32, #tpu.memory_space<vmem_shared>>) offsets(%dma_start3A_359 : memref<128xi32, #tpu.memory_space<vmem>>) semaphore(%arg8 : memref<!tpu.dma_semaphore, #tpu.memory_space<semaphore_mem>>) {add = true}
    %dma_start3A_362 = arith.constant 51 : i32
    %dma_start3A_363 = arith.constant 0 : i32
    %dma_start3A_364 = tpu.memref_slice %arg5[%dma_start3A_362, %dma_start3A_363] : memref<80x128xi32, #tpu.memory_space<vmem>> -> memref<1x128xi32, #tpu.memory_space<vmem>>
    %dma_start3A_365 = tpu.memref_squeeze %dma_start3A_364 : memref<1x128xi32, #tpu.memory_space<vmem>> -> memref<128xi32, #tpu.memory_space<vmem>>
    %dma_start3A_366 = arith.constant 0 : i32
    %dma_start3A_367 = tpu.memref_slice %arg7[%dma_start3A_366] : memref<10240xf32, #tpu.memory_space<vmem_shared>> -> memref<10240xf32, #tpu.memory_space<vmem_shared>>
    tpu.enqueue_indirect_dma source(%arg4 : memref<128xf32, #tpu.memory_space<vmem>>) target(%dma_start3A_367 : memref<10240xf32, #tpu.memory_space<vmem_shared>>) offsets(%dma_start3A_365 : memref<128xi32, #tpu.memory_space<vmem>>) semaphore(%arg8 : memref<!tpu.dma_semaphore, #tpu.memory_space<semaphore_mem>>) {add = true}
    %dma_start3A_368 = arith.constant 52 : i32
    %dma_start3A_369 = arith.constant 0 : i32
    %dma_start3A_370 = tpu.memref_slice %arg5[%dma_start3A_368, %dma_start3A_369] : memref<80x128xi32, #tpu.memory_space<vmem>> -> memref<1x128xi32, #tpu.memory_space<vmem>>
    %dma_start3A_371 = tpu.memref_squeeze %dma_start3A_370 : memref<1x128xi32, #tpu.memory_space<vmem>> -> memref<128xi32, #tpu.memory_space<vmem>>
    %dma_start3A_372 = arith.constant 0 : i32
    %dma_start3A_373 = tpu.memref_slice %arg7[%dma_start3A_372] : memref<10240xf32, #tpu.memory_space<vmem_shared>> -> memref<10240xf32, #tpu.memory_space<vmem_shared>>
    tpu.enqueue_indirect_dma source(%arg4 : memref<128xf32, #tpu.memory_space<vmem>>) target(%dma_start3A_373 : memref<10240xf32, #tpu.memory_space<vmem_shared>>) offsets(%dma_start3A_371 : memref<128xi32, #tpu.memory_space<vmem>>) semaphore(%arg8 : memref<!tpu.dma_semaphore, #tpu.memory_space<semaphore_mem>>) {add = true}
    %dma_start3A_374 = arith.constant 53 : i32
    %dma_start3A_375 = arith.constant 0 : i32
    %dma_start3A_376 = tpu.memref_slice %arg5[%dma_start3A_374, %dma_start3A_375] : memref<80x128xi32, #tpu.memory_space<vmem>> -> memref<1x128xi32, #tpu.memory_space<vmem>>
    %dma_start3A_377 = tpu.memref_squeeze %dma_start3A_376 : memref<1x128xi32, #tpu.memory_space<vmem>> -> memref<128xi32, #tpu.memory_space<vmem>>
    %dma_start3A_378 = arith.constant 0 : i32
    %dma_start3A_379 = tpu.memref_slice %arg7[%dma_start3A_378] : memref<10240xf32, #tpu.memory_space<vmem_shared>> -> memref<10240xf32, #tpu.memory_space<vmem_shared>>
    tpu.enqueue_indirect_dma source(%arg4 : memref<128xf32, #tpu.memory_space<vmem>>) target(%dma_start3A_379 : memref<10240xf32, #tpu.memory_space<vmem_shared>>) offsets(%dma_start3A_377 : memref<128xi32, #tpu.memory_space<vmem>>) semaphore(%arg8 : memref<!tpu.dma_semaphore, #tpu.memory_space<semaphore_mem>>) {add = true}
    %dma_start3A_380 = arith.constant 54 : i32
    %dma_start3A_381 = arith.constant 0 : i32
    %dma_start3A_382 = tpu.memref_slice %arg5[%dma_start3A_380, %dma_start3A_381] : memref<80x128xi32, #tpu.memory_space<vmem>> -> memref<1x128xi32, #tpu.memory_space<vmem>>
    %dma_start3A_383 = tpu.memref_squeeze %dma_start3A_382 : memref<1x128xi32, #tpu.memory_space<vmem>> -> memref<128xi32, #tpu.memory_space<vmem>>
    %dma_start3A_384 = arith.constant 0 : i32
    %dma_start3A_385 = tpu.memref_slice %arg7[%dma_start3A_384] : memref<10240xf32, #tpu.memory_space<vmem_shared>> -> memref<10240xf32, #tpu.memory_space<vmem_shared>>
    tpu.enqueue_indirect_dma source(%arg4 : memref<128xf32, #tpu.memory_space<vmem>>) target(%dma_start3A_385 : memref<10240xf32, #tpu.memory_space<vmem_shared>>) offsets(%dma_start3A_383 : memref<128xi32, #tpu.memory_space<vmem>>) semaphore(%arg8 : memref<!tpu.dma_semaphore, #tpu.memory_space<semaphore_mem>>) {add = true}
    %dma_start3A_386 = arith.constant 55 : i32
    %dma_start3A_387 = arith.constant 0 : i32
    %dma_start3A_388 = tpu.memref_slice %arg5[%dma_start3A_386, %dma_start3A_387] : memref<80x128xi32, #tpu.memory_space<vmem>> -> memref<1x128xi32, #tpu.memory_space<vmem>>
    %dma_start3A_389 = tpu.memref_squeeze %dma_start3A_388 : memref<1x128xi32, #tpu.memory_space<vmem>> -> memref<128xi32, #tpu.memory_space<vmem>>
    %dma_start3A_390 = arith.constant 0 : i32
    %dma_start3A_391 = tpu.memref_slice %arg7[%dma_start3A_390] : memref<10240xf32, #tpu.memory_space<vmem_shared>> -> memref<10240xf32, #tpu.memory_space<vmem_shared>>
    tpu.enqueue_indirect_dma source(%arg4 : memref<128xf32, #tpu.memory_space<vmem>>) target(%dma_start3A_391 : memref<10240xf32, #tpu.memory_space<vmem_shared>>) offsets(%dma_start3A_389 : memref<128xi32, #tpu.memory_space<vmem>>) semaphore(%arg8 : memref<!tpu.dma_semaphore, #tpu.memory_space<semaphore_mem>>) {add = true}
    %dma_start3A_392 = arith.constant 56 : i32
    %dma_start3A_393 = arith.constant 0 : i32
    %dma_start3A_394 = tpu.memref_slice %arg5[%dma_start3A_392, %dma_start3A_393] : memref<80x128xi32, #tpu.memory_space<vmem>> -> memref<1x128xi32, #tpu.memory_space<vmem>>
    %dma_start3A_395 = tpu.memref_squeeze %dma_start3A_394 : memref<1x128xi32, #tpu.memory_space<vmem>> -> memref<128xi32, #tpu.memory_space<vmem>>
    %dma_start3A_396 = arith.constant 0 : i32
    %dma_start3A_397 = tpu.memref_slice %arg7[%dma_start3A_396] : memref<10240xf32, #tpu.memory_space<vmem_shared>> -> memref<10240xf32, #tpu.memory_space<vmem_shared>>
    tpu.enqueue_indirect_dma source(%arg4 : memref<128xf32, #tpu.memory_space<vmem>>) target(%dma_start3A_397 : memref<10240xf32, #tpu.memory_space<vmem_shared>>) offsets(%dma_start3A_395 : memref<128xi32, #tpu.memory_space<vmem>>) semaphore(%arg8 : memref<!tpu.dma_semaphore, #tpu.memory_space<semaphore_mem>>) {add = true}
    %dma_start3A_398 = arith.constant 57 : i32
    %dma_start3A_399 = arith.constant 0 : i32
    %dma_start3A_400 = tpu.memref_slice %arg5[%dma_start3A_398, %dma_start3A_399] : memref<80x128xi32, #tpu.memory_space<vmem>> -> memref<1x128xi32, #tpu.memory_space<vmem>>
    %dma_start3A_401 = tpu.memref_squeeze %dma_start3A_400 : memref<1x128xi32, #tpu.memory_space<vmem>> -> memref<128xi32, #tpu.memory_space<vmem>>
    %dma_start3A_402 = arith.constant 0 : i32
    %dma_start3A_403 = tpu.memref_slice %arg7[%dma_start3A_402] : memref<10240xf32, #tpu.memory_space<vmem_shared>> -> memref<10240xf32, #tpu.memory_space<vmem_shared>>
    tpu.enqueue_indirect_dma source(%arg4 : memref<128xf32, #tpu.memory_space<vmem>>) target(%dma_start3A_403 : memref<10240xf32, #tpu.memory_space<vmem_shared>>) offsets(%dma_start3A_401 : memref<128xi32, #tpu.memory_space<vmem>>) semaphore(%arg8 : memref<!tpu.dma_semaphore, #tpu.memory_space<semaphore_mem>>) {add = true}
    %dma_start3A_404 = arith.constant 58 : i32
    %dma_start3A_405 = arith.constant 0 : i32
    %dma_start3A_406 = tpu.memref_slice %arg5[%dma_start3A_404, %dma_start3A_405] : memref<80x128xi32, #tpu.memory_space<vmem>> -> memref<1x128xi32, #tpu.memory_space<vmem>>
    %dma_start3A_407 = tpu.memref_squeeze %dma_start3A_406 : memref<1x128xi32, #tpu.memory_space<vmem>> -> memref<128xi32, #tpu.memory_space<vmem>>
    %dma_start3A_408 = arith.constant 0 : i32
    %dma_start3A_409 = tpu.memref_slice %arg7[%dma_start3A_408] : memref<10240xf32, #tpu.memory_space<vmem_shared>> -> memref<10240xf32, #tpu.memory_space<vmem_shared>>
    tpu.enqueue_indirect_dma source(%arg4 : memref<128xf32, #tpu.memory_space<vmem>>) target(%dma_start3A_409 : memref<10240xf32, #tpu.memory_space<vmem_shared>>) offsets(%dma_start3A_407 : memref<128xi32, #tpu.memory_space<vmem>>) semaphore(%arg8 : memref<!tpu.dma_semaphore, #tpu.memory_space<semaphore_mem>>) {add = true}
    %dma_start3A_410 = arith.constant 59 : i32
    %dma_start3A_411 = arith.constant 0 : i32
    %dma_start3A_412 = tpu.memref_slice %arg5[%dma_start3A_410, %dma_start3A_411] : memref<80x128xi32, #tpu.memory_space<vmem>> -> memref<1x128xi32, #tpu.memory_space<vmem>>
    %dma_start3A_413 = tpu.memref_squeeze %dma_start3A_412 : memref<1x128xi32, #tpu.memory_space<vmem>> -> memref<128xi32, #tpu.memory_space<vmem>>
    %dma_start3A_414 = arith.constant 0 : i32
    %dma_start3A_415 = tpu.memref_slice %arg7[%dma_start3A_414] : memref<10240xf32, #tpu.memory_space<vmem_shared>> -> memref<10240xf32, #tpu.memory_space<vmem_shared>>
    tpu.enqueue_indirect_dma source(%arg4 : memref<128xf32, #tpu.memory_space<vmem>>) target(%dma_start3A_415 : memref<10240xf32, #tpu.memory_space<vmem_shared>>) offsets(%dma_start3A_413 : memref<128xi32, #tpu.memory_space<vmem>>) semaphore(%arg8 : memref<!tpu.dma_semaphore, #tpu.memory_space<semaphore_mem>>) {add = true}
    %dma_start3A_416 = arith.constant 60 : i32
    %dma_start3A_417 = arith.constant 0 : i32
    %dma_start3A_418 = tpu.memref_slice %arg5[%dma_start3A_416, %dma_start3A_417] : memref<80x128xi32, #tpu.memory_space<vmem>> -> memref<1x128xi32, #tpu.memory_space<vmem>>
    %dma_start3A_419 = tpu.memref_squeeze %dma_start3A_418 : memref<1x128xi32, #tpu.memory_space<vmem>> -> memref<128xi32, #tpu.memory_space<vmem>>
    %dma_start3A_420 = arith.constant 0 : i32
    %dma_start3A_421 = tpu.memref_slice %arg7[%dma_start3A_420] : memref<10240xf32, #tpu.memory_space<vmem_shared>> -> memref<10240xf32, #tpu.memory_space<vmem_shared>>
    tpu.enqueue_indirect_dma source(%arg4 : memref<128xf32, #tpu.memory_space<vmem>>) target(%dma_start3A_421 : memref<10240xf32, #tpu.memory_space<vmem_shared>>) offsets(%dma_start3A_419 : memref<128xi32, #tpu.memory_space<vmem>>) semaphore(%arg8 : memref<!tpu.dma_semaphore, #tpu.memory_space<semaphore_mem>>) {add = true}
    %dma_start3A_422 = arith.constant 61 : i32
    %dma_start3A_423 = arith.constant 0 : i32
    %dma_start3A_424 = tpu.memref_slice %arg5[%dma_start3A_422, %dma_start3A_423] : memref<80x128xi32, #tpu.memory_space<vmem>> -> memref<1x128xi32, #tpu.memory_space<vmem>>
    %dma_start3A_425 = tpu.memref_squeeze %dma_start3A_424 : memref<1x128xi32, #tpu.memory_space<vmem>> -> memref<128xi32, #tpu.memory_space<vmem>>
    %dma_start3A_426 = arith.constant 0 : i32
    %dma_start3A_427 = tpu.memref_slice %arg7[%dma_start3A_426] : memref<10240xf32, #tpu.memory_space<vmem_shared>> -> memref<10240xf32, #tpu.memory_space<vmem_shared>>
    tpu.enqueue_indirect_dma source(%arg4 : memref<128xf32, #tpu.memory_space<vmem>>) target(%dma_start3A_427 : memref<10240xf32, #tpu.memory_space<vmem_shared>>) offsets(%dma_start3A_425 : memref<128xi32, #tpu.memory_space<vmem>>) semaphore(%arg8 : memref<!tpu.dma_semaphore, #tpu.memory_space<semaphore_mem>>) {add = true}
    %dma_start3A_428 = arith.constant 62 : i32
    %dma_start3A_429 = arith.constant 0 : i32
    %dma_start3A_430 = tpu.memref_slice %arg5[%dma_start3A_428, %dma_start3A_429] : memref<80x128xi32, #tpu.memory_space<vmem>> -> memref<1x128xi32, #tpu.memory_space<vmem>>
    %dma_start3A_431 = tpu.memref_squeeze %dma_start3A_430 : memref<1x128xi32, #tpu.memory_space<vmem>> -> memref<128xi32, #tpu.memory_space<vmem>>
    %dma_start3A_432 = arith.constant 0 : i32
    %dma_start3A_433 = tpu.memref_slice %arg7[%dma_start3A_432] : memref<10240xf32, #tpu.memory_space<vmem_shared>> -> memref<10240xf32, #tpu.memory_space<vmem_shared>>
    tpu.enqueue_indirect_dma source(%arg4 : memref<128xf32, #tpu.memory_space<vmem>>) target(%dma_start3A_433 : memref<10240xf32, #tpu.memory_space<vmem_shared>>) offsets(%dma_start3A_431 : memref<128xi32, #tpu.memory_space<vmem>>) semaphore(%arg8 : memref<!tpu.dma_semaphore, #tpu.memory_space<semaphore_mem>>) {add = true}
    %dma_start3A_434 = arith.constant 63 : i32
    %dma_start3A_435 = arith.constant 0 : i32
    %dma_start3A_436 = tpu.memref_slice %arg5[%dma_start3A_434, %dma_start3A_435] : memref<80x128xi32, #tpu.memory_space<vmem>> -> memref<1x128xi32, #tpu.memory_space<vmem>>
    %dma_start3A_437 = tpu.memref_squeeze %dma_start3A_436 : memref<1x128xi32, #tpu.memory_space<vmem>> -> memref<128xi32, #tpu.memory_space<vmem>>
    %dma_start3A_438 = arith.constant 0 : i32
    %dma_start3A_439 = tpu.memref_slice %arg7[%dma_start3A_438] : memref<10240xf32, #tpu.memory_space<vmem_shared>> -> memref<10240xf32, #tpu.memory_space<vmem_shared>>
    tpu.enqueue_indirect_dma source(%arg4 : memref<128xf32, #tpu.memory_space<vmem>>) target(%dma_start3A_439 : memref<10240xf32, #tpu.memory_space<vmem_shared>>) offsets(%dma_start3A_437 : memref<128xi32, #tpu.memory_space<vmem>>) semaphore(%arg8 : memref<!tpu.dma_semaphore, #tpu.memory_space<semaphore_mem>>) {add = true}
    %dma_start3A_440 = arith.constant 64 : i32
    %dma_start3A_441 = arith.constant 0 : i32
    %dma_start3A_442 = tpu.memref_slice %arg5[%dma_start3A_440, %dma_start3A_441] : memref<80x128xi32, #tpu.memory_space<vmem>> -> memref<1x128xi32, #tpu.memory_space<vmem>>
    %dma_start3A_443 = tpu.memref_squeeze %dma_start3A_442 : memref<1x128xi32, #tpu.memory_space<vmem>> -> memref<128xi32, #tpu.memory_space<vmem>>
    %dma_start3A_444 = arith.constant 0 : i32
    %dma_start3A_445 = tpu.memref_slice %arg7[%dma_start3A_444] : memref<10240xf32, #tpu.memory_space<vmem_shared>> -> memref<10240xf32, #tpu.memory_space<vmem_shared>>
    tpu.enqueue_indirect_dma source(%arg4 : memref<128xf32, #tpu.memory_space<vmem>>) target(%dma_start3A_445 : memref<10240xf32, #tpu.memory_space<vmem_shared>>) offsets(%dma_start3A_443 : memref<128xi32, #tpu.memory_space<vmem>>) semaphore(%arg8 : memref<!tpu.dma_semaphore, #tpu.memory_space<semaphore_mem>>) {add = true}
    %dma_start3A_446 = arith.constant 65 : i32
    %dma_start3A_447 = arith.constant 0 : i32
    %dma_start3A_448 = tpu.memref_slice %arg5[%dma_start3A_446, %dma_start3A_447] : memref<80x128xi32, #tpu.memory_space<vmem>> -> memref<1x128xi32, #tpu.memory_space<vmem>>
    %dma_start3A_449 = tpu.memref_squeeze %dma_start3A_448 : memref<1x128xi32, #tpu.memory_space<vmem>> -> memref<128xi32, #tpu.memory_space<vmem>>
    %dma_start3A_450 = arith.constant 0 : i32
    %dma_start3A_451 = tpu.memref_slice %arg7[%dma_start3A_450] : memref<10240xf32, #tpu.memory_space<vmem_shared>> -> memref<10240xf32, #tpu.memory_space<vmem_shared>>
    tpu.enqueue_indirect_dma source(%arg4 : memref<128xf32, #tpu.memory_space<vmem>>) target(%dma_start3A_451 : memref<10240xf32, #tpu.memory_space<vmem_shared>>) offsets(%dma_start3A_449 : memref<128xi32, #tpu.memory_space<vmem>>) semaphore(%arg8 : memref<!tpu.dma_semaphore, #tpu.memory_space<semaphore_mem>>) {add = true}
    %dma_start3A_452 = arith.constant 66 : i32
    %dma_start3A_453 = arith.constant 0 : i32
    %dma_start3A_454 = tpu.memref_slice %arg5[%dma_start3A_452, %dma_start3A_453] : memref<80x128xi32, #tpu.memory_space<vmem>> -> memref<1x128xi32, #tpu.memory_space<vmem>>
    %dma_start3A_455 = tpu.memref_squeeze %dma_start3A_454 : memref<1x128xi32, #tpu.memory_space<vmem>> -> memref<128xi32, #tpu.memory_space<vmem>>
    %dma_start3A_456 = arith.constant 0 : i32
    %dma_start3A_457 = tpu.memref_slice %arg7[%dma_start3A_456] : memref<10240xf32, #tpu.memory_space<vmem_shared>> -> memref<10240xf32, #tpu.memory_space<vmem_shared>>
    tpu.enqueue_indirect_dma source(%arg4 : memref<128xf32, #tpu.memory_space<vmem>>) target(%dma_start3A_457 : memref<10240xf32, #tpu.memory_space<vmem_shared>>) offsets(%dma_start3A_455 : memref<128xi32, #tpu.memory_space<vmem>>) semaphore(%arg8 : memref<!tpu.dma_semaphore, #tpu.memory_space<semaphore_mem>>) {add = true}
    %dma_start3A_458 = arith.constant 67 : i32
    %dma_start3A_459 = arith.constant 0 : i32
    %dma_start3A_460 = tpu.memref_slice %arg5[%dma_start3A_458, %dma_start3A_459] : memref<80x128xi32, #tpu.memory_space<vmem>> -> memref<1x128xi32, #tpu.memory_space<vmem>>
    %dma_start3A_461 = tpu.memref_squeeze %dma_start3A_460 : memref<1x128xi32, #tpu.memory_space<vmem>> -> memref<128xi32, #tpu.memory_space<vmem>>
    %dma_start3A_462 = arith.constant 0 : i32
    %dma_start3A_463 = tpu.memref_slice %arg7[%dma_start3A_462] : memref<10240xf32, #tpu.memory_space<vmem_shared>> -> memref<10240xf32, #tpu.memory_space<vmem_shared>>
    tpu.enqueue_indirect_dma source(%arg4 : memref<128xf32, #tpu.memory_space<vmem>>) target(%dma_start3A_463 : memref<10240xf32, #tpu.memory_space<vmem_shared>>) offsets(%dma_start3A_461 : memref<128xi32, #tpu.memory_space<vmem>>) semaphore(%arg8 : memref<!tpu.dma_semaphore, #tpu.memory_space<semaphore_mem>>) {add = true}
    %dma_start3A_464 = arith.constant 68 : i32
    %dma_start3A_465 = arith.constant 0 : i32
    %dma_start3A_466 = tpu.memref_slice %arg5[%dma_start3A_464, %dma_start3A_465] : memref<80x128xi32, #tpu.memory_space<vmem>> -> memref<1x128xi32, #tpu.memory_space<vmem>>
    %dma_start3A_467 = tpu.memref_squeeze %dma_start3A_466 : memref<1x128xi32, #tpu.memory_space<vmem>> -> memref<128xi32, #tpu.memory_space<vmem>>
    %dma_start3A_468 = arith.constant 0 : i32
    %dma_start3A_469 = tpu.memref_slice %arg7[%dma_start3A_468] : memref<10240xf32, #tpu.memory_space<vmem_shared>> -> memref<10240xf32, #tpu.memory_space<vmem_shared>>
    tpu.enqueue_indirect_dma source(%arg4 : memref<128xf32, #tpu.memory_space<vmem>>) target(%dma_start3A_469 : memref<10240xf32, #tpu.memory_space<vmem_shared>>) offsets(%dma_start3A_467 : memref<128xi32, #tpu.memory_space<vmem>>) semaphore(%arg8 : memref<!tpu.dma_semaphore, #tpu.memory_space<semaphore_mem>>) {add = true}
    %dma_start3A_470 = arith.constant 69 : i32
    %dma_start3A_471 = arith.constant 0 : i32
    %dma_start3A_472 = tpu.memref_slice %arg5[%dma_start3A_470, %dma_start3A_471] : memref<80x128xi32, #tpu.memory_space<vmem>> -> memref<1x128xi32, #tpu.memory_space<vmem>>
    %dma_start3A_473 = tpu.memref_squeeze %dma_start3A_472 : memref<1x128xi32, #tpu.memory_space<vmem>> -> memref<128xi32, #tpu.memory_space<vmem>>
    %dma_start3A_474 = arith.constant 0 : i32
    %dma_start3A_475 = tpu.memref_slice %arg7[%dma_start3A_474] : memref<10240xf32, #tpu.memory_space<vmem_shared>> -> memref<10240xf32, #tpu.memory_space<vmem_shared>>
    tpu.enqueue_indirect_dma source(%arg4 : memref<128xf32, #tpu.memory_space<vmem>>) target(%dma_start3A_475 : memref<10240xf32, #tpu.memory_space<vmem_shared>>) offsets(%dma_start3A_473 : memref<128xi32, #tpu.memory_space<vmem>>) semaphore(%arg8 : memref<!tpu.dma_semaphore, #tpu.memory_space<semaphore_mem>>) {add = true}
    %dma_start3A_476 = arith.constant 70 : i32
    %dma_start3A_477 = arith.constant 0 : i32
    %dma_start3A_478 = tpu.memref_slice %arg5[%dma_start3A_476, %dma_start3A_477] : memref<80x128xi32, #tpu.memory_space<vmem>> -> memref<1x128xi32, #tpu.memory_space<vmem>>
    %dma_start3A_479 = tpu.memref_squeeze %dma_start3A_478 : memref<1x128xi32, #tpu.memory_space<vmem>> -> memref<128xi32, #tpu.memory_space<vmem>>
    %dma_start3A_480 = arith.constant 0 : i32
    %dma_start3A_481 = tpu.memref_slice %arg7[%dma_start3A_480] : memref<10240xf32, #tpu.memory_space<vmem_shared>> -> memref<10240xf32, #tpu.memory_space<vmem_shared>>
    tpu.enqueue_indirect_dma source(%arg4 : memref<128xf32, #tpu.memory_space<vmem>>) target(%dma_start3A_481 : memref<10240xf32, #tpu.memory_space<vmem_shared>>) offsets(%dma_start3A_479 : memref<128xi32, #tpu.memory_space<vmem>>) semaphore(%arg8 : memref<!tpu.dma_semaphore, #tpu.memory_space<semaphore_mem>>) {add = true}
    %dma_start3A_482 = arith.constant 71 : i32
    %dma_start3A_483 = arith.constant 0 : i32
    %dma_start3A_484 = tpu.memref_slice %arg5[%dma_start3A_482, %dma_start3A_483] : memref<80x128xi32, #tpu.memory_space<vmem>> -> memref<1x128xi32, #tpu.memory_space<vmem>>
    %dma_start3A_485 = tpu.memref_squeeze %dma_start3A_484 : memref<1x128xi32, #tpu.memory_space<vmem>> -> memref<128xi32, #tpu.memory_space<vmem>>
    %dma_start3A_486 = arith.constant 0 : i32
    %dma_start3A_487 = tpu.memref_slice %arg7[%dma_start3A_486] : memref<10240xf32, #tpu.memory_space<vmem_shared>> -> memref<10240xf32, #tpu.memory_space<vmem_shared>>
    tpu.enqueue_indirect_dma source(%arg4 : memref<128xf32, #tpu.memory_space<vmem>>) target(%dma_start3A_487 : memref<10240xf32, #tpu.memory_space<vmem_shared>>) offsets(%dma_start3A_485 : memref<128xi32, #tpu.memory_space<vmem>>) semaphore(%arg8 : memref<!tpu.dma_semaphore, #tpu.memory_space<semaphore_mem>>) {add = true}
    %dma_start3A_488 = arith.constant 72 : i32
    %dma_start3A_489 = arith.constant 0 : i32
    %dma_start3A_490 = tpu.memref_slice %arg5[%dma_start3A_488, %dma_start3A_489] : memref<80x128xi32, #tpu.memory_space<vmem>> -> memref<1x128xi32, #tpu.memory_space<vmem>>
    %dma_start3A_491 = tpu.memref_squeeze %dma_start3A_490 : memref<1x128xi32, #tpu.memory_space<vmem>> -> memref<128xi32, #tpu.memory_space<vmem>>
    %dma_start3A_492 = arith.constant 0 : i32
    %dma_start3A_493 = tpu.memref_slice %arg7[%dma_start3A_492] : memref<10240xf32, #tpu.memory_space<vmem_shared>> -> memref<10240xf32, #tpu.memory_space<vmem_shared>>
    tpu.enqueue_indirect_dma source(%arg4 : memref<128xf32, #tpu.memory_space<vmem>>) target(%dma_start3A_493 : memref<10240xf32, #tpu.memory_space<vmem_shared>>) offsets(%dma_start3A_491 : memref<128xi32, #tpu.memory_space<vmem>>) semaphore(%arg8 : memref<!tpu.dma_semaphore, #tpu.memory_space<semaphore_mem>>) {add = true}
    %dma_start3A_494 = arith.constant 73 : i32
    %dma_start3A_495 = arith.constant 0 : i32
    %dma_start3A_496 = tpu.memref_slice %arg5[%dma_start3A_494, %dma_start3A_495] : memref<80x128xi32, #tpu.memory_space<vmem>> -> memref<1x128xi32, #tpu.memory_space<vmem>>
    %dma_start3A_497 = tpu.memref_squeeze %dma_start3A_496 : memref<1x128xi32, #tpu.memory_space<vmem>> -> memref<128xi32, #tpu.memory_space<vmem>>
    %dma_start3A_498 = arith.constant 0 : i32
    %dma_start3A_499 = tpu.memref_slice %arg7[%dma_start3A_498] : memref<10240xf32, #tpu.memory_space<vmem_shared>> -> memref<10240xf32, #tpu.memory_space<vmem_shared>>
    tpu.enqueue_indirect_dma source(%arg4 : memref<128xf32, #tpu.memory_space<vmem>>) target(%dma_start3A_499 : memref<10240xf32, #tpu.memory_space<vmem_shared>>) offsets(%dma_start3A_497 : memref<128xi32, #tpu.memory_space<vmem>>) semaphore(%arg8 : memref<!tpu.dma_semaphore, #tpu.memory_space<semaphore_mem>>) {add = true}
    %dma_start3A_500 = arith.constant 74 : i32
    %dma_start3A_501 = arith.constant 0 : i32
    %dma_start3A_502 = tpu.memref_slice %arg5[%dma_start3A_500, %dma_start3A_501] : memref<80x128xi32, #tpu.memory_space<vmem>> -> memref<1x128xi32, #tpu.memory_space<vmem>>
    %dma_start3A_503 = tpu.memref_squeeze %dma_start3A_502 : memref<1x128xi32, #tpu.memory_space<vmem>> -> memref<128xi32, #tpu.memory_space<vmem>>
    %dma_start3A_504 = arith.constant 0 : i32
    %dma_start3A_505 = tpu.memref_slice %arg7[%dma_start3A_504] : memref<10240xf32, #tpu.memory_space<vmem_shared>> -> memref<10240xf32, #tpu.memory_space<vmem_shared>>
    tpu.enqueue_indirect_dma source(%arg4 : memref<128xf32, #tpu.memory_space<vmem>>) target(%dma_start3A_505 : memref<10240xf32, #tpu.memory_space<vmem_shared>>) offsets(%dma_start3A_503 : memref<128xi32, #tpu.memory_space<vmem>>) semaphore(%arg8 : memref<!tpu.dma_semaphore, #tpu.memory_space<semaphore_mem>>) {add = true}
    %dma_start3A_506 = arith.constant 75 : i32
    %dma_start3A_507 = arith.constant 0 : i32
    %dma_start3A_508 = tpu.memref_slice %arg5[%dma_start3A_506, %dma_start3A_507] : memref<80x128xi32, #tpu.memory_space<vmem>> -> memref<1x128xi32, #tpu.memory_space<vmem>>
    %dma_start3A_509 = tpu.memref_squeeze %dma_start3A_508 : memref<1x128xi32, #tpu.memory_space<vmem>> -> memref<128xi32, #tpu.memory_space<vmem>>
    %dma_start3A_510 = arith.constant 0 : i32
    %dma_start3A_511 = tpu.memref_slice %arg7[%dma_start3A_510] : memref<10240xf32, #tpu.memory_space<vmem_shared>> -> memref<10240xf32, #tpu.memory_space<vmem_shared>>
    tpu.enqueue_indirect_dma source(%arg4 : memref<128xf32, #tpu.memory_space<vmem>>) target(%dma_start3A_511 : memref<10240xf32, #tpu.memory_space<vmem_shared>>) offsets(%dma_start3A_509 : memref<128xi32, #tpu.memory_space<vmem>>) semaphore(%arg8 : memref<!tpu.dma_semaphore, #tpu.memory_space<semaphore_mem>>) {add = true}
    %dma_start3A_512 = arith.constant 76 : i32
    %dma_start3A_513 = arith.constant 0 : i32
    %dma_start3A_514 = tpu.memref_slice %arg5[%dma_start3A_512, %dma_start3A_513] : memref<80x128xi32, #tpu.memory_space<vmem>> -> memref<1x128xi32, #tpu.memory_space<vmem>>
    %dma_start3A_515 = tpu.memref_squeeze %dma_start3A_514 : memref<1x128xi32, #tpu.memory_space<vmem>> -> memref<128xi32, #tpu.memory_space<vmem>>
    %dma_start3A_516 = arith.constant 0 : i32
    %dma_start3A_517 = tpu.memref_slice %arg7[%dma_start3A_516] : memref<10240xf32, #tpu.memory_space<vmem_shared>> -> memref<10240xf32, #tpu.memory_space<vmem_shared>>
    tpu.enqueue_indirect_dma source(%arg4 : memref<128xf32, #tpu.memory_space<vmem>>) target(%dma_start3A_517 : memref<10240xf32, #tpu.memory_space<vmem_shared>>) offsets(%dma_start3A_515 : memref<128xi32, #tpu.memory_space<vmem>>) semaphore(%arg8 : memref<!tpu.dma_semaphore, #tpu.memory_space<semaphore_mem>>) {add = true}
    %dma_start3A_518 = arith.constant 77 : i32
    %dma_start3A_519 = arith.constant 0 : i32
    %dma_start3A_520 = tpu.memref_slice %arg5[%dma_start3A_518, %dma_start3A_519] : memref<80x128xi32, #tpu.memory_space<vmem>> -> memref<1x128xi32, #tpu.memory_space<vmem>>
    %dma_start3A_521 = tpu.memref_squeeze %dma_start3A_520 : memref<1x128xi32, #tpu.memory_space<vmem>> -> memref<128xi32, #tpu.memory_space<vmem>>
    %dma_start3A_522 = arith.constant 0 : i32
    %dma_start3A_523 = tpu.memref_slice %arg7[%dma_start3A_522] : memref<10240xf32, #tpu.memory_space<vmem_shared>> -> memref<10240xf32, #tpu.memory_space<vmem_shared>>
    tpu.enqueue_indirect_dma source(%arg4 : memref<128xf32, #tpu.memory_space<vmem>>) target(%dma_start3A_523 : memref<10240xf32, #tpu.memory_space<vmem_shared>>) offsets(%dma_start3A_521 : memref<128xi32, #tpu.memory_space<vmem>>) semaphore(%arg8 : memref<!tpu.dma_semaphore, #tpu.memory_space<semaphore_mem>>) {add = true}
    %dma_start3A_524 = arith.constant 78 : i32
    %dma_start3A_525 = arith.constant 0 : i32
    %dma_start3A_526 = tpu.memref_slice %arg5[%dma_start3A_524, %dma_start3A_525] : memref<80x128xi32, #tpu.memory_space<vmem>> -> memref<1x128xi32, #tpu.memory_space<vmem>>
    %dma_start3A_527 = tpu.memref_squeeze %dma_start3A_526 : memref<1x128xi32, #tpu.memory_space<vmem>> -> memref<128xi32, #tpu.memory_space<vmem>>
    %dma_start3A_528 = arith.constant 0 : i32
    %dma_start3A_529 = tpu.memref_slice %arg7[%dma_start3A_528] : memref<10240xf32, #tpu.memory_space<vmem_shared>> -> memref<10240xf32, #tpu.memory_space<vmem_shared>>
    tpu.enqueue_indirect_dma source(%arg4 : memref<128xf32, #tpu.memory_space<vmem>>) target(%dma_start3A_529 : memref<10240xf32, #tpu.memory_space<vmem_shared>>) offsets(%dma_start3A_527 : memref<128xi32, #tpu.memory_space<vmem>>) semaphore(%arg8 : memref<!tpu.dma_semaphore, #tpu.memory_space<semaphore_mem>>) {add = true}
    %dma_start3A_530 = arith.constant 79 : i32
    %dma_start3A_531 = arith.constant 0 : i32
    %dma_start3A_532 = tpu.memref_slice %arg5[%dma_start3A_530, %dma_start3A_531] : memref<80x128xi32, #tpu.memory_space<vmem>> -> memref<1x128xi32, #tpu.memory_space<vmem>>
    %dma_start3A_533 = tpu.memref_squeeze %dma_start3A_532 : memref<1x128xi32, #tpu.memory_space<vmem>> -> memref<128xi32, #tpu.memory_space<vmem>>
    %dma_start3A_534 = arith.constant 0 : i32
    %dma_start3A_535 = tpu.memref_slice %arg7[%dma_start3A_534] : memref<10240xf32, #tpu.memory_space<vmem_shared>> -> memref<10240xf32, #tpu.memory_space<vmem_shared>>
    tpu.enqueue_indirect_dma source(%arg4 : memref<128xf32, #tpu.memory_space<vmem>>) target(%dma_start3A_535 : memref<10240xf32, #tpu.memory_space<vmem_shared>>) offsets(%dma_start3A_533 : memref<128xi32, #tpu.memory_space<vmem>>) semaphore(%arg8 : memref<!tpu.dma_semaphore, #tpu.memory_space<semaphore_mem>>) {add = true}
    %dma_wait3A = arith.constant 0 : i32
    %dma_wait3A_536 = arith.constant 0 : i32
    %dma_wait3A_537 = tpu.memref_slice %arg5[%dma_wait3A, %dma_wait3A_536] : memref<80x128xi32, #tpu.memory_space<vmem>> -> memref<1x128xi32, #tpu.memory_space<vmem>>
    %dma_wait3A_538 = tpu.memref_squeeze %dma_wait3A_537 : memref<1x128xi32, #tpu.memory_space<vmem>> -> memref<128xi32, #tpu.memory_space<vmem>>
    %dma_wait3A_539 = arith.constant 0 : i32
    %dma_wait3A_540 = tpu.memref_slice %arg7[%dma_wait3A_539] : memref<10240xf32, #tpu.memory_space<vmem_shared>> -> memref<10240xf32, #tpu.memory_space<vmem_shared>>
    tpu.wait_indirect_dma semaphore(%arg8 : memref<!tpu.dma_semaphore, #tpu.memory_space<semaphore_mem>>) src(%arg4 : memref<128xf32, #tpu.memory_space<vmem>>) dst(%dma_wait3A_540 : memref<10240xf32, #tpu.memory_space<vmem_shared>>)
    %dma_wait3A_541 = arith.constant 1 : i32
    %dma_wait3A_542 = arith.constant 0 : i32
    %dma_wait3A_543 = tpu.memref_slice %arg5[%dma_wait3A_541, %dma_wait3A_542] : memref<80x128xi32, #tpu.memory_space<vmem>> -> memref<1x128xi32, #tpu.memory_space<vmem>>
    %dma_wait3A_544 = tpu.memref_squeeze %dma_wait3A_543 : memref<1x128xi32, #tpu.memory_space<vmem>> -> memref<128xi32, #tpu.memory_space<vmem>>
    %dma_wait3A_545 = arith.constant 0 : i32
    %dma_wait3A_546 = tpu.memref_slice %arg7[%dma_wait3A_545] : memref<10240xf32, #tpu.memory_space<vmem_shared>> -> memref<10240xf32, #tpu.memory_space<vmem_shared>>
    tpu.wait_indirect_dma semaphore(%arg8 : memref<!tpu.dma_semaphore, #tpu.memory_space<semaphore_mem>>) src(%arg4 : memref<128xf32, #tpu.memory_space<vmem>>) dst(%dma_wait3A_546 : memref<10240xf32, #tpu.memory_space<vmem_shared>>)
    %dma_wait3A_547 = arith.constant 2 : i32
    %dma_wait3A_548 = arith.constant 0 : i32
    %dma_wait3A_549 = tpu.memref_slice %arg5[%dma_wait3A_547, %dma_wait3A_548] : memref<80x128xi32, #tpu.memory_space<vmem>> -> memref<1x128xi32, #tpu.memory_space<vmem>>
    %dma_wait3A_550 = tpu.memref_squeeze %dma_wait3A_549 : memref<1x128xi32, #tpu.memory_space<vmem>> -> memref<128xi32, #tpu.memory_space<vmem>>
    %dma_wait3A_551 = arith.constant 0 : i32
    %dma_wait3A_552 = tpu.memref_slice %arg7[%dma_wait3A_551] : memref<10240xf32, #tpu.memory_space<vmem_shared>> -> memref<10240xf32, #tpu.memory_space<vmem_shared>>
    tpu.wait_indirect_dma semaphore(%arg8 : memref<!tpu.dma_semaphore, #tpu.memory_space<semaphore_mem>>) src(%arg4 : memref<128xf32, #tpu.memory_space<vmem>>) dst(%dma_wait3A_552 : memref<10240xf32, #tpu.memory_space<vmem_shared>>)
    %dma_wait3A_553 = arith.constant 3 : i32
    %dma_wait3A_554 = arith.constant 0 : i32
    %dma_wait3A_555 = tpu.memref_slice %arg5[%dma_wait3A_553, %dma_wait3A_554] : memref<80x128xi32, #tpu.memory_space<vmem>> -> memref<1x128xi32, #tpu.memory_space<vmem>>
    %dma_wait3A_556 = tpu.memref_squeeze %dma_wait3A_555 : memref<1x128xi32, #tpu.memory_space<vmem>> -> memref<128xi32, #tpu.memory_space<vmem>>
    %dma_wait3A_557 = arith.constant 0 : i32
    %dma_wait3A_558 = tpu.memref_slice %arg7[%dma_wait3A_557] : memref<10240xf32, #tpu.memory_space<vmem_shared>> -> memref<10240xf32, #tpu.memory_space<vmem_shared>>
    tpu.wait_indirect_dma semaphore(%arg8 : memref<!tpu.dma_semaphore, #tpu.memory_space<semaphore_mem>>) src(%arg4 : memref<128xf32, #tpu.memory_space<vmem>>) dst(%dma_wait3A_558 : memref<10240xf32, #tpu.memory_space<vmem_shared>>)
    %dma_wait3A_559 = arith.constant 4 : i32
    %dma_wait3A_560 = arith.constant 0 : i32
    %dma_wait3A_561 = tpu.memref_slice %arg5[%dma_wait3A_559, %dma_wait3A_560] : memref<80x128xi32, #tpu.memory_space<vmem>> -> memref<1x128xi32, #tpu.memory_space<vmem>>
    %dma_wait3A_562 = tpu.memref_squeeze %dma_wait3A_561 : memref<1x128xi32, #tpu.memory_space<vmem>> -> memref<128xi32, #tpu.memory_space<vmem>>
    %dma_wait3A_563 = arith.constant 0 : i32
    %dma_wait3A_564 = tpu.memref_slice %arg7[%dma_wait3A_563] : memref<10240xf32, #tpu.memory_space<vmem_shared>> -> memref<10240xf32, #tpu.memory_space<vmem_shared>>
    tpu.wait_indirect_dma semaphore(%arg8 : memref<!tpu.dma_semaphore, #tpu.memory_space<semaphore_mem>>) src(%arg4 : memref<128xf32, #tpu.memory_space<vmem>>) dst(%dma_wait3A_564 : memref<10240xf32, #tpu.memory_space<vmem_shared>>)
    %dma_wait3A_565 = arith.constant 5 : i32
    %dma_wait3A_566 = arith.constant 0 : i32
    %dma_wait3A_567 = tpu.memref_slice %arg5[%dma_wait3A_565, %dma_wait3A_566] : memref<80x128xi32, #tpu.memory_space<vmem>> -> memref<1x128xi32, #tpu.memory_space<vmem>>
    %dma_wait3A_568 = tpu.memref_squeeze %dma_wait3A_567 : memref<1x128xi32, #tpu.memory_space<vmem>> -> memref<128xi32, #tpu.memory_space<vmem>>
    %dma_wait3A_569 = arith.constant 0 : i32
    %dma_wait3A_570 = tpu.memref_slice %arg7[%dma_wait3A_569] : memref<10240xf32, #tpu.memory_space<vmem_shared>> -> memref<10240xf32, #tpu.memory_space<vmem_shared>>
    tpu.wait_indirect_dma semaphore(%arg8 : memref<!tpu.dma_semaphore, #tpu.memory_space<semaphore_mem>>) src(%arg4 : memref<128xf32, #tpu.memory_space<vmem>>) dst(%dma_wait3A_570 : memref<10240xf32, #tpu.memory_space<vmem_shared>>)
    %dma_wait3A_571 = arith.constant 6 : i32
    %dma_wait3A_572 = arith.constant 0 : i32
    %dma_wait3A_573 = tpu.memref_slice %arg5[%dma_wait3A_571, %dma_wait3A_572] : memref<80x128xi32, #tpu.memory_space<vmem>> -> memref<1x128xi32, #tpu.memory_space<vmem>>
    %dma_wait3A_574 = tpu.memref_squeeze %dma_wait3A_573 : memref<1x128xi32, #tpu.memory_space<vmem>> -> memref<128xi32, #tpu.memory_space<vmem>>
    %dma_wait3A_575 = arith.constant 0 : i32
    %dma_wait3A_576 = tpu.memref_slice %arg7[%dma_wait3A_575] : memref<10240xf32, #tpu.memory_space<vmem_shared>> -> memref<10240xf32, #tpu.memory_space<vmem_shared>>
    tpu.wait_indirect_dma semaphore(%arg8 : memref<!tpu.dma_semaphore, #tpu.memory_space<semaphore_mem>>) src(%arg4 : memref<128xf32, #tpu.memory_space<vmem>>) dst(%dma_wait3A_576 : memref<10240xf32, #tpu.memory_space<vmem_shared>>)
    %dma_wait3A_577 = arith.constant 7 : i32
    %dma_wait3A_578 = arith.constant 0 : i32
    %dma_wait3A_579 = tpu.memref_slice %arg5[%dma_wait3A_577, %dma_wait3A_578] : memref<80x128xi32, #tpu.memory_space<vmem>> -> memref<1x128xi32, #tpu.memory_space<vmem>>
    %dma_wait3A_580 = tpu.memref_squeeze %dma_wait3A_579 : memref<1x128xi32, #tpu.memory_space<vmem>> -> memref<128xi32, #tpu.memory_space<vmem>>
    %dma_wait3A_581 = arith.constant 0 : i32
    %dma_wait3A_582 = tpu.memref_slice %arg7[%dma_wait3A_581] : memref<10240xf32, #tpu.memory_space<vmem_shared>> -> memref<10240xf32, #tpu.memory_space<vmem_shared>>
    tpu.wait_indirect_dma semaphore(%arg8 : memref<!tpu.dma_semaphore, #tpu.memory_space<semaphore_mem>>) src(%arg4 : memref<128xf32, #tpu.memory_space<vmem>>) dst(%dma_wait3A_582 : memref<10240xf32, #tpu.memory_space<vmem_shared>>)
    %dma_wait3A_583 = arith.constant 8 : i32
    %dma_wait3A_584 = arith.constant 0 : i32
    %dma_wait3A_585 = tpu.memref_slice %arg5[%dma_wait3A_583, %dma_wait3A_584] : memref<80x128xi32, #tpu.memory_space<vmem>> -> memref<1x128xi32, #tpu.memory_space<vmem>>
    %dma_wait3A_586 = tpu.memref_squeeze %dma_wait3A_585 : memref<1x128xi32, #tpu.memory_space<vmem>> -> memref<128xi32, #tpu.memory_space<vmem>>
    %dma_wait3A_587 = arith.constant 0 : i32
    %dma_wait3A_588 = tpu.memref_slice %arg7[%dma_wait3A_587] : memref<10240xf32, #tpu.memory_space<vmem_shared>> -> memref<10240xf32, #tpu.memory_space<vmem_shared>>
    tpu.wait_indirect_dma semaphore(%arg8 : memref<!tpu.dma_semaphore, #tpu.memory_space<semaphore_mem>>) src(%arg4 : memref<128xf32, #tpu.memory_space<vmem>>) dst(%dma_wait3A_588 : memref<10240xf32, #tpu.memory_space<vmem_shared>>)
    %dma_wait3A_589 = arith.constant 9 : i32
    %dma_wait3A_590 = arith.constant 0 : i32
    %dma_wait3A_591 = tpu.memref_slice %arg5[%dma_wait3A_589, %dma_wait3A_590] : memref<80x128xi32, #tpu.memory_space<vmem>> -> memref<1x128xi32, #tpu.memory_space<vmem>>
    %dma_wait3A_592 = tpu.memref_squeeze %dma_wait3A_591 : memref<1x128xi32, #tpu.memory_space<vmem>> -> memref<128xi32, #tpu.memory_space<vmem>>
    %dma_wait3A_593 = arith.constant 0 : i32
    %dma_wait3A_594 = tpu.memref_slice %arg7[%dma_wait3A_593] : memref<10240xf32, #tpu.memory_space<vmem_shared>> -> memref<10240xf32, #tpu.memory_space<vmem_shared>>
    tpu.wait_indirect_dma semaphore(%arg8 : memref<!tpu.dma_semaphore, #tpu.memory_space<semaphore_mem>>) src(%arg4 : memref<128xf32, #tpu.memory_space<vmem>>) dst(%dma_wait3A_594 : memref<10240xf32, #tpu.memory_space<vmem_shared>>)
    %dma_wait3A_595 = arith.constant 10 : i32
    %dma_wait3A_596 = arith.constant 0 : i32
    %dma_wait3A_597 = tpu.memref_slice %arg5[%dma_wait3A_595, %dma_wait3A_596] : memref<80x128xi32, #tpu.memory_space<vmem>> -> memref<1x128xi32, #tpu.memory_space<vmem>>
    %dma_wait3A_598 = tpu.memref_squeeze %dma_wait3A_597 : memref<1x128xi32, #tpu.memory_space<vmem>> -> memref<128xi32, #tpu.memory_space<vmem>>
    %dma_wait3A_599 = arith.constant 0 : i32
    %dma_wait3A_600 = tpu.memref_slice %arg7[%dma_wait3A_599] : memref<10240xf32, #tpu.memory_space<vmem_shared>> -> memref<10240xf32, #tpu.memory_space<vmem_shared>>
    tpu.wait_indirect_dma semaphore(%arg8 : memref<!tpu.dma_semaphore, #tpu.memory_space<semaphore_mem>>) src(%arg4 : memref<128xf32, #tpu.memory_space<vmem>>) dst(%dma_wait3A_600 : memref<10240xf32, #tpu.memory_space<vmem_shared>>)
    %dma_wait3A_601 = arith.constant 11 : i32
    %dma_wait3A_602 = arith.constant 0 : i32
    %dma_wait3A_603 = tpu.memref_slice %arg5[%dma_wait3A_601, %dma_wait3A_602] : memref<80x128xi32, #tpu.memory_space<vmem>> -> memref<1x128xi32, #tpu.memory_space<vmem>>
    %dma_wait3A_604 = tpu.memref_squeeze %dma_wait3A_603 : memref<1x128xi32, #tpu.memory_space<vmem>> -> memref<128xi32, #tpu.memory_space<vmem>>
    %dma_wait3A_605 = arith.constant 0 : i32
    %dma_wait3A_606 = tpu.memref_slice %arg7[%dma_wait3A_605] : memref<10240xf32, #tpu.memory_space<vmem_shared>> -> memref<10240xf32, #tpu.memory_space<vmem_shared>>
    tpu.wait_indirect_dma semaphore(%arg8 : memref<!tpu.dma_semaphore, #tpu.memory_space<semaphore_mem>>) src(%arg4 : memref<128xf32, #tpu.memory_space<vmem>>) dst(%dma_wait3A_606 : memref<10240xf32, #tpu.memory_space<vmem_shared>>)
    %dma_wait3A_607 = arith.constant 12 : i32
    %dma_wait3A_608 = arith.constant 0 : i32
    %dma_wait3A_609 = tpu.memref_slice %arg5[%dma_wait3A_607, %dma_wait3A_608] : memref<80x128xi32, #tpu.memory_space<vmem>> -> memref<1x128xi32, #tpu.memory_space<vmem>>
    %dma_wait3A_610 = tpu.memref_squeeze %dma_wait3A_609 : memref<1x128xi32, #tpu.memory_space<vmem>> -> memref<128xi32, #tpu.memory_space<vmem>>
    %dma_wait3A_611 = arith.constant 0 : i32
    %dma_wait3A_612 = tpu.memref_slice %arg7[%dma_wait3A_611] : memref<10240xf32, #tpu.memory_space<vmem_shared>> -> memref<10240xf32, #tpu.memory_space<vmem_shared>>
    tpu.wait_indirect_dma semaphore(%arg8 : memref<!tpu.dma_semaphore, #tpu.memory_space<semaphore_mem>>) src(%arg4 : memref<128xf32, #tpu.memory_space<vmem>>) dst(%dma_wait3A_612 : memref<10240xf32, #tpu.memory_space<vmem_shared>>)
    %dma_wait3A_613 = arith.constant 13 : i32
    %dma_wait3A_614 = arith.constant 0 : i32
    %dma_wait3A_615 = tpu.memref_slice %arg5[%dma_wait3A_613, %dma_wait3A_614] : memref<80x128xi32, #tpu.memory_space<vmem>> -> memref<1x128xi32, #tpu.memory_space<vmem>>
    %dma_wait3A_616 = tpu.memref_squeeze %dma_wait3A_615 : memref<1x128xi32, #tpu.memory_space<vmem>> -> memref<128xi32, #tpu.memory_space<vmem>>
    %dma_wait3A_617 = arith.constant 0 : i32
    %dma_wait3A_618 = tpu.memref_slice %arg7[%dma_wait3A_617] : memref<10240xf32, #tpu.memory_space<vmem_shared>> -> memref<10240xf32, #tpu.memory_space<vmem_shared>>
    tpu.wait_indirect_dma semaphore(%arg8 : memref<!tpu.dma_semaphore, #tpu.memory_space<semaphore_mem>>) src(%arg4 : memref<128xf32, #tpu.memory_space<vmem>>) dst(%dma_wait3A_618 : memref<10240xf32, #tpu.memory_space<vmem_shared>>)
    %dma_wait3A_619 = arith.constant 14 : i32
    %dma_wait3A_620 = arith.constant 0 : i32
    %dma_wait3A_621 = tpu.memref_slice %arg5[%dma_wait3A_619, %dma_wait3A_620] : memref<80x128xi32, #tpu.memory_space<vmem>> -> memref<1x128xi32, #tpu.memory_space<vmem>>
    %dma_wait3A_622 = tpu.memref_squeeze %dma_wait3A_621 : memref<1x128xi32, #tpu.memory_space<vmem>> -> memref<128xi32, #tpu.memory_space<vmem>>
    %dma_wait3A_623 = arith.constant 0 : i32
    %dma_wait3A_624 = tpu.memref_slice %arg7[%dma_wait3A_623] : memref<10240xf32, #tpu.memory_space<vmem_shared>> -> memref<10240xf32, #tpu.memory_space<vmem_shared>>
    tpu.wait_indirect_dma semaphore(%arg8 : memref<!tpu.dma_semaphore, #tpu.memory_space<semaphore_mem>>) src(%arg4 : memref<128xf32, #tpu.memory_space<vmem>>) dst(%dma_wait3A_624 : memref<10240xf32, #tpu.memory_space<vmem_shared>>)
    %dma_wait3A_625 = arith.constant 15 : i32
    %dma_wait3A_626 = arith.constant 0 : i32
    %dma_wait3A_627 = tpu.memref_slice %arg5[%dma_wait3A_625, %dma_wait3A_626] : memref<80x128xi32, #tpu.memory_space<vmem>> -> memref<1x128xi32, #tpu.memory_space<vmem>>
    %dma_wait3A_628 = tpu.memref_squeeze %dma_wait3A_627 : memref<1x128xi32, #tpu.memory_space<vmem>> -> memref<128xi32, #tpu.memory_space<vmem>>
    %dma_wait3A_629 = arith.constant 0 : i32
    %dma_wait3A_630 = tpu.memref_slice %arg7[%dma_wait3A_629] : memref<10240xf32, #tpu.memory_space<vmem_shared>> -> memref<10240xf32, #tpu.memory_space<vmem_shared>>
    tpu.wait_indirect_dma semaphore(%arg8 : memref<!tpu.dma_semaphore, #tpu.memory_space<semaphore_mem>>) src(%arg4 : memref<128xf32, #tpu.memory_space<vmem>>) dst(%dma_wait3A_630 : memref<10240xf32, #tpu.memory_space<vmem_shared>>)
    %dma_wait3A_631 = arith.constant 16 : i32
    %dma_wait3A_632 = arith.constant 0 : i32
    %dma_wait3A_633 = tpu.memref_slice %arg5[%dma_wait3A_631, %dma_wait3A_632] : memref<80x128xi32, #tpu.memory_space<vmem>> -> memref<1x128xi32, #tpu.memory_space<vmem>>
    %dma_wait3A_634 = tpu.memref_squeeze %dma_wait3A_633 : memref<1x128xi32, #tpu.memory_space<vmem>> -> memref<128xi32, #tpu.memory_space<vmem>>
    %dma_wait3A_635 = arith.constant 0 : i32
    %dma_wait3A_636 = tpu.memref_slice %arg7[%dma_wait3A_635] : memref<10240xf32, #tpu.memory_space<vmem_shared>> -> memref<10240xf32, #tpu.memory_space<vmem_shared>>
    tpu.wait_indirect_dma semaphore(%arg8 : memref<!tpu.dma_semaphore, #tpu.memory_space<semaphore_mem>>) src(%arg4 : memref<128xf32, #tpu.memory_space<vmem>>) dst(%dma_wait3A_636 : memref<10240xf32, #tpu.memory_space<vmem_shared>>)
    %dma_wait3A_637 = arith.constant 17 : i32
    %dma_wait3A_638 = arith.constant 0 : i32
    %dma_wait3A_639 = tpu.memref_slice %arg5[%dma_wait3A_637, %dma_wait3A_638] : memref<80x128xi32, #tpu.memory_space<vmem>> -> memref<1x128xi32, #tpu.memory_space<vmem>>
    %dma_wait3A_640 = tpu.memref_squeeze %dma_wait3A_639 : memref<1x128xi32, #tpu.memory_space<vmem>> -> memref<128xi32, #tpu.memory_space<vmem>>
    %dma_wait3A_641 = arith.constant 0 : i32
    %dma_wait3A_642 = tpu.memref_slice %arg7[%dma_wait3A_641] : memref<10240xf32, #tpu.memory_space<vmem_shared>> -> memref<10240xf32, #tpu.memory_space<vmem_shared>>
    tpu.wait_indirect_dma semaphore(%arg8 : memref<!tpu.dma_semaphore, #tpu.memory_space<semaphore_mem>>) src(%arg4 : memref<128xf32, #tpu.memory_space<vmem>>) dst(%dma_wait3A_642 : memref<10240xf32, #tpu.memory_space<vmem_shared>>)
    %dma_wait3A_643 = arith.constant 18 : i32
    %dma_wait3A_644 = arith.constant 0 : i32
    %dma_wait3A_645 = tpu.memref_slice %arg5[%dma_wait3A_643, %dma_wait3A_644] : memref<80x128xi32, #tpu.memory_space<vmem>> -> memref<1x128xi32, #tpu.memory_space<vmem>>
    %dma_wait3A_646 = tpu.memref_squeeze %dma_wait3A_645 : memref<1x128xi32, #tpu.memory_space<vmem>> -> memref<128xi32, #tpu.memory_space<vmem>>
    %dma_wait3A_647 = arith.constant 0 : i32
    %dma_wait3A_648 = tpu.memref_slice %arg7[%dma_wait3A_647] : memref<10240xf32, #tpu.memory_space<vmem_shared>> -> memref<10240xf32, #tpu.memory_space<vmem_shared>>
    tpu.wait_indirect_dma semaphore(%arg8 : memref<!tpu.dma_semaphore, #tpu.memory_space<semaphore_mem>>) src(%arg4 : memref<128xf32, #tpu.memory_space<vmem>>) dst(%dma_wait3A_648 : memref<10240xf32, #tpu.memory_space<vmem_shared>>)
    %dma_wait3A_649 = arith.constant 19 : i32
    %dma_wait3A_650 = arith.constant 0 : i32
    %dma_wait3A_651 = tpu.memref_slice %arg5[%dma_wait3A_649, %dma_wait3A_650] : memref<80x128xi32, #tpu.memory_space<vmem>> -> memref<1x128xi32, #tpu.memory_space<vmem>>
    %dma_wait3A_652 = tpu.memref_squeeze %dma_wait3A_651 : memref<1x128xi32, #tpu.memory_space<vmem>> -> memref<128xi32, #tpu.memory_space<vmem>>
    %dma_wait3A_653 = arith.constant 0 : i32
    %dma_wait3A_654 = tpu.memref_slice %arg7[%dma_wait3A_653] : memref<10240xf32, #tpu.memory_space<vmem_shared>> -> memref<10240xf32, #tpu.memory_space<vmem_shared>>
    tpu.wait_indirect_dma semaphore(%arg8 : memref<!tpu.dma_semaphore, #tpu.memory_space<semaphore_mem>>) src(%arg4 : memref<128xf32, #tpu.memory_space<vmem>>) dst(%dma_wait3A_654 : memref<10240xf32, #tpu.memory_space<vmem_shared>>)
    %dma_wait3A_655 = arith.constant 20 : i32
    %dma_wait3A_656 = arith.constant 0 : i32
    %dma_wait3A_657 = tpu.memref_slice %arg5[%dma_wait3A_655, %dma_wait3A_656] : memref<80x128xi32, #tpu.memory_space<vmem>> -> memref<1x128xi32, #tpu.memory_space<vmem>>
    %dma_wait3A_658 = tpu.memref_squeeze %dma_wait3A_657 : memref<1x128xi32, #tpu.memory_space<vmem>> -> memref<128xi32, #tpu.memory_space<vmem>>
    %dma_wait3A_659 = arith.constant 0 : i32
    %dma_wait3A_660 = tpu.memref_slice %arg7[%dma_wait3A_659] : memref<10240xf32, #tpu.memory_space<vmem_shared>> -> memref<10240xf32, #tpu.memory_space<vmem_shared>>
    tpu.wait_indirect_dma semaphore(%arg8 : memref<!tpu.dma_semaphore, #tpu.memory_space<semaphore_mem>>) src(%arg4 : memref<128xf32, #tpu.memory_space<vmem>>) dst(%dma_wait3A_660 : memref<10240xf32, #tpu.memory_space<vmem_shared>>)
    %dma_wait3A_661 = arith.constant 21 : i32
    %dma_wait3A_662 = arith.constant 0 : i32
    %dma_wait3A_663 = tpu.memref_slice %arg5[%dma_wait3A_661, %dma_wait3A_662] : memref<80x128xi32, #tpu.memory_space<vmem>> -> memref<1x128xi32, #tpu.memory_space<vmem>>
    %dma_wait3A_664 = tpu.memref_squeeze %dma_wait3A_663 : memref<1x128xi32, #tpu.memory_space<vmem>> -> memref<128xi32, #tpu.memory_space<vmem>>
    %dma_wait3A_665 = arith.constant 0 : i32
    %dma_wait3A_666 = tpu.memref_slice %arg7[%dma_wait3A_665] : memref<10240xf32, #tpu.memory_space<vmem_shared>> -> memref<10240xf32, #tpu.memory_space<vmem_shared>>
    tpu.wait_indirect_dma semaphore(%arg8 : memref<!tpu.dma_semaphore, #tpu.memory_space<semaphore_mem>>) src(%arg4 : memref<128xf32, #tpu.memory_space<vmem>>) dst(%dma_wait3A_666 : memref<10240xf32, #tpu.memory_space<vmem_shared>>)
    %dma_wait3A_667 = arith.constant 22 : i32
    %dma_wait3A_668 = arith.constant 0 : i32
    %dma_wait3A_669 = tpu.memref_slice %arg5[%dma_wait3A_667, %dma_wait3A_668] : memref<80x128xi32, #tpu.memory_space<vmem>> -> memref<1x128xi32, #tpu.memory_space<vmem>>
    %dma_wait3A_670 = tpu.memref_squeeze %dma_wait3A_669 : memref<1x128xi32, #tpu.memory_space<vmem>> -> memref<128xi32, #tpu.memory_space<vmem>>
    %dma_wait3A_671 = arith.constant 0 : i32
    %dma_wait3A_672 = tpu.memref_slice %arg7[%dma_wait3A_671] : memref<10240xf32, #tpu.memory_space<vmem_shared>> -> memref<10240xf32, #tpu.memory_space<vmem_shared>>
    tpu.wait_indirect_dma semaphore(%arg8 : memref<!tpu.dma_semaphore, #tpu.memory_space<semaphore_mem>>) src(%arg4 : memref<128xf32, #tpu.memory_space<vmem>>) dst(%dma_wait3A_672 : memref<10240xf32, #tpu.memory_space<vmem_shared>>)
    %dma_wait3A_673 = arith.constant 23 : i32
    %dma_wait3A_674 = arith.constant 0 : i32
    %dma_wait3A_675 = tpu.memref_slice %arg5[%dma_wait3A_673, %dma_wait3A_674] : memref<80x128xi32, #tpu.memory_space<vmem>> -> memref<1x128xi32, #tpu.memory_space<vmem>>
    %dma_wait3A_676 = tpu.memref_squeeze %dma_wait3A_675 : memref<1x128xi32, #tpu.memory_space<vmem>> -> memref<128xi32, #tpu.memory_space<vmem>>
    %dma_wait3A_677 = arith.constant 0 : i32
    %dma_wait3A_678 = tpu.memref_slice %arg7[%dma_wait3A_677] : memref<10240xf32, #tpu.memory_space<vmem_shared>> -> memref<10240xf32, #tpu.memory_space<vmem_shared>>
    tpu.wait_indirect_dma semaphore(%arg8 : memref<!tpu.dma_semaphore, #tpu.memory_space<semaphore_mem>>) src(%arg4 : memref<128xf32, #tpu.memory_space<vmem>>) dst(%dma_wait3A_678 : memref<10240xf32, #tpu.memory_space<vmem_shared>>)
    %dma_wait3A_679 = arith.constant 24 : i32
    %dma_wait3A_680 = arith.constant 0 : i32
    %dma_wait3A_681 = tpu.memref_slice %arg5[%dma_wait3A_679, %dma_wait3A_680] : memref<80x128xi32, #tpu.memory_space<vmem>> -> memref<1x128xi32, #tpu.memory_space<vmem>>
    %dma_wait3A_682 = tpu.memref_squeeze %dma_wait3A_681 : memref<1x128xi32, #tpu.memory_space<vmem>> -> memref<128xi32, #tpu.memory_space<vmem>>
    %dma_wait3A_683 = arith.constant 0 : i32
    %dma_wait3A_684 = tpu.memref_slice %arg7[%dma_wait3A_683] : memref<10240xf32, #tpu.memory_space<vmem_shared>> -> memref<10240xf32, #tpu.memory_space<vmem_shared>>
    tpu.wait_indirect_dma semaphore(%arg8 : memref<!tpu.dma_semaphore, #tpu.memory_space<semaphore_mem>>) src(%arg4 : memref<128xf32, #tpu.memory_space<vmem>>) dst(%dma_wait3A_684 : memref<10240xf32, #tpu.memory_space<vmem_shared>>)
    %dma_wait3A_685 = arith.constant 25 : i32
    %dma_wait3A_686 = arith.constant 0 : i32
    %dma_wait3A_687 = tpu.memref_slice %arg5[%dma_wait3A_685, %dma_wait3A_686] : memref<80x128xi32, #tpu.memory_space<vmem>> -> memref<1x128xi32, #tpu.memory_space<vmem>>
    %dma_wait3A_688 = tpu.memref_squeeze %dma_wait3A_687 : memref<1x128xi32, #tpu.memory_space<vmem>> -> memref<128xi32, #tpu.memory_space<vmem>>
    %dma_wait3A_689 = arith.constant 0 : i32
    %dma_wait3A_690 = tpu.memref_slice %arg7[%dma_wait3A_689] : memref<10240xf32, #tpu.memory_space<vmem_shared>> -> memref<10240xf32, #tpu.memory_space<vmem_shared>>
    tpu.wait_indirect_dma semaphore(%arg8 : memref<!tpu.dma_semaphore, #tpu.memory_space<semaphore_mem>>) src(%arg4 : memref<128xf32, #tpu.memory_space<vmem>>) dst(%dma_wait3A_690 : memref<10240xf32, #tpu.memory_space<vmem_shared>>)
    %dma_wait3A_691 = arith.constant 26 : i32
    %dma_wait3A_692 = arith.constant 0 : i32
    %dma_wait3A_693 = tpu.memref_slice %arg5[%dma_wait3A_691, %dma_wait3A_692] : memref<80x128xi32, #tpu.memory_space<vmem>> -> memref<1x128xi32, #tpu.memory_space<vmem>>
    %dma_wait3A_694 = tpu.memref_squeeze %dma_wait3A_693 : memref<1x128xi32, #tpu.memory_space<vmem>> -> memref<128xi32, #tpu.memory_space<vmem>>
    %dma_wait3A_695 = arith.constant 0 : i32
    %dma_wait3A_696 = tpu.memref_slice %arg7[%dma_wait3A_695] : memref<10240xf32, #tpu.memory_space<vmem_shared>> -> memref<10240xf32, #tpu.memory_space<vmem_shared>>
    tpu.wait_indirect_dma semaphore(%arg8 : memref<!tpu.dma_semaphore, #tpu.memory_space<semaphore_mem>>) src(%arg4 : memref<128xf32, #tpu.memory_space<vmem>>) dst(%dma_wait3A_696 : memref<10240xf32, #tpu.memory_space<vmem_shared>>)
    %dma_wait3A_697 = arith.constant 27 : i32
    %dma_wait3A_698 = arith.constant 0 : i32
    %dma_wait3A_699 = tpu.memref_slice %arg5[%dma_wait3A_697, %dma_wait3A_698] : memref<80x128xi32, #tpu.memory_space<vmem>> -> memref<1x128xi32, #tpu.memory_space<vmem>>
    %dma_wait3A_700 = tpu.memref_squeeze %dma_wait3A_699 : memref<1x128xi32, #tpu.memory_space<vmem>> -> memref<128xi32, #tpu.memory_space<vmem>>
    %dma_wait3A_701 = arith.constant 0 : i32
    %dma_wait3A_702 = tpu.memref_slice %arg7[%dma_wait3A_701] : memref<10240xf32, #tpu.memory_space<vmem_shared>> -> memref<10240xf32, #tpu.memory_space<vmem_shared>>
    tpu.wait_indirect_dma semaphore(%arg8 : memref<!tpu.dma_semaphore, #tpu.memory_space<semaphore_mem>>) src(%arg4 : memref<128xf32, #tpu.memory_space<vmem>>) dst(%dma_wait3A_702 : memref<10240xf32, #tpu.memory_space<vmem_shared>>)
    %dma_wait3A_703 = arith.constant 28 : i32
    %dma_wait3A_704 = arith.constant 0 : i32
    %dma_wait3A_705 = tpu.memref_slice %arg5[%dma_wait3A_703, %dma_wait3A_704] : memref<80x128xi32, #tpu.memory_space<vmem>> -> memref<1x128xi32, #tpu.memory_space<vmem>>
    %dma_wait3A_706 = tpu.memref_squeeze %dma_wait3A_705 : memref<1x128xi32, #tpu.memory_space<vmem>> -> memref<128xi32, #tpu.memory_space<vmem>>
    %dma_wait3A_707 = arith.constant 0 : i32
    %dma_wait3A_708 = tpu.memref_slice %arg7[%dma_wait3A_707] : memref<10240xf32, #tpu.memory_space<vmem_shared>> -> memref<10240xf32, #tpu.memory_space<vmem_shared>>
    tpu.wait_indirect_dma semaphore(%arg8 : memref<!tpu.dma_semaphore, #tpu.memory_space<semaphore_mem>>) src(%arg4 : memref<128xf32, #tpu.memory_space<vmem>>) dst(%dma_wait3A_708 : memref<10240xf32, #tpu.memory_space<vmem_shared>>)
    %dma_wait3A_709 = arith.constant 29 : i32
    %dma_wait3A_710 = arith.constant 0 : i32
    %dma_wait3A_711 = tpu.memref_slice %arg5[%dma_wait3A_709, %dma_wait3A_710] : memref<80x128xi32, #tpu.memory_space<vmem>> -> memref<1x128xi32, #tpu.memory_space<vmem>>
    %dma_wait3A_712 = tpu.memref_squeeze %dma_wait3A_711 : memref<1x128xi32, #tpu.memory_space<vmem>> -> memref<128xi32, #tpu.memory_space<vmem>>
    %dma_wait3A_713 = arith.constant 0 : i32
    %dma_wait3A_714 = tpu.memref_slice %arg7[%dma_wait3A_713] : memref<10240xf32, #tpu.memory_space<vmem_shared>> -> memref<10240xf32, #tpu.memory_space<vmem_shared>>
    tpu.wait_indirect_dma semaphore(%arg8 : memref<!tpu.dma_semaphore, #tpu.memory_space<semaphore_mem>>) src(%arg4 : memref<128xf32, #tpu.memory_space<vmem>>) dst(%dma_wait3A_714 : memref<10240xf32, #tpu.memory_space<vmem_shared>>)
    %dma_wait3A_715 = arith.constant 30 : i32
    %dma_wait3A_716 = arith.constant 0 : i32
    %dma_wait3A_717 = tpu.memref_slice %arg5[%dma_wait3A_715, %dma_wait3A_716] : memref<80x128xi32, #tpu.memory_space<vmem>> -> memref<1x128xi32, #tpu.memory_space<vmem>>
    %dma_wait3A_718 = tpu.memref_squeeze %dma_wait3A_717 : memref<1x128xi32, #tpu.memory_space<vmem>> -> memref<128xi32, #tpu.memory_space<vmem>>
    %dma_wait3A_719 = arith.constant 0 : i32
    %dma_wait3A_720 = tpu.memref_slice %arg7[%dma_wait3A_719] : memref<10240xf32, #tpu.memory_space<vmem_shared>> -> memref<10240xf32, #tpu.memory_space<vmem_shared>>
    tpu.wait_indirect_dma semaphore(%arg8 : memref<!tpu.dma_semaphore, #tpu.memory_space<semaphore_mem>>) src(%arg4 : memref<128xf32, #tpu.memory_space<vmem>>) dst(%dma_wait3A_720 : memref<10240xf32, #tpu.memory_space<vmem_shared>>)
    %dma_wait3A_721 = arith.constant 31 : i32
    %dma_wait3A_722 = arith.constant 0 : i32
    %dma_wait3A_723 = tpu.memref_slice %arg5[%dma_wait3A_721, %dma_wait3A_722] : memref<80x128xi32, #tpu.memory_space<vmem>> -> memref<1x128xi32, #tpu.memory_space<vmem>>
    %dma_wait3A_724 = tpu.memref_squeeze %dma_wait3A_723 : memref<1x128xi32, #tpu.memory_space<vmem>> -> memref<128xi32, #tpu.memory_space<vmem>>
    %dma_wait3A_725 = arith.constant 0 : i32
    %dma_wait3A_726 = tpu.memref_slice %arg7[%dma_wait3A_725] : memref<10240xf32, #tpu.memory_space<vmem_shared>> -> memref<10240xf32, #tpu.memory_space<vmem_shared>>
    tpu.wait_indirect_dma semaphore(%arg8 : memref<!tpu.dma_semaphore, #tpu.memory_space<semaphore_mem>>) src(%arg4 : memref<128xf32, #tpu.memory_space<vmem>>) dst(%dma_wait3A_726 : memref<10240xf32, #tpu.memory_space<vmem_shared>>)
    %dma_wait3A_727 = arith.constant 32 : i32
    %dma_wait3A_728 = arith.constant 0 : i32
    %dma_wait3A_729 = tpu.memref_slice %arg5[%dma_wait3A_727, %dma_wait3A_728] : memref<80x128xi32, #tpu.memory_space<vmem>> -> memref<1x128xi32, #tpu.memory_space<vmem>>
    %dma_wait3A_730 = tpu.memref_squeeze %dma_wait3A_729 : memref<1x128xi32, #tpu.memory_space<vmem>> -> memref<128xi32, #tpu.memory_space<vmem>>
    %dma_wait3A_731 = arith.constant 0 : i32
    %dma_wait3A_732 = tpu.memref_slice %arg7[%dma_wait3A_731] : memref<10240xf32, #tpu.memory_space<vmem_shared>> -> memref<10240xf32, #tpu.memory_space<vmem_shared>>
    tpu.wait_indirect_dma semaphore(%arg8 : memref<!tpu.dma_semaphore, #tpu.memory_space<semaphore_mem>>) src(%arg4 : memref<128xf32, #tpu.memory_space<vmem>>) dst(%dma_wait3A_732 : memref<10240xf32, #tpu.memory_space<vmem_shared>>)
    %dma_wait3A_733 = arith.constant 33 : i32
    %dma_wait3A_734 = arith.constant 0 : i32
    %dma_wait3A_735 = tpu.memref_slice %arg5[%dma_wait3A_733, %dma_wait3A_734] : memref<80x128xi32, #tpu.memory_space<vmem>> -> memref<1x128xi32, #tpu.memory_space<vmem>>
    %dma_wait3A_736 = tpu.memref_squeeze %dma_wait3A_735 : memref<1x128xi32, #tpu.memory_space<vmem>> -> memref<128xi32, #tpu.memory_space<vmem>>
    %dma_wait3A_737 = arith.constant 0 : i32
    %dma_wait3A_738 = tpu.memref_slice %arg7[%dma_wait3A_737] : memref<10240xf32, #tpu.memory_space<vmem_shared>> -> memref<10240xf32, #tpu.memory_space<vmem_shared>>
    tpu.wait_indirect_dma semaphore(%arg8 : memref<!tpu.dma_semaphore, #tpu.memory_space<semaphore_mem>>) src(%arg4 : memref<128xf32, #tpu.memory_space<vmem>>) dst(%dma_wait3A_738 : memref<10240xf32, #tpu.memory_space<vmem_shared>>)
    %dma_wait3A_739 = arith.constant 34 : i32
    %dma_wait3A_740 = arith.constant 0 : i32
    %dma_wait3A_741 = tpu.memref_slice %arg5[%dma_wait3A_739, %dma_wait3A_740] : memref<80x128xi32, #tpu.memory_space<vmem>> -> memref<1x128xi32, #tpu.memory_space<vmem>>
    %dma_wait3A_742 = tpu.memref_squeeze %dma_wait3A_741 : memref<1x128xi32, #tpu.memory_space<vmem>> -> memref<128xi32, #tpu.memory_space<vmem>>
    %dma_wait3A_743 = arith.constant 0 : i32
    %dma_wait3A_744 = tpu.memref_slice %arg7[%dma_wait3A_743] : memref<10240xf32, #tpu.memory_space<vmem_shared>> -> memref<10240xf32, #tpu.memory_space<vmem_shared>>
    tpu.wait_indirect_dma semaphore(%arg8 : memref<!tpu.dma_semaphore, #tpu.memory_space<semaphore_mem>>) src(%arg4 : memref<128xf32, #tpu.memory_space<vmem>>) dst(%dma_wait3A_744 : memref<10240xf32, #tpu.memory_space<vmem_shared>>)
    %dma_wait3A_745 = arith.constant 35 : i32
    %dma_wait3A_746 = arith.constant 0 : i32
    %dma_wait3A_747 = tpu.memref_slice %arg5[%dma_wait3A_745, %dma_wait3A_746] : memref<80x128xi32, #tpu.memory_space<vmem>> -> memref<1x128xi32, #tpu.memory_space<vmem>>
    %dma_wait3A_748 = tpu.memref_squeeze %dma_wait3A_747 : memref<1x128xi32, #tpu.memory_space<vmem>> -> memref<128xi32, #tpu.memory_space<vmem>>
    %dma_wait3A_749 = arith.constant 0 : i32
    %dma_wait3A_750 = tpu.memref_slice %arg7[%dma_wait3A_749] : memref<10240xf32, #tpu.memory_space<vmem_shared>> -> memref<10240xf32, #tpu.memory_space<vmem_shared>>
    tpu.wait_indirect_dma semaphore(%arg8 : memref<!tpu.dma_semaphore, #tpu.memory_space<semaphore_mem>>) src(%arg4 : memref<128xf32, #tpu.memory_space<vmem>>) dst(%dma_wait3A_750 : memref<10240xf32, #tpu.memory_space<vmem_shared>>)
    %dma_wait3A_751 = arith.constant 36 : i32
    %dma_wait3A_752 = arith.constant 0 : i32
    %dma_wait3A_753 = tpu.memref_slice %arg5[%dma_wait3A_751, %dma_wait3A_752] : memref<80x128xi32, #tpu.memory_space<vmem>> -> memref<1x128xi32, #tpu.memory_space<vmem>>
    %dma_wait3A_754 = tpu.memref_squeeze %dma_wait3A_753 : memref<1x128xi32, #tpu.memory_space<vmem>> -> memref<128xi32, #tpu.memory_space<vmem>>
    %dma_wait3A_755 = arith.constant 0 : i32
    %dma_wait3A_756 = tpu.memref_slice %arg7[%dma_wait3A_755] : memref<10240xf32, #tpu.memory_space<vmem_shared>> -> memref<10240xf32, #tpu.memory_space<vmem_shared>>
    tpu.wait_indirect_dma semaphore(%arg8 : memref<!tpu.dma_semaphore, #tpu.memory_space<semaphore_mem>>) src(%arg4 : memref<128xf32, #tpu.memory_space<vmem>>) dst(%dma_wait3A_756 : memref<10240xf32, #tpu.memory_space<vmem_shared>>)
    %dma_wait3A_757 = arith.constant 37 : i32
    %dma_wait3A_758 = arith.constant 0 : i32
    %dma_wait3A_759 = tpu.memref_slice %arg5[%dma_wait3A_757, %dma_wait3A_758] : memref<80x128xi32, #tpu.memory_space<vmem>> -> memref<1x128xi32, #tpu.memory_space<vmem>>
    %dma_wait3A_760 = tpu.memref_squeeze %dma_wait3A_759 : memref<1x128xi32, #tpu.memory_space<vmem>> -> memref<128xi32, #tpu.memory_space<vmem>>
    %dma_wait3A_761 = arith.constant 0 : i32
    %dma_wait3A_762 = tpu.memref_slice %arg7[%dma_wait3A_761] : memref<10240xf32, #tpu.memory_space<vmem_shared>> -> memref<10240xf32, #tpu.memory_space<vmem_shared>>
    tpu.wait_indirect_dma semaphore(%arg8 : memref<!tpu.dma_semaphore, #tpu.memory_space<semaphore_mem>>) src(%arg4 : memref<128xf32, #tpu.memory_space<vmem>>) dst(%dma_wait3A_762 : memref<10240xf32, #tpu.memory_space<vmem_shared>>)
    %dma_wait3A_763 = arith.constant 38 : i32
    %dma_wait3A_764 = arith.constant 0 : i32
    %dma_wait3A_765 = tpu.memref_slice %arg5[%dma_wait3A_763, %dma_wait3A_764] : memref<80x128xi32, #tpu.memory_space<vmem>> -> memref<1x128xi32, #tpu.memory_space<vmem>>
    %dma_wait3A_766 = tpu.memref_squeeze %dma_wait3A_765 : memref<1x128xi32, #tpu.memory_space<vmem>> -> memref<128xi32, #tpu.memory_space<vmem>>
    %dma_wait3A_767 = arith.constant 0 : i32
    %dma_wait3A_768 = tpu.memref_slice %arg7[%dma_wait3A_767] : memref<10240xf32, #tpu.memory_space<vmem_shared>> -> memref<10240xf32, #tpu.memory_space<vmem_shared>>
    tpu.wait_indirect_dma semaphore(%arg8 : memref<!tpu.dma_semaphore, #tpu.memory_space<semaphore_mem>>) src(%arg4 : memref<128xf32, #tpu.memory_space<vmem>>) dst(%dma_wait3A_768 : memref<10240xf32, #tpu.memory_space<vmem_shared>>)
    %dma_wait3A_769 = arith.constant 39 : i32
    %dma_wait3A_770 = arith.constant 0 : i32
    %dma_wait3A_771 = tpu.memref_slice %arg5[%dma_wait3A_769, %dma_wait3A_770] : memref<80x128xi32, #tpu.memory_space<vmem>> -> memref<1x128xi32, #tpu.memory_space<vmem>>
    %dma_wait3A_772 = tpu.memref_squeeze %dma_wait3A_771 : memref<1x128xi32, #tpu.memory_space<vmem>> -> memref<128xi32, #tpu.memory_space<vmem>>
    %dma_wait3A_773 = arith.constant 0 : i32
    %dma_wait3A_774 = tpu.memref_slice %arg7[%dma_wait3A_773] : memref<10240xf32, #tpu.memory_space<vmem_shared>> -> memref<10240xf32, #tpu.memory_space<vmem_shared>>
    tpu.wait_indirect_dma semaphore(%arg8 : memref<!tpu.dma_semaphore, #tpu.memory_space<semaphore_mem>>) src(%arg4 : memref<128xf32, #tpu.memory_space<vmem>>) dst(%dma_wait3A_774 : memref<10240xf32, #tpu.memory_space<vmem_shared>>)
    %dma_wait3A_775 = arith.constant 40 : i32
    %dma_wait3A_776 = arith.constant 0 : i32
    %dma_wait3A_777 = tpu.memref_slice %arg5[%dma_wait3A_775, %dma_wait3A_776] : memref<80x128xi32, #tpu.memory_space<vmem>> -> memref<1x128xi32, #tpu.memory_space<vmem>>
    %dma_wait3A_778 = tpu.memref_squeeze %dma_wait3A_777 : memref<1x128xi32, #tpu.memory_space<vmem>> -> memref<128xi32, #tpu.memory_space<vmem>>
    %dma_wait3A_779 = arith.constant 0 : i32
    %dma_wait3A_780 = tpu.memref_slice %arg7[%dma_wait3A_779] : memref<10240xf32, #tpu.memory_space<vmem_shared>> -> memref<10240xf32, #tpu.memory_space<vmem_shared>>
    tpu.wait_indirect_dma semaphore(%arg8 : memref<!tpu.dma_semaphore, #tpu.memory_space<semaphore_mem>>) src(%arg4 : memref<128xf32, #tpu.memory_space<vmem>>) dst(%dma_wait3A_780 : memref<10240xf32, #tpu.memory_space<vmem_shared>>)
    %dma_wait3A_781 = arith.constant 41 : i32
    %dma_wait3A_782 = arith.constant 0 : i32
    %dma_wait3A_783 = tpu.memref_slice %arg5[%dma_wait3A_781, %dma_wait3A_782] : memref<80x128xi32, #tpu.memory_space<vmem>> -> memref<1x128xi32, #tpu.memory_space<vmem>>
    %dma_wait3A_784 = tpu.memref_squeeze %dma_wait3A_783 : memref<1x128xi32, #tpu.memory_space<vmem>> -> memref<128xi32, #tpu.memory_space<vmem>>
    %dma_wait3A_785 = arith.constant 0 : i32
    %dma_wait3A_786 = tpu.memref_slice %arg7[%dma_wait3A_785] : memref<10240xf32, #tpu.memory_space<vmem_shared>> -> memref<10240xf32, #tpu.memory_space<vmem_shared>>
    tpu.wait_indirect_dma semaphore(%arg8 : memref<!tpu.dma_semaphore, #tpu.memory_space<semaphore_mem>>) src(%arg4 : memref<128xf32, #tpu.memory_space<vmem>>) dst(%dma_wait3A_786 : memref<10240xf32, #tpu.memory_space<vmem_shared>>)
    %dma_wait3A_787 = arith.constant 42 : i32
    %dma_wait3A_788 = arith.constant 0 : i32
    %dma_wait3A_789 = tpu.memref_slice %arg5[%dma_wait3A_787, %dma_wait3A_788] : memref<80x128xi32, #tpu.memory_space<vmem>> -> memref<1x128xi32, #tpu.memory_space<vmem>>
    %dma_wait3A_790 = tpu.memref_squeeze %dma_wait3A_789 : memref<1x128xi32, #tpu.memory_space<vmem>> -> memref<128xi32, #tpu.memory_space<vmem>>
    %dma_wait3A_791 = arith.constant 0 : i32
    %dma_wait3A_792 = tpu.memref_slice %arg7[%dma_wait3A_791] : memref<10240xf32, #tpu.memory_space<vmem_shared>> -> memref<10240xf32, #tpu.memory_space<vmem_shared>>
    tpu.wait_indirect_dma semaphore(%arg8 : memref<!tpu.dma_semaphore, #tpu.memory_space<semaphore_mem>>) src(%arg4 : memref<128xf32, #tpu.memory_space<vmem>>) dst(%dma_wait3A_792 : memref<10240xf32, #tpu.memory_space<vmem_shared>>)
    %dma_wait3A_793 = arith.constant 43 : i32
    %dma_wait3A_794 = arith.constant 0 : i32
    %dma_wait3A_795 = tpu.memref_slice %arg5[%dma_wait3A_793, %dma_wait3A_794] : memref<80x128xi32, #tpu.memory_space<vmem>> -> memref<1x128xi32, #tpu.memory_space<vmem>>
    %dma_wait3A_796 = tpu.memref_squeeze %dma_wait3A_795 : memref<1x128xi32, #tpu.memory_space<vmem>> -> memref<128xi32, #tpu.memory_space<vmem>>
    %dma_wait3A_797 = arith.constant 0 : i32
    %dma_wait3A_798 = tpu.memref_slice %arg7[%dma_wait3A_797] : memref<10240xf32, #tpu.memory_space<vmem_shared>> -> memref<10240xf32, #tpu.memory_space<vmem_shared>>
    tpu.wait_indirect_dma semaphore(%arg8 : memref<!tpu.dma_semaphore, #tpu.memory_space<semaphore_mem>>) src(%arg4 : memref<128xf32, #tpu.memory_space<vmem>>) dst(%dma_wait3A_798 : memref<10240xf32, #tpu.memory_space<vmem_shared>>)
    %dma_wait3A_799 = arith.constant 44 : i32
    %dma_wait3A_800 = arith.constant 0 : i32
    %dma_wait3A_801 = tpu.memref_slice %arg5[%dma_wait3A_799, %dma_wait3A_800] : memref<80x128xi32, #tpu.memory_space<vmem>> -> memref<1x128xi32, #tpu.memory_space<vmem>>
    %dma_wait3A_802 = tpu.memref_squeeze %dma_wait3A_801 : memref<1x128xi32, #tpu.memory_space<vmem>> -> memref<128xi32, #tpu.memory_space<vmem>>
    %dma_wait3A_803 = arith.constant 0 : i32
    %dma_wait3A_804 = tpu.memref_slice %arg7[%dma_wait3A_803] : memref<10240xf32, #tpu.memory_space<vmem_shared>> -> memref<10240xf32, #tpu.memory_space<vmem_shared>>
    tpu.wait_indirect_dma semaphore(%arg8 : memref<!tpu.dma_semaphore, #tpu.memory_space<semaphore_mem>>) src(%arg4 : memref<128xf32, #tpu.memory_space<vmem>>) dst(%dma_wait3A_804 : memref<10240xf32, #tpu.memory_space<vmem_shared>>)
    %dma_wait3A_805 = arith.constant 45 : i32
    %dma_wait3A_806 = arith.constant 0 : i32
    %dma_wait3A_807 = tpu.memref_slice %arg5[%dma_wait3A_805, %dma_wait3A_806] : memref<80x128xi32, #tpu.memory_space<vmem>> -> memref<1x128xi32, #tpu.memory_space<vmem>>
    %dma_wait3A_808 = tpu.memref_squeeze %dma_wait3A_807 : memref<1x128xi32, #tpu.memory_space<vmem>> -> memref<128xi32, #tpu.memory_space<vmem>>
    %dma_wait3A_809 = arith.constant 0 : i32
    %dma_wait3A_810 = tpu.memref_slice %arg7[%dma_wait3A_809] : memref<10240xf32, #tpu.memory_space<vmem_shared>> -> memref<10240xf32, #tpu.memory_space<vmem_shared>>
    tpu.wait_indirect_dma semaphore(%arg8 : memref<!tpu.dma_semaphore, #tpu.memory_space<semaphore_mem>>) src(%arg4 : memref<128xf32, #tpu.memory_space<vmem>>) dst(%dma_wait3A_810 : memref<10240xf32, #tpu.memory_space<vmem_shared>>)
    %dma_wait3A_811 = arith.constant 46 : i32
    %dma_wait3A_812 = arith.constant 0 : i32
    %dma_wait3A_813 = tpu.memref_slice %arg5[%dma_wait3A_811, %dma_wait3A_812] : memref<80x128xi32, #tpu.memory_space<vmem>> -> memref<1x128xi32, #tpu.memory_space<vmem>>
    %dma_wait3A_814 = tpu.memref_squeeze %dma_wait3A_813 : memref<1x128xi32, #tpu.memory_space<vmem>> -> memref<128xi32, #tpu.memory_space<vmem>>
    %dma_wait3A_815 = arith.constant 0 : i32
    %dma_wait3A_816 = tpu.memref_slice %arg7[%dma_wait3A_815] : memref<10240xf32, #tpu.memory_space<vmem_shared>> -> memref<10240xf32, #tpu.memory_space<vmem_shared>>
    tpu.wait_indirect_dma semaphore(%arg8 : memref<!tpu.dma_semaphore, #tpu.memory_space<semaphore_mem>>) src(%arg4 : memref<128xf32, #tpu.memory_space<vmem>>) dst(%dma_wait3A_816 : memref<10240xf32, #tpu.memory_space<vmem_shared>>)
    %dma_wait3A_817 = arith.constant 47 : i32
    %dma_wait3A_818 = arith.constant 0 : i32
    %dma_wait3A_819 = tpu.memref_slice %arg5[%dma_wait3A_817, %dma_wait3A_818] : memref<80x128xi32, #tpu.memory_space<vmem>> -> memref<1x128xi32, #tpu.memory_space<vmem>>
    %dma_wait3A_820 = tpu.memref_squeeze %dma_wait3A_819 : memref<1x128xi32, #tpu.memory_space<vmem>> -> memref<128xi32, #tpu.memory_space<vmem>>
    %dma_wait3A_821 = arith.constant 0 : i32
    %dma_wait3A_822 = tpu.memref_slice %arg7[%dma_wait3A_821] : memref<10240xf32, #tpu.memory_space<vmem_shared>> -> memref<10240xf32, #tpu.memory_space<vmem_shared>>
    tpu.wait_indirect_dma semaphore(%arg8 : memref<!tpu.dma_semaphore, #tpu.memory_space<semaphore_mem>>) src(%arg4 : memref<128xf32, #tpu.memory_space<vmem>>) dst(%dma_wait3A_822 : memref<10240xf32, #tpu.memory_space<vmem_shared>>)
    %dma_wait3A_823 = arith.constant 48 : i32
    %dma_wait3A_824 = arith.constant 0 : i32
    %dma_wait3A_825 = tpu.memref_slice %arg5[%dma_wait3A_823, %dma_wait3A_824] : memref<80x128xi32, #tpu.memory_space<vmem>> -> memref<1x128xi32, #tpu.memory_space<vmem>>
    %dma_wait3A_826 = tpu.memref_squeeze %dma_wait3A_825 : memref<1x128xi32, #tpu.memory_space<vmem>> -> memref<128xi32, #tpu.memory_space<vmem>>
    %dma_wait3A_827 = arith.constant 0 : i32
    %dma_wait3A_828 = tpu.memref_slice %arg7[%dma_wait3A_827] : memref<10240xf32, #tpu.memory_space<vmem_shared>> -> memref<10240xf32, #tpu.memory_space<vmem_shared>>
    tpu.wait_indirect_dma semaphore(%arg8 : memref<!tpu.dma_semaphore, #tpu.memory_space<semaphore_mem>>) src(%arg4 : memref<128xf32, #tpu.memory_space<vmem>>) dst(%dma_wait3A_828 : memref<10240xf32, #tpu.memory_space<vmem_shared>>)
    %dma_wait3A_829 = arith.constant 49 : i32
    %dma_wait3A_830 = arith.constant 0 : i32
    %dma_wait3A_831 = tpu.memref_slice %arg5[%dma_wait3A_829, %dma_wait3A_830] : memref<80x128xi32, #tpu.memory_space<vmem>> -> memref<1x128xi32, #tpu.memory_space<vmem>>
    %dma_wait3A_832 = tpu.memref_squeeze %dma_wait3A_831 : memref<1x128xi32, #tpu.memory_space<vmem>> -> memref<128xi32, #tpu.memory_space<vmem>>
    %dma_wait3A_833 = arith.constant 0 : i32
    %dma_wait3A_834 = tpu.memref_slice %arg7[%dma_wait3A_833] : memref<10240xf32, #tpu.memory_space<vmem_shared>> -> memref<10240xf32, #tpu.memory_space<vmem_shared>>
    tpu.wait_indirect_dma semaphore(%arg8 : memref<!tpu.dma_semaphore, #tpu.memory_space<semaphore_mem>>) src(%arg4 : memref<128xf32, #tpu.memory_space<vmem>>) dst(%dma_wait3A_834 : memref<10240xf32, #tpu.memory_space<vmem_shared>>)
    %dma_wait3A_835 = arith.constant 50 : i32
    %dma_wait3A_836 = arith.constant 0 : i32
    %dma_wait3A_837 = tpu.memref_slice %arg5[%dma_wait3A_835, %dma_wait3A_836] : memref<80x128xi32, #tpu.memory_space<vmem>> -> memref<1x128xi32, #tpu.memory_space<vmem>>
    %dma_wait3A_838 = tpu.memref_squeeze %dma_wait3A_837 : memref<1x128xi32, #tpu.memory_space<vmem>> -> memref<128xi32, #tpu.memory_space<vmem>>
    %dma_wait3A_839 = arith.constant 0 : i32
    %dma_wait3A_840 = tpu.memref_slice %arg7[%dma_wait3A_839] : memref<10240xf32, #tpu.memory_space<vmem_shared>> -> memref<10240xf32, #tpu.memory_space<vmem_shared>>
    tpu.wait_indirect_dma semaphore(%arg8 : memref<!tpu.dma_semaphore, #tpu.memory_space<semaphore_mem>>) src(%arg4 : memref<128xf32, #tpu.memory_space<vmem>>) dst(%dma_wait3A_840 : memref<10240xf32, #tpu.memory_space<vmem_shared>>)
    %dma_wait3A_841 = arith.constant 51 : i32
    %dma_wait3A_842 = arith.constant 0 : i32
    %dma_wait3A_843 = tpu.memref_slice %arg5[%dma_wait3A_841, %dma_wait3A_842] : memref<80x128xi32, #tpu.memory_space<vmem>> -> memref<1x128xi32, #tpu.memory_space<vmem>>
    %dma_wait3A_844 = tpu.memref_squeeze %dma_wait3A_843 : memref<1x128xi32, #tpu.memory_space<vmem>> -> memref<128xi32, #tpu.memory_space<vmem>>
    %dma_wait3A_845 = arith.constant 0 : i32
    %dma_wait3A_846 = tpu.memref_slice %arg7[%dma_wait3A_845] : memref<10240xf32, #tpu.memory_space<vmem_shared>> -> memref<10240xf32, #tpu.memory_space<vmem_shared>>
    tpu.wait_indirect_dma semaphore(%arg8 : memref<!tpu.dma_semaphore, #tpu.memory_space<semaphore_mem>>) src(%arg4 : memref<128xf32, #tpu.memory_space<vmem>>) dst(%dma_wait3A_846 : memref<10240xf32, #tpu.memory_space<vmem_shared>>)
    %dma_wait3A_847 = arith.constant 52 : i32
    %dma_wait3A_848 = arith.constant 0 : i32
    %dma_wait3A_849 = tpu.memref_slice %arg5[%dma_wait3A_847, %dma_wait3A_848] : memref<80x128xi32, #tpu.memory_space<vmem>> -> memref<1x128xi32, #tpu.memory_space<vmem>>
    %dma_wait3A_850 = tpu.memref_squeeze %dma_wait3A_849 : memref<1x128xi32, #tpu.memory_space<vmem>> -> memref<128xi32, #tpu.memory_space<vmem>>
    %dma_wait3A_851 = arith.constant 0 : i32
    %dma_wait3A_852 = tpu.memref_slice %arg7[%dma_wait3A_851] : memref<10240xf32, #tpu.memory_space<vmem_shared>> -> memref<10240xf32, #tpu.memory_space<vmem_shared>>
    tpu.wait_indirect_dma semaphore(%arg8 : memref<!tpu.dma_semaphore, #tpu.memory_space<semaphore_mem>>) src(%arg4 : memref<128xf32, #tpu.memory_space<vmem>>) dst(%dma_wait3A_852 : memref<10240xf32, #tpu.memory_space<vmem_shared>>)
    %dma_wait3A_853 = arith.constant 53 : i32
    %dma_wait3A_854 = arith.constant 0 : i32
    %dma_wait3A_855 = tpu.memref_slice %arg5[%dma_wait3A_853, %dma_wait3A_854] : memref<80x128xi32, #tpu.memory_space<vmem>> -> memref<1x128xi32, #tpu.memory_space<vmem>>
    %dma_wait3A_856 = tpu.memref_squeeze %dma_wait3A_855 : memref<1x128xi32, #tpu.memory_space<vmem>> -> memref<128xi32, #tpu.memory_space<vmem>>
    %dma_wait3A_857 = arith.constant 0 : i32
    %dma_wait3A_858 = tpu.memref_slice %arg7[%dma_wait3A_857] : memref<10240xf32, #tpu.memory_space<vmem_shared>> -> memref<10240xf32, #tpu.memory_space<vmem_shared>>
    tpu.wait_indirect_dma semaphore(%arg8 : memref<!tpu.dma_semaphore, #tpu.memory_space<semaphore_mem>>) src(%arg4 : memref<128xf32, #tpu.memory_space<vmem>>) dst(%dma_wait3A_858 : memref<10240xf32, #tpu.memory_space<vmem_shared>>)
    %dma_wait3A_859 = arith.constant 54 : i32
    %dma_wait3A_860 = arith.constant 0 : i32
    %dma_wait3A_861 = tpu.memref_slice %arg5[%dma_wait3A_859, %dma_wait3A_860] : memref<80x128xi32, #tpu.memory_space<vmem>> -> memref<1x128xi32, #tpu.memory_space<vmem>>
    %dma_wait3A_862 = tpu.memref_squeeze %dma_wait3A_861 : memref<1x128xi32, #tpu.memory_space<vmem>> -> memref<128xi32, #tpu.memory_space<vmem>>
    %dma_wait3A_863 = arith.constant 0 : i32
    %dma_wait3A_864 = tpu.memref_slice %arg7[%dma_wait3A_863] : memref<10240xf32, #tpu.memory_space<vmem_shared>> -> memref<10240xf32, #tpu.memory_space<vmem_shared>>
    tpu.wait_indirect_dma semaphore(%arg8 : memref<!tpu.dma_semaphore, #tpu.memory_space<semaphore_mem>>) src(%arg4 : memref<128xf32, #tpu.memory_space<vmem>>) dst(%dma_wait3A_864 : memref<10240xf32, #tpu.memory_space<vmem_shared>>)
    %dma_wait3A_865 = arith.constant 55 : i32
    %dma_wait3A_866 = arith.constant 0 : i32
    %dma_wait3A_867 = tpu.memref_slice %arg5[%dma_wait3A_865, %dma_wait3A_866] : memref<80x128xi32, #tpu.memory_space<vmem>> -> memref<1x128xi32, #tpu.memory_space<vmem>>
    %dma_wait3A_868 = tpu.memref_squeeze %dma_wait3A_867 : memref<1x128xi32, #tpu.memory_space<vmem>> -> memref<128xi32, #tpu.memory_space<vmem>>
    %dma_wait3A_869 = arith.constant 0 : i32
    %dma_wait3A_870 = tpu.memref_slice %arg7[%dma_wait3A_869] : memref<10240xf32, #tpu.memory_space<vmem_shared>> -> memref<10240xf32, #tpu.memory_space<vmem_shared>>
    tpu.wait_indirect_dma semaphore(%arg8 : memref<!tpu.dma_semaphore, #tpu.memory_space<semaphore_mem>>) src(%arg4 : memref<128xf32, #tpu.memory_space<vmem>>) dst(%dma_wait3A_870 : memref<10240xf32, #tpu.memory_space<vmem_shared>>)
    %dma_wait3A_871 = arith.constant 56 : i32
    %dma_wait3A_872 = arith.constant 0 : i32
    %dma_wait3A_873 = tpu.memref_slice %arg5[%dma_wait3A_871, %dma_wait3A_872] : memref<80x128xi32, #tpu.memory_space<vmem>> -> memref<1x128xi32, #tpu.memory_space<vmem>>
    %dma_wait3A_874 = tpu.memref_squeeze %dma_wait3A_873 : memref<1x128xi32, #tpu.memory_space<vmem>> -> memref<128xi32, #tpu.memory_space<vmem>>
    %dma_wait3A_875 = arith.constant 0 : i32
    %dma_wait3A_876 = tpu.memref_slice %arg7[%dma_wait3A_875] : memref<10240xf32, #tpu.memory_space<vmem_shared>> -> memref<10240xf32, #tpu.memory_space<vmem_shared>>
    tpu.wait_indirect_dma semaphore(%arg8 : memref<!tpu.dma_semaphore, #tpu.memory_space<semaphore_mem>>) src(%arg4 : memref<128xf32, #tpu.memory_space<vmem>>) dst(%dma_wait3A_876 : memref<10240xf32, #tpu.memory_space<vmem_shared>>)
    %dma_wait3A_877 = arith.constant 57 : i32
    %dma_wait3A_878 = arith.constant 0 : i32
    %dma_wait3A_879 = tpu.memref_slice %arg5[%dma_wait3A_877, %dma_wait3A_878] : memref<80x128xi32, #tpu.memory_space<vmem>> -> memref<1x128xi32, #tpu.memory_space<vmem>>
    %dma_wait3A_880 = tpu.memref_squeeze %dma_wait3A_879 : memref<1x128xi32, #tpu.memory_space<vmem>> -> memref<128xi32, #tpu.memory_space<vmem>>
    %dma_wait3A_881 = arith.constant 0 : i32
    %dma_wait3A_882 = tpu.memref_slice %arg7[%dma_wait3A_881] : memref<10240xf32, #tpu.memory_space<vmem_shared>> -> memref<10240xf32, #tpu.memory_space<vmem_shared>>
    tpu.wait_indirect_dma semaphore(%arg8 : memref<!tpu.dma_semaphore, #tpu.memory_space<semaphore_mem>>) src(%arg4 : memref<128xf32, #tpu.memory_space<vmem>>) dst(%dma_wait3A_882 : memref<10240xf32, #tpu.memory_space<vmem_shared>>)
    %dma_wait3A_883 = arith.constant 58 : i32
    %dma_wait3A_884 = arith.constant 0 : i32
    %dma_wait3A_885 = tpu.memref_slice %arg5[%dma_wait3A_883, %dma_wait3A_884] : memref<80x128xi32, #tpu.memory_space<vmem>> -> memref<1x128xi32, #tpu.memory_space<vmem>>
    %dma_wait3A_886 = tpu.memref_squeeze %dma_wait3A_885 : memref<1x128xi32, #tpu.memory_space<vmem>> -> memref<128xi32, #tpu.memory_space<vmem>>
    %dma_wait3A_887 = arith.constant 0 : i32
    %dma_wait3A_888 = tpu.memref_slice %arg7[%dma_wait3A_887] : memref<10240xf32, #tpu.memory_space<vmem_shared>> -> memref<10240xf32, #tpu.memory_space<vmem_shared>>
    tpu.wait_indirect_dma semaphore(%arg8 : memref<!tpu.dma_semaphore, #tpu.memory_space<semaphore_mem>>) src(%arg4 : memref<128xf32, #tpu.memory_space<vmem>>) dst(%dma_wait3A_888 : memref<10240xf32, #tpu.memory_space<vmem_shared>>)
    %dma_wait3A_889 = arith.constant 59 : i32
    %dma_wait3A_890 = arith.constant 0 : i32
    %dma_wait3A_891 = tpu.memref_slice %arg5[%dma_wait3A_889, %dma_wait3A_890] : memref<80x128xi32, #tpu.memory_space<vmem>> -> memref<1x128xi32, #tpu.memory_space<vmem>>
    %dma_wait3A_892 = tpu.memref_squeeze %dma_wait3A_891 : memref<1x128xi32, #tpu.memory_space<vmem>> -> memref<128xi32, #tpu.memory_space<vmem>>
    %dma_wait3A_893 = arith.constant 0 : i32
    %dma_wait3A_894 = tpu.memref_slice %arg7[%dma_wait3A_893] : memref<10240xf32, #tpu.memory_space<vmem_shared>> -> memref<10240xf32, #tpu.memory_space<vmem_shared>>
    tpu.wait_indirect_dma semaphore(%arg8 : memref<!tpu.dma_semaphore, #tpu.memory_space<semaphore_mem>>) src(%arg4 : memref<128xf32, #tpu.memory_space<vmem>>) dst(%dma_wait3A_894 : memref<10240xf32, #tpu.memory_space<vmem_shared>>)
    %dma_wait3A_895 = arith.constant 60 : i32
    %dma_wait3A_896 = arith.constant 0 : i32
    %dma_wait3A_897 = tpu.memref_slice %arg5[%dma_wait3A_895, %dma_wait3A_896] : memref<80x128xi32, #tpu.memory_space<vmem>> -> memref<1x128xi32, #tpu.memory_space<vmem>>
    %dma_wait3A_898 = tpu.memref_squeeze %dma_wait3A_897 : memref<1x128xi32, #tpu.memory_space<vmem>> -> memref<128xi32, #tpu.memory_space<vmem>>
    %dma_wait3A_899 = arith.constant 0 : i32
    %dma_wait3A_900 = tpu.memref_slice %arg7[%dma_wait3A_899] : memref<10240xf32, #tpu.memory_space<vmem_shared>> -> memref<10240xf32, #tpu.memory_space<vmem_shared>>
    tpu.wait_indirect_dma semaphore(%arg8 : memref<!tpu.dma_semaphore, #tpu.memory_space<semaphore_mem>>) src(%arg4 : memref<128xf32, #tpu.memory_space<vmem>>) dst(%dma_wait3A_900 : memref<10240xf32, #tpu.memory_space<vmem_shared>>)
    %dma_wait3A_901 = arith.constant 61 : i32
    %dma_wait3A_902 = arith.constant 0 : i32
    %dma_wait3A_903 = tpu.memref_slice %arg5[%dma_wait3A_901, %dma_wait3A_902] : memref<80x128xi32, #tpu.memory_space<vmem>> -> memref<1x128xi32, #tpu.memory_space<vmem>>
    %dma_wait3A_904 = tpu.memref_squeeze %dma_wait3A_903 : memref<1x128xi32, #tpu.memory_space<vmem>> -> memref<128xi32, #tpu.memory_space<vmem>>
    %dma_wait3A_905 = arith.constant 0 : i32
    %dma_wait3A_906 = tpu.memref_slice %arg7[%dma_wait3A_905] : memref<10240xf32, #tpu.memory_space<vmem_shared>> -> memref<10240xf32, #tpu.memory_space<vmem_shared>>
    tpu.wait_indirect_dma semaphore(%arg8 : memref<!tpu.dma_semaphore, #tpu.memory_space<semaphore_mem>>) src(%arg4 : memref<128xf32, #tpu.memory_space<vmem>>) dst(%dma_wait3A_906 : memref<10240xf32, #tpu.memory_space<vmem_shared>>)
    %dma_wait3A_907 = arith.constant 62 : i32
    %dma_wait3A_908 = arith.constant 0 : i32
    %dma_wait3A_909 = tpu.memref_slice %arg5[%dma_wait3A_907, %dma_wait3A_908] : memref<80x128xi32, #tpu.memory_space<vmem>> -> memref<1x128xi32, #tpu.memory_space<vmem>>
    %dma_wait3A_910 = tpu.memref_squeeze %dma_wait3A_909 : memref<1x128xi32, #tpu.memory_space<vmem>> -> memref<128xi32, #tpu.memory_space<vmem>>
    %dma_wait3A_911 = arith.constant 0 : i32
    %dma_wait3A_912 = tpu.memref_slice %arg7[%dma_wait3A_911] : memref<10240xf32, #tpu.memory_space<vmem_shared>> -> memref<10240xf32, #tpu.memory_space<vmem_shared>>
    tpu.wait_indirect_dma semaphore(%arg8 : memref<!tpu.dma_semaphore, #tpu.memory_space<semaphore_mem>>) src(%arg4 : memref<128xf32, #tpu.memory_space<vmem>>) dst(%dma_wait3A_912 : memref<10240xf32, #tpu.memory_space<vmem_shared>>)
    %dma_wait3A_913 = arith.constant 63 : i32
    %dma_wait3A_914 = arith.constant 0 : i32
    %dma_wait3A_915 = tpu.memref_slice %arg5[%dma_wait3A_913, %dma_wait3A_914] : memref<80x128xi32, #tpu.memory_space<vmem>> -> memref<1x128xi32, #tpu.memory_space<vmem>>
    %dma_wait3A_916 = tpu.memref_squeeze %dma_wait3A_915 : memref<1x128xi32, #tpu.memory_space<vmem>> -> memref<128xi32, #tpu.memory_space<vmem>>
    %dma_wait3A_917 = arith.constant 0 : i32
    %dma_wait3A_918 = tpu.memref_slice %arg7[%dma_wait3A_917] : memref<10240xf32, #tpu.memory_space<vmem_shared>> -> memref<10240xf32, #tpu.memory_space<vmem_shared>>
    tpu.wait_indirect_dma semaphore(%arg8 : memref<!tpu.dma_semaphore, #tpu.memory_space<semaphore_mem>>) src(%arg4 : memref<128xf32, #tpu.memory_space<vmem>>) dst(%dma_wait3A_918 : memref<10240xf32, #tpu.memory_space<vmem_shared>>)
    %dma_wait3A_919 = arith.constant 64 : i32
    %dma_wait3A_920 = arith.constant 0 : i32
    %dma_wait3A_921 = tpu.memref_slice %arg5[%dma_wait3A_919, %dma_wait3A_920] : memref<80x128xi32, #tpu.memory_space<vmem>> -> memref<1x128xi32, #tpu.memory_space<vmem>>
    %dma_wait3A_922 = tpu.memref_squeeze %dma_wait3A_921 : memref<1x128xi32, #tpu.memory_space<vmem>> -> memref<128xi32, #tpu.memory_space<vmem>>
    %dma_wait3A_923 = arith.constant 0 : i32
    %dma_wait3A_924 = tpu.memref_slice %arg7[%dma_wait3A_923] : memref<10240xf32, #tpu.memory_space<vmem_shared>> -> memref<10240xf32, #tpu.memory_space<vmem_shared>>
    tpu.wait_indirect_dma semaphore(%arg8 : memref<!tpu.dma_semaphore, #tpu.memory_space<semaphore_mem>>) src(%arg4 : memref<128xf32, #tpu.memory_space<vmem>>) dst(%dma_wait3A_924 : memref<10240xf32, #tpu.memory_space<vmem_shared>>)
    %dma_wait3A_925 = arith.constant 65 : i32
    %dma_wait3A_926 = arith.constant 0 : i32
    %dma_wait3A_927 = tpu.memref_slice %arg5[%dma_wait3A_925, %dma_wait3A_926] : memref<80x128xi32, #tpu.memory_space<vmem>> -> memref<1x128xi32, #tpu.memory_space<vmem>>
    %dma_wait3A_928 = tpu.memref_squeeze %dma_wait3A_927 : memref<1x128xi32, #tpu.memory_space<vmem>> -> memref<128xi32, #tpu.memory_space<vmem>>
    %dma_wait3A_929 = arith.constant 0 : i32
    %dma_wait3A_930 = tpu.memref_slice %arg7[%dma_wait3A_929] : memref<10240xf32, #tpu.memory_space<vmem_shared>> -> memref<10240xf32, #tpu.memory_space<vmem_shared>>
    tpu.wait_indirect_dma semaphore(%arg8 : memref<!tpu.dma_semaphore, #tpu.memory_space<semaphore_mem>>) src(%arg4 : memref<128xf32, #tpu.memory_space<vmem>>) dst(%dma_wait3A_930 : memref<10240xf32, #tpu.memory_space<vmem_shared>>)
    %dma_wait3A_931 = arith.constant 66 : i32
    %dma_wait3A_932 = arith.constant 0 : i32
    %dma_wait3A_933 = tpu.memref_slice %arg5[%dma_wait3A_931, %dma_wait3A_932] : memref<80x128xi32, #tpu.memory_space<vmem>> -> memref<1x128xi32, #tpu.memory_space<vmem>>
    %dma_wait3A_934 = tpu.memref_squeeze %dma_wait3A_933 : memref<1x128xi32, #tpu.memory_space<vmem>> -> memref<128xi32, #tpu.memory_space<vmem>>
    %dma_wait3A_935 = arith.constant 0 : i32
    %dma_wait3A_936 = tpu.memref_slice %arg7[%dma_wait3A_935] : memref<10240xf32, #tpu.memory_space<vmem_shared>> -> memref<10240xf32, #tpu.memory_space<vmem_shared>>
    tpu.wait_indirect_dma semaphore(%arg8 : memref<!tpu.dma_semaphore, #tpu.memory_space<semaphore_mem>>) src(%arg4 : memref<128xf32, #tpu.memory_space<vmem>>) dst(%dma_wait3A_936 : memref<10240xf32, #tpu.memory_space<vmem_shared>>)
    %dma_wait3A_937 = arith.constant 67 : i32
    %dma_wait3A_938 = arith.constant 0 : i32
    %dma_wait3A_939 = tpu.memref_slice %arg5[%dma_wait3A_937, %dma_wait3A_938] : memref<80x128xi32, #tpu.memory_space<vmem>> -> memref<1x128xi32, #tpu.memory_space<vmem>>
    %dma_wait3A_940 = tpu.memref_squeeze %dma_wait3A_939 : memref<1x128xi32, #tpu.memory_space<vmem>> -> memref<128xi32, #tpu.memory_space<vmem>>
    %dma_wait3A_941 = arith.constant 0 : i32
    %dma_wait3A_942 = tpu.memref_slice %arg7[%dma_wait3A_941] : memref<10240xf32, #tpu.memory_space<vmem_shared>> -> memref<10240xf32, #tpu.memory_space<vmem_shared>>
    tpu.wait_indirect_dma semaphore(%arg8 : memref<!tpu.dma_semaphore, #tpu.memory_space<semaphore_mem>>) src(%arg4 : memref<128xf32, #tpu.memory_space<vmem>>) dst(%dma_wait3A_942 : memref<10240xf32, #tpu.memory_space<vmem_shared>>)
    %dma_wait3A_943 = arith.constant 68 : i32
    %dma_wait3A_944 = arith.constant 0 : i32
    %dma_wait3A_945 = tpu.memref_slice %arg5[%dma_wait3A_943, %dma_wait3A_944] : memref<80x128xi32, #tpu.memory_space<vmem>> -> memref<1x128xi32, #tpu.memory_space<vmem>>
    %dma_wait3A_946 = tpu.memref_squeeze %dma_wait3A_945 : memref<1x128xi32, #tpu.memory_space<vmem>> -> memref<128xi32, #tpu.memory_space<vmem>>
    %dma_wait3A_947 = arith.constant 0 : i32
    %dma_wait3A_948 = tpu.memref_slice %arg7[%dma_wait3A_947] : memref<10240xf32, #tpu.memory_space<vmem_shared>> -> memref<10240xf32, #tpu.memory_space<vmem_shared>>
    tpu.wait_indirect_dma semaphore(%arg8 : memref<!tpu.dma_semaphore, #tpu.memory_space<semaphore_mem>>) src(%arg4 : memref<128xf32, #tpu.memory_space<vmem>>) dst(%dma_wait3A_948 : memref<10240xf32, #tpu.memory_space<vmem_shared>>)
    %dma_wait3A_949 = arith.constant 69 : i32
    %dma_wait3A_950 = arith.constant 0 : i32
    %dma_wait3A_951 = tpu.memref_slice %arg5[%dma_wait3A_949, %dma_wait3A_950] : memref<80x128xi32, #tpu.memory_space<vmem>> -> memref<1x128xi32, #tpu.memory_space<vmem>>
    %dma_wait3A_952 = tpu.memref_squeeze %dma_wait3A_951 : memref<1x128xi32, #tpu.memory_space<vmem>> -> memref<128xi32, #tpu.memory_space<vmem>>
    %dma_wait3A_953 = arith.constant 0 : i32
    %dma_wait3A_954 = tpu.memref_slice %arg7[%dma_wait3A_953] : memref<10240xf32, #tpu.memory_space<vmem_shared>> -> memref<10240xf32, #tpu.memory_space<vmem_shared>>
    tpu.wait_indirect_dma semaphore(%arg8 : memref<!tpu.dma_semaphore, #tpu.memory_space<semaphore_mem>>) src(%arg4 : memref<128xf32, #tpu.memory_space<vmem>>) dst(%dma_wait3A_954 : memref<10240xf32, #tpu.memory_space<vmem_shared>>)
    %dma_wait3A_955 = arith.constant 70 : i32
    %dma_wait3A_956 = arith.constant 0 : i32
    %dma_wait3A_957 = tpu.memref_slice %arg5[%dma_wait3A_955, %dma_wait3A_956] : memref<80x128xi32, #tpu.memory_space<vmem>> -> memref<1x128xi32, #tpu.memory_space<vmem>>
    %dma_wait3A_958 = tpu.memref_squeeze %dma_wait3A_957 : memref<1x128xi32, #tpu.memory_space<vmem>> -> memref<128xi32, #tpu.memory_space<vmem>>
    %dma_wait3A_959 = arith.constant 0 : i32
    %dma_wait3A_960 = tpu.memref_slice %arg7[%dma_wait3A_959] : memref<10240xf32, #tpu.memory_space<vmem_shared>> -> memref<10240xf32, #tpu.memory_space<vmem_shared>>
    tpu.wait_indirect_dma semaphore(%arg8 : memref<!tpu.dma_semaphore, #tpu.memory_space<semaphore_mem>>) src(%arg4 : memref<128xf32, #tpu.memory_space<vmem>>) dst(%dma_wait3A_960 : memref<10240xf32, #tpu.memory_space<vmem_shared>>)
    %dma_wait3A_961 = arith.constant 71 : i32
    %dma_wait3A_962 = arith.constant 0 : i32
    %dma_wait3A_963 = tpu.memref_slice %arg5[%dma_wait3A_961, %dma_wait3A_962] : memref<80x128xi32, #tpu.memory_space<vmem>> -> memref<1x128xi32, #tpu.memory_space<vmem>>
    %dma_wait3A_964 = tpu.memref_squeeze %dma_wait3A_963 : memref<1x128xi32, #tpu.memory_space<vmem>> -> memref<128xi32, #tpu.memory_space<vmem>>
    %dma_wait3A_965 = arith.constant 0 : i32
    %dma_wait3A_966 = tpu.memref_slice %arg7[%dma_wait3A_965] : memref<10240xf32, #tpu.memory_space<vmem_shared>> -> memref<10240xf32, #tpu.memory_space<vmem_shared>>
    tpu.wait_indirect_dma semaphore(%arg8 : memref<!tpu.dma_semaphore, #tpu.memory_space<semaphore_mem>>) src(%arg4 : memref<128xf32, #tpu.memory_space<vmem>>) dst(%dma_wait3A_966 : memref<10240xf32, #tpu.memory_space<vmem_shared>>)
    %dma_wait3A_967 = arith.constant 72 : i32
    %dma_wait3A_968 = arith.constant 0 : i32
    %dma_wait3A_969 = tpu.memref_slice %arg5[%dma_wait3A_967, %dma_wait3A_968] : memref<80x128xi32, #tpu.memory_space<vmem>> -> memref<1x128xi32, #tpu.memory_space<vmem>>
    %dma_wait3A_970 = tpu.memref_squeeze %dma_wait3A_969 : memref<1x128xi32, #tpu.memory_space<vmem>> -> memref<128xi32, #tpu.memory_space<vmem>>
    %dma_wait3A_971 = arith.constant 0 : i32
    %dma_wait3A_972 = tpu.memref_slice %arg7[%dma_wait3A_971] : memref<10240xf32, #tpu.memory_space<vmem_shared>> -> memref<10240xf32, #tpu.memory_space<vmem_shared>>
    tpu.wait_indirect_dma semaphore(%arg8 : memref<!tpu.dma_semaphore, #tpu.memory_space<semaphore_mem>>) src(%arg4 : memref<128xf32, #tpu.memory_space<vmem>>) dst(%dma_wait3A_972 : memref<10240xf32, #tpu.memory_space<vmem_shared>>)
    %dma_wait3A_973 = arith.constant 73 : i32
    %dma_wait3A_974 = arith.constant 0 : i32
    %dma_wait3A_975 = tpu.memref_slice %arg5[%dma_wait3A_973, %dma_wait3A_974] : memref<80x128xi32, #tpu.memory_space<vmem>> -> memref<1x128xi32, #tpu.memory_space<vmem>>
    %dma_wait3A_976 = tpu.memref_squeeze %dma_wait3A_975 : memref<1x128xi32, #tpu.memory_space<vmem>> -> memref<128xi32, #tpu.memory_space<vmem>>
    %dma_wait3A_977 = arith.constant 0 : i32
    %dma_wait3A_978 = tpu.memref_slice %arg7[%dma_wait3A_977] : memref<10240xf32, #tpu.memory_space<vmem_shared>> -> memref<10240xf32, #tpu.memory_space<vmem_shared>>
    tpu.wait_indirect_dma semaphore(%arg8 : memref<!tpu.dma_semaphore, #tpu.memory_space<semaphore_mem>>) src(%arg4 : memref<128xf32, #tpu.memory_space<vmem>>) dst(%dma_wait3A_978 : memref<10240xf32, #tpu.memory_space<vmem_shared>>)
    %dma_wait3A_979 = arith.constant 74 : i32
    %dma_wait3A_980 = arith.constant 0 : i32
    %dma_wait3A_981 = tpu.memref_slice %arg5[%dma_wait3A_979, %dma_wait3A_980] : memref<80x128xi32, #tpu.memory_space<vmem>> -> memref<1x128xi32, #tpu.memory_space<vmem>>
    %dma_wait3A_982 = tpu.memref_squeeze %dma_wait3A_981 : memref<1x128xi32, #tpu.memory_space<vmem>> -> memref<128xi32, #tpu.memory_space<vmem>>
    %dma_wait3A_983 = arith.constant 0 : i32
    %dma_wait3A_984 = tpu.memref_slice %arg7[%dma_wait3A_983] : memref<10240xf32, #tpu.memory_space<vmem_shared>> -> memref<10240xf32, #tpu.memory_space<vmem_shared>>
    tpu.wait_indirect_dma semaphore(%arg8 : memref<!tpu.dma_semaphore, #tpu.memory_space<semaphore_mem>>) src(%arg4 : memref<128xf32, #tpu.memory_space<vmem>>) dst(%dma_wait3A_984 : memref<10240xf32, #tpu.memory_space<vmem_shared>>)
    %dma_wait3A_985 = arith.constant 75 : i32
    %dma_wait3A_986 = arith.constant 0 : i32
    %dma_wait3A_987 = tpu.memref_slice %arg5[%dma_wait3A_985, %dma_wait3A_986] : memref<80x128xi32, #tpu.memory_space<vmem>> -> memref<1x128xi32, #tpu.memory_space<vmem>>
    %dma_wait3A_988 = tpu.memref_squeeze %dma_wait3A_987 : memref<1x128xi32, #tpu.memory_space<vmem>> -> memref<128xi32, #tpu.memory_space<vmem>>
    %dma_wait3A_989 = arith.constant 0 : i32
    %dma_wait3A_990 = tpu.memref_slice %arg7[%dma_wait3A_989] : memref<10240xf32, #tpu.memory_space<vmem_shared>> -> memref<10240xf32, #tpu.memory_space<vmem_shared>>
    tpu.wait_indirect_dma semaphore(%arg8 : memref<!tpu.dma_semaphore, #tpu.memory_space<semaphore_mem>>) src(%arg4 : memref<128xf32, #tpu.memory_space<vmem>>) dst(%dma_wait3A_990 : memref<10240xf32, #tpu.memory_space<vmem_shared>>)
    %dma_wait3A_991 = arith.constant 76 : i32
    %dma_wait3A_992 = arith.constant 0 : i32
    %dma_wait3A_993 = tpu.memref_slice %arg5[%dma_wait3A_991, %dma_wait3A_992] : memref<80x128xi32, #tpu.memory_space<vmem>> -> memref<1x128xi32, #tpu.memory_space<vmem>>
    %dma_wait3A_994 = tpu.memref_squeeze %dma_wait3A_993 : memref<1x128xi32, #tpu.memory_space<vmem>> -> memref<128xi32, #tpu.memory_space<vmem>>
    %dma_wait3A_995 = arith.constant 0 : i32
    %dma_wait3A_996 = tpu.memref_slice %arg7[%dma_wait3A_995] : memref<10240xf32, #tpu.memory_space<vmem_shared>> -> memref<10240xf32, #tpu.memory_space<vmem_shared>>
    tpu.wait_indirect_dma semaphore(%arg8 : memref<!tpu.dma_semaphore, #tpu.memory_space<semaphore_mem>>) src(%arg4 : memref<128xf32, #tpu.memory_space<vmem>>) dst(%dma_wait3A_996 : memref<10240xf32, #tpu.memory_space<vmem_shared>>)
    %dma_wait3A_997 = arith.constant 77 : i32
    %dma_wait3A_998 = arith.constant 0 : i32
    %dma_wait3A_999 = tpu.memref_slice %arg5[%dma_wait3A_997, %dma_wait3A_998] : memref<80x128xi32, #tpu.memory_space<vmem>> -> memref<1x128xi32, #tpu.memory_space<vmem>>
    %dma_wait3A_1000 = tpu.memref_squeeze %dma_wait3A_999 : memref<1x128xi32, #tpu.memory_space<vmem>> -> memref<128xi32, #tpu.memory_space<vmem>>
    %dma_wait3A_1001 = arith.constant 0 : i32
    %dma_wait3A_1002 = tpu.memref_slice %arg7[%dma_wait3A_1001] : memref<10240xf32, #tpu.memory_space<vmem_shared>> -> memref<10240xf32, #tpu.memory_space<vmem_shared>>
    tpu.wait_indirect_dma semaphore(%arg8 : memref<!tpu.dma_semaphore, #tpu.memory_space<semaphore_mem>>) src(%arg4 : memref<128xf32, #tpu.memory_space<vmem>>) dst(%dma_wait3A_1002 : memref<10240xf32, #tpu.memory_space<vmem_shared>>)
    %dma_wait3A_1003 = arith.constant 78 : i32
    %dma_wait3A_1004 = arith.constant 0 : i32
    %dma_wait3A_1005 = tpu.memref_slice %arg5[%dma_wait3A_1003, %dma_wait3A_1004] : memref<80x128xi32, #tpu.memory_space<vmem>> -> memref<1x128xi32, #tpu.memory_space<vmem>>
    %dma_wait3A_1006 = tpu.memref_squeeze %dma_wait3A_1005 : memref<1x128xi32, #tpu.memory_space<vmem>> -> memref<128xi32, #tpu.memory_space<vmem>>
    %dma_wait3A_1007 = arith.constant 0 : i32
    %dma_wait3A_1008 = tpu.memref_slice %arg7[%dma_wait3A_1007] : memref<10240xf32, #tpu.memory_space<vmem_shared>> -> memref<10240xf32, #tpu.memory_space<vmem_shared>>
    tpu.wait_indirect_dma semaphore(%arg8 : memref<!tpu.dma_semaphore, #tpu.memory_space<semaphore_mem>>) src(%arg4 : memref<128xf32, #tpu.memory_space<vmem>>) dst(%dma_wait3A_1008 : memref<10240xf32, #tpu.memory_space<vmem_shared>>)
    %dma_wait3A_1009 = arith.constant 79 : i32
    %dma_wait3A_1010 = arith.constant 0 : i32
    %dma_wait3A_1011 = tpu.memref_slice %arg5[%dma_wait3A_1009, %dma_wait3A_1010] : memref<80x128xi32, #tpu.memory_space<vmem>> -> memref<1x128xi32, #tpu.memory_space<vmem>>
    %dma_wait3A_1012 = tpu.memref_squeeze %dma_wait3A_1011 : memref<1x128xi32, #tpu.memory_space<vmem>> -> memref<128xi32, #tpu.memory_space<vmem>>
    %dma_wait3A_1013 = arith.constant 0 : i32
    %dma_wait3A_1014 = tpu.memref_slice %arg7[%dma_wait3A_1013] : memref<10240xf32, #tpu.memory_space<vmem_shared>> -> memref<10240xf32, #tpu.memory_space<vmem_shared>>
    tpu.wait_indirect_dma semaphore(%arg8 : memref<!tpu.dma_semaphore, #tpu.memory_space<semaphore_mem>>) src(%arg4 : memref<128xf32, #tpu.memory_space<vmem>>) dst(%dma_wait3A_1014 : memref<10240xf32, #tpu.memory_space<vmem_shared>>)
    %barrier3A_1015 = arith.constant 0 : index
    tpu.barrier barrier_id(%barrier3A_1015)
    %mul3A_1016 = arith.constant 640 : i32
    %mul3A_1017 = arith.muli %arg1, %mul3A_1016 : i32
    %mul3A_1018 = arith.constant 640 : i32
    %mul3A_1019 = arith.muli %arg1, %mul3A_1018 : i32
    "tpu.region"() ({
      %run_scoped3A_1020 = tpu.sem_alloc : memref<!tpu.dma_semaphore, #tpu.memory_space<semaphore_mem>>
      %dma_start3A_1021 = tpu.memref_slice %arg3[%arg0, %mul3A_1019] : memref<2x10240xf32, #tpu.memory_space<hbm>> -> memref<1x640xf32, #tpu.memory_space<hbm>>
      %dma_start3A_1022 = tpu.memref_squeeze %dma_start3A_1021 : memref<1x640xf32, #tpu.memory_space<hbm>> -> memref<640xf32, #tpu.memory_space<hbm>>
      %dma_start3A_1023 = tpu.memref_slice %arg7[%mul3A_1017] : memref<10240xf32, #tpu.memory_space<vmem_shared>> -> memref<640xf32, #tpu.memory_space<vmem_shared>>
      tpu.enqueue_dma source(%dma_start3A_1023 : memref<640xf32, #tpu.memory_space<vmem_shared>>) target(%dma_start3A_1022 : memref<640xf32, #tpu.memory_space<hbm>>) target_semaphore(%run_scoped3A_1020 : memref<!tpu.dma_semaphore, #tpu.memory_space<semaphore_mem>>)
      %dma_wait3A_1024 = tpu.memref_slice %arg3[%arg0, %mul3A_1019] : memref<2x10240xf32, #tpu.memory_space<hbm>> -> memref<1x640xf32, #tpu.memory_space<hbm>>
      %dma_wait3A_1025 = tpu.memref_squeeze %dma_wait3A_1024 : memref<1x640xf32, #tpu.memory_space<hbm>> -> memref<640xf32, #tpu.memory_space<hbm>>
      %dma_wait3A_1026 = tpu.memref_slice %arg7[%mul3A_1017] : memref<10240xf32, #tpu.memory_space<vmem_shared>> -> memref<640xf32, #tpu.memory_space<vmem_shared>>
      tpu.wait_dma2 semaphore(%run_scoped3A_1020 : memref<!tpu.dma_semaphore, #tpu.memory_space<semaphore_mem>>) src(%dma_wait3A_1026 : memref<640xf32, #tpu.memory_space<vmem_shared>>) dst(%dma_wait3A_1025 : memref<640xf32, #tpu.memory_space<hbm>>)
      tpu.yield
    }) : () -> ()
    return
  }
}

module attributes {stable_mosaic.version = 14 : i64} {
  func.func @_tc1_body(%arg0: i32, %arg1: memref<1024x128xf32, #tpu.memory_space<vmem>>, %arg2: memref<2x10240xf32, #tpu.memory_space<vmem>>, %arg3: memref<128x128xf32, #tpu.memory_space<vmem>>, %arg4: memref<1024x128xf32, #tpu.memory_space<vmem>>) attributes {dimension_semantics = [#tpu.dimension_semantics<arbitrary>], iteration_bounds = array<i64: 10>, scalar_prefetch = 0 : i64, scratch_operands = 0 : i64, tpu.core_type = #tpu.core_type<tc>, window_params = [{transform_indices = @transform_0, window_bounds = array<i64: 1024, 128>}, {pipeline_mode = #tpu.pipeline_mode<synchronous>, transform_indices = @transform_1, window_bounds = array<i64: 2, 10240>}, {pipeline_mode = #tpu.pipeline_mode<synchronous>, transform_indices = @transform_2, window_bounds = array<i64: 128, 128>}, {transform_indices = @transform_3, window_bounds = array<i64: 1024, 128>}]} {
    %get3A = arith.constant 0 : index
    %get3A_0 = arith.constant 0 : index
    %get3A_1 = vector.load %arg1[%get3A, %get3A_0] : memref<1024x128xf32, #tpu.memory_space<vmem>>, vector<1024x128xf32>
    %get3A_2 = arith.constant 0 : index
    %get3A_3 = arith.constant 0 : index
    %get3A_4 = vector.load %arg3[%get3A_2, %get3A_3] : memref<128x128xf32, #tpu.memory_space<vmem>>, vector<128x128xf32>
    %dot_general3A = arith.constant dense<0.000000e+00> : vector<1024x128xf32>
    %dot_general3A_5 = tpu.matmul %get3A_1, %get3A_4, %dot_general3A {dimension_numbers = #tpu.dot_dimension_numbers<[1], [0], [0], [1], [0, 0, 1, 1], [], []>, transpose_lhs_hint = false} : vector<1024x128xf32>, vector<128x128xf32>, vector<1024x128xf32> -> vector<1024x128xf32>
    %mul3A = arith.constant 1024 : i32
    %mul3A_6 = arith.muli %arg0, %mul3A : i32
    %get3A_7 = arith.constant 0 : index
    %get3A_8 = arith.index_cast %mul3A_6 : i32 to index
    %get3A_9 = vector.load %arg2[%get3A_7, %get3A_8] : memref<2x10240xf32, #tpu.memory_space<vmem>>, vector<1x1024xf32>
    %get3A_10 = vector.shape_cast %get3A_9 : vector<1x1024xf32> to vector<1024xf32>
    %mul3A_11 = arith.constant 1024 : i32
    %mul3A_12 = arith.muli %arg0, %mul3A_11 : i32
    %get3A_13 = arith.constant 1 : index
    %get3A_14 = arith.index_cast %mul3A_12 : i32 to index
    %get3A_15 = vector.load %arg2[%get3A_13, %get3A_14] : memref<2x10240xf32, #tpu.memory_space<vmem>>, vector<1x1024xf32>
    %get3A_16 = vector.shape_cast %get3A_15 : vector<1x1024xf32> to vector<1024xf32>
    %add3A = arith.addf %get3A_10, %get3A_16 : vector<1024xf32>
    %add3A_17 = arith.constant 1.000000e+00 : f32
    %add3A_18 = vector.broadcast %add3A_17 : f32 to vector<1024xf32>
    %add3A_19 = arith.addf %add3A, %add3A_18 : vector<1024xf32>
    %rsqrt3A = math.rsqrt %add3A_19 : vector<1024xf32>
    %broadcast_in_dim3A = vector.shape_cast %rsqrt3A : vector<1024xf32> to vector<1024x1xf32>
    %mul3A_20 = vector.broadcast %broadcast_in_dim3A : vector<1024x1xf32> to vector<1024x128xf32>
    %mul3A_21 = arith.mulf %dot_general3A_5, %mul3A_20 : vector<1024x128xf32>
    %swap3A = arith.constant 0 : index
    %swap3A_22 = arith.constant 0 : index
    %swap3A_23 = vector.load %arg4[%swap3A, %swap3A_22] : memref<1024x128xf32, #tpu.memory_space<vmem>>, vector<1024x128xf32>
    tpu.vector_store %arg4[%swap3A, %swap3A_22], %mul3A_21 {strides = array<i32>} : memref<1024x128xf32, #tpu.memory_space<vmem>>, vector<1024x128xf32>,
    return
  }
  func.func @transform_0(%arg0: i32) -> (i32, i32) {
    %c0_i32 = arith.constant 0 : i32
    %c0_i32_0 = arith.constant 0 : i32
    return %arg0, %c0_i32 : i32, i32
  }
  func.func @transform_1(%arg0: i32) -> (i32, i32) {
    %c0_i32 = arith.constant 0 : i32
    %c0_i32_0 = arith.constant 0 : i32
    %c0_i32_1 = arith.constant 0 : i32
    return %c0_i32, %c0_i32_0 : i32, i32
  }
  func.func @transform_2(%arg0: i32) -> (i32, i32) {
    %c0_i32 = arith.constant 0 : i32
    %c0_i32_0 = arith.constant 0 : i32
    %c0_i32_1 = arith.constant 0 : i32
    return %c0_i32, %c0_i32_0 : i32, i32
  }
  func.func @transform_3(%arg0: i32) -> (i32, i32) {
    %c0_i32 = arith.constant 0 : i32
    %c0_i32_0 = arith.constant 0 : i32
    return %arg0, %c0_i32 : i32, i32
  }
}

module attributes {stable_mosaic.version = 14 : i64} {
  func.func @_tc2_body(%arg0: i32, %arg1: memref<2x1024x128xf32, #tpu.memory_space<vmem>>, %arg2: memref<1024x128xf32, #tpu.memory_space<vmem>>, %arg3: memref<2x10240xf32, #tpu.memory_space<vmem>>, %arg4: memref<1x128xf32, #tpu.memory_space<vmem>>, %arg5: memref<128x1xf32, #tpu.memory_space<vmem>>, %arg6: memref<1x1xf32, #tpu.memory_space<vmem>>, %arg7: memref<1024x1xf32, #tpu.memory_space<vmem>>, %arg8: memref<1024x128xf32, #tpu.memory_space<vmem>>) attributes {dimension_semantics = [#tpu.dimension_semantics<arbitrary>], iteration_bounds = array<i64: 10>, scalar_prefetch = 0 : i64, scratch_operands = 0 : i64, tpu.core_type = #tpu.core_type<tc>, window_params = [{transform_indices = @transform_0, window_bounds = array<i64: 2, 1024, 128>}, {transform_indices = @transform_1, window_bounds = array<i64: 1024, 128>}, {pipeline_mode = #tpu.pipeline_mode<synchronous>, transform_indices = @transform_2, window_bounds = array<i64: 2, 10240>}, {pipeline_mode = #tpu.pipeline_mode<synchronous>, transform_indices = @transform_3, window_bounds = array<i64: 1, 128>}, {pipeline_mode = #tpu.pipeline_mode<synchronous>, transform_indices = @transform_4, window_bounds = array<i64: 128, 1>}, {pipeline_mode = #tpu.pipeline_mode<synchronous>, transform_indices = @transform_5, window_bounds = array<i64: 1, 1>}, {transform_indices = @transform_6, window_bounds = array<i64: 1024, 1>}, {transform_indices = @transform_7, window_bounds = array<i64: 1024, 128>}]} {
    %mul3A = arith.constant 1024 : i32
    %mul3A_0 = arith.muli %arg0, %mul3A : i32
    %get3A = arith.constant 0 : index
    %get3A_1 = arith.index_cast %mul3A_0 : i32 to index
    %get3A_2 = vector.load %arg3[%get3A, %get3A_1] : memref<2x10240xf32, #tpu.memory_space<vmem>>, vector<1x1024xf32>
    %get3A_3 = vector.shape_cast %get3A_2 : vector<1x1024xf32> to vector<1024xf32>
    %mul3A_4 = arith.constant 1024 : i32
    %mul3A_5 = arith.muli %arg0, %mul3A_4 : i32
    %get3A_6 = arith.constant 1 : index
    %get3A_7 = arith.index_cast %mul3A_5 : i32 to index
    %get3A_8 = vector.load %arg3[%get3A_6, %get3A_7] : memref<2x10240xf32, #tpu.memory_space<vmem>>, vector<1x1024xf32>
    %get3A_9 = vector.shape_cast %get3A_8 : vector<1x1024xf32> to vector<1024xf32>
    %add3A = arith.addf %get3A_3, %get3A_9 : vector<1024xf32>
    %add3A_10 = arith.constant 1.000000e+00 : f32
    %add3A_11 = vector.broadcast %add3A_10 : f32 to vector<1024xf32>
    %add3A_12 = arith.addf %add3A, %add3A_11 : vector<1024xf32>
    %rsqrt3A = math.rsqrt %add3A_12 : vector<1024xf32>
    %broadcast_in_dim3A = vector.shape_cast %rsqrt3A : vector<1024xf32> to vector<1024x1xf32>
    %get3A_13 = arith.constant 0 : index
    %get3A_14 = arith.constant 0 : index
    %get3A_15 = arith.constant 0 : index
    %get3A_16 = vector.load %arg1[%get3A_13, %get3A_14, %get3A_15] : memref<2x1024x128xf32, #tpu.memory_space<vmem>>, vector<1x1024x128xf32>
    %get3A_17 = vector.shape_cast %get3A_16 : vector<1x1024x128xf32> to vector<1024x128xf32>
    %get3A_18 = arith.constant 1 : index
    %get3A_19 = arith.constant 0 : index
    %get3A_20 = arith.constant 0 : index
    %get3A_21 = vector.load %arg1[%get3A_18, %get3A_19, %get3A_20] : memref<2x1024x128xf32, #tpu.memory_space<vmem>>, vector<1x1024x128xf32>
    %get3A_22 = vector.shape_cast %get3A_21 : vector<1x1024x128xf32> to vector<1024x128xf32>
    %add3A_23 = arith.addf %get3A_17, %get3A_22 : vector<1024x128xf32>
    %get3A_24 = arith.constant 0 : index
    %get3A_25 = arith.constant 0 : index
    %get3A_26 = vector.load %arg2[%get3A_24, %get3A_25] : memref<1024x128xf32, #tpu.memory_space<vmem>>, vector<1024x128xf32>
    %add3A_27 = arith.addf %add3A_23, %get3A_26 : vector<1024x128xf32>
    %mul3A_28 = vector.broadcast %broadcast_in_dim3A : vector<1024x1xf32> to vector<1024x128xf32>
    %mul3A_29 = arith.mulf %mul3A_28, %add3A_27 : vector<1024x128xf32>
    %get3A_30 = arith.constant 0 : index
    %get3A_31 = arith.constant 0 : index
    %get3A_32 = vector.load %arg4[%get3A_30, %get3A_31] : memref<1x128xf32, #tpu.memory_space<vmem>>, vector<1x128xf32>
    %add3A_33 = vector.broadcast %get3A_32 : vector<1x128xf32> to vector<1024x128xf32>
    %add3A_34 = arith.addf %mul3A_29, %add3A_33 : vector<1024x128xf32>
    %swap3A = arith.constant 0 : index
    %swap3A_35 = arith.constant 0 : index
    %swap3A_36 = vector.load %arg8[%swap3A, %swap3A_35] : memref<1024x128xf32, #tpu.memory_space<vmem>>, vector<1024x128xf32>
    tpu.vector_store %arg8[%swap3A, %swap3A_35], %add3A_34 {strides = array<i32>} : memref<1024x128xf32, #tpu.memory_space<vmem>>, vector<1024x128xf32>,
    %get3A_37 = arith.constant 0 : index
    %get3A_38 = arith.constant 0 : index
    %get3A_39 = vector.load %arg5[%get3A_37, %get3A_38] : memref<128x1xf32, #tpu.memory_space<vmem>>, vector<128x1xf32>
    %dot_general3A = arith.constant dense<0.000000e+00> : vector<1024x1xf32>
    %dot_general3A_40 = tpu.matmul %add3A_34, %get3A_39, %dot_general3A {dimension_numbers = #tpu.dot_dimension_numbers<[1], [0], [0], [1], [0, 0, 1, 1], [], []>, transpose_lhs_hint = false} : vector<1024x128xf32>, vector<128x1xf32>, vector<1024x1xf32> -> vector<1024x1xf32>
    %get3A_41 = arith.constant 0 : index
    %get3A_42 = arith.constant 0 : index
    %get3A_43 = vector.load %arg6[%get3A_41, %get3A_42] : memref<1x1xf32, #tpu.memory_space<vmem>>, vector<1x1xf32>
    %add3A_44 = vector.broadcast %get3A_43 : vector<1x1xf32> to vector<1024x1xf32>
    %add3A_45 = arith.addf %dot_general3A_40, %add3A_44 : vector<1024x1xf32>
    %swap3A_46 = arith.constant 0 : index
    %swap3A_47 = arith.constant 0 : index
    %swap3A_48 = vector.load %arg7[%swap3A_46, %swap3A_47] : memref<1024x1xf32, #tpu.memory_space<vmem>>, vector<1024x1xf32>
    tpu.vector_store %arg7[%swap3A_46, %swap3A_47], %add3A_45 {strides = array<i32>} : memref<1024x1xf32, #tpu.memory_space<vmem>>, vector<1024x1xf32>,
    return
  }
  func.func @transform_0(%arg0: i32) -> (i32, i32, i32) {
    %c0_i32 = arith.constant 0 : i32
    %c0_i32_0 = arith.constant 0 : i32
    %c0_i32_1 = arith.constant 0 : i32
    return %c0_i32, %arg0, %c0_i32_0 : i32, i32, i32
  }
  func.func @transform_1(%arg0: i32) -> (i32, i32) {
    %c0_i32 = arith.constant 0 : i32
    %c0_i32_0 = arith.constant 0 : i32
    return %arg0, %c0_i32 : i32, i32
  }
  func.func @transform_2(%arg0: i32) -> (i32, i32) {
    %c0_i32 = arith.constant 0 : i32
    %c0_i32_0 = arith.constant 0 : i32
    %c0_i32_1 = arith.constant 0 : i32
    return %c0_i32, %c0_i32_0 : i32, i32
  }
  func.func @transform_3(%arg0: i32) -> (i32, i32) {
    %c0_i32 = arith.constant 0 : i32
    %c0_i32_0 = arith.constant 0 : i32
    %c0_i32_1 = arith.constant 0 : i32
    return %c0_i32, %c0_i32_0 : i32, i32
  }
  func.func @transform_4(%arg0: i32) -> (i32, i32) {
    %c0_i32 = arith.constant 0 : i32
    %c0_i32_0 = arith.constant 0 : i32
    %c0_i32_1 = arith.constant 0 : i32
    return %c0_i32, %c0_i32_0 : i32, i32
  }
  func.func @transform_5(%arg0: i32) -> (i32, i32) {
    %c0_i32 = arith.constant 0 : i32
    %c0_i32_0 = arith.constant 0 : i32
    %c0_i32_1 = arith.constant 0 : i32
    return %c0_i32, %c0_i32_0 : i32, i32
  }
  func.func @transform_6(%arg0: i32) -> (i32, i32) {
    %c0_i32 = arith.constant 0 : i32
    %c0_i32_0 = arith.constant 0 : i32
    return %arg0, %c0_i32 : i32, i32
  }
  func.func @transform_7(%arg0: i32) -> (i32, i32) {
    %c0_i32 = arith.constant 0 : i32
    %c0_i32_0 = arith.constant 0 : i32
    return %arg0, %c0_i32 : i32, i32
  }
}

</mosaic_0001>

<sc_bundles>
// kernel: kernel.6.cloned.1.call-start
scs
__scs_entry_jumppad:
0x0: {  	(pc) =	sbr.rel $0x88, $3  }
0x1: {  	(tag) =	ssettag $0x0;
	lr =	simm.s32 $0x1  }
0x2: {  	[smem:$0x3F9B] =	sst lr;
	_ =	strace $0xD0000000  }
0x3: {  	_ = 	snop  }
0x4: {  	_ = 	snop  }
0x5: {  	_ = 	snop  }
0x6: {  	_ = 	snop  }
0x7: {  	_ = 	snop  }
__scs_overlays_trampoline_lowered:
0x8: {  	[smem:$0x3FAA] =	sst s0  }
0x9: {  	[smem:$0x3FAB] =	sst s1  }
0xa: {  	[smem:$0x3FAC] =	sst s2  }
0xb: {  	[smem:$0x3FAD] =	sst s3  }
0xc: {  	[smem:$0x3FAE] =	sst s4  }
0xd: {  	[smem:$0x3FAF] =	sst s5  }
0xe: {  	[smem:$0x3FB0] =	sst s6  }
0xf: {  	[smem:$0x3FB1] =	sst s7  }
0x10: {  	[smem:$0x3FB2] =	sst s8  }
0x11: {  	[smem:$0x3FB3] =	sst s9;
	s0 =	simm.s32 @!p0 $0x0  }
0x12: {  	s1 =	sld [smem:$0x3F99];
	s0 =	simm.s32 @p0 $0x1  }
0x13: {  	[smem:$0x3FB4] =	sst s0;
	s0 =	simm.s32 @!p1 $0x0  }
0x14: {  	s2 =	sld [smem:$0x3F98];
	s0 =	simm.s32 @p1 $0x1  }
0x15: {  	[smem:$0x3FB5] =	sst s0;
	s0 =	simm.s32 @!p2 $0x0  }
0x16: {  	s3 =	sld [smem:$0x3FDB];
	s0 =	simm.s32 @p2 $0x1  }
0x17: {  	s4 =	simm.s32 $0x1BF5;
	[smem:$0x3FB7] =	sst s0  }
0x18: {  	s0 =	sld [smem:$0x3F9A];
	_ =	swait.ge [sflag:s4], $0x0  }
0x19: {  	s7 =	sld [smem:$0x3F9B]  }
0x1a: {  	s8 =	sadd.s32 $0xFFFFE003, lr  }
0x1b: {  	s9 =	sadd.s32 $0xFFFFFEF7, lr;
	s5 =	simm.s32 $0xFFFFFFFF;
	p2 =	slt.u32 s8, $0xFFFFF086  }
0x1c: {  	p1 =	slt.u32 s9, $0xF7A;
	s5 =	simm.s32 @!p2 $0x0  }
0x1d: {  	s5 =	simm.s32 @p1 $0x1;
	p0 =	seq.s32 s7, s2  }
0x1e: {  	s7 =	smul.u32 @!p0 $0xF7A, s2;
	p2 =	seq.s32 @!p0 s5, $0x0  }
0x1f: {  	s9 =	smul.u32 $0xF7A, s1;
	s8 =	simm.s32 @!p0 $0x1BF5;
	p2 =	por !p2, p0  }
0x20: {  	[sflag:s8] =	ssyncset.s32 @!p0 $0xFFFFF086;
	s6 =	sadd.s32 @!p0 s3, s7;
	s7 =	simm.s32 @!p0 $0x108  }
0x21: {  	s3 =	sadd.s32 s3, s9;
	s6 =	sadd.s32 @!p0 $0x88, s6;
	s7 =	simm.s32 @p2 $0x1082  }
0x22: {  	[simem:s7], [sflag:s8] =	dma.local @!p0 [hbm:s6], $0xF7A  }
0x23: {  	s9 =	sor.u32 $0xD0000000, s2;
	s6 =	simm.s32 $0x108;
	_ =	swait.ge @!p0 [sflag:s8], $0x0  }
0x24: {  	s3 =	sadd.s32 $0x88, s3;
	s6 =	simm.s32 @!p1 $0x1082;
	[sflag:s4] =	ssyncset.s32 $0xFFFFF086  }
0x25: {  	[simem:s6], [sflag:s4] =	dma.local [hbm:s3], $0xF7A  }
0x26: {  	[smem:$0x3F9B] =	sst s1;
	(tag) =	ssettag s2;
	_ =	strace s9  }
0x27: {  	s1 =	sld [smem:$0x3FAB]  }
0x28: {  	s2 =	sld [smem:$0x3FAC]  }
0x29: {  	s4 =	sld [smem:$0x3FAE]  }
0x2a: {  	p0 =	seq.s32 s5, $0x0;
	s5 =	sld [smem:$0x3FAF]  }
0x2b: {  	s6 =	sld [smem:$0x3FB0]  }
0x2c: {  	s7 =	sld [smem:$0x3FB1]  }
0x2d: {  	s3 =	simm.s32 $0x108;
	s8 =	sld [smem:$0x3FB2]  }
0x2e: {  	s3 =	simm.s32 @!p0 $0x1082;
	s9 =	sld [smem:$0x3FB3]  }
0x2f: {  	lr =	sadd.s32 s0, s3;
	s0 =	sld [smem:$0x3FAA]  }
0x30: {  	s3 =	sld [smem:$0x3FAD]  }
0x31: {  	[smem:$0x3FB6] =	sst s10  }
0x32: {  	s10 =	sld [smem:$0x3FB4];
	_ =	sdelay $0x3  }
0x33: {  	p0 =	seq.s32 s10, $0x1;
	s10 =	sld [smem:$0x3FB6];
	_ =	sdelay $0x3  }
0x34: {  	[smem:$0x3FB6] =	sst s10  }
0x35: {  	s10 =	sld [smem:$0x3FB5];
	_ =	sdelay $0x3  }
0x36: {  	p1 =	seq.s32 s10, $0x1;
	s10 =	sld [smem:$0x3FB6];
	_ =	sdelay $0x3  }
0x37: {  	[smem:$0x3FB6] =	sst s10  }
0x38: {  	s10 =	sld [smem:$0x3FB7]  }
0x39: {  	_ = 	snop;
	(pc) =	sbr.ind lr, $3  }
0x3a: {  	_ = 	snop  }
0x3b: {  	_ = 	snop  }
0x3c: {  	p2 =	seq.s32 s10, $0x1;
	s10 =	sld [smem:$0x3FB6]  }
0x3d: {  	_ =	shalt  }
0x3e: {  	_ =	shalt  }
0x3f: {  	_ =	shalt  }
0x40: {  	_ =	shalt  }
0x41: {  	_ =	shalt  }
0x42: {  	_ =	shalt  }
0x43: {  	_ =	shalt  }
0x44: {  	_ =	shalt  }
0x45: {  	_ =	shalt  }
0x46: {  	_ =	shalt  }
0x47: {  	_ =	shalt  }
0x48: {  	_ =	shalt  }
0x49: {  	_ =	shalt  }
0x4a: {  	_ =	shalt  }
0x4b: {  	_ =	shalt  }
0x4c: {  	_ =	shalt  }
0x4d: {  	_ =	shalt  }
0x4e: {  	_ =	shalt  }
0x4f: {  	_ =	shalt  }
0x50: {  	_ =	shalt  }
0x51: {  	_ =	shalt  }
0x52: {  	_ =	shalt  }
0x53: {  	_ =	shalt  }
0x54: {  	_ =	shalt  }
0x55: {  	_ =	shalt  }
0x56: {  	_ =	shalt  }
0x57: {  	_ =	shalt  }
0x58: {  	_ =	shalt  }
0x59: {  	_ =	shalt  }
0x5a: {  	_ =	shalt  }
0x5b: {  	_ =	shalt  }
0x5c: {  	_ =	shalt  }
0x5d: {  	_ =	shalt  }
0x5e: {  	_ =	shalt  }
0x5f: {  	_ =	shalt  }
0x60: {  	_ =	shalt  }
0x61: {  	_ =	shalt  }
0x62: {  	_ =	shalt  }
0x63: {  	_ =	shalt  }
0x64: {  	_ =	shalt  }
0x65: {  	_ =	shalt  }
0x66: {  	_ =	shalt  }
0x67: {  	_ =	shalt  }
0x68: {  	_ =	shalt  }
0x69: {  	_ =	shalt  }
0x6a: {  	_ =	shalt  }
0x6b: {  	_ =	shalt  }
0x6c: {  	_ =	shalt  }
0x6d: {  	_ =	shalt  }
0x6e: {  	_ =	shalt  }
0x6f: {  	_ =	shalt  }
0x70: {  	_ =	shalt  }
0x71: {  	_ =	shalt  }
0x72: {  	_ =	shalt  }
0x73: {  	_ =	shalt  }
0x74: {  	_ =	shalt  }
0x75: {  	_ =	shalt  }
0x76: {  	_ =	shalt  }
0x77: {  	_ =	shalt  }
0x78: {  	_ =	shalt  }
0x79: {  	_ =	shalt  }
0x7a: {  	_ =	shalt  }
0x7b: {  	_ =	shalt  }
0x7c: {  	_ =	shalt  }
0x7d: {  	_ =	shalt  }
0x7e: {  	_ =	shalt  }
0x7f: {  	_ =	shalt  }
0x80: {  	_ =	shalt  }
0x81: {  	_ =	shalt  }
0x82: {  	_ =	shalt  }
0x83: {  	_ =	shalt  }
0x84: {  	_ =	shalt  }
0x85: {  	_ =	shalt  }
0x86: {  	_ =	shalt  }
0x87: {  	_ =	shalt  }
.Lfunc_end0:
.L_simem_size_0:
called_computation_lowered:
.L_overlay_start_0:
0x88: {  	s2 =	sld [smem:$0x3FD9]  }
0x89: {  	s3 =	sld [smem:$0x3FFE];
	_ =	sdelay $0x1  }
0x8a: {  	s1 =	srdreg.scid  }
0x8b: {  	s0 =	sand.u32 $0x1, s1  }
0x8c: {  	s14 =	sshll.u32 s0, $0xA;
	s2 =	sadd.s32 s3, s2  }
0x8d: {  	s2 =	sadd.s32 s2, s14  }
0x8e: {  	[smem:$0x3FC2] =	sst s2  }
0x8f: {  	_ = 	snop  }
0x90: {  	s2 =	sld [smem:$0x3FD0];
	_ =	sdelay $0x2  }
0x91: {  	s15 =	simm.s32 $0xA;
	s4 =	simm.s32 $0x10  }
0x92: {  	[smem:s4], [sflag:s15] =	dma.local [hbm:s2], $0x1  }
0x93: {  	_ =	swait.eq [sflag:s15], $0x1  }
0x94: {  	[sflag:s15] =	ssyncset.done $0x0  }
0x95: {  	[sflag:s15] =	ssyncadd.s32 $0xFFFFFFFF  }
0x96: {  	s16 =	sld [smem:$0x11];
	(tm) =	ssettm $0x1  }
0x97: {  	s17 =	sld [smem:$0x3FFB];
	_ =	sdelay $0x3  }
0x98: {  	_ =	strace s17  }
0x99: {  	s3 =	sld [smem:$0x3FFC];
	_ =	sdelay $0x3  }
0x9a: {  	_ =	strace s3  }
0x9b: {  	s3 =	sld [smem:$0x3FFD];
	_ =	sdelay $0x3  }
0x9c: {  	_ =	strace s3  }
0x9d: {  	_ =	strace $0x8FFFFFFF  }
0x9e: {  	s18 =	sld [smem:$0x3FDB];
	_ =	sdelay $0x1  }
0x9f: {  	s19 =	simm.s32 $_scs_section_size  }
0xa0: {  	s5 =	simm.s32 $_size__tile_overlayer_lowered;
	s6 =	simm.s32 $_tile_overlayer_lowered  }
0xa1: {  	s22 =	simm.s32 $0x1BFF;
	s21 =	sshll.u32 s6, $0x1;
	s3 =	sadd.s32 s19, s18  }
0xa2: {  	s7 =	simm.s32 $0x0;
	s20 =	sshll.u32 s5, $0x1;
	s5 =	sadd.s32 s21, s3  }
0xa3: {  	[timem:s7], [sflag:s22] =	dma.local [hbm:s5], s20  }
0xa4: {  	_ =	swait.ge [sflag:s22], s20  }
0xa5: {  	s4 =	ssub.s32 $0x0, s20;
	[sflag:s22] =	ssyncset.done $0x0  }
0xa6: {  	[sflag:s22] =	ssyncadd.s32 s4;
	_ =	sdelay $0x1  }
0xa7: {  	s23 =	simm.s32 $0x1B8B  }
0xa8: {  	_ =	swait.ge [sflag:s23], $0x1  }
0xa9: {  	[sflag:s23] =	ssyncset.done $0x0  }
0xaa: {  	s25 =	simm.s32 $0x1B8E;
	s24 =	sld [smem:$0x3FFE];
	[sflag:s23] =	ssyncadd.s32 $0xFFFFFFFF  }
0xab: {  	s26 =	simm.s32 $execute0_lowered;
	[smem:$0x3FD2] =	sst s25  }
0xac: {  	s5 =	sshll.u32 s26, $0x1;
	_ =	strace $0x80000046;
	[dreg:$0x1] =	wrdreg $0xFFFFFFFF  }
0xad: {  	s28 =	simm.s32 $_size_execute0_lowered;
	s3 =	sadd.s32 s3, s5;
	[dreg:$0x0] =	wrdreg $0x0  }
0xae: {  	s5 =	sshll.u32 s28, $0x1;
	[dreg:$0x2] =	wrdreg s3  }
0xaf: {  	[dreg:$0x3] =	wrdreg s5  }
0xb0: {  	[dreg:$0x4] =	wrdreg $0xC0  }
0xb1: {  	_ =	task [dreg:s7], $0x5FFFF  }
0xb2: {  	[dreg:$0x1] =	wrdreg $0xFFFFFFFF  }
0xb3: {  	[dreg:$0x0] =	wrdreg $0x60  }
0xb4: {  	[dreg:$0x2] =	wrdreg s24  }
0xb5: {  	[dreg:$0x3] =	wrdreg s16  }
0xb6: {  	[dreg:$0x4] =	wrdreg $0x2B000  }
0xb7: {  	[dreg:$0x5] =	wrdreg $0x9  }
0xb8: {  	_ =	task.clear_ibuf [dreg:s7], $0x6FFFF;
	_ =	strace $0x90000046  }
0xb9: {  	s29 =	simm.s32 $0x9;
	_ =	strace $0x80000048  }
0xba: {  	_ =	swait.ge [sflag:s29], $0x1  }
0xbb: {  	[sflag:s29] =	ssyncadd.s32 $0xFFFFFFFF  }
0xbc: {  	_ =	strace $0x90000048  }
0xbd: {  	_ =	sfence  }
0xbe: {  	s30 =	sld [smem:$0x0];
	_ =	sdelay $0x2  }
0xbf: {  	s31 =	sshll.u32 s1, $0xD;
	s1 =	sshrl.u32 s1, $0x2  }
0xc0: {  	s3 =	sand.u32 $0x4000, s31;
	s1 =	sadd.s32 s1, s30  }
0xc1: {  	s0 =	sor.u32 s3, s0;
	s1 =	sshll.u32 s1, $0x11  }
0xc2: {  	s0 =	sor.u32 s1, s0  }
0xc3: {  	s0 =	sadd.s32 $0x8F2B, s0  }
0xc4: {  	[sflag:s0] =	ssyncadd.remote.s32 $0x1  }
0xc5: {  	_ =	sfence.sel $0xFFFF  }
0xc6: {  	[dreg:$0x0] =	wrdreg $0xFFFFFFFF;
	(pc) =	sbr.abs _section_cstart, $3  }
0xc7: {  	[dreg:$0x1] =	wrdreg $0xFFFFFFFF  }
0xc8: {  	_ =	task.clear_ibuf [dreg:s7], $0x2FFFF;
	_ =	strace $0x9FFFFFFF  }
0xc9: {  	(tm) =	ssettm $0x7FFFFFFF  }
tec
execute0_lowered:
.L_overlay_start_1:
0x0: {  	(tag) =	ssettag $0x1  }
0x1: {  	s4 =	rddreg [dreg:$0x0]  }
0x2: {  	s5 =	rddreg [dreg:$0x1]  }
0x3: {  	s2 =	rddreg [dreg:$0x2];
	s3 =	simm.s32 $0x0  }
0x4: {  	s26 =	simm.s32 $0x2880;
	[smem:$0x7FF] =	sst s3  }
0x5: {  	s31 =	simm.s32 $0x100;
	_ =	strace $0x80000047;
	[dreg:$0x6] =	wrdreg s26  }
0x6: {  	s9 =	simm.s32 $0x400;
	[dreg:$0x7] =	wrdreg s31  }
0x7: {  	s10 =	simm.s32 $0x480;
	[dreg:$0xd] =	wrdreg s9  }
0x8: {  	s11 =	simm.s32 $0x500;
	[dreg:$0xe] =	wrdreg s10  }
0x9: {  	s12 =	simm.s32 $0x580;
	[dreg:$0xf] =	wrdreg s11  }
0xa: {  	s13 =	simm.s32 $0x600;
	[dreg:$0x10] =	wrdreg s12  }
0xb: {  	s14 =	simm.s32 $0x680;
	[dreg:$0x11] =	wrdreg s13  }
0xc: {  	s15 =	simm.s32 $0x700;
	[dreg:$0x12] =	wrdreg s14  }
0xd: {  	s16 =	simm.s32 $0x780;
	[dreg:$0x13] =	wrdreg s15  }
0xe: {  	s17 =	simm.s32 $0x800;
	[dreg:$0x14] =	wrdreg s16  }
0xf: {  	s18 =	simm.s32 $0x880;
	[dreg:$0x15] =	wrdreg s17  }
0x10: {  	s19 =	simm.s32 $0x900;
	[dreg:$0x16] =	wrdreg s18  }
0x11: {  	s20 =	simm.s32 $0x980;
	[dreg:$0x17] =	wrdreg s19  }
0x12: {  	s21 =	simm.s32 $0xA00;
	[dreg:$0x18] =	wrdreg s20  }
0x13: {  	s22 =	simm.s32 $0xA80;
	[dreg:$0x19] =	wrdreg s21  }
0x14: {  	[dreg:$0x1a] =	wrdreg s22;
	s26 =	simm.s32 $0xC00  }
0x15: {  	s31 =	simm.s32 $0xC80;
	[dreg:$0x1d] =	wrdreg s26  }
0x16: {  	v0 =	vimm.f32 $1.000000000e+00;
	s9 =	simm.s32 $0xF80;
	[dreg:$0x1e] =	wrdreg s31  }
0x17: {  	v1 =	vimm.f32 $0.0e+00;
	[tilespmem:$0x0] =	vst v0;
	s10 =	simm.s32 $0x1000;
	[smem:$0x7DD] =	sst s9  }
0x18: {  	[tilespmem:$0x2AF0] =	vst v1;
	s11 =	simm.s32 $0x1080;
	[smem:$0x7DE] =	sst s10  }
0x19: {  	[tilespmem:$0x2AE0] =	vst v1;
	s12 =	simm.s32 $0x1100;
	[smem:$0x7DF] =	sst s11  }
0x1a: {  	[tilespmem:$0x2AD0] =	vst v1;
	s13 =	simm.s32 $0x1180;
	[smem:$0x7E0] =	sst s12  }
0x1b: {  	[tilespmem:$0x2AC0] =	vst v1;
	s14 =	simm.s32 $0x1200;
	[smem:$0x7E1] =	sst s13  }
0x1c: {  	[tilespmem:$0x2AB0] =	vst v1;
	s15 =	simm.s32 $0x1280;
	[smem:$0x7E2] =	sst s14  }
0x1d: {  	[tilespmem:$0x2AA0] =	vst v1;
	s16 =	simm.s32 $0x1300;
	[smem:$0x7E3] =	sst s15  }
0x1e: {  	[tilespmem:$0x2A90] =	vst v1;
	s17 =	simm.s32 $0x1380;
	[smem:$0x7E4] =	sst s16  }
0x1f: {  	[tilespmem:$0x2A80] =	vst v1;
	s18 =	simm.s32 $0x1400;
	[smem:$0x7E5] =	sst s17  }
0x20: {  	[tilespmem:$0x2A70] =	vst v1;
	s19 =	simm.s32 $0x1480;
	[smem:$0x7E6] =	sst s18  }
0x21: {  	[tilespmem:$0x2A60] =	vst v1;
	s20 =	simm.s32 $0x1500;
	[smem:$0x7E7] =	sst s19  }
0x22: {  	[tilespmem:$0x2A50] =	vst v1;
	s21 =	simm.s32 $0x1580;
	[smem:$0x7E8] =	sst s20  }
0x23: {  	[tilespmem:$0x2A40] =	vst v1;
	s22 =	simm.s32 $0x1600;
	[smem:$0x7E9] =	sst s21  }
0x24: {  	[tilespmem:$0x2A30] =	vst v1;
	[smem:$0x7EA] =	sst s22  }
0x25: {  	[tilespmem:$0x2A20] =	vst v1;
	s26 =	simm.s32 $0x1780;
	s19 =	rddreg [dreg:$0x6]  }
0x26: {  	[tilespmem:$0x2A10] =	vst v1;
	s31 =	simm.s32 $0x1800;
	[smem:$0x7ED] =	sst s26  }
0x27: {  	[tilespmem:$0x2A00] =	vst v1;
	s9 =	simm.s32 $0x1B00;
	[smem:$0x7EE] =	sst s31  }
0x28: {  	[tilespmem:$0x29F0] =	vst v1;
	s10 =	simm.s32 $0x1B80;
	[smem:$0x7F4] =	sst s9  }
0x29: {  	[tilespmem:$0x29E0] =	vst v1;
	s11 =	simm.s32 $0x1C00;
	[smem:$0x7F5] =	sst s10  }
0x2a: {  	s0 =	srdreg.scid;
	[tilespmem:$0x29D0] =	vst v1;
	s12 =	simm.s32 $0x1C80;
	[smem:$0x7F6] =	sst s11  }
0x2b: {  	s25 =	sand.u32 $0x1, s0;
	[tilespmem:$0x29C0] =	vst v1;
	s13 =	simm.s32 $0x1D00;
	[smem:$0x7F7] =	sst s12  }
0x2c: {  	s0 =	stileid.u32;
	[tilespmem:$0x29B0] =	vst v1;
	s14 =	simm.s32 $0x1D80;
	[smem:$0x7F8] =	sst s13  }
0x2d: {  	s1 =	sshll.u32 s25, $0x4;
	[tilespmem:$0x29A0] =	vst v1;
	s15 =	simm.s32 $0x1E00;
	[smem:$0x7F9] =	sst s14  }
0x2e: {  	s7 =	smul.u32 $0x500, s0;
	[tilespmem:$0x2990] =	vst v1;
	s16 =	simm.s32 $0x1E80;
	[smem:$0x7FA] =	sst s15  }
0x2f: {  	s8 =	sshll.u32 s25, $0x7;
	[tilespmem:$0x2980] =	vst v1;
	s18 =	simm.s32 $0x1F00;
	[smem:$0x7FB] =	sst s16  }
0x30: {  	[tilespmem:$0x2970] =	vst v1;
	s1 =	sor.u32 s0, s1;
	s20 =	simm.s32 $0x1F80;
	[smem:$0x7FC] =	sst s18  }
0x31: {  	[tilespmem:$0x2960] =	vst v1;
	s6 =	smul.u32 $0x2800, s1;
	s1 =	simm.s32 $0x180;
	[smem:$0x7FD] =	sst s20  }
0x32: {  	[tilespmem:$0x2950] =	vst v1;
	s23 =	sor.u32 s8, s7;
	s7 =	simm.s32 $0x300;
	[dreg:$0x8] =	wrdreg s1  }
0x33: {  	[tilespmem:$0x2940] =	vst v1;
	s8 =	simm.s32 $0x380;
	[dreg:$0xb] =	wrdreg s7  }
0x34: {  	[tilespmem:$0x2930] =	vst v1;
	[dreg:$0xc] =	wrdreg s8;
	s1 =	simm.s32 $0xD00  }
0x35: {  	[tilespmem:$0x2920] =	vst v1;
	s7 =	simm.s32 $0xE80;
	[dreg:$0x1f] =	wrdreg s1  }
0x36: {  	[tilespmem:$0x2910] =	vst v1;
	s8 =	simm.s32 $0xF00;
	[smem:$0x7DB] =	sst s7  }
0x37: {  	[tilespmem:$0x2900] =	vst v1;
	[smem:$0x7DC] =	sst s8;
	s1 =	simm.s32 $0x1880  }
0x38: {  	[tilespmem:$0x28F0] =	vst v1;
	s6 =	sshrl.u32 s6, $0x3;
	s7 =	simm.s32 $0x1A00;
	[smem:$0x7EF] =	sst s1  }
0x39: {  	[tilespmem:$0x28E0] =	vst v1;
	s8 =	simm.s32 $0x1A80;
	s4 =	sadd.s32 s4, s6;
	[smem:$0x7F2] =	sst s7  }
0x3a: {  	[tilespmem:$0x28D0] =	vst v1;
	s6 =	sshrl.u32 s23, $0x3;
	s23 =	simm.s32 $0xB00;
	[smem:$0x7F3] =	sst s8  }
0x3b: {  	[tilespmem:$0x28C0] =	vst v1;
	s4 =	sadd.s32 $0xC000, s4;
	[dreg:$0x1b] =	wrdreg s23  }
0x3c: {  	[tilespmem:$0x28B0] =	vst v1;
	s24 =	sadd.s32 s5, s6;
	[dreg:$0x4] =	wrdreg s4  }
0x3d: {  	[tilespmem:$0x28A0] =	vst v1;
	s5 =	simm.s32 $0x200;
	[dreg:$0x5] =	wrdreg s24  }
0x3e: {  	[tilespmem:$0x2890] =	vst v1;
	s6 =	simm.s32 $0x280;
	[dreg:$0x9] =	wrdreg s5  }
0x3f: {  	[tilespmem:$0x2880] =	vst v1;
	s23 =	simm.s32 $0x1680;
	[dreg:$0xa] =	wrdreg s6  }
0x40: {  	[tilespmem:$0x70] =	vst v0;
	s24 =	simm.s32 $0xB80;
	[smem:$0x7EB] =	sst s23  }
0x41: {  	[tilespmem:$0x60] =	vst v0;
	s5 =	simm.s32 $0xD80;
	[dreg:$0x1c] =	wrdreg s24  }
0x42: {  	[tilespmem:$0x50] =	vst v0;
	s6 =	simm.s32 $0xE00;
	[smem:$0x7D9] =	sst s5  }
0x43: {  	[tilespmem:$0x40] =	vst v0;
	s17 =	smul.u32 $0xA00, s0;
	[smem:$0x7DA] =	sst s6;
	s24 =	simm.s32 $0x1700  }
0x44: {  	[tilespmem:$0x30] =	vst v0;
	s5 =	simm.s32 $0x1900;
	[smem:$0x7EC] =	sst s24  }
0x45: {  	[tilespmem:$0x20] =	vst v0;
	s6 =	simm.s32 $0x1980;
	[smem:$0x7F0] =	sst s5;
	s5 =	sshrl.u32 s17, $0x2  }
0x46: {  	[tilespmem:$0x10] =	vst v0;
	s4 =	simm.s32 $0x2;
	[smem:$0x7F1] =	sst s6;
	s5 =	sadd.s32 s5, s2  }
0x47: {  	[spmem:s5] =	stream.linear.scatter [tilespmem:s19], [sflag:$0x2], $0x280, $0x38;
	[tilespmem:$0x2D80] =	vst v63  }
0x48: {  	_ =	swait.ge [sflag:s4], $0x280  }
0x49: {  	[sflag:s4] =	ssyncset.done $0x0  }
0x4a: {  	[sflag:s4] =	ssyncadd.s32 $0xFFFFFD80  }
0x4b: {  	[bflag:$0x0] =	sbarrier.arrive $0xFFFF  }
0x4c: {  	s6 =	simm.s32 $0x80;
	s21 =	rddreg [dreg:$0x4]  }
0x4d: {  	[tilespmem:s6], [sflag:$0x2] =	stream.linear.gather [hbm4b:s21+s3], $0x2800, $0x38;
	[tilespmem:$0x2D80] =	vst v63  }
0x4e: {  	_ =	swait.ge [sflag:s4], $0x2800  }
0x4f: {  	[sflag:s4] =	ssyncset.done $0x0  }
0x50: {  	s22 =	rddreg [dreg:$0x7];
	[sflag:s4] =	ssyncadd.s32 $0xFFFFD800  }
0x51: {  	[spmem:s2] =	stream.indirect.scatter.add.f32 [tilespmem:s3], [sflag:$0x1], $0x1, s6, s6, $0xb8;
	[tilespmem:$0x2D80] =	vst v63  }
0x52: {  	s23 =	rddreg [dreg:$0x8]  }
0x53: {  	[spmem:s2] =	stream.indirect.scatter.add.f32 [tilespmem:s3], [sflag:$0x1], $0x1, s22, s6, $0xb8;
	[tilespmem:$0x2D80] =	vst v63  }
0x54: {  	s24 =	rddreg [dreg:$0x9]  }
0x55: {  	[spmem:s2] =	stream.indirect.scatter.add.f32 [tilespmem:s3], [sflag:$0x1], $0x1, s23, s6, $0xb8;
	[tilespmem:$0x2D80] =	vst v63  }
0x56: {  	s26 =	rddreg [dreg:$0xa]  }
0x57: {  	[spmem:s2] =	stream.indirect.scatter.add.f32 [tilespmem:s3], [sflag:$0x1], $0x1, s24, s6, $0xb8;
	[tilespmem:$0x2D80] =	vst v63  }
0x58: {  	s31 =	rddreg [dreg:$0xb]  }
0x59: {  	[spmem:s2] =	stream.indirect.scatter.add.f32 [tilespmem:s3], [sflag:$0x1], $0x1, s26, s6, $0xb8;
	[tilespmem:$0x2D80] =	vst v63  }
0x5a: {  	s1 =	rddreg [dreg:$0xc]  }
0x5b: {  	[spmem:s2] =	stream.indirect.scatter.add.f32 [tilespmem:s3], [sflag:$0x1], $0x1, s31, s6, $0xb8;
	[tilespmem:$0x2D80] =	vst v63  }
0x5c: {  	s9 =	rddreg [dreg:$0xd]  }
0x5d: {  	[spmem:s2] =	stream.indirect.scatter.add.f32 [tilespmem:s3], [sflag:$0x1], $0x1, s1, s6, $0xb8;
	[tilespmem:$0x2D80] =	vst v63  }
0x5e: {  	s10 =	rddreg [dreg:$0xe]  }
0x5f: {  	[spmem:s2] =	stream.indirect.scatter.add.f32 [tilespmem:s3], [sflag:$0x1], $0x1, s9, s6, $0xb8;
	[tilespmem:$0x2D80] =	vst v63  }
0x60: {  	s11 =	rddreg [dreg:$0xf]  }
0x61: {  	[spmem:s2] =	stream.indirect.scatter.add.f32 [tilespmem:s3], [sflag:$0x1], $0x1, s10, s6, $0xb8;
	[tilespmem:$0x2D80] =	vst v63  }
0x62: {  	s12 =	rddreg [dreg:$0x10]  }
0x63: {  	[spmem:s2] =	stream.indirect.scatter.add.f32 [tilespmem:s3], [sflag:$0x1], $0x1, s11, s6, $0xb8;
	[tilespmem:$0x2D80] =	vst v63  }
0x64: {  	s13 =	rddreg [dreg:$0x11]  }
0x65: {  	[spmem:s2] =	stream.indirect.scatter.add.f32 [tilespmem:s3], [sflag:$0x1], $0x1, s12, s6, $0xb8;
	[tilespmem:$0x2D80] =	vst v63  }
0x66: {  	s14 =	rddreg [dreg:$0x12]  }
0x67: {  	[spmem:s2] =	stream.indirect.scatter.add.f32 [tilespmem:s3], [sflag:$0x1], $0x1, s13, s6, $0xb8;
	[tilespmem:$0x2D80] =	vst v63  }
0x68: {  	s15 =	rddreg [dreg:$0x13]  }
0x69: {  	[spmem:s2] =	stream.indirect.scatter.add.f32 [tilespmem:s3], [sflag:$0x1], $0x1, s14, s6, $0xb8;
	[tilespmem:$0x2D80] =	vst v63  }
0x6a: {  	s16 =	rddreg [dreg:$0x14]  }
0x6b: {  	[spmem:s2] =	stream.indirect.scatter.add.f32 [tilespmem:s3], [sflag:$0x1], $0x1, s15, s6, $0xb8;
	[tilespmem:$0x2D80] =	vst v63  }
0x6c: {  	s17 =	rddreg [dreg:$0x15]  }
0x6d: {  	[spmem:s2] =	stream.indirect.scatter.add.f32 [tilespmem:s3], [sflag:$0x1], $0x1, s16, s6, $0xb8;
	[tilespmem:$0x2D80] =	vst v63  }
0x6e: {  	s18 =	rddreg [dreg:$0x16]  }
0x6f: {  	[spmem:s2] =	stream.indirect.scatter.add.f32 [tilespmem:s3], [sflag:$0x1], $0x1, s17, s6, $0xb8;
	[tilespmem:$0x2D80] =	vst v63  }
0x70: {  	s19 =	rddreg [dreg:$0x17]  }
0x71: {  	[spmem:s2] =	stream.indirect.scatter.add.f32 [tilespmem:s3], [sflag:$0x1], $0x1, s18, s6, $0xb8;
	[tilespmem:$0x2D80] =	vst v63  }
0x72: {  	s20 =	rddreg [dreg:$0x18]  }
0x73: {  	[spmem:s2] =	stream.indirect.scatter.add.f32 [tilespmem:s3], [sflag:$0x1], $0x1, s19, s6, $0xb8;
	[tilespmem:$0x2D80] =	vst v63  }
0x74: {  	s21 =	rddreg [dreg:$0x19]  }
0x75: {  	[spmem:s2] =	stream.indirect.scatter.add.f32 [tilespmem:s3], [sflag:$0x1], $0x1, s20, s6, $0xb8;
	[tilespmem:$0x2D80] =	vst v63  }
0x76: {  	s22 =	rddreg [dreg:$0x1a]  }
0x77: {  	[spmem:s2] =	stream.indirect.scatter.add.f32 [tilespmem:s3], [sflag:$0x1], $0x1, s21, s6, $0xb8;
	[tilespmem:$0x2D80] =	vst v63  }
0x78: {  	s23 =	rddreg [dreg:$0x1b]  }
0x79: {  	[spmem:s2] =	stream.indirect.scatter.add.f32 [tilespmem:s3], [sflag:$0x1], $0x1, s22, s6, $0xb8;
	[tilespmem:$0x2D80] =	vst v63  }
0x7a: {  	s24 =	rddreg [dreg:$0x1c]  }
0x7b: {  	[spmem:s2] =	stream.indirect.scatter.add.f32 [tilespmem:s3], [sflag:$0x1], $0x1, s23, s6, $0xb8;
	[tilespmem:$0x2D80] =	vst v63  }
0x7c: {  	s26 =	rddreg [dreg:$0x1d]  }
0x7d: {  	[spmem:s2] =	stream.indirect.scatter.add.f32 [tilespmem:s3], [sflag:$0x1], $0x1, s24, s6, $0xb8;
	[tilespmem:$0x2D80] =	vst v63  }
0x7e: {  	s31 =	rddreg [dreg:$0x1e]  }
0x7f: {  	[spmem:s2] =	stream.indirect.scatter.add.f32 [tilespmem:s3], [sflag:$0x1], $0x1, s26, s6, $0xb8;
	[tilespmem:$0x2D80] =	vst v63  }
0x80: {  	s1 =	rddreg [dreg:$0x1f]  }
0x81: {  	[spmem:s2] =	stream.indirect.scatter.add.f32 [tilespmem:s3], [sflag:$0x1], $0x1, s31, s6, $0xb8;
	[tilespmem:$0x2D80] =	vst v63  }
0x82: {  	s9 =	sld [smem:$0x7D9]  }
0x83: {  	[spmem:s2] =	stream.indirect.scatter.add.f32 [tilespmem:s3], [sflag:$0x1], $0x1, s1, s6, $0xb8;
	[tilespmem:$0x2D80] =	vst v63  }
0x84: {  	s10 =	sld [smem:$0x7DA]  }
0x85: {  	[spmem:s2] =	stream.indirect.scatter.add.f32 [tilespmem:s3], [sflag:$0x1], $0x1, s9, s6, $0xb8;
	[tilespmem:$0x2D80] =	vst v63  }
0x86: {  	s11 =	sld [smem:$0x7DB]  }
0x87: {  	[spmem:s2] =	stream.indirect.scatter.add.f32 [tilespmem:s3], [sflag:$0x1], $0x1, s10, s6, $0xb8;
	[tilespmem:$0x2D80] =	vst v63  }
0x88: {  	s12 =	sld [smem:$0x7DC]  }
0x89: {  	[spmem:s2] =	stream.indirect.scatter.add.f32 [tilespmem:s3], [sflag:$0x1], $0x1, s11, s6, $0xb8;
	[tilespmem:$0x2D80] =	vst v63  }
0x8a: {  	s13 =	sld [smem:$0x7DD]  }
0x8b: {  	[spmem:s2] =	stream.indirect.scatter.add.f32 [tilespmem:s3], [sflag:$0x1], $0x1, s12, s6, $0xb8;
	[tilespmem:$0x2D80] =	vst v63  }
0x8c: {  	s14 =	sld [smem:$0x7DE]  }
0x8d: {  	[spmem:s2] =	stream.indirect.scatter.add.f32 [tilespmem:s3], [sflag:$0x1], $0x1, s13, s6, $0xb8;
	[tilespmem:$0x2D80] =	vst v63  }
0x8e: {  	s15 =	sld [smem:$0x7DF]  }
0x8f: {  	[spmem:s2] =	stream.indirect.scatter.add.f32 [tilespmem:s3], [sflag:$0x1], $0x1, s14, s6, $0xb8;
	[tilespmem:$0x2D80] =	vst v63  }
0x90: {  	s16 =	sld [smem:$0x7E0]  }
0x91: {  	[spmem:s2] =	stream.indirect.scatter.add.f32 [tilespmem:s3], [sflag:$0x1], $0x1, s15, s6, $0xb8;
	[tilespmem:$0x2D80] =	vst v63  }
0x92: {  	s17 =	sld [smem:$0x7E1]  }
0x93: {  	[spmem:s2] =	stream.indirect.scatter.add.f32 [tilespmem:s3], [sflag:$0x1], $0x1, s16, s6, $0xb8;
	[tilespmem:$0x2D80] =	vst v63  }
0x94: {  	s18 =	sld [smem:$0x7E2]  }
0x95: {  	[spmem:s2] =	stream.indirect.scatter.add.f32 [tilespmem:s3], [sflag:$0x1], $0x1, s17, s6, $0xb8;
	[tilespmem:$0x2D80] =	vst v63  }
0x96: {  	s19 =	sld [smem:$0x7E3]  }
0x97: {  	[spmem:s2] =	stream.indirect.scatter.add.f32 [tilespmem:s3], [sflag:$0x1], $0x1, s18, s6, $0xb8;
	[tilespmem:$0x2D80] =	vst v63  }
0x98: {  	s20 =	sld [smem:$0x7E4]  }
0x99: {  	[spmem:s2] =	stream.indirect.scatter.add.f32 [tilespmem:s3], [sflag:$0x1], $0x1, s19, s6, $0xb8;
	[tilespmem:$0x2D80] =	vst v63  }
0x9a: {  	s21 =	sld [smem:$0x7E5]  }
0x9b: {  	[spmem:s2] =	stream.indirect.scatter.add.f32 [tilespmem:s3], [sflag:$0x1], $0x1, s20, s6, $0xb8;
	[tilespmem:$0x2D80] =	vst v63  }
0x9c: {  	s22 =	sld [smem:$0x7E6]  }
0x9d: {  	[spmem:s2] =	stream.indirect.scatter.add.f32 [tilespmem:s3], [sflag:$0x1], $0x1, s21, s6, $0xb8;
	[tilespmem:$0x2D80] =	vst v63  }
0x9e: {  	s23 =	sld [smem:$0x7E7]  }
0x9f: {  	[spmem:s2] =	stream.indirect.scatter.add.f32 [tilespmem:s3], [sflag:$0x1], $0x1, s22, s6, $0xb8;
	[tilespmem:$0x2D80] =	vst v63  }
0xa0: {  	s24 =	sld [smem:$0x7E8]  }
0xa1: {  	[spmem:s2] =	stream.indirect.scatter.add.f32 [tilespmem:s3], [sflag:$0x1], $0x1, s23, s6, $0xb8;
	[tilespmem:$0x2D80] =	vst v63  }
0xa2: {  	s26 =	sld [smem:$0x7E9]  }
0xa3: {  	[spmem:s2] =	stream.indirect.scatter.add.f32 [tilespmem:s3], [sflag:$0x1], $0x1, s24, s6, $0xb8;
	[tilespmem:$0x2D80] =	vst v63  }
0xa4: {  	s31 =	sld [smem:$0x7EA]  }
0xa5: {  	[spmem:s2] =	stream.indirect.scatter.add.f32 [tilespmem:s3], [sflag:$0x1], $0x1, s26, s6, $0xb8;
	[tilespmem:$0x2D80] =	vst v63  }
0xa6: {  	s1 =	sld [smem:$0x7EB]  }
0xa7: {  	[spmem:s2] =	stream.indirect.scatter.add.f32 [tilespmem:s3], [sflag:$0x1], $0x1, s31, s6, $0xb8;
	[tilespmem:$0x2D80] =	vst v63  }
0xa8: {  	s9 =	sld [smem:$0x7EC]  }
0xa9: {  	[spmem:s2] =	stream.indirect.scatter.add.f32 [tilespmem:s3], [sflag:$0x1], $0x1, s1, s6, $0xb8;
	[tilespmem:$0x2D80] =	vst v63  }
0xaa: {  	s10 =	sld [smem:$0x7ED]  }
0xab: {  	[spmem:s2] =	stream.indirect.scatter.add.f32 [tilespmem:s3], [sflag:$0x1], $0x1, s9, s6, $0xb8;
	[tilespmem:$0x2D80] =	vst v63  }
0xac: {  	s11 =	sld [smem:$0x7EE]  }
0xad: {  	[spmem:s2] =	stream.indirect.scatter.add.f32 [tilespmem:s3], [sflag:$0x1], $0x1, s10, s6, $0xb8;
	[tilespmem:$0x2D80] =	vst v63  }
0xae: {  	s12 =	sld [smem:$0x7EF]  }
0xaf: {  	[spmem:s2] =	stream.indirect.scatter.add.f32 [tilespmem:s3], [sflag:$0x1], $0x1, s11, s6, $0xb8;
	[tilespmem:$0x2D80] =	vst v63  }
0xb0: {  	s13 =	sld [smem:$0x7F0]  }
0xb1: {  	[spmem:s2] =	stream.indirect.scatter.add.f32 [tilespmem:s3], [sflag:$0x1], $0x1, s12, s6, $0xb8;
	[tilespmem:$0x2D80] =	vst v63  }
0xb2: {  	s14 =	sld [smem:$0x7F1]  }
0xb3: {  	[spmem:s2] =	stream.indirect.scatter.add.f32 [tilespmem:s3], [sflag:$0x1], $0x1, s13, s6, $0xb8;
	[tilespmem:$0x2D80] =	vst v63  }
0xb4: {  	s15 =	sld [smem:$0x7F2]  }
0xb5: {  	[spmem:s2] =	stream.indirect.scatter.add.f32 [tilespmem:s3], [sflag:$0x1], $0x1, s14, s6, $0xb8;
	[tilespmem:$0x2D80] =	vst v63  }
0xb6: {  	s16 =	sld [smem:$0x7F3]  }
0xb7: {  	[spmem:s2] =	stream.indirect.scatter.add.f32 [tilespmem:s3], [sflag:$0x1], $0x1, s15, s6, $0xb8;
	[tilespmem:$0x2D80] =	vst v63  }
0xb8: {  	s17 =	sld [smem:$0x7F4]  }
0xb9: {  	[spmem:s2] =	stream.indirect.scatter.add.f32 [tilespmem:s3], [sflag:$0x1], $0x1, s16, s6, $0xb8;
	[tilespmem:$0x2D80] =	vst v63  }
0xba: {  	s18 =	sld [smem:$0x7F5]  }
0xbb: {  	[spmem:s2] =	stream.indirect.scatter.add.f32 [tilespmem:s3], [sflag:$0x1], $0x1, s17, s6, $0xb8;
	[tilespmem:$0x2D80] =	vst v63  }
0xbc: {  	s19 =	sld [smem:$0x7F6]  }
0xbd: {  	[spmem:s2] =	stream.indirect.scatter.add.f32 [tilespmem:s3], [sflag:$0x1], $0x1, s18, s6, $0xb8;
	[tilespmem:$0x2D80] =	vst v63  }
0xbe: {  	s20 =	sld [smem:$0x7F7]  }
0xbf: {  	[spmem:s2] =	stream.indirect.scatter.add.f32 [tilespmem:s3], [sflag:$0x1], $0x1, s19, s6, $0xb8;
	[tilespmem:$0x2D80] =	vst v63  }
0xc0: {  	s21 =	sld [smem:$0x7F8]  }
0xc1: {  	[spmem:s2] =	stream.indirect.scatter.add.f32 [tilespmem:s3], [sflag:$0x1], $0x1, s20, s6, $0xb8;
	[tilespmem:$0x2D80] =	vst v63  }
0xc2: {  	s22 =	sld [smem:$0x7F9]  }
0xc3: {  	[spmem:s2] =	stream.indirect.scatter.add.f32 [tilespmem:s3], [sflag:$0x1], $0x1, s21, s6, $0xb8;
	[tilespmem:$0x2D80] =	vst v63  }
0xc4: {  	s23 =	sld [smem:$0x7FA]  }
0xc5: {  	[spmem:s2] =	stream.indirect.scatter.add.f32 [tilespmem:s3], [sflag:$0x1], $0x1, s22, s6, $0xb8;
	[tilespmem:$0x2D80] =	vst v63  }
0xc6: {  	s24 =	sld [smem:$0x7FB]  }
0xc7: {  	[spmem:s2] =	stream.indirect.scatter.add.f32 [tilespmem:s3], [sflag:$0x1], $0x1, s23, s6, $0xb8;
	[tilespmem:$0x2D80] =	vst v63  }
0xc8: {  	s26 =	sld [smem:$0x7FC]  }
0xc9: {  	[spmem:s2] =	stream.indirect.scatter.add.f32 [tilespmem:s3], [sflag:$0x1], $0x1, s24, s6, $0xb8;
	[tilespmem:$0x2D80] =	vst v63  }
0xca: {  	s31 =	sld [smem:$0x7FD]  }
0xcb: {  	[spmem:s2] =	stream.indirect.scatter.add.f32 [tilespmem:s3], [sflag:$0x1], $0x1, s26, s6, $0xb8;
	[tilespmem:$0x2D80] =	vst v63  }
0xcc: {  	_ = 	snop  }
0xcd: {  	[spmem:s2] =	stream.indirect.scatter.add.f32 [tilespmem:s3], [sflag:$0x1], $0x1, s31, s6, $0xb8;
	[tilespmem:$0x2D80] =	vst v63  }
0xce: {  	s7 =	simm.s32 $0x2000  }
0xcf: {  	[spmem:s2] =	stream.indirect.scatter.add.f32 [tilespmem:s3], [sflag:$0x1], $0x1, s7, s6, $0xb8;
	[tilespmem:$0x2D80] =	vst v63  }
0xd0: {  	s8 =	simm.s32 $0x2080  }
0xd1: {  	[spmem:s2] =	stream.indirect.scatter.add.f32 [tilespmem:s3], [sflag:$0x1], $0x1, s8, s6, $0xb8;
	[tilespmem:$0x2D80] =	vst v63  }
0xd2: {  	s9 =	simm.s32 $0x2100  }
0xd3: {  	[spmem:s2] =	stream.indirect.scatter.add.f32 [tilespmem:s3], [sflag:$0x1], $0x1, s9, s6, $0xb8;
	[tilespmem:$0x2D80] =	vst v63  }
0xd4: {  	s10 =	simm.s32 $0x2180  }
0xd5: {  	[spmem:s2] =	stream.indirect.scatter.add.f32 [tilespmem:s3], [sflag:$0x1], $0x1, s10, s6, $0xb8;
	[tilespmem:$0x2D80] =	vst v63  }
0xd6: {  	s11 =	simm.s32 $0x2200  }
0xd7: {  	[spmem:s2] =	stream.indirect.scatter.add.f32 [tilespmem:s3], [sflag:$0x1], $0x1, s11, s6, $0xb8;
	[tilespmem:$0x2D80] =	vst v63  }
0xd8: {  	s12 =	simm.s32 $0x2280  }
0xd9: {  	[spmem:s2] =	stream.indirect.scatter.add.f32 [tilespmem:s3], [sflag:$0x1], $0x1, s12, s6, $0xb8;
	[tilespmem:$0x2D80] =	vst v63  }
0xda: {  	s13 =	simm.s32 $0x2300  }
0xdb: {  	[spmem:s2] =	stream.indirect.scatter.add.f32 [tilespmem:s3], [sflag:$0x1], $0x1, s13, s6, $0xb8;
	[tilespmem:$0x2D80] =	vst v63  }
0xdc: {  	s14 =	simm.s32 $0x2380  }
0xdd: {  	[spmem:s2] =	stream.indirect.scatter.add.f32 [tilespmem:s3], [sflag:$0x1], $0x1, s14, s6, $0xb8;
	[tilespmem:$0x2D80] =	vst v63  }
0xde: {  	s15 =	simm.s32 $0x2400  }
0xdf: {  	[spmem:s2] =	stream.indirect.scatter.add.f32 [tilespmem:s3], [sflag:$0x1], $0x1, s15, s6, $0xb8;
	[tilespmem:$0x2D80] =	vst v63  }
0xe0: {  	s16 =	simm.s32 $0x2480  }
0xe1: {  	[spmem:s2] =	stream.indirect.scatter.add.f32 [tilespmem:s3], [sflag:$0x1], $0x1, s16, s6, $0xb8;
	[tilespmem:$0x2D80] =	vst v63  }
0xe2: {  	s17 =	simm.s32 $0x2500  }
0xe3: {  	[spmem:s2] =	stream.indirect.scatter.add.f32 [tilespmem:s3], [sflag:$0x1], $0x1, s17, s6, $0xb8;
	[tilespmem:$0x2D80] =	vst v63  }
0xe4: {  	s18 =	simm.s32 $0x2580  }
0xe5: {  	[spmem:s2] =	stream.indirect.scatter.add.f32 [tilespmem:s3], [sflag:$0x1], $0x1, s18, s6, $0xb8;
	[tilespmem:$0x2D80] =	vst v63  }
0xe6: {  	s19 =	simm.s32 $0x2600  }
0xe7: {  	[spmem:s2] =	stream.indirect.scatter.add.f32 [tilespmem:s3], [sflag:$0x1], $0x1, s19, s6, $0xb8;
	[tilespmem:$0x2D80] =	vst v63  }
0xe8: {  	s20 =	simm.s32 $0x2680  }
0xe9: {  	[spmem:s2] =	stream.indirect.scatter.add.f32 [tilespmem:s3], [sflag:$0x1], $0x1, s20, s6, $0xb8;
	[tilespmem:$0x2D80] =	vst v63  }
0xea: {  	s21 =	simm.s32 $0x2700  }
0xeb: {  	[spmem:s2] =	stream.indirect.scatter.add.f32 [tilespmem:s3], [sflag:$0x1], $0x1, s21, s6, $0xb8;
	[tilespmem:$0x2D80] =	vst v63  }
0xec: {  	s22 =	simm.s32 $0x2780  }
0xed: {  	[spmem:s2] =	stream.indirect.scatter.add.f32 [tilespmem:s3], [sflag:$0x1], $0x1, s22, s6, $0xb8;
	[tilespmem:$0x2D80] =	vst v63  }
0xee: {  	s23 =	simm.s32 $0x2800;
	s24 =	simm.s32 $0x1  }
0xef: {  	[spmem:s2] =	stream.indirect.scatter.add.f32 [tilespmem:s3], [sflag:$0x1], $0x1, s23, s6, $0xb8;
	[tilespmem:$0x2D80] =	vst v63  }
0xf0: {  	_ =	swait.ge [sflag:s24], $0x80  }
0xf1: {  	[sflag:s24] =	ssyncset.done $0x0  }
0xf2: {  	[sflag:s24] =	ssyncadd.s32 $0xFFFFFF80  }
0xf3: {  	_ =	swait.ge [sflag:s24], $0x80  }
0xf4: {  	[sflag:s24] =	ssyncset.done $0x0  }
0xf5: {  	[sflag:s24] =	ssyncadd.s32 $0xFFFFFF80  }
0xf6: {  	_ =	swait.ge [sflag:s24], $0x80  }
0xf7: {  	[sflag:s24] =	ssyncset.done $0x0  }
0xf8: {  	[sflag:s24] =	ssyncadd.s32 $0xFFFFFF80  }
0xf9: {  	_ =	swait.ge [sflag:s24], $0x80  }
0xfa: {  	[sflag:s24] =	ssyncset.done $0x0  }
0xfb: {  	[sflag:s24] =	ssyncadd.s32 $0xFFFFFF80  }
0xfc: {  	_ =	swait.ge [sflag:s24], $0x80  }
0xfd: {  	[sflag:s24] =	ssyncset.done $0x0  }
0xfe: {  	[sflag:s24] =	ssyncadd.s32 $0xFFFFFF80  }
0xff: {  	_ =	swait.ge [sflag:s24], $0x80  }
0x100: {  	[sflag:s24] =	ssyncset.done $0x0  }
0x101: {  	[sflag:s24] =	ssyncadd.s32 $0xFFFFFF80  }
0x102: {  	_ =	swait.ge [sflag:s24], $0x80  }
0x103: {  	[sflag:s24] =	ssyncset.done $0x0  }
0x104: {  	[sflag:s24] =	ssyncadd.s32 $0xFFFFFF80  }
0x105: {  	_ =	swait.ge [sflag:s24], $0x80  }
0x106: {  	[sflag:s24] =	ssyncset.done $0x0  }
0x107: {  	[sflag:s24] =	ssyncadd.s32 $0xFFFFFF80  }
0x108: {  	_ =	swait.ge [sflag:s24], $0x80  }
0x109: {  	[sflag:s24] =	ssyncset.done $0x0  }
0x10a: {  	[sflag:s24] =	ssyncadd.s32 $0xFFFFFF80  }
0x10b: {  	_ =	swait.ge [sflag:s24], $0x80  }
0x10c: {  	[sflag:s24] =	ssyncset.done $0x0  }
0x10d: {  	[sflag:s24] =	ssyncadd.s32 $0xFFFFFF80  }
0x10e: {  	_ =	swait.ge [sflag:s24], $0x80  }
0x10f: {  	[sflag:s24] =	ssyncset.done $0x0  }
0x110: {  	[sflag:s24] =	ssyncadd.s32 $0xFFFFFF80  }
0x111: {  	_ =	swait.ge [sflag:s24], $0x80  }
0x112: {  	[sflag:s24] =	ssyncset.done $0x0  }
0x113: {  	[sflag:s24] =	ssyncadd.s32 $0xFFFFFF80  }
0x114: {  	_ =	swait.ge [sflag:s24], $0x80  }
0x115: {  	[sflag:s24] =	ssyncset.done $0x0  }
0x116: {  	[sflag:s24] =	ssyncadd.s32 $0xFFFFFF80  }
0x117: {  	_ =	swait.ge [sflag:s24], $0x80  }
0x118: {  	[sflag:s24] =	ssyncset.done $0x0  }
0x119: {  	[sflag:s24] =	ssyncadd.s32 $0xFFFFFF80  }
0x11a: {  	_ =	swait.ge [sflag:s24], $0x80  }
0x11b: {  	[sflag:s24] =	ssyncset.done $0x0  }
0x11c: {  	[sflag:s24] =	ssyncadd.s32 $0xFFFFFF80  }
0x11d: {  	_ =	swait.ge [sflag:s24], $0x80  }
0x11e: {  	[sflag:s24] =	ssyncset.done $0x0  }
0x11f: {  	[sflag:s24] =	ssyncadd.s32 $0xFFFFFF80  }
0x120: {  	_ =	swait.ge [sflag:s24], $0x80  }
0x121: {  	[sflag:s24] =	ssyncset.done $0x0  }
0x122: {  	[sflag:s24] =	ssyncadd.s32 $0xFFFFFF80  }
0x123: {  	_ =	swait.ge [sflag:s24], $0x80  }
0x124: {  	[sflag:s24] =	ssyncset.done $0x0  }
0x125: {  	[sflag:s24] =	ssyncadd.s32 $0xFFFFFF80  }
0x126: {  	_ =	swait.ge [sflag:s24], $0x80  }
0x127: {  	[sflag:s24] =	ssyncset.done $0x0  }
0x128: {  	[sflag:s24] =	ssyncadd.s32 $0xFFFFFF80  }
0x129: {  	_ =	swait.ge [sflag:s24], $0x80  }
0x12a: {  	[sflag:s24] =	ssyncset.done $0x0  }
0x12b: {  	[sflag:s24] =	ssyncadd.s32 $0xFFFFFF80  }
0x12c: {  	_ =	swait.ge [sflag:s24], $0x80  }
0x12d: {  	[sflag:s24] =	ssyncset.done $0x0  }
0x12e: {  	[sflag:s24] =	ssyncadd.s32 $0xFFFFFF80  }
0x12f: {  	_ =	swait.ge [sflag:s24], $0x80  }
0x130: {  	[sflag:s24] =	ssyncset.done $0x0  }
0x131: {  	[sflag:s24] =	ssyncadd.s32 $0xFFFFFF80  }
0x132: {  	_ =	swait.ge [sflag:s24], $0x80  }
0x133: {  	[sflag:s24] =	ssyncset.done $0x0  }
0x134: {  	[sflag:s24] =	ssyncadd.s32 $0xFFFFFF80  }
0x135: {  	_ =	swait.ge [sflag:s24], $0x80  }
0x136: {  	[sflag:s24] =	ssyncset.done $0x0  }
0x137: {  	[sflag:s24] =	ssyncadd.s32 $0xFFFFFF80  }
0x138: {  	_ =	swait.ge [sflag:s24], $0x80  }
0x139: {  	[sflag:s24] =	ssyncset.done $0x0  }
0x13a: {  	[sflag:s24] =	ssyncadd.s32 $0xFFFFFF80  }
0x13b: {  	_ =	swait.ge [sflag:s24], $0x80  }
0x13c: {  	[sflag:s24] =	ssyncset.done $0x0  }
0x13d: {  	[sflag:s24] =	ssyncadd.s32 $0xFFFFFF80  }
0x13e: {  	_ =	swait.ge [sflag:s24], $0x80  }
0x13f: {  	[sflag:s24] =	ssyncset.done $0x0  }
0x140: {  	[sflag:s24] =	ssyncadd.s32 $0xFFFFFF80  }
0x141: {  	_ =	swait.ge [sflag:s24], $0x80  }
0x142: {  	[sflag:s24] =	ssyncset.done $0x0  }
0x143: {  	[sflag:s24] =	ssyncadd.s32 $0xFFFFFF80  }
0x144: {  	_ =	swait.ge [sflag:s24], $0x80  }
0x145: {  	[sflag:s24] =	ssyncset.done $0x0  }
0x146: {  	[sflag:s24] =	ssyncadd.s32 $0xFFFFFF80  }
0x147: {  	_ =	swait.ge [sflag:s24], $0x80  }
0x148: {  	[sflag:s24] =	ssyncset.done $0x0  }
0x149: {  	[sflag:s24] =	ssyncadd.s32 $0xFFFFFF80  }
0x14a: {  	_ =	swait.ge [sflag:s24], $0x80  }
0x14b: {  	[sflag:s24] =	ssyncset.done $0x0  }
0x14c: {  	[sflag:s24] =	ssyncadd.s32 $0xFFFFFF80  }
0x14d: {  	_ =	swait.ge [sflag:s24], $0x80  }
0x14e: {  	[sflag:s24] =	ssyncset.done $0x0  }
0x14f: {  	[sflag:s24] =	ssyncadd.s32 $0xFFFFFF80  }
0x150: {  	_ =	swait.ge [sflag:s24], $0x80  }
0x151: {  	[sflag:s24] =	ssyncset.done $0x0  }
0x152: {  	[sflag:s24] =	ssyncadd.s32 $0xFFFFFF80  }
0x153: {  	_ =	swait.ge [sflag:s24], $0x80  }
0x154: {  	[sflag:s24] =	ssyncset.done $0x0  }
0x155: {  	[sflag:s24] =	ssyncadd.s32 $0xFFFFFF80  }
0x156: {  	_ =	swait.ge [sflag:s24], $0x80  }
0x157: {  	[sflag:s24] =	ssyncset.done $0x0  }
0x158: {  	[sflag:s24] =	ssyncadd.s32 $0xFFFFFF80  }
0x159: {  	_ =	swait.ge [sflag:s24], $0x80  }
0x15a: {  	[sflag:s24] =	ssyncset.done $0x0  }
0x15b: {  	[sflag:s24] =	ssyncadd.s32 $0xFFFFFF80  }
0x15c: {  	_ =	swait.ge [sflag:s24], $0x80  }
0x15d: {  	[sflag:s24] =	ssyncset.done $0x0  }
0x15e: {  	[sflag:s24] =	ssyncadd.s32 $0xFFFFFF80  }
0x15f: {  	_ =	swait.ge [sflag:s24], $0x80  }
0x160: {  	[sflag:s24] =	ssyncset.done $0x0  }
0x161: {  	[sflag:s24] =	ssyncadd.s32 $0xFFFFFF80  }
0x162: {  	_ =	swait.ge [sflag:s24], $0x80  }
0x163: {  	[sflag:s24] =	ssyncset.done $0x0  }
0x164: {  	[sflag:s24] =	ssyncadd.s32 $0xFFFFFF80  }
0x165: {  	_ =	swait.ge [sflag:s24], $0x80  }
0x166: {  	[sflag:s24] =	ssyncset.done $0x0  }
0x167: {  	[sflag:s24] =	ssyncadd.s32 $0xFFFFFF80  }
0x168: {  	_ =	swait.ge [sflag:s24], $0x80  }
0x169: {  	[sflag:s24] =	ssyncset.done $0x0  }
0x16a: {  	[sflag:s24] =	ssyncadd.s32 $0xFFFFFF80  }
0x16b: {  	_ =	swait.ge [sflag:s24], $0x80  }
0x16c: {  	[sflag:s24] =	ssyncset.done $0x0  }
0x16d: {  	[sflag:s24] =	ssyncadd.s32 $0xFFFFFF80  }
0x16e: {  	_ =	swait.ge [sflag:s24], $0x80  }
0x16f: {  	[sflag:s24] =	ssyncset.done $0x0  }
0x170: {  	[sflag:s24] =	ssyncadd.s32 $0xFFFFFF80  }
0x171: {  	_ =	swait.ge [sflag:s24], $0x80  }
0x172: {  	[sflag:s24] =	ssyncset.done $0x0  }
0x173: {  	[sflag:s24] =	ssyncadd.s32 $0xFFFFFF80  }
0x174: {  	_ =	swait.ge [sflag:s24], $0x80  }
0x175: {  	[sflag:s24] =	ssyncset.done $0x0  }
0x176: {  	[sflag:s24] =	ssyncadd.s32 $0xFFFFFF80  }
0x177: {  	_ =	swait.ge [sflag:s24], $0x80  }
0x178: {  	[sflag:s24] =	ssyncset.done $0x0  }
0x179: {  	[sflag:s24] =	ssyncadd.s32 $0xFFFFFF80  }
0x17a: {  	_ =	swait.ge [sflag:s24], $0x80  }
0x17b: {  	[sflag:s24] =	ssyncset.done $0x0  }
0x17c: {  	[sflag:s24] =	ssyncadd.s32 $0xFFFFFF80  }
0x17d: {  	_ =	swait.ge [sflag:s24], $0x80  }
0x17e: {  	[sflag:s24] =	ssyncset.done $0x0  }
0x17f: {  	[sflag:s24] =	ssyncadd.s32 $0xFFFFFF80  }
0x180: {  	_ =	swait.ge [sflag:s24], $0x80  }
0x181: {  	[sflag:s24] =	ssyncset.done $0x0  }
0x182: {  	[sflag:s24] =	ssyncadd.s32 $0xFFFFFF80  }
0x183: {  	_ =	swait.ge [sflag:s24], $0x80  }
0x184: {  	[sflag:s24] =	ssyncset.done $0x0  }
0x185: {  	[sflag:s24] =	ssyncadd.s32 $0xFFFFFF80  }
0x186: {  	_ =	swait.ge [sflag:s24], $0x80  }
0x187: {  	[sflag:s24] =	ssyncset.done $0x0  }
0x188: {  	[sflag:s24] =	ssyncadd.s32 $0xFFFFFF80  }
0x189: {  	_ =	swait.ge [sflag:s24], $0x80  }
0x18a: {  	[sflag:s24] =	ssyncset.done $0x0  }
0x18b: {  	[sflag:s24] =	ssyncadd.s32 $0xFFFFFF80  }
0x18c: {  	_ =	swait.ge [sflag:s24], $0x80  }
0x18d: {  	[sflag:s24] =	ssyncset.done $0x0  }
0x18e: {  	[sflag:s24] =	ssyncadd.s32 $0xFFFFFF80  }
0x18f: {  	_ =	swait.ge [sflag:s24], $0x80  }
0x190: {  	[sflag:s24] =	ssyncset.done $0x0  }
0x191: {  	[sflag:s24] =	ssyncadd.s32 $0xFFFFFF80  }
0x192: {  	_ =	swait.ge [sflag:s24], $0x80  }
0x193: {  	[sflag:s24] =	ssyncset.done $0x0  }
0x194: {  	[sflag:s24] =	ssyncadd.s32 $0xFFFFFF80  }
0x195: {  	_ =	swait.ge [sflag:s24], $0x80  }
0x196: {  	[sflag:s24] =	ssyncset.done $0x0  }
0x197: {  	[sflag:s24] =	ssyncadd.s32 $0xFFFFFF80  }
0x198: {  	_ =	swait.ge [sflag:s24], $0x80  }
0x199: {  	[sflag:s24] =	ssyncset.done $0x0  }
0x19a: {  	[sflag:s24] =	ssyncadd.s32 $0xFFFFFF80  }
0x19b: {  	_ =	swait.ge [sflag:s24], $0x80  }
0x19c: {  	[sflag:s24] =	ssyncset.done $0x0  }
0x19d: {  	[sflag:s24] =	ssyncadd.s32 $0xFFFFFF80  }
0x19e: {  	_ =	swait.ge [sflag:s24], $0x80  }
0x19f: {  	[sflag:s24] =	ssyncset.done $0x0  }
0x1a0: {  	[sflag:s24] =	ssyncadd.s32 $0xFFFFFF80  }
0x1a1: {  	_ =	swait.ge [sflag:s24], $0x80  }
0x1a2: {  	[sflag:s24] =	ssyncset.done $0x0  }
0x1a3: {  	[sflag:s24] =	ssyncadd.s32 $0xFFFFFF80  }
0x1a4: {  	_ =	swait.ge [sflag:s24], $0x80  }
0x1a5: {  	[sflag:s24] =	ssyncset.done $0x0  }
0x1a6: {  	[sflag:s24] =	ssyncadd.s32 $0xFFFFFF80  }
0x1a7: {  	_ =	swait.ge [sflag:s24], $0x80  }
0x1a8: {  	[sflag:s24] =	ssyncset.done $0x0  }
0x1a9: {  	[sflag:s24] =	ssyncadd.s32 $0xFFFFFF80  }
0x1aa: {  	_ =	swait.ge [sflag:s24], $0x80  }
0x1ab: {  	[sflag:s24] =	ssyncset.done $0x0  }
0x1ac: {  	[sflag:s24] =	ssyncadd.s32 $0xFFFFFF80  }
0x1ad: {  	_ =	swait.ge [sflag:s24], $0x80  }
0x1ae: {  	[sflag:s24] =	ssyncset.done $0x0  }
0x1af: {  	[sflag:s24] =	ssyncadd.s32 $0xFFFFFF80  }
0x1b0: {  	_ =	swait.ge [sflag:s24], $0x80  }
0x1b1: {  	[sflag:s24] =	ssyncset.done $0x0  }
0x1b2: {  	[sflag:s24] =	ssyncadd.s32 $0xFFFFFF80  }
0x1b3: {  	_ =	swait.ge [sflag:s24], $0x80  }
0x1b4: {  	[sflag:s24] =	ssyncset.done $0x0  }
0x1b5: {  	[sflag:s24] =	ssyncadd.s32 $0xFFFFFF80  }
0x1b6: {  	_ =	swait.ge [sflag:s24], $0x80  }
0x1b7: {  	[sflag:s24] =	ssyncset.done $0x0  }
0x1b8: {  	[sflag:s24] =	ssyncadd.s32 $0xFFFFFF80  }
0x1b9: {  	_ =	swait.ge [sflag:s24], $0x80  }
0x1ba: {  	[sflag:s24] =	ssyncset.done $0x0  }
0x1bb: {  	[sflag:s24] =	ssyncadd.s32 $0xFFFFFF80  }
0x1bc: {  	_ =	swait.ge [sflag:s24], $0x80  }
0x1bd: {  	[sflag:s24] =	ssyncset.done $0x0  }
0x1be: {  	[sflag:s24] =	ssyncadd.s32 $0xFFFFFF80  }
0x1bf: {  	_ =	swait.ge [sflag:s24], $0x80  }
0x1c0: {  	[sflag:s24] =	ssyncset.done $0x0  }
0x1c1: {  	[sflag:s24] =	ssyncadd.s32 $0xFFFFFF80  }
0x1c2: {  	_ =	swait.ge [sflag:s24], $0x80  }
0x1c3: {  	[sflag:s24] =	ssyncset.done $0x0  }
0x1c4: {  	[sflag:s24] =	ssyncadd.s32 $0xFFFFFF80  }
0x1c5: {  	_ =	swait.ge [sflag:s24], $0x80  }
0x1c6: {  	[sflag:s24] =	ssyncset.done $0x0  }
0x1c7: {  	[sflag:s24] =	ssyncadd.s32 $0xFFFFFF80  }
0x1c8: {  	_ =	swait.ge [sflag:s24], $0x80  }
0x1c9: {  	[sflag:s24] =	ssyncset.done $0x0  }
0x1ca: {  	[sflag:s24] =	ssyncadd.s32 $0xFFFFFF80  }
0x1cb: {  	_ =	swait.ge [sflag:s24], $0x80  }
0x1cc: {  	[sflag:s24] =	ssyncset.done $0x0  }
0x1cd: {  	[sflag:s24] =	ssyncadd.s32 $0xFFFFFF80  }
0x1ce: {  	_ =	swait.ge [sflag:s24], $0x80  }
0x1cf: {  	[sflag:s24] =	ssyncset.done $0x0  }
0x1d0: {  	[sflag:s24] =	ssyncadd.s32 $0xFFFFFF80  }
0x1d1: {  	_ =	swait.ge [sflag:s24], $0x80  }
0x1d2: {  	[sflag:s24] =	ssyncset.done $0x0  }
0x1d3: {  	[sflag:s24] =	ssyncadd.s32 $0xFFFFFF80  }
0x1d4: {  	_ =	swait.ge [sflag:s24], $0x80  }
0x1d5: {  	[sflag:s24] =	ssyncset.done $0x0  }
0x1d6: {  	[sflag:s24] =	ssyncadd.s32 $0xFFFFFF80  }
0x1d7: {  	_ =	swait.ge [sflag:s24], $0x80  }
0x1d8: {  	[sflag:s24] =	ssyncset.done $0x0  }
0x1d9: {  	[sflag:s24] =	ssyncadd.s32 $0xFFFFFF80  }
0x1da: {  	_ =	swait.ge [sflag:s24], $0x80  }
0x1db: {  	[sflag:s24] =	ssyncset.done $0x0  }
0x1dc: {  	[sflag:s24] =	ssyncadd.s32 $0xFFFFFF80  }
0x1dd: {  	_ =	swait.ge [sflag:s24], $0x80  }
0x1de: {  	s25 =	ssub.s32 $0x2, s25;
	s28 =	sshll.u32 s0, $0x6;
	[sflag:s24] =	ssyncset.done $0x0  }
0x1df: {  	s29 =	sshrl.u32 s5, $0x3;
	s26 =	sshrl.u32 s25, $0x1;
	[sflag:s24] =	ssyncadd.s32 $0xFFFFFF80  }
0x1e0: {  	s31 =	ssub.s32 s25, s26;
	s25 =	sor.u32 $0x1C02, s28;
	[bflag:$0x0] =	sbarrier.arrive $0xFFFF  }
0x1e1: {  	s26 =	simm.s32 $0x20;
	s28 =	simm.s32 $0x10;
	s30 =	rddreg [dreg:$0x5]  }
0x1e2: {  	[hbm:s30@s26], [sflag:s25] =	dma.strided [spmem:s29@s28], $0x50, s24, $0x10   }
0x1e3: {  	s30 =	smax.u32 s31, $0x1  }
0x1e4: {  	p0 =	sne.s32 s30, $0x1  }
.Ltmp0:
0x1e5: {  	_ = 	snop;
	(pc) =	sbr.rel @!p0 .LBB2_2-.Ltmp0, $3  }
0x1e6: {  	_ =	sdelay $0x1  }
0x1e7: {  	_ =	swait.ge [sflag:s4], $0x50  }
0x1e8: {  	s30 =	sadd.s32 $0xFFFFFFFF, s30;
	[sflag:s4] =	ssyncset.done $0x0  }
.LBB2_1:
0x1e9: {  	[sflag:s4] =	ssyncadd.s32 $0xFFFFFFB0  }
0x1ea: {  	[tilespmem:$0x0] =	vst v0  }
0x1eb: {  	[tilespmem:$0x2AF0] =	vst v1  }
0x1ec: {  	[tilespmem:$0x2AE0] =	vst v1  }
0x1ed: {  	[tilespmem:$0x2AD0] =	vst v1  }
0x1ee: {  	[tilespmem:$0x2AC0] =	vst v1  }
0x1ef: {  	[tilespmem:$0x2AB0] =	vst v1  }
0x1f0: {  	[tilespmem:$0x2AA0] =	vst v1  }
0x1f1: {  	[tilespmem:$0x2A90] =	vst v1  }
0x1f2: {  	[tilespmem:$0x2A80] =	vst v1  }
0x1f3: {  	[tilespmem:$0x2A70] =	vst v1  }
0x1f4: {  	[tilespmem:$0x2A60] =	vst v1  }
0x1f5: {  	[tilespmem:$0x2A50] =	vst v1  }
0x1f6: {  	[tilespmem:$0x2A40] =	vst v1  }
0x1f7: {  	[tilespmem:$0x2A30] =	vst v1  }
0x1f8: {  	[tilespmem:$0x2A20] =	vst v1  }
0x1f9: {  	[tilespmem:$0x2A10] =	vst v1  }
0x1fa: {  	[tilespmem:$0x2A00] =	vst v1  }
0x1fb: {  	[tilespmem:$0x29F0] =	vst v1  }
0x1fc: {  	[tilespmem:$0x29E0] =	vst v1  }
0x1fd: {  	[tilespmem:$0x29D0] =	vst v1  }
0x1fe: {  	[tilespmem:$0x29C0] =	vst v1  }
0x1ff: {  	[tilespmem:$0x29B0] =	vst v1  }
0x200: {  	[tilespmem:$0x29A0] =	vst v1  }
0x201: {  	[tilespmem:$0x2990] =	vst v1  }
0x202: {  	[tilespmem:$0x2980] =	vst v1  }
0x203: {  	[tilespmem:$0x2970] =	vst v1  }
0x204: {  	[tilespmem:$0x2960] =	vst v1  }
0x205: {  	[tilespmem:$0x2950] =	vst v1  }
0x206: {  	[tilespmem:$0x2940] =	vst v1  }
0x207: {  	[tilespmem:$0x2930] =	vst v1  }
0x208: {  	[tilespmem:$0x2920] =	vst v1  }
0x209: {  	[tilespmem:$0x2910] =	vst v1  }
0x20a: {  	[tilespmem:$0x2900] =	vst v1  }
0x20b: {  	[tilespmem:$0x28F0] =	vst v1  }
0x20c: {  	[tilespmem:$0x28E0] =	vst v1  }
0x20d: {  	[tilespmem:$0x28D0] =	vst v1  }
0x20e: {  	[tilespmem:$0x28C0] =	vst v1  }
0x20f: {  	[tilespmem:$0x28B0] =	vst v1  }
0x210: {  	[tilespmem:$0x28A0] =	vst v1  }
0x211: {  	[tilespmem:$0x2890] =	vst v1  }
0x212: {  	[tilespmem:$0x2880] =	vst v1  }
0x213: {  	[tilespmem:$0x70] =	vst v0  }
0x214: {  	[tilespmem:$0x60] =	vst v0  }
0x215: {  	[tilespmem:$0x50] =	vst v0  }
0x216: {  	[tilespmem:$0x40] =	vst v0  }
0x217: {  	[tilespmem:$0x30] =	vst v0  }
0x218: {  	[tilespmem:$0x20] =	vst v0  }
0x219: {  	s31 =	rddreg [dreg:$0x6];
	[tilespmem:$0x10] =	vst v0  }
0x21a: {  	[spmem:s5] =	stream.linear.scatter [tilespmem:s31], [sflag:$0x2], $0x280, $0x38;
	[tilespmem:$0x2D80] =	vst v63  }
0x21b: {  	_ =	swait.ge [sflag:s4], $0x280  }
0x21c: {  	[sflag:s4] =	ssyncset.done $0x0  }
0x21d: {  	[sflag:s4] =	ssyncadd.s32 $0xFFFFFD80  }
0x21e: {  	[bflag:$0x0] =	sbarrier.arrive $0xFFFF  }
0x21f: {  	s1 =	rddreg [dreg:$0x4]  }
0x220: {  	[tilespmem:s6], [sflag:$0x2] =	stream.linear.gather [hbm4b:s1+s3], $0x2800, $0x38;
	[tilespmem:$0x2D80] =	vst v63  }
0x221: {  	_ =	swait.ge [sflag:s4], $0x2800  }
0x222: {  	[sflag:s4] =	ssyncset.done $0x0  }
0x223: {  	s31 =	rddreg [dreg:$0x7];
	[sflag:s4] =	ssyncadd.s32 $0xFFFFD800  }
0x224: {  	[spmem:s2] =	stream.indirect.scatter.add.f32 [tilespmem:s3], [sflag:$0x1], $0x1, s6, s6, $0xb8;
	[tilespmem:$0x2D80] =	vst v63  }
0x225: {  	s1 =	rddreg [dreg:$0x8]  }
0x226: {  	[spmem:s2] =	stream.indirect.scatter.add.f32 [tilespmem:s3], [sflag:$0x1], $0x1, s31, s6, $0xb8;
	[tilespmem:$0x2D80] =	vst v63  }
0x227: {  	s31 =	rddreg [dreg:$0x9]  }
0x228: {  	[spmem:s2] =	stream.indirect.scatter.add.f32 [tilespmem:s3], [sflag:$0x1], $0x1, s1, s6, $0xb8;
	[tilespmem:$0x2D80] =	vst v63  }
0x229: {  	s1 =	rddreg [dreg:$0xa]  }
0x22a: {  	[spmem:s2] =	stream.indirect.scatter.add.f32 [tilespmem:s3], [sflag:$0x1], $0x1, s31, s6, $0xb8;
	[tilespmem:$0x2D80] =	vst v63  }
0x22b: {  	s31 =	rddreg [dreg:$0xb]  }
0x22c: {  	[spmem:s2] =	stream.indirect.scatter.add.f32 [tilespmem:s3], [sflag:$0x1], $0x1, s1, s6, $0xb8;
	[tilespmem:$0x2D80] =	vst v63  }
0x22d: {  	s1 =	rddreg [dreg:$0xc]  }
0x22e: {  	[spmem:s2] =	stream.indirect.scatter.add.f32 [tilespmem:s3], [sflag:$0x1], $0x1, s31, s6, $0xb8;
	[tilespmem:$0x2D80] =	vst v63  }
0x22f: {  	s31 =	rddreg [dreg:$0xd]  }
0x230: {  	[spmem:s2] =	stream.indirect.scatter.add.f32 [tilespmem:s3], [sflag:$0x1], $0x1, s1, s6, $0xb8;
	[tilespmem:$0x2D80] =	vst v63  }
0x231: {  	s1 =	rddreg [dreg:$0xe]  }
0x232: {  	[spmem:s2] =	stream.indirect.scatter.add.f32 [tilespmem:s3], [sflag:$0x1], $0x1, s31, s6, $0xb8;
	[tilespmem:$0x2D80] =	vst v63  }
0x233: {  	s31 =	rddreg [dreg:$0xf]  }
0x234: {  	[spmem:s2] =	stream.indirect.scatter.add.f32 [tilespmem:s3], [sflag:$0x1], $0x1, s1, s6, $0xb8;
	[tilespmem:$0x2D80] =	vst v63  }
0x235: {  	s1 =	rddreg [dreg:$0x10]  }
0x236: {  	[spmem:s2] =	stream.indirect.scatter.add.f32 [tilespmem:s3], [sflag:$0x1], $0x1, s31, s6, $0xb8;
	[tilespmem:$0x2D80] =	vst v63  }
0x237: {  	s31 =	rddreg [dreg:$0x11]  }
0x238: {  	[spmem:s2] =	stream.indirect.scatter.add.f32 [tilespmem:s3], [sflag:$0x1], $0x1, s1, s6, $0xb8;
	[tilespmem:$0x2D80] =	vst v63  }
0x239: {  	s1 =	rddreg [dreg:$0x12]  }
0x23a: {  	[spmem:s2] =	stream.indirect.scatter.add.f32 [tilespmem:s3], [sflag:$0x1], $0x1, s31, s6, $0xb8;
	[tilespmem:$0x2D80] =	vst v63  }
0x23b: {  	s31 =	rddreg [dreg:$0x13]  }
0x23c: {  	[spmem:s2] =	stream.indirect.scatter.add.f32 [tilespmem:s3], [sflag:$0x1], $0x1, s1, s6, $0xb8;
	[tilespmem:$0x2D80] =	vst v63  }
0x23d: {  	s1 =	rddreg [dreg:$0x14]  }
0x23e: {  	[spmem:s2] =	stream.indirect.scatter.add.f32 [tilespmem:s3], [sflag:$0x1], $0x1, s31, s6, $0xb8;
	[tilespmem:$0x2D80] =	vst v63  }
0x23f: {  	s31 =	rddreg [dreg:$0x15]  }
0x240: {  	[spmem:s2] =	stream.indirect.scatter.add.f32 [tilespmem:s3], [sflag:$0x1], $0x1, s1, s6, $0xb8;
	[tilespmem:$0x2D80] =	vst v63  }
0x241: {  	s1 =	rddreg [dreg:$0x16]  }
0x242: {  	[spmem:s2] =	stream.indirect.scatter.add.f32 [tilespmem:s3], [sflag:$0x1], $0x1, s31, s6, $0xb8;
	[tilespmem:$0x2D80] =	vst v63  }
0x243: {  	s31 =	rddreg [dreg:$0x17]  }
0x244: {  	[spmem:s2] =	stream.indirect.scatter.add.f32 [tilespmem:s3], [sflag:$0x1], $0x1, s1, s6, $0xb8;
	[tilespmem:$0x2D80] =	vst v63  }
0x245: {  	s1 =	rddreg [dreg:$0x18]  }
0x246: {  	[spmem:s2] =	stream.indirect.scatter.add.f32 [tilespmem:s3], [sflag:$0x1], $0x1, s31, s6, $0xb8;
	[tilespmem:$0x2D80] =	vst v63  }
0x247: {  	s31 =	rddreg [dreg:$0x19]  }
0x248: {  	[spmem:s2] =	stream.indirect.scatter.add.f32 [tilespmem:s3], [sflag:$0x1], $0x1, s1, s6, $0xb8;
	[tilespmem:$0x2D80] =	vst v63  }
0x249: {  	s1 =	rddreg [dreg:$0x1a]  }
0x24a: {  	[spmem:s2] =	stream.indirect.scatter.add.f32 [tilespmem:s3], [sflag:$0x1], $0x1, s31, s6, $0xb8;
	[tilespmem:$0x2D80] =	vst v63  }
0x24b: {  	s31 =	rddreg [dreg:$0x1b]  }
0x24c: {  	[spmem:s2] =	stream.indirect.scatter.add.f32 [tilespmem:s3], [sflag:$0x1], $0x1, s1, s6, $0xb8;
	[tilespmem:$0x2D80] =	vst v63  }
0x24d: {  	s1 =	rddreg [dreg:$0x1c]  }
0x24e: {  	[spmem:s2] =	stream.indirect.scatter.add.f32 [tilespmem:s3], [sflag:$0x1], $0x1, s31, s6, $0xb8;
	[tilespmem:$0x2D80] =	vst v63  }
0x24f: {  	s31 =	rddreg [dreg:$0x1d]  }
0x250: {  	[spmem:s2] =	stream.indirect.scatter.add.f32 [tilespmem:s3], [sflag:$0x1], $0x1, s1, s6, $0xb8;
	[tilespmem:$0x2D80] =	vst v63  }
0x251: {  	s1 =	rddreg [dreg:$0x1e]  }
0x252: {  	[spmem:s2] =	stream.indirect.scatter.add.f32 [tilespmem:s3], [sflag:$0x1], $0x1, s31, s6, $0xb8;
	[tilespmem:$0x2D80] =	vst v63  }
0x253: {  	s31 =	rddreg [dreg:$0x1f]  }
0x254: {  	[spmem:s2] =	stream.indirect.scatter.add.f32 [tilespmem:s3], [sflag:$0x1], $0x1, s1, s6, $0xb8;
	[tilespmem:$0x2D80] =	vst v63  }
0x255: {  	s1 =	sld [smem:$0x7D9]  }
0x256: {  	[spmem:s2] =	stream.indirect.scatter.add.f32 [tilespmem:s3], [sflag:$0x1], $0x1, s31, s6, $0xb8;
	[tilespmem:$0x2D80] =	vst v63  }
0x257: {  	s31 =	sld [smem:$0x7DA]  }
0x258: {  	[spmem:s2] =	stream.indirect.scatter.add.f32 [tilespmem:s3], [sflag:$0x1], $0x1, s1, s6, $0xb8;
	[tilespmem:$0x2D80] =	vst v63  }
0x259: {  	s1 =	sld [smem:$0x7DB]  }
0x25a: {  	[spmem:s2] =	stream.indirect.scatter.add.f32 [tilespmem:s3], [sflag:$0x1], $0x1, s31, s6, $0xb8;
	[tilespmem:$0x2D80] =	vst v63  }
0x25b: {  	s31 =	sld [smem:$0x7DC]  }
0x25c: {  	[spmem:s2] =	stream.indirect.scatter.add.f32 [tilespmem:s3], [sflag:$0x1], $0x1, s1, s6, $0xb8;
	[tilespmem:$0x2D80] =	vst v63  }
0x25d: {  	s1 =	sld [smem:$0x7DD]  }
0x25e: {  	[spmem:s2] =	stream.indirect.scatter.add.f32 [tilespmem:s3], [sflag:$0x1], $0x1, s31, s6, $0xb8;
	[tilespmem:$0x2D80] =	vst v63  }
0x25f: {  	s31 =	sld [smem:$0x7DE]  }
0x260: {  	[spmem:s2] =	stream.indirect.scatter.add.f32 [tilespmem:s3], [sflag:$0x1], $0x1, s1, s6, $0xb8;
	[tilespmem:$0x2D80] =	vst v63  }
0x261: {  	s1 =	sld [smem:$0x7DF]  }
0x262: {  	[spmem:s2] =	stream.indirect.scatter.add.f32 [tilespmem:s3], [sflag:$0x1], $0x1, s31, s6, $0xb8;
	[tilespmem:$0x2D80] =	vst v63  }
0x263: {  	s31 =	sld [smem:$0x7E0]  }
0x264: {  	[spmem:s2] =	stream.indirect.scatter.add.f32 [tilespmem:s3], [sflag:$0x1], $0x1, s1, s6, $0xb8;
	[tilespmem:$0x2D80] =	vst v63  }
0x265: {  	s1 =	sld [smem:$0x7E1]  }
0x266: {  	[spmem:s2] =	stream.indirect.scatter.add.f32 [tilespmem:s3], [sflag:$0x1], $0x1, s31, s6, $0xb8;
	[tilespmem:$0x2D80] =	vst v63  }
0x267: {  	s31 =	sld [smem:$0x7E2]  }
0x268: {  	[spmem:s2] =	stream.indirect.scatter.add.f32 [tilespmem:s3], [sflag:$0x1], $0x1, s1, s6, $0xb8;
	[tilespmem:$0x2D80] =	vst v63  }
0x269: {  	s1 =	sld [smem:$0x7E3]  }
0x26a: {  	[spmem:s2] =	stream.indirect.scatter.add.f32 [tilespmem:s3], [sflag:$0x1], $0x1, s31, s6, $0xb8;
	[tilespmem:$0x2D80] =	vst v63  }
0x26b: {  	s31 =	sld [smem:$0x7E4]  }
0x26c: {  	[spmem:s2] =	stream.indirect.scatter.add.f32 [tilespmem:s3], [sflag:$0x1], $0x1, s1, s6, $0xb8;
	[tilespmem:$0x2D80] =	vst v63  }
0x26d: {  	s1 =	sld [smem:$0x7E5]  }
0x26e: {  	[spmem:s2] =	stream.indirect.scatter.add.f32 [tilespmem:s3], [sflag:$0x1], $0x1, s31, s6, $0xb8;
	[tilespmem:$0x2D80] =	vst v63  }
0x26f: {  	s31 =	sld [smem:$0x7E6]  }
0x270: {  	[spmem:s2] =	stream.indirect.scatter.add.f32 [tilespmem:s3], [sflag:$0x1], $0x1, s1, s6, $0xb8;
	[tilespmem:$0x2D80] =	vst v63  }
0x271: {  	s1 =	sld [smem:$0x7E7]  }
0x272: {  	[spmem:s2] =	stream.indirect.scatter.add.f32 [tilespmem:s3], [sflag:$0x1], $0x1, s31, s6, $0xb8;
	[tilespmem:$0x2D80] =	vst v63  }
0x273: {  	s31 =	sld [smem:$0x7E8]  }
0x274: {  	[spmem:s2] =	stream.indirect.scatter.add.f32 [tilespmem:s3], [sflag:$0x1], $0x1, s1, s6, $0xb8;
	[tilespmem:$0x2D80] =	vst v63  }
0x275: {  	s1 =	sld [smem:$0x7E9]  }
0x276: {  	[spmem:s2] =	stream.indirect.scatter.add.f32 [tilespmem:s3], [sflag:$0x1], $0x1, s31, s6, $0xb8;
	[tilespmem:$0x2D80] =	vst v63  }
0x277: {  	s31 =	sld [smem:$0x7EA]  }
0x278: {  	[spmem:s2] =	stream.indirect.scatter.add.f32 [tilespmem:s3], [sflag:$0x1], $0x1, s1, s6, $0xb8;
	[tilespmem:$0x2D80] =	vst v63  }
0x279: {  	s1 =	sld [smem:$0x7EB]  }
0x27a: {  	[spmem:s2] =	stream.indirect.scatter.add.f32 [tilespmem:s3], [sflag:$0x1], $0x1, s31, s6, $0xb8;
	[tilespmem:$0x2D80] =	vst v63  }
0x27b: {  	s31 =	sld [smem:$0x7EC]  }
0x27c: {  	[spmem:s2] =	stream.indirect.scatter.add.f32 [tilespmem:s3], [sflag:$0x1], $0x1, s1, s6, $0xb8;
	[tilespmem:$0x2D80] =	vst v63  }
0x27d: {  	s1 =	sld [smem:$0x7ED]  }
0x27e: {  	[spmem:s2] =	stream.indirect.scatter.add.f32 [tilespmem:s3], [sflag:$0x1], $0x1, s31, s6, $0xb8;
	[tilespmem:$0x2D80] =	vst v63  }
0x27f: {  	s31 =	sld [smem:$0x7EE]  }
0x280: {  	[spmem:s2] =	stream.indirect.scatter.add.f32 [tilespmem:s3], [sflag:$0x1], $0x1, s1, s6, $0xb8;
	[tilespmem:$0x2D80] =	vst v63  }
0x281: {  	s1 =	sld [smem:$0x7EF]  }
0x282: {  	[spmem:s2] =	stream.indirect.scatter.add.f32 [tilespmem:s3], [sflag:$0x1], $0x1, s31, s6, $0xb8;
	[tilespmem:$0x2D80] =	vst v63  }
0x283: {  	s31 =	sld [smem:$0x7F0]  }
0x284: {  	[spmem:s2] =	stream.indirect.scatter.add.f32 [tilespmem:s3], [sflag:$0x1], $0x1, s1, s6, $0xb8;
	[tilespmem:$0x2D80] =	vst v63  }
0x285: {  	s1 =	sld [smem:$0x7F1]  }
0x286: {  	[spmem:s2] =	stream.indirect.scatter.add.f32 [tilespmem:s3], [sflag:$0x1], $0x1, s31, s6, $0xb8;
	[tilespmem:$0x2D80] =	vst v63  }
0x287: {  	s31 =	sld [smem:$0x7F2]  }
0x288: {  	[spmem:s2] =	stream.indirect.scatter.add.f32 [tilespmem:s3], [sflag:$0x1], $0x1, s1, s6, $0xb8;
	[tilespmem:$0x2D80] =	vst v63  }
0x289: {  	s1 =	sld [smem:$0x7F3]  }
0x28a: {  	[spmem:s2] =	stream.indirect.scatter.add.f32 [tilespmem:s3], [sflag:$0x1], $0x1, s31, s6, $0xb8;
	[tilespmem:$0x2D80] =	vst v63  }
0x28b: {  	s31 =	sld [smem:$0x7F4]  }
0x28c: {  	[spmem:s2] =	stream.indirect.scatter.add.f32 [tilespmem:s3], [sflag:$0x1], $0x1, s1, s6, $0xb8;
	[tilespmem:$0x2D80] =	vst v63  }
0x28d: {  	s1 =	sld [smem:$0x7F5]  }
0x28e: {  	[spmem:s2] =	stream.indirect.scatter.add.f32 [tilespmem:s3], [sflag:$0x1], $0x1, s31, s6, $0xb8;
	[tilespmem:$0x2D80] =	vst v63  }
0x28f: {  	s31 =	sld [smem:$0x7F6]  }
0x290: {  	[spmem:s2] =	stream.indirect.scatter.add.f32 [tilespmem:s3], [sflag:$0x1], $0x1, s1, s6, $0xb8;
	[tilespmem:$0x2D80] =	vst v63  }
0x291: {  	s1 =	sld [smem:$0x7F7]  }
0x292: {  	[spmem:s2] =	stream.indirect.scatter.add.f32 [tilespmem:s3], [sflag:$0x1], $0x1, s31, s6, $0xb8;
	[tilespmem:$0x2D80] =	vst v63  }
0x293: {  	s31 =	sld [smem:$0x7F8]  }
0x294: {  	[spmem:s2] =	stream.indirect.scatter.add.f32 [tilespmem:s3], [sflag:$0x1], $0x1, s1, s6, $0xb8;
	[tilespmem:$0x2D80] =	vst v63  }
0x295: {  	s1 =	sld [smem:$0x7F9]  }
0x296: {  	[spmem:s2] =	stream.indirect.scatter.add.f32 [tilespmem:s3], [sflag:$0x1], $0x1, s31, s6, $0xb8;
	[tilespmem:$0x2D80] =	vst v63  }
0x297: {  	s31 =	sld [smem:$0x7FA]  }
0x298: {  	[spmem:s2] =	stream.indirect.scatter.add.f32 [tilespmem:s3], [sflag:$0x1], $0x1, s1, s6, $0xb8;
	[tilespmem:$0x2D80] =	vst v63  }
0x299: {  	s1 =	sld [smem:$0x7FB]  }
0x29a: {  	[spmem:s2] =	stream.indirect.scatter.add.f32 [tilespmem:s3], [sflag:$0x1], $0x1, s31, s6, $0xb8;
	[tilespmem:$0x2D80] =	vst v63  }
0x29b: {  	s31 =	sld [smem:$0x7FC]  }
0x29c: {  	[spmem:s2] =	stream.indirect.scatter.add.f32 [tilespmem:s3], [sflag:$0x1], $0x1, s1, s6, $0xb8;
	[tilespmem:$0x2D80] =	vst v63  }
0x29d: {  	s1 =	sld [smem:$0x7FD]  }
0x29e: {  	[spmem:s2] =	stream.indirect.scatter.add.f32 [tilespmem:s3], [sflag:$0x1], $0x1, s31, s6, $0xb8;
	[tilespmem:$0x2D80] =	vst v63  }
0x29f: {  	_ = 	snop  }
0x2a0: {  	[spmem:s2] =	stream.indirect.scatter.add.f32 [tilespmem:s3], [sflag:$0x1], $0x1, s1, s6, $0xb8;
	[tilespmem:$0x2D80] =	vst v63  }
0x2a1: {  	_ = 	snop  }
0x2a2: {  	[spmem:s2] =	stream.indirect.scatter.add.f32 [tilespmem:s3], [sflag:$0x1], $0x1, s7, s6, $0xb8;
	[tilespmem:$0x2D80] =	vst v63  }
0x2a3: {  	_ = 	snop  }
0x2a4: {  	[spmem:s2] =	stream.indirect.scatter.add.f32 [tilespmem:s3], [sflag:$0x1], $0x1, s8, s6, $0xb8;
	[tilespmem:$0x2D80] =	vst v63  }
0x2a5: {  	_ = 	snop  }
0x2a6: {  	[spmem:s2] =	stream.indirect.scatter.add.f32 [tilespmem:s3], [sflag:$0x1], $0x1, s9, s6, $0xb8;
	[tilespmem:$0x2D80] =	vst v63  }
0x2a7: {  	_ = 	snop  }
0x2a8: {  	[spmem:s2] =	stream.indirect.scatter.add.f32 [tilespmem:s3], [sflag:$0x1], $0x1, s10, s6, $0xb8;
	[tilespmem:$0x2D80] =	vst v63  }
0x2a9: {  	_ = 	snop  }
0x2aa: {  	[spmem:s2] =	stream.indirect.scatter.add.f32 [tilespmem:s3], [sflag:$0x1], $0x1, s11, s6, $0xb8;
	[tilespmem:$0x2D80] =	vst v63  }
0x2ab: {  	_ = 	snop  }
0x2ac: {  	[spmem:s2] =	stream.indirect.scatter.add.f32 [tilespmem:s3], [sflag:$0x1], $0x1, s12, s6, $0xb8;
	[tilespmem:$0x2D80] =	vst v63  }
0x2ad: {  	_ = 	snop  }
0x2ae: {  	[spmem:s2] =	stream.indirect.scatter.add.f32 [tilespmem:s3], [sflag:$0x1], $0x1, s13, s6, $0xb8;
	[tilespmem:$0x2D80] =	vst v63  }
0x2af: {  	_ = 	snop  }
0x2b0: {  	[spmem:s2] =	stream.indirect.scatter.add.f32 [tilespmem:s3], [sflag:$0x1], $0x1, s14, s6, $0xb8;
	[tilespmem:$0x2D80] =	vst v63  }
0x2b1: {  	_ = 	snop  }
0x2b2: {  	[spmem:s2] =	stream.indirect.scatter.add.f32 [tilespmem:s3], [sflag:$0x1], $0x1, s15, s6, $0xb8;
	[tilespmem:$0x2D80] =	vst v63  }
0x2b3: {  	_ = 	snop  }
0x2b4: {  	[spmem:s2] =	stream.indirect.scatter.add.f32 [tilespmem:s3], [sflag:$0x1], $0x1, s16, s6, $0xb8;
	[tilespmem:$0x2D80] =	vst v63  }
0x2b5: {  	_ = 	snop  }
0x2b6: {  	[spmem:s2] =	stream.indirect.scatter.add.f32 [tilespmem:s3], [sflag:$0x1], $0x1, s17, s6, $0xb8;
	[tilespmem:$0x2D80] =	vst v63  }
0x2b7: {  	_ = 	snop  }
0x2b8: {  	[spmem:s2] =	stream.indirect.scatter.add.f32 [tilespmem:s3], [sflag:$0x1], $0x1, s18, s6, $0xb8;
	[tilespmem:$0x2D80] =	vst v63  }
0x2b9: {  	_ = 	snop  }
0x2ba: {  	[spmem:s2] =	stream.indirect.scatter.add.f32 [tilespmem:s3], [sflag:$0x1], $0x1, s19, s6, $0xb8;
	[tilespmem:$0x2D80] =	vst v63  }
0x2bb: {  	_ = 	snop  }
0x2bc: {  	[spmem:s2] =	stream.indirect.scatter.add.f32 [tilespmem:s3], [sflag:$0x1], $0x1, s20, s6, $0xb8;
	[tilespmem:$0x2D80] =	vst v63  }
0x2bd: {  	_ = 	snop  }
0x2be: {  	[spmem:s2] =	stream.indirect.scatter.add.f32 [tilespmem:s3], [sflag:$0x1], $0x1, s21, s6, $0xb8;
	[tilespmem:$0x2D80] =	vst v63  }
0x2bf: {  	_ = 	snop  }
0x2c0: {  	[spmem:s2] =	stream.indirect.scatter.add.f32 [tilespmem:s3], [sflag:$0x1], $0x1, s22, s6, $0xb8;
	[tilespmem:$0x2D80] =	vst v63  }
0x2c1: {  	_ = 	snop  }
0x2c2: {  	[spmem:s2] =	stream.indirect.scatter.add.f32 [tilespmem:s3], [sflag:$0x1], $0x1, s23, s6, $0xb8;
	[tilespmem:$0x2D80] =	vst v63  }
0x2c3: {  	_ =	swait.ge [sflag:s24], $0x80  }
0x2c4: {  	[sflag:s24] =	ssyncset.done $0x0  }
0x2c5: {  	[sflag:s24] =	ssyncadd.s32 $0xFFFFFF80  }
0x2c6: {  	_ =	swait.ge [sflag:s24], $0x80  }
0x2c7: {  	[sflag:s24] =	ssyncset.done $0x0  }
0x2c8: {  	[sflag:s24] =	ssyncadd.s32 $0xFFFFFF80  }
0x2c9: {  	_ =	swait.ge [sflag:s24], $0x80  }
0x2ca: {  	[sflag:s24] =	ssyncset.done $0x0  }
0x2cb: {  	[sflag:s24] =	ssyncadd.s32 $0xFFFFFF80  }
0x2cc: {  	_ =	swait.ge [sflag:s24], $0x80  }
0x2cd: {  	[sflag:s24] =	ssyncset.done $0x0  }
0x2ce: {  	[sflag:s24] =	ssyncadd.s32 $0xFFFFFF80  }
0x2cf: {  	_ =	swait.ge [sflag:s24], $0x80  }
0x2d0: {  	[sflag:s24] =	ssyncset.done $0x0  }
0x2d1: {  	[sflag:s24] =	ssyncadd.s32 $0xFFFFFF80  }
0x2d2: {  	_ =	swait.ge [sflag:s24], $0x80  }
0x2d3: {  	[sflag:s24] =	ssyncset.done $0x0  }
0x2d4: {  	[sflag:s24] =	ssyncadd.s32 $0xFFFFFF80  }
0x2d5: {  	_ =	swait.ge [sflag:s24], $0x80  }
0x2d6: {  	[sflag:s24] =	ssyncset.done $0x0  }
0x2d7: {  	[sflag:s24] =	ssyncadd.s32 $0xFFFFFF80  }
0x2d8: {  	_ =	swait.ge [sflag:s24], $0x80  }
0x2d9: {  	[sflag:s24] =	ssyncset.done $0x0  }
0x2da: {  	[sflag:s24] =	ssyncadd.s32 $0xFFFFFF80  }
0x2db: {  	_ =	swait.ge [sflag:s24], $0x80  }
0x2dc: {  	[sflag:s24] =	ssyncset.done $0x0  }
0x2dd: {  	[sflag:s24] =	ssyncadd.s32 $0xFFFFFF80  }
0x2de: {  	_ =	swait.ge [sflag:s24], $0x80  }
0x2df: {  	[sflag:s24] =	ssyncset.done $0x0  }
0x2e0: {  	[sflag:s24] =	ssyncadd.s32 $0xFFFFFF80  }
0x2e1: {  	_ =	swait.ge [sflag:s24], $0x80  }
0x2e2: {  	[sflag:s24] =	ssyncset.done $0x0  }
0x2e3: {  	[sflag:s24] =	ssyncadd.s32 $0xFFFFFF80  }
0x2e4: {  	_ =	swait.ge [sflag:s24], $0x80  }
0x2e5: {  	[sflag:s24] =	ssyncset.done $0x0  }
0x2e6: {  	[sflag:s24] =	ssyncadd.s32 $0xFFFFFF80  }
0x2e7: {  	_ =	swait.ge [sflag:s24], $0x80  }
0x2e8: {  	[sflag:s24] =	ssyncset.done $0x0  }
0x2e9: {  	[sflag:s24] =	ssyncadd.s32 $0xFFFFFF80  }
0x2ea: {  	_ =	swait.ge [sflag:s24], $0x80  }
0x2eb: {  	[sflag:s24] =	ssyncset.done $0x0  }
0x2ec: {  	[sflag:s24] =	ssyncadd.s32 $0xFFFFFF80  }
0x2ed: {  	_ =	swait.ge [sflag:s24], $0x80  }
0x2ee: {  	[sflag:s24] =	ssyncset.done $0x0  }
0x2ef: {  	[sflag:s24] =	ssyncadd.s32 $0xFFFFFF80  }
0x2f0: {  	_ =	swait.ge [sflag:s24], $0x80  }
0x2f1: {  	[sflag:s24] =	ssyncset.done $0x0  }
0x2f2: {  	[sflag:s24] =	ssyncadd.s32 $0xFFFFFF80  }
0x2f3: {  	_ =	swait.ge [sflag:s24], $0x80  }
0x2f4: {  	[sflag:s24] =	ssyncset.done $0x0  }
0x2f5: {  	[sflag:s24] =	ssyncadd.s32 $0xFFFFFF80  }
0x2f6: {  	_ =	swait.ge [sflag:s24], $0x80  }
0x2f7: {  	[sflag:s24] =	ssyncset.done $0x0  }
0x2f8: {  	[sflag:s24] =	ssyncadd.s32 $0xFFFFFF80  }
0x2f9: {  	_ =	swait.ge [sflag:s24], $0x80  }
0x2fa: {  	[sflag:s24] =	ssyncset.done $0x0  }
0x2fb: {  	[sflag:s24] =	ssyncadd.s32 $0xFFFFFF80  }
0x2fc: {  	_ =	swait.ge [sflag:s24], $0x80  }
0x2fd: {  	[sflag:s24] =	ssyncset.done $0x0  }
0x2fe: {  	[sflag:s24] =	ssyncadd.s32 $0xFFFFFF80  }
0x2ff: {  	_ =	swait.ge [sflag:s24], $0x80  }
0x300: {  	[sflag:s24] =	ssyncset.done $0x0  }
0x301: {  	[sflag:s24] =	ssyncadd.s32 $0xFFFFFF80  }
0x302: {  	_ =	swait.ge [sflag:s24], $0x80  }
0x303: {  	[sflag:s24] =	ssyncset.done $0x0  }
0x304: {  	[sflag:s24] =	ssyncadd.s32 $0xFFFFFF80  }
0x305: {  	_ =	swait.ge [sflag:s24], $0x80  }
0x306: {  	[sflag:s24] =	ssyncset.done $0x0  }
0x307: {  	[sflag:s24] =	ssyncadd.s32 $0xFFFFFF80  }
0x308: {  	_ =	swait.ge [sflag:s24], $0x80  }
0x309: {  	[sflag:s24] =	ssyncset.done $0x0  }
0x30a: {  	[sflag:s24] =	ssyncadd.s32 $0xFFFFFF80  }
0x30b: {  	_ =	swait.ge [sflag:s24], $0x80  }
0x30c: {  	[sflag:s24] =	ssyncset.done $0x0  }
0x30d: {  	[sflag:s24] =	ssyncadd.s32 $0xFFFFFF80  }
0x30e: {  	_ =	swait.ge [sflag:s24], $0x80  }
0x30f: {  	[sflag:s24] =	ssyncset.done $0x0  }
0x310: {  	[sflag:s24] =	ssyncadd.s32 $0xFFFFFF80  }
0x311: {  	_ =	swait.ge [sflag:s24], $0x80  }
0x312: {  	[sflag:s24] =	ssyncset.done $0x0  }
0x313: {  	[sflag:s24] =	ssyncadd.s32 $0xFFFFFF80  }
0x314: {  	_ =	swait.ge [sflag:s24], $0x80  }
0x315: {  	[sflag:s24] =	ssyncset.done $0x0  }
0x316: {  	[sflag:s24] =	ssyncadd.s32 $0xFFFFFF80  }
0x317: {  	_ =	swait.ge [sflag:s24], $0x80  }
0x318: {  	[sflag:s24] =	ssyncset.done $0x0  }
0x319: {  	[sflag:s24] =	ssyncadd.s32 $0xFFFFFF80  }
0x31a: {  	_ =	swait.ge [sflag:s24], $0x80  }
0x31b: {  	[sflag:s24] =	ssyncset.done $0x0  }
0x31c: {  	[sflag:s24] =	ssyncadd.s32 $0xFFFFFF80  }
0x31d: {  	_ =	swait.ge [sflag:s24], $0x80  }
0x31e: {  	[sflag:s24] =	ssyncset.done $0x0  }
0x31f: {  	[sflag:s24] =	ssyncadd.s32 $0xFFFFFF80  }
0x320: {  	_ =	swait.ge [sflag:s24], $0x80  }
0x321: {  	[sflag:s24] =	ssyncset.done $0x0  }
0x322: {  	[sflag:s24] =	ssyncadd.s32 $0xFFFFFF80  }
0x323: {  	_ =	swait.ge [sflag:s24], $0x80  }
0x324: {  	[sflag:s24] =	ssyncset.done $0x0  }
0x325: {  	[sflag:s24] =	ssyncadd.s32 $0xFFFFFF80  }
0x326: {  	_ =	swait.ge [sflag:s24], $0x80  }
0x327: {  	[sflag:s24] =	ssyncset.done $0x0  }
0x328: {  	[sflag:s24] =	ssyncadd.s32 $0xFFFFFF80  }
0x329: {  	_ =	swait.ge [sflag:s24], $0x80  }
0x32a: {  	[sflag:s24] =	ssyncset.done $0x0  }
0x32b: {  	[sflag:s24] =	ssyncadd.s32 $0xFFFFFF80  }
0x32c: {  	_ =	swait.ge [sflag:s24], $0x80  }
0x32d: {  	[sflag:s24] =	ssyncset.done $0x0  }
0x32e: {  	[sflag:s24] =	ssyncadd.s32 $0xFFFFFF80  }
0x32f: {  	_ =	swait.ge [sflag:s24], $0x80  }
0x330: {  	[sflag:s24] =	ssyncset.done $0x0  }
0x331: {  	[sflag:s24] =	ssyncadd.s32 $0xFFFFFF80  }
0x332: {  	_ =	swait.ge [sflag:s24], $0x80  }
0x333: {  	[sflag:s24] =	ssyncset.done $0x0  }
0x334: {  	[sflag:s24] =	ssyncadd.s32 $0xFFFFFF80  }
0x335: {  	_ =	swait.ge [sflag:s24], $0x80  }
0x336: {  	[sflag:s24] =	ssyncset.done $0x0  }
0x337: {  	[sflag:s24] =	ssyncadd.s32 $0xFFFFFF80  }
0x338: {  	_ =	swait.ge [sflag:s24], $0x80  }
0x339: {  	[sflag:s24] =	ssyncset.done $0x0  }
0x33a: {  	[sflag:s24] =	ssyncadd.s32 $0xFFFFFF80  }
0x33b: {  	_ =	swait.ge [sflag:s24], $0x80  }
0x33c: {  	[sflag:s24] =	ssyncset.done $0x0  }
0x33d: {  	[sflag:s24] =	ssyncadd.s32 $0xFFFFFF80  }
0x33e: {  	_ =	swait.ge [sflag:s24], $0x80  }
0x33f: {  	[sflag:s24] =	ssyncset.done $0x0  }
0x340: {  	[sflag:s24] =	ssyncadd.s32 $0xFFFFFF80  }
0x341: {  	_ =	swait.ge [sflag:s24], $0x80  }
0x342: {  	[sflag:s24] =	ssyncset.done $0x0  }
0x343: {  	[sflag:s24] =	ssyncadd.s32 $0xFFFFFF80  }
0x344: {  	_ =	swait.ge [sflag:s24], $0x80  }
0x345: {  	[sflag:s24] =	ssyncset.done $0x0  }
0x346: {  	[sflag:s24] =	ssyncadd.s32 $0xFFFFFF80  }
0x347: {  	_ =	swait.ge [sflag:s24], $0x80  }
0x348: {  	[sflag:s24] =	ssyncset.done $0x0  }
0x349: {  	[sflag:s24] =	ssyncadd.s32 $0xFFFFFF80  }
0x34a: {  	_ =	swait.ge [sflag:s24], $0x80  }
0x34b: {  	[sflag:s24] =	ssyncset.done $0x0  }
0x34c: {  	[sflag:s24] =	ssyncadd.s32 $0xFFFFFF80  }
0x34d: {  	_ =	swait.ge [sflag:s24], $0x80  }
0x34e: {  	[sflag:s24] =	ssyncset.done $0x0  }
0x34f: {  	[sflag:s24] =	ssyncadd.s32 $0xFFFFFF80  }
0x350: {  	_ =	swait.ge [sflag:s24], $0x80  }
0x351: {  	[sflag:s24] =	ssyncset.done $0x0  }
0x352: {  	[sflag:s24] =	ssyncadd.s32 $0xFFFFFF80  }
0x353: {  	_ =	swait.ge [sflag:s24], $0x80  }
0x354: {  	[sflag:s24] =	ssyncset.done $0x0  }
0x355: {  	[sflag:s24] =	ssyncadd.s32 $0xFFFFFF80  }
0x356: {  	_ =	swait.ge [sflag:s24], $0x80  }
0x357: {  	[sflag:s24] =	ssyncset.done $0x0  }
0x358: {  	[sflag:s24] =	ssyncadd.s32 $0xFFFFFF80  }
0x359: {  	_ =	swait.ge [sflag:s24], $0x80  }
0x35a: {  	[sflag:s24] =	ssyncset.done $0x0  }
0x35b: {  	[sflag:s24] =	ssyncadd.s32 $0xFFFFFF80  }
0x35c: {  	_ =	swait.ge [sflag:s24], $0x80  }
0x35d: {  	[sflag:s24] =	ssyncset.done $0x0  }
0x35e: {  	[sflag:s24] =	ssyncadd.s32 $0xFFFFFF80  }
0x35f: {  	_ =	swait.ge [sflag:s24], $0x80  }
0x360: {  	[sflag:s24] =	ssyncset.done $0x0  }
0x361: {  	[sflag:s24] =	ssyncadd.s32 $0xFFFFFF80  }
0x362: {  	_ =	swait.ge [sflag:s24], $0x80  }
0x363: {  	[sflag:s24] =	ssyncset.done $0x0  }
0x364: {  	[sflag:s24] =	ssyncadd.s32 $0xFFFFFF80  }
0x365: {  	_ =	swait.ge [sflag:s24], $0x80  }
0x366: {  	[sflag:s24] =	ssyncset.done $0x0  }
0x367: {  	[sflag:s24] =	ssyncadd.s32 $0xFFFFFF80  }
0x368: {  	_ =	swait.ge [sflag:s24], $0x80  }
0x369: {  	[sflag:s24] =	ssyncset.done $0x0  }
0x36a: {  	[sflag:s24] =	ssyncadd.s32 $0xFFFFFF80  }
0x36b: {  	_ =	swait.ge [sflag:s24], $0x80  }
0x36c: {  	[sflag:s24] =	ssyncset.done $0x0  }
0x36d: {  	[sflag:s24] =	ssyncadd.s32 $0xFFFFFF80  }
0x36e: {  	_ =	swait.ge [sflag:s24], $0x80  }
0x36f: {  	[sflag:s24] =	ssyncset.done $0x0  }
0x370: {  	[sflag:s24] =	ssyncadd.s32 $0xFFFFFF80  }
0x371: {  	_ =	swait.ge [sflag:s24], $0x80  }
0x372: {  	[sflag:s24] =	ssyncset.done $0x0  }
0x373: {  	[sflag:s24] =	ssyncadd.s32 $0xFFFFFF80  }
0x374: {  	_ =	swait.ge [sflag:s24], $0x80  }
0x375: {  	[sflag:s24] =	ssyncset.done $0x0  }
0x376: {  	[sflag:s24] =	ssyncadd.s32 $0xFFFFFF80  }
0x377: {  	_ =	swait.ge [sflag:s24], $0x80  }
0x378: {  	[sflag:s24] =	ssyncset.done $0x0  }
0x379: {  	[sflag:s24] =	ssyncadd.s32 $0xFFFFFF80  }
0x37a: {  	_ =	swait.ge [sflag:s24], $0x80  }
0x37b: {  	[sflag:s24] =	ssyncset.done $0x0  }
0x37c: {  	[sflag:s24] =	ssyncadd.s32 $0xFFFFFF80  }
0x37d: {  	_ =	swait.ge [sflag:s24], $0x80  }
0x37e: {  	[sflag:s24] =	ssyncset.done $0x0  }
0x37f: {  	[sflag:s24] =	ssyncadd.s32 $0xFFFFFF80  }
0x380: {  	_ =	swait.ge [sflag:s24], $0x80  }
0x381: {  	[sflag:s24] =	ssyncset.done $0x0  }
0x382: {  	[sflag:s24] =	ssyncadd.s32 $0xFFFFFF80  }
0x383: {  	_ =	swait.ge [sflag:s24], $0x80  }
0x384: {  	[sflag:s24] =	ssyncset.done $0x0  }
0x385: {  	[sflag:s24] =	ssyncadd.s32 $0xFFFFFF80  }
0x386: {  	_ =	swait.ge [sflag:s24], $0x80  }
0x387: {  	[sflag:s24] =	ssyncset.done $0x0  }
0x388: {  	[sflag:s24] =	ssyncadd.s32 $0xFFFFFF80  }
0x389: {  	_ =	swait.ge [sflag:s24], $0x80  }
0x38a: {  	[sflag:s24] =	ssyncset.done $0x0  }
0x38b: {  	[sflag:s24] =	ssyncadd.s32 $0xFFFFFF80  }
0x38c: {  	_ =	swait.ge [sflag:s24], $0x80  }
0x38d: {  	[sflag:s24] =	ssyncset.done $0x0  }
0x38e: {  	[sflag:s24] =	ssyncadd.s32 $0xFFFFFF80  }
0x38f: {  	_ =	swait.ge [sflag:s24], $0x80  }
0x390: {  	[sflag:s24] =	ssyncset.done $0x0  }
0x391: {  	[sflag:s24] =	ssyncadd.s32 $0xFFFFFF80  }
0x392: {  	_ =	swait.ge [sflag:s24], $0x80  }
0x393: {  	[sflag:s24] =	ssyncset.done $0x0  }
0x394: {  	[sflag:s24] =	ssyncadd.s32 $0xFFFFFF80  }
0x395: {  	_ =	swait.ge [sflag:s24], $0x80  }
0x396: {  	[sflag:s24] =	ssyncset.done $0x0  }
0x397: {  	[sflag:s24] =	ssyncadd.s32 $0xFFFFFF80  }
0x398: {  	_ =	swait.ge [sflag:s24], $0x80  }
0x399: {  	[sflag:s24] =	ssyncset.done $0x0  }
0x39a: {  	[sflag:s24] =	ssyncadd.s32 $0xFFFFFF80  }
0x39b: {  	_ =	swait.ge [sflag:s24], $0x80  }
0x39c: {  	[sflag:s24] =	ssyncset.done $0x0  }
0x39d: {  	[sflag:s24] =	ssyncadd.s32 $0xFFFFFF80  }
0x39e: {  	_ =	swait.ge [sflag:s24], $0x80  }
0x39f: {  	[sflag:s24] =	ssyncset.done $0x0  }
0x3a0: {  	[sflag:s24] =	ssyncadd.s32 $0xFFFFFF80  }
0x3a1: {  	_ =	swait.ge [sflag:s24], $0x80  }
0x3a2: {  	[sflag:s24] =	ssyncset.done $0x0  }
0x3a3: {  	[sflag:s24] =	ssyncadd.s32 $0xFFFFFF80  }
0x3a4: {  	_ =	swait.ge [sflag:s24], $0x80  }
0x3a5: {  	[sflag:s24] =	ssyncset.done $0x0  }
0x3a6: {  	[sflag:s24] =	ssyncadd.s32 $0xFFFFFF80  }
0x3a7: {  	_ =	swait.ge [sflag:s24], $0x80  }
0x3a8: {  	[sflag:s24] =	ssyncset.done $0x0  }
0x3a9: {  	[sflag:s24] =	ssyncadd.s32 $0xFFFFFF80  }
0x3aa: {  	_ =	swait.ge [sflag:s24], $0x80  }
0x3ab: {  	[sflag:s24] =	ssyncset.done $0x0  }
0x3ac: {  	[sflag:s24] =	ssyncadd.s32 $0xFFFFFF80  }
0x3ad: {  	_ =	swait.ge [sflag:s24], $0x80  }
0x3ae: {  	[sflag:s24] =	ssyncset.done $0x0  }
0x3af: {  	[sflag:s24] =	ssyncadd.s32 $0xFFFFFF80  }
0x3b0: {  	_ =	swait.ge [sflag:s24], $0x80  }
0x3b1: {  	[sflag:s24] =	ssyncset.done $0x0  }
0x3b2: {  	p0 =	sne.s32 s30, $0x1;
	[sflag:s24] =	ssyncadd.s32 $0xFFFFFF80  }
.Ltmp1:
0x3b3: {  	[bflag:$0x0] =	sbarrier.arrive $0xFFFF;
	(pc) =	sbr.rel @p0 .LBB2_1-.Ltmp1, $4  }
0x3b4: {  	s31 =	rddreg [dreg:$0x5]  }
0x3b5: {  	[hbm:s31@s26], [sflag:s25] =	dma.strided [spmem:s29@s28], $0x50, s24, $0x10   }
0x3b6: {  	_ =	swait.ge [sflag:s4], $0x50  }
0x3b7: {  	s30 =	sadd.s32 $0xFFFFFFFF, s30;
	[sflag:s4] =	ssyncset.done $0x0  }
.LBB2_2:
0x3b8: {  	[sflag:s4] =	ssyncadd.s32 $0xFFFFFFB0  }
0x3b9: {  	_ =	sfence.sel $0x180000  }
0x3ba: {  	[bflag:$0x0] =	sbarrier.arrive $0xFFFF  }
0x3bb: {  	_ =	strace $0x90000047  }
0x3bc: {  	[bflag:$0x2] =	sbarrier.arrive $0xFFFF  }
0x3bd: {  	p0 =	sne.s32 s0, $0x0;
	s0 =	rddreg [dreg:$0x3]  }
0x3be: {  	s0 =	sadd.s32 @!p0 $0x100000, s0  }
0x3bf: {  	[sflag:s0] =	ssyncadd.tile.s32 @!p0 $0x1;
	_ =	shalt  }
.Lfunc_end2:
_tile_overlayer_lowered:
.L_overlay_start_2:
0x3c0: {  	(tag) =	ssettag $0x2  }
0x3c1: {  	s0 =	rddreg [dreg:$0x0];
	s2 =	stileid.u32  }
0x3c2: {  	s1 =	rddreg [dreg:$0x1];
	p0 =	sne.s32 s2, $0x0  }
0x3c3: {  	s3 =	rddreg [dreg:$0x2];
	[bflag:$0x3] =	sbarrier.arrive $0xFFFF;
	s2 =	simm.s32 @!p0 $0x1C02  }
0x3c4: {  	[timem:s3], [sflag:s2] =	dma.local @!p0 [hbm:s0], s1  }
0x3c5: {  	s0 =	simm.s32 @!p0 $0x2  }
0x3c6: {  	_ =	swait.ge @!p0 [sflag:s0], s1  }
0x3c7: {  	s1 =	ssub.s32 @!p0 $0x0, s1;
	[sflag:s0] =	ssyncset.done @!p0 $0x0  }
0x3c8: {  	[sflag:s0] =	ssyncadd.s32 @!p0 s1  }
0x3c9: {  	[bflag:$0x3] =	sbarrier.arrive $0xFFFF  }
0x3ca: {  	_ =	shalt  }

// kernel: kernel.9.cloned.1.call-start
scs
__scs_entry_jumppad:
0x0: {  	(pc) =	sbr.rel $0x88, $3  }
0x1: {  	(tag) =	ssettag $0x0;
	lr =	simm.s32 $0x1  }
0x2: {  	[smem:$0x3F9B] =	sst lr;
	_ =	strace $0xD0000000  }
0x3: {  	_ = 	snop  }
0x4: {  	_ = 	snop  }
0x5: {  	_ = 	snop  }
0x6: {  	_ = 	snop  }
0x7: {  	_ = 	snop  }
__scs_overlays_trampoline_lowered:
0x8: {  	[smem:$0x3FAA] =	sst s0  }
0x9: {  	[smem:$0x3FAB] =	sst s1  }
0xa: {  	[smem:$0x3FAC] =	sst s2  }
0xb: {  	[smem:$0x3FAD] =	sst s3  }
0xc: {  	[smem:$0x3FAE] =	sst s4  }
0xd: {  	[smem:$0x3FAF] =	sst s5  }
0xe: {  	[smem:$0x3FB0] =	sst s6  }
0xf: {  	[smem:$0x3FB1] =	sst s7  }
0x10: {  	[smem:$0x3FB2] =	sst s8  }
0x11: {  	[smem:$0x3FB3] =	sst s9;
	s0 =	simm.s32 @!p0 $0x0  }
0x12: {  	s1 =	sld [smem:$0x3F99];
	s0 =	simm.s32 @p0 $0x1  }
0x13: {  	[smem:$0x3FB4] =	sst s0;
	s0 =	simm.s32 @!p1 $0x0  }
0x14: {  	s2 =	sld [smem:$0x3F98];
	s0 =	simm.s32 @p1 $0x1  }
0x15: {  	[smem:$0x3FB5] =	sst s0;
	s0 =	simm.s32 @!p2 $0x0  }
0x16: {  	s3 =	sld [smem:$0x3FDB];
	s0 =	simm.s32 @p2 $0x1  }
0x17: {  	s4 =	simm.s32 $0x1BF5;
	[smem:$0x3FB7] =	sst s0  }
0x18: {  	s0 =	sld [smem:$0x3F9A];
	_ =	swait.ge [sflag:s4], $0x0  }
0x19: {  	s7 =	sld [smem:$0x3F9B]  }
0x1a: {  	s8 =	sadd.s32 $0xFFFFE003, lr  }
0x1b: {  	s9 =	sadd.s32 $0xFFFFFEF7, lr;
	s5 =	simm.s32 $0xFFFFFFFF;
	p2 =	slt.u32 s8, $0xFFFFF086  }
0x1c: {  	p1 =	slt.u32 s9, $0xF7A;
	s5 =	simm.s32 @!p2 $0x0  }
0x1d: {  	s5 =	simm.s32 @p1 $0x1;
	p0 =	seq.s32 s7, s2  }
0x1e: {  	s7 =	smul.u32 @!p0 $0xF7A, s2;
	p2 =	seq.s32 @!p0 s5, $0x0  }
0x1f: {  	s9 =	smul.u32 $0xF7A, s1;
	s8 =	simm.s32 @!p0 $0x1BF5;
	p2 =	por !p2, p0  }
0x20: {  	[sflag:s8] =	ssyncset.s32 @!p0 $0xFFFFF086;
	s6 =	sadd.s32 @!p0 s3, s7;
	s7 =	simm.s32 @!p0 $0x108  }
0x21: {  	s3 =	sadd.s32 s3, s9;
	s6 =	sadd.s32 @!p0 $0x88, s6;
	s7 =	simm.s32 @p2 $0x1082  }
0x22: {  	[simem:s7], [sflag:s8] =	dma.local @!p0 [hbm:s6], $0xF7A  }
0x23: {  	s9 =	sor.u32 $0xD0000000, s2;
	s6 =	simm.s32 $0x108;
	_ =	swait.ge @!p0 [sflag:s8], $0x0  }
0x24: {  	s3 =	sadd.s32 $0x88, s3;
	s6 =	simm.s32 @!p1 $0x1082;
	[sflag:s4] =	ssyncset.s32 $0xFFFFF086  }
0x25: {  	[simem:s6], [sflag:s4] =	dma.local [hbm:s3], $0xF7A  }
0x26: {  	[smem:$0x3F9B] =	sst s1;
	(tag) =	ssettag s2;
	_ =	strace s9  }
0x27: {  	s1 =	sld [smem:$0x3FAB]  }
0x28: {  	s2 =	sld [smem:$0x3FAC]  }
0x29: {  	s4 =	sld [smem:$0x3FAE]  }
0x2a: {  	p0 =	seq.s32 s5, $0x0;
	s5 =	sld [smem:$0x3FAF]  }
0x2b: {  	s6 =	sld [smem:$0x3FB0]  }
0x2c: {  	s7 =	sld [smem:$0x3FB1]  }
0x2d: {  	s3 =	simm.s32 $0x108;
	s8 =	sld [smem:$0x3FB2]  }
0x2e: {  	s3 =	simm.s32 @!p0 $0x1082;
	s9 =	sld [smem:$0x3FB3]  }
0x2f: {  	lr =	sadd.s32 s0, s3;
	s0 =	sld [smem:$0x3FAA]  }
0x30: {  	s3 =	sld [smem:$0x3FAD]  }
0x31: {  	[smem:$0x3FB6] =	sst s10  }
0x32: {  	s10 =	sld [smem:$0x3FB4];
	_ =	sdelay $0x3  }
0x33: {  	p0 =	seq.s32 s10, $0x1;
	s10 =	sld [smem:$0x3FB6];
	_ =	sdelay $0x3  }
0x34: {  	[smem:$0x3FB6] =	sst s10  }
0x35: {  	s10 =	sld [smem:$0x3FB5];
	_ =	sdelay $0x3  }
0x36: {  	p1 =	seq.s32 s10, $0x1;
	s10 =	sld [smem:$0x3FB6];
	_ =	sdelay $0x3  }
0x37: {  	[smem:$0x3FB6] =	sst s10  }
0x38: {  	s10 =	sld [smem:$0x3FB7]  }
0x39: {  	_ = 	snop;
	(pc) =	sbr.ind lr, $3  }
0x3a: {  	_ = 	snop  }
0x3b: {  	_ = 	snop  }
0x3c: {  	p2 =	seq.s32 s10, $0x1;
	s10 =	sld [smem:$0x3FB6]  }
0x3d: {  	_ =	shalt  }
0x3e: {  	_ =	shalt  }
0x3f: {  	_ =	shalt  }
0x40: {  	_ =	shalt  }
0x41: {  	_ =	shalt  }
0x42: {  	_ =	shalt  }
0x43: {  	_ =	shalt  }
0x44: {  	_ =	shalt  }
0x45: {  	_ =	shalt  }
0x46: {  	_ =	shalt  }
0x47: {  	_ =	shalt  }
0x48: {  	_ =	shalt  }
0x49: {  	_ =	shalt  }
0x4a: {  	_ =	shalt  }
0x4b: {  	_ =	shalt  }
0x4c: {  	_ =	shalt  }
0x4d: {  	_ =	shalt  }
0x4e: {  	_ =	shalt  }
0x4f: {  	_ =	shalt  }
0x50: {  	_ =	shalt  }
0x51: {  	_ =	shalt  }
0x52: {  	_ =	shalt  }
0x53: {  	_ =	shalt  }
0x54: {  	_ =	shalt  }
0x55: {  	_ =	shalt  }
0x56: {  	_ =	shalt  }
0x57: {  	_ =	shalt  }
0x58: {  	_ =	shalt  }
0x59: {  	_ =	shalt  }
0x5a: {  	_ =	shalt  }
0x5b: {  	_ =	shalt  }
0x5c: {  	_ =	shalt  }
0x5d: {  	_ =	shalt  }
0x5e: {  	_ =	shalt  }
0x5f: {  	_ =	shalt  }
0x60: {  	_ =	shalt  }
0x61: {  	_ =	shalt  }
0x62: {  	_ =	shalt  }
0x63: {  	_ =	shalt  }
0x64: {  	_ =	shalt  }
0x65: {  	_ =	shalt  }
0x66: {  	_ =	shalt  }
0x67: {  	_ =	shalt  }
0x68: {  	_ =	shalt  }
0x69: {  	_ =	shalt  }
0x6a: {  	_ =	shalt  }
0x6b: {  	_ =	shalt  }
0x6c: {  	_ =	shalt  }
0x6d: {  	_ =	shalt  }
0x6e: {  	_ =	shalt  }
0x6f: {  	_ =	shalt  }
0x70: {  	_ =	shalt  }
0x71: {  	_ =	shalt  }
0x72: {  	_ =	shalt  }
0x73: {  	_ =	shalt  }
0x74: {  	_ =	shalt  }
0x75: {  	_ =	shalt  }
0x76: {  	_ =	shalt  }
0x77: {  	_ =	shalt  }
0x78: {  	_ =	shalt  }
0x79: {  	_ =	shalt  }
0x7a: {  	_ =	shalt  }
0x7b: {  	_ =	shalt  }
0x7c: {  	_ =	shalt  }
0x7d: {  	_ =	shalt  }
0x7e: {  	_ =	shalt  }
0x7f: {  	_ =	shalt  }
0x80: {  	_ =	shalt  }
0x81: {  	_ =	shalt  }
0x82: {  	_ =	shalt  }
0x83: {  	_ =	shalt  }
0x84: {  	_ =	shalt  }
0x85: {  	_ =	shalt  }
0x86: {  	_ =	shalt  }
0x87: {  	_ =	shalt  }
.Lfunc_end0:
.L_simem_size_0:
called_computation.1_lowered:
.L_overlay_start_0:
0x88: {  	s2 =	sld [smem:$0x3FD9]  }
0x89: {  	s3 =	sld [smem:$0x3FFE];
	_ =	sdelay $0x1  }
0x8a: {  	s1 =	srdreg.scid  }
0x8b: {  	s0 =	sand.u32 $0x1, s1  }
0x8c: {  	s14 =	sshll.u32 s0, $0xA;
	s2 =	sadd.s32 s3, s2  }
0x8d: {  	s2 =	sadd.s32 s2, s14  }
0x8e: {  	[smem:$0x3FC2] =	sst s2  }
0x8f: {  	_ = 	snop  }
0x90: {  	s2 =	sld [smem:$0x3FD0];
	_ =	sdelay $0x2  }
0x91: {  	s15 =	simm.s32 $0xA;
	s4 =	simm.s32 $0x10  }
0x92: {  	[smem:s4], [sflag:s15] =	dma.local [hbm:s2], $0x1  }
0x93: {  	_ =	swait.eq [sflag:s15], $0x1  }
0x94: {  	[sflag:s15] =	ssyncset.done $0x0  }
0x95: {  	[sflag:s15] =	ssyncadd.s32 $0xFFFFFFFF  }
0x96: {  	s16 =	sld [smem:$0x11];
	(tm) =	ssettm $0x1  }
0x97: {  	s17 =	sld [smem:$0x3FFB];
	_ =	sdelay $0x3  }
0x98: {  	_ =	strace s17  }
0x99: {  	s3 =	sld [smem:$0x3FFC];
	_ =	sdelay $0x3  }
0x9a: {  	_ =	strace s3  }
0x9b: {  	s3 =	sld [smem:$0x3FFD];
	_ =	sdelay $0x3  }
0x9c: {  	_ =	strace s3  }
0x9d: {  	_ =	strace $0x8FFFFFFF  }
0x9e: {  	s18 =	sld [smem:$0x3FDB];
	_ =	sdelay $0x1  }
0x9f: {  	s19 =	simm.s32 $_scs_section_size  }
0xa0: {  	s5 =	simm.s32 $_size__tile_overlayer_lowered;
	s6 =	simm.s32 $_tile_overlayer_lowered  }
0xa1: {  	s22 =	simm.s32 $0x1BFF;
	s21 =	sshll.u32 s6, $0x1;
	s3 =	sadd.s32 s19, s18  }
0xa2: {  	s7 =	simm.s32 $0x0;
	s20 =	sshll.u32 s5, $0x1;
	s5 =	sadd.s32 s21, s3  }
0xa3: {  	[timem:s7], [sflag:s22] =	dma.local [hbm:s5], s20  }
0xa4: {  	_ =	swait.ge [sflag:s22], s20  }
0xa5: {  	s4 =	ssub.s32 $0x0, s20;
	[sflag:s22] =	ssyncset.done $0x0  }
0xa6: {  	[sflag:s22] =	ssyncadd.s32 s4;
	_ =	sdelay $0x1  }
0xa7: {  	s23 =	simm.s32 $0x1B8B  }
0xa8: {  	_ =	swait.ge [sflag:s23], $0x1  }
0xa9: {  	[sflag:s23] =	ssyncset.done $0x0  }
0xaa: {  	s25 =	simm.s32 $0x1B8E;
	s24 =	sld [smem:$0x3FFE];
	[sflag:s23] =	ssyncadd.s32 $0xFFFFFFFF  }
0xab: {  	s26 =	simm.s32 $execute0_lowered;
	[smem:$0x3FD2] =	sst s25  }
0xac: {  	s5 =	sshll.u32 s26, $0x1;
	_ =	strace $0x80000049;
	[dreg:$0x1] =	wrdreg $0xFFFFFFFF  }
0xad: {  	s28 =	simm.s32 $_size_execute0_lowered;
	s3 =	sadd.s32 s3, s5;
	[dreg:$0x0] =	wrdreg $0x0  }
0xae: {  	s5 =	sshll.u32 s28, $0x1;
	[dreg:$0x2] =	wrdreg s3  }
0xaf: {  	[dreg:$0x3] =	wrdreg s5  }
0xb0: {  	[dreg:$0x4] =	wrdreg $0xC0  }
0xb1: {  	_ =	task [dreg:s7], $0x5FFFF  }
0xb2: {  	[dreg:$0x1] =	wrdreg $0xFFFFFFFF  }
0xb3: {  	[dreg:$0x0] =	wrdreg $0x60  }
0xb4: {  	[dreg:$0x2] =	wrdreg s24  }
0xb5: {  	[dreg:$0x3] =	wrdreg s16  }
0xb6: {  	[dreg:$0x4] =	wrdreg $0xA8000  }
0xb7: {  	[dreg:$0x5] =	wrdreg $0x9  }
0xb8: {  	_ =	task.clear_ibuf [dreg:s7], $0x6FFFF;
	_ =	strace $0x90000049  }
0xb9: {  	s29 =	simm.s32 $0x9;
	_ =	strace $0x8000004B  }
0xba: {  	_ =	swait.ge [sflag:s29], $0x1  }
0xbb: {  	[sflag:s29] =	ssyncadd.s32 $0xFFFFFFFF  }
0xbc: {  	_ =	strace $0x9000004B  }
0xbd: {  	_ =	sfence  }
0xbe: {  	s30 =	sld [smem:$0x0];
	_ =	sdelay $0x2  }
0xbf: {  	s31 =	sshll.u32 s1, $0xD;
	s1 =	sshrl.u32 s1, $0x2  }
0xc0: {  	s3 =	sand.u32 $0x4000, s31;
	s1 =	sadd.s32 s1, s30  }
0xc1: {  	s0 =	sor.u32 s3, s0;
	s1 =	sshll.u32 s1, $0x11  }
0xc2: {  	s0 =	sor.u32 s1, s0  }
0xc3: {  	s0 =	sadd.s32 $0x8F2B, s0  }
0xc4: {  	[sflag:s0] =	ssyncadd.remote.s32 $0x1  }
0xc5: {  	_ =	sfence.sel $0xFFFF  }
0xc6: {  	[dreg:$0x0] =	wrdreg $0xFFFFFFFF;
	(pc) =	sbr.abs _section_cstart, $3  }
0xc7: {  	[dreg:$0x1] =	wrdreg $0xFFFFFFFF  }
0xc8: {  	_ =	task.clear_ibuf [dreg:s7], $0x2FFFF;
	_ =	strace $0x9FFFFFFF  }
0xc9: {  	(tm) =	ssettm $0x7FFFFFFF  }
tec
execute0_lowered:
.L_overlay_start_1:
0x0: {  	(tag) =	ssettag $0x1  }
0x1: {  	s0 =	rddreg [dreg:$0x0]  }
0x2: {  	s1 =	srdreg.scid;
	s2 =	rddreg [dreg:$0x1]  }
0x3: {  	s3 =	rddreg [dreg:$0x2];
	s9 =	stileid.u32  }
0x4: {  	s4 =	simm.s32 $0x0;
	s21 =	simm.s32 $0x8000;
	s22 =	simm.s32 $0x9400  }
0x5: {  	s23 =	simm.s32 $0x80;
	s28 =	simm.s32 $0x9380;
	s29 =	simm.s32 $0xA700  }
0x6: {  	s30 =	simm.s32 $0xA780;
	s31 =	simm.s32 $0x0;
	s7 =	smul.u32 $0x50000, s9  }
0x7: {  	s1 =	sand.u32 $0x1, s1;
	[smem:$0x7FF] =	sst s4;
	s12 =	smul.u32 $0x14000, s9  }
0x8: {  	s5 =	sshll.u32 s1, $0x4;
	_ =	strace $0x8000004A;
	s6 =	ssub.s32 $0x2, s1  }
0x9: {  	s1 =	smul.u32 $0x140000, s1;
	s5 =	sor.u32 s9, s5;
	s8 =	sshrl.u32 s6, $0x1  }
0xa: {  	s24 =	sshrl.u32 s7, $0x2;
	s14 =	sadd.s32 $0x4000, s12;
	s16 =	sadd.s32 $0x8000, s12  }
0xb: {  	s17 =	sadd.s32 $0xC000, s12;
	s18 =	sadd.s32 $0x10000, s12;
	s5 =	smul.u32 $0x2800, s5  }
0xc: {  	s19 =	ssub.s32 s6, s8;
	s6 =	sadd.s32 s14, s3;
	s7 =	sadd.s32 s16, s3  }
0xd: {  	s8 =	sadd.s32 s17, s3;
	s9 =	sadd.s32 s18, s3;
	s15 =	sadd.s32 s12, s1  }
0xe: {  	s14 =	sadd.s32 s1, s14;
	s16 =	sadd.s32 s1, s16;
	s17 =	sadd.s32 s1, s17  }
0xf: {  	s1 =	sadd.s32 s1, s18;
	s15 =	sshrl.u32 s15, $0x3;
	s20 =	sshrl.u32 s14, $0x3  }
0x10: {  	s16 =	sshrl.u32 s16, $0x3;
	s17 =	sshrl.u32 s17, $0x3;
	s5 =	sshrl.u32 s5, $0x3  }
0x11: {  	s1 =	sshrl.u32 s1, $0x3;
	s19 =	smax.u32 s19, $0x1;
	s13 =	sadd.s32 s5, s0  }
0x12: {  	s0 =	sadd.s32 $0x16000, s0;
	s5 =	sadd.s32 s24, s3;
	s24 =	simm.s32 $0x4000  }
0x13: {  	s10 =	sadd.s32 $0x2000, s13;
	s25 =	sadd.s32 $0xC000, s13;
	s26 =	sadd.s32 $0x2280, s13  }
0x14: {  	s13 =	sadd.s32 $0xC280, s13;
	s14 =	sadd.s32 s0, s15;
	s15 =	sadd.s32 s0, s20  }
0x15: {  	s16 =	sadd.s32 s0, s16;
	s17 =	sadd.s32 s0, s17;
	[dreg:$0x4] =	wrdreg s10  }
0x16: {  	s18 =	sadd.s32 s0, s1;
	s20 =	simm.s32 $0x3;
	[dreg:$0x5] =	wrdreg s25  }
0x17: {  	v0 =	vimm.f32 $0.0e+00;
	[dreg:$0x6] =	wrdreg s26;
	s25 =	simm.s32 $0x1;
	s26 =	simm.s32 $0x2  }
.LBB2_1:
0x18: {  	s0 =	simm.s32 $0x0;
	s1 =	simm.s32 $0x200  }
.LBB2_2:
0x19: {  	p0 =	sne.s32 s1, $0xFE00;
	[tilespmem:s0+$0x70] =	vst v0  }
0x1a: {  	[tilespmem:s0+$0x0] =	vst v0  }
0x1b: {  	[tilespmem:s0+$0x10] =	vst v0  }
.Ltmp0:
0x1c: {  	[tilespmem:s0+$0x20] =	vst v0;
	(pc) =	sbr.rel @p0 .LBB2_2-.Ltmp0, $4  }
0x1d: {  	[tilespmem:s0+$0x30] =	vst v0  }
0x1e: {  	[tilespmem:s0+$0x40] =	vst v0  }
0x1f: {  	[tilespmem:s0+$0x50] =	vst v0  }
0x20: {  	[tilespmem:s0+$0x60] =	vst v0;
	s0 =	sshra.s32 s1, $0x2;
	s1 =	sadd.s32 $0x200, s1  }
0x21: {  	[tilespmem:s0+$0x70] =	vst v0  }
0x22: {  	[tilespmem:s0+$0x0] =	vst v0  }
0x23: {  	[tilespmem:s0+$0x10] =	vst v0  }
0x24: {  	[tilespmem:s0+$0x20] =	vst v0  }
0x25: {  	[tilespmem:s0+$0x30] =	vst v0  }
0x26: {  	[tilespmem:s0+$0x40] =	vst v0  }
0x27: {  	[tilespmem:s0+$0x50] =	vst v0  }
0x28: {  	[tilespmem:s0+$0x60] =	vst v0;
	s11 =	simm.s32 $0x0  }
0x29: {  	[spmem:s5] =	stream.linear.scatter [tilespmem:s11], [sflag:$0x3], $0x4000, $0x38;
	[tilespmem:$0x1E800] =	vst v63  }
0x2a: {  	_ =	swait.ge [sflag:s20], $0x4000  }
0x2b: {  	[sflag:s20] =	ssyncset.done $0x0  }
0x2c: {  	[sflag:s20] =	ssyncadd.s32 $0xFFFFC000  }
0x2d: {  	[spmem:s6] =	stream.linear.scatter [tilespmem:s11], [sflag:$0x3], $0x4000, $0x38;
	[tilespmem:$0x1E800] =	vst v63  }
0x2e: {  	_ =	swait.ge [sflag:s20], $0x4000  }
0x2f: {  	[sflag:s20] =	ssyncset.done $0x0  }
0x30: {  	[sflag:s20] =	ssyncadd.s32 $0xFFFFC000  }
0x31: {  	[spmem:s7] =	stream.linear.scatter [tilespmem:s11], [sflag:$0x3], $0x4000, $0x38;
	[tilespmem:$0x1E800] =	vst v63  }
0x32: {  	_ =	swait.ge [sflag:s20], $0x4000  }
0x33: {  	[sflag:s20] =	ssyncset.done $0x0  }
0x34: {  	[sflag:s20] =	ssyncadd.s32 $0xFFFFC000  }
0x35: {  	[spmem:s8] =	stream.linear.scatter [tilespmem:s11], [sflag:$0x3], $0x4000, $0x38;
	[tilespmem:$0x1E800] =	vst v63  }
0x36: {  	_ =	swait.ge [sflag:s20], $0x4000  }
0x37: {  	[sflag:s20] =	ssyncset.done $0x0  }
0x38: {  	[sflag:s20] =	ssyncadd.s32 $0xFFFFC000  }
0x39: {  	[spmem:s9] =	stream.linear.scatter [tilespmem:s11], [sflag:$0x3], $0x4000, $0x38;
	[tilespmem:$0x1E800] =	vst v63  }
0x3a: {  	_ =	swait.ge [sflag:s20], $0x4000  }
0x3b: {  	[sflag:s20] =	ssyncset.done $0x0  }
0x3c: {  	[sflag:s20] =	ssyncadd.s32 $0xFFFFC000  }
0x3d: {  	[bflag:$0x0] =	sbarrier.arrive $0xFFFF  }
0x3e: {  	s1 =	rddreg [dreg:$0x4]  }
0x3f: {  	[tilespmem:s21], [sflag:$0x3] =	stream.linear.gather [hbm4b:s1+s11], $0x1400, $0x38;
	[tilespmem:$0x1E800] =	vst v63  }
0x40: {  	_ =	swait.ge [sflag:s20], $0x1400  }
0x41: {  	[sflag:s20] =	ssyncset.done $0x0  }
0x42: {  	s12 =	rddreg [dreg:$0x5];
	[sflag:s20] =	ssyncadd.s32 $0xFFFFEC00  }
0x43: {  	[tilespmem:s22], [sflag:$0x3] =	stream.linear.gather [hbm4b:s12+s11], $0x1400, $0x38;
	[tilespmem:$0x1E800] =	vst v63  }
0x44: {  	_ =	swait.ge [sflag:s20], $0x1400  }
0x45: {  	[sflag:s20] =	ssyncset.done $0x0  }
0x46: {  	[sflag:s20] =	ssyncadd.s32 $0xFFFFEC00  }
0x47: {  	[tilespmem:s11], [sflag:$0x1] =	stream.indirect.gather [hbm4b:s2+s23], $0x80, s21, s23, $0xb8;
	[tilespmem:$0x1E800] =	vst v63  }
0x48: {  	s1 =	simm.s32 $0x8080  }
0x49: {  	[tilespmem:s24], [sflag:$0x2] =	stream.indirect.gather [hbm4b:s2+s23], $0x80, s1, s23, $0xb8;
	[tilespmem:$0x1E800] =	vst v63  }
0x4a: {  	_ =	swait.ge [sflag:s25], $0x4000  }
0x4b: {  	[sflag:s25] =	ssyncset.done $0x0  }
0x4c: {  	s10 =	simm.s32 $0x9400;
	[sflag:s25] =	ssyncadd.s32 $0xFFFFC000  }
0x4d: {  	[spmem:s3] =	stream.indirect.scatter.add.f32 [tilespmem:s4], [sflag:$0x3], $0x80, s10, s23, $0xb8;
	[tilespmem:$0x1E800] =	vst v63  }
0x4e: {  	_ =	swait.ge [sflag:s20], $0x4000  }
0x4f: {  	[sflag:s20] =	ssyncset.done $0x0  }
0x50: {  	s11 =	simm.s32 $0x8100;
	[sflag:s20] =	ssyncadd.s32 $0xFFFFC000  }
0x51: {  	[tilespmem:s4], [sflag:$0x1] =	stream.indirect.gather [hbm4b:s2+s23], $0x80, s11, s23, $0xb8;
	[tilespmem:$0x1E800] =	vst v63  }
0x52: {  	_ =	swait.ge [sflag:s26], $0x4000  }
0x53: {  	[sflag:s26] =	ssyncset.done $0x0  }
0x54: {  	s12 =	simm.s32 $0x9480;
	[sflag:s26] =	ssyncadd.s32 $0xFFFFC000  }
0x55: {  	[spmem:s3] =	stream.indirect.scatter.add.f32 [tilespmem:s24], [sflag:$0x3], $0x80, s12, s23, $0xb8;
	[tilespmem:$0x1E800] =	vst v63  }
0x56: {  	_ =	swait.ge [sflag:s20], $0x4000  }
0x57: {  	s0 =	simm.s32 $0x100;
	s1 =	simm.s32 $0x800;
	[sflag:s20] =	ssyncset.done $0x0  }
.LBB2_4:
0x58: {  	s10 =	sadd.s32 $0x8080, s0  }
0x59: {  	[sflag:s20] =	ssyncadd.s32 $0xFFFFC000;
	s11 =	smov.u32 s1;
	s12 =	sadd.s32 $0x400, s1  }
0x5a: {  	[tilespmem:s24], [sflag:$0x2] =	stream.indirect.gather [hbm4b:s2+s23], $0x80, s10, s23, $0xb8;
	[tilespmem:$0x1E800] =	vst v63  }
0x5b: {  	p0 =	sne.s32 s1, $0x4800;
	_ =	swait.ge [sflag:s25], $0x4000  }
0x5c: {  	[sflag:s25] =	ssyncset.done $0x0  }
0x5d: {  	s1 =	sadd.s32 $0x9400, s0;
	[sflag:s25] =	ssyncadd.s32 $0xFFFFC000  }
0x5e: {  	[spmem:s3] =	stream.indirect.scatter.add.f32 [tilespmem:s4], [sflag:$0x3], $0x80, s1, s23, $0xb8;
	[tilespmem:$0x1E800] =	vst v63  }
0x5f: {  	_ =	swait.ge [sflag:s20], $0x4000  }
0x60: {  	[sflag:s20] =	ssyncset.done $0x0  }
0x61: {  	s1 =	sadd.s32 $0x8100, s0;
	[sflag:s20] =	ssyncadd.s32 $0xFFFFC000  }
0x62: {  	[tilespmem:s4], [sflag:$0x1] =	stream.indirect.gather [hbm4b:s2+s23], $0x80, s1, s23, $0xb8;
	[tilespmem:$0x1E800] =	vst v63  }
0x63: {  	_ =	swait.ge [sflag:s26], $0x4000  }
.Ltmp1:
0x64: {  	[sflag:s26] =	ssyncset.done $0x0;
	(pc) =	sbr.rel @p0 .LBB2_4-.Ltmp1, $4  }
0x65: {  	s0 =	sadd.s32 $0x9480, s0;
	[sflag:s26] =	ssyncadd.s32 $0xFFFFC000  }
0x66: {  	[spmem:s3] =	stream.indirect.scatter.add.f32 [tilespmem:s24], [sflag:$0x3], $0x80, s0, s23, $0xb8;
	[tilespmem:$0x1E800] =	vst v63  }
0x67: {  	_ =	swait.ge [sflag:s20], $0x4000  }
0x68: {  	s1 =	smov.u32 s12;
	s0 =	sshra.s32 s11, $0x2;
	[sflag:s20] =	ssyncset.done $0x0  }
0x69: {  	s1 =	sadd.s32 $0x8080, s0;
	[sflag:s20] =	ssyncadd.s32 $0xFFFFC000  }
0x6a: {  	[tilespmem:s24], [sflag:$0x2] =	stream.indirect.gather [hbm4b:s2+s23], $0x80, s1, s23, $0xb8;
	[tilespmem:$0x1E800] =	vst v63  }
0x6b: {  	_ =	swait.ge [sflag:s25], $0x4000  }
0x6c: {  	[sflag:s25] =	ssyncset.done $0x0  }
0x6d: {  	s11 =	sadd.s32 $0x9400, s0;
	[sflag:s25] =	ssyncadd.s32 $0xFFFFC000  }
0x6e: {  	[spmem:s3] =	stream.indirect.scatter.add.f32 [tilespmem:s4], [sflag:$0x3], $0x80, s11, s23, $0xb8;
	[tilespmem:$0x1E800] =	vst v63  }
0x6f: {  	_ =	swait.ge [sflag:s20], $0x4000  }
0x70: {  	[sflag:s20] =	ssyncset.done $0x0  }
0x71: {  	s12 =	sadd.s32 $0x8100, s0;
	[sflag:s20] =	ssyncadd.s32 $0xFFFFC000  }
0x72: {  	[tilespmem:s4], [sflag:$0x1] =	stream.indirect.gather [hbm4b:s2+s23], $0x80, s12, s23, $0xb8;
	[tilespmem:$0x1E800] =	vst v63  }
0x73: {  	_ =	swait.ge [sflag:s26], $0x4000  }
0x74: {  	[sflag:s26] =	ssyncset.done $0x0  }
0x75: {  	s10 =	sadd.s32 $0x9480, s0;
	[sflag:s26] =	ssyncadd.s32 $0xFFFFC000  }
0x76: {  	[spmem:s3] =	stream.indirect.scatter.add.f32 [tilespmem:s24], [sflag:$0x3], $0x80, s10, s23, $0xb8;
	[tilespmem:$0x1E800] =	vst v63  }
0x77: {  	_ =	swait.ge [sflag:s20], $0x4000  }
0x78: {  	[sflag:s20] =	ssyncset.done $0x0  }
0x79: {  	[sflag:s20] =	ssyncadd.s32 $0xFFFFC000  }
0x7a: {  	[tilespmem:s24], [sflag:$0x2] =	stream.indirect.gather [hbm4b:s2+s23], $0x80, s28, s23, $0xb8;
	[tilespmem:$0x1E800] =	vst v63  }
0x7b: {  	_ =	swait.ge [sflag:s25], $0x4000  }
0x7c: {  	[sflag:s25] =	ssyncset.done $0x0  }
0x7d: {  	s11 =	simm.s32 $0x0;
	[sflag:s25] =	ssyncadd.s32 $0xFFFFC000  }
0x7e: {  	[spmem:s3] =	stream.indirect.scatter.add.f32 [tilespmem:s11], [sflag:$0x3], $0x80, s29, s23, $0xb8;
	[tilespmem:$0x1E800] =	vst v63  }
0x7f: {  	_ =	swait.ge [sflag:s20], $0x4000  }
0x80: {  	[sflag:s20] =	ssyncset.done $0x0  }
0x81: {  	[sflag:s20] =	ssyncadd.s32 $0xFFFFC000  }
0x82: {  	_ =	swait.ge [sflag:s26], $0x4000  }
0x83: {  	[sflag:s26] =	ssyncset.done $0x0  }
0x84: {  	[sflag:s26] =	ssyncadd.s32 $0xFFFFC000  }
0x85: {  	[spmem:s3] =	stream.indirect.scatter.add.f32 [tilespmem:s24], [sflag:$0x3], $0x80, s30, s23, $0xb8;
	[tilespmem:$0x1E800] =	vst v63  }
0x86: {  	_ =	swait.ge [sflag:s20], $0x4000  }
0x87: {  	[sflag:s20] =	ssyncset.done $0x0  }
0x88: {  	s12 =	rddreg [dreg:$0x6];
	[sflag:s20] =	ssyncadd.s32 $0xFFFFC000  }
0x89: {  	[tilespmem:s21], [sflag:$0x3] =	stream.linear.gather [hbm4b:s12+s11], $0x1400, $0x38;
	[tilespmem:$0x1E800] =	vst v63  }
0x8a: {  	_ =	swait.ge [sflag:s20], $0x1400  }
0x8b: {  	[sflag:s20] =	ssyncset.done $0x0  }
0x8c: {  	[sflag:s20] =	ssyncadd.s32 $0xFFFFEC00  }
0x8d: {  	[tilespmem:s22], [sflag:$0x3] =	stream.linear.gather [hbm4b:s13+s11], $0x1400, $0x38;
	[tilespmem:$0x1E800] =	vst v63  }
0x8e: {  	_ =	swait.ge [sflag:s20], $0x1400  }
0x8f: {  	[sflag:s20] =	ssyncset.done $0x0  }
0x90: {  	[sflag:s20] =	ssyncadd.s32 $0xFFFFEC00  }
0x91: {  	[tilespmem:s11], [sflag:$0x1] =	stream.indirect.gather [hbm4b:s2+s23], $0x80, s21, s23, $0xb8;
	[tilespmem:$0x1E800] =	vst v63  }
0x92: {  	s1 =	simm.s32 $0x8080  }
0x93: {  	[tilespmem:s24], [sflag:$0x2] =	stream.indirect.gather [hbm4b:s2+s23], $0x80, s1, s23, $0xb8;
	[tilespmem:$0x1E800] =	vst v63  }
0x94: {  	_ =	swait.ge [sflag:s25], $0x4000  }
0x95: {  	[sflag:s25] =	ssyncset.done $0x0  }
0x96: {  	s10 =	simm.s32 $0x9400;
	[sflag:s25] =	ssyncadd.s32 $0xFFFFC000  }
0x97: {  	[spmem:s3] =	stream.indirect.scatter.add.f32 [tilespmem:s4], [sflag:$0x3], $0x80, s10, s23, $0xb8;
	[tilespmem:$0x1E800] =	vst v63  }
0x98: {  	_ =	swait.ge [sflag:s20], $0x4000  }
0x99: {  	[sflag:s20] =	ssyncset.done $0x0  }
0x9a: {  	s11 =	simm.s32 $0x8100;
	[sflag:s20] =	ssyncadd.s32 $0xFFFFC000  }
0x9b: {  	[tilespmem:s4], [sflag:$0x1] =	stream.indirect.gather [hbm4b:s2+s23], $0x80, s11, s23, $0xb8;
	[tilespmem:$0x1E800] =	vst v63  }
0x9c: {  	_ =	swait.ge [sflag:s26], $0x4000  }
0x9d: {  	[sflag:s26] =	ssyncset.done $0x0  }
0x9e: {  	s12 =	simm.s32 $0x9480;
	[sflag:s26] =	ssyncadd.s32 $0xFFFFC000  }
0x9f: {  	[spmem:s3] =	stream.indirect.scatter.add.f32 [tilespmem:s24], [sflag:$0x3], $0x80, s12, s23, $0xb8;
	[tilespmem:$0x1E800] =	vst v63  }
0xa0: {  	_ =	swait.ge [sflag:s20], $0x4000  }
0xa1: {  	s0 =	simm.s32 $0x100;
	s1 =	simm.s32 $0x800;
	[sflag:s20] =	ssyncset.done $0x0  }
.LBB2_6:
0xa2: {  	s10 =	sadd.s32 $0x8080, s0  }
0xa3: {  	[sflag:s20] =	ssyncadd.s32 $0xFFFFC000;
	s11 =	smov.u32 s1;
	s12 =	sadd.s32 $0x400, s1  }
0xa4: {  	[tilespmem:s24], [sflag:$0x2] =	stream.indirect.gather [hbm4b:s2+s23], $0x80, s10, s23, $0xb8;
	[tilespmem:$0x1E800] =	vst v63  }
0xa5: {  	p0 =	sne.s32 s1, $0x4800;
	_ =	swait.ge [sflag:s25], $0x4000  }
0xa6: {  	[sflag:s25] =	ssyncset.done $0x0  }
0xa7: {  	s1 =	sadd.s32 $0x9400, s0;
	[sflag:s25] =	ssyncadd.s32 $0xFFFFC000  }
0xa8: {  	[spmem:s3] =	stream.indirect.scatter.add.f32 [tilespmem:s4], [sflag:$0x3], $0x80, s1, s23, $0xb8;
	[tilespmem:$0x1E800] =	vst v63  }
0xa9: {  	_ =	swait.ge [sflag:s20], $0x4000  }
0xaa: {  	[sflag:s20] =	ssyncset.done $0x0  }
0xab: {  	s1 =	sadd.s32 $0x8100, s0;
	[sflag:s20] =	ssyncadd.s32 $0xFFFFC000  }
0xac: {  	[tilespmem:s4], [sflag:$0x1] =	stream.indirect.gather [hbm4b:s2+s23], $0x80, s1, s23, $0xb8;
	[tilespmem:$0x1E800] =	vst v63  }
0xad: {  	_ =	swait.ge [sflag:s26], $0x4000  }
.Ltmp2:
0xae: {  	[sflag:s26] =	ssyncset.done $0x0;
	(pc) =	sbr.rel @p0 .LBB2_6-.Ltmp2, $4  }
0xaf: {  	s0 =	sadd.s32 $0x9480, s0;
	[sflag:s26] =	ssyncadd.s32 $0xFFFFC000  }
0xb0: {  	[spmem:s3] =	stream.indirect.scatter.add.f32 [tilespmem:s24], [sflag:$0x3], $0x80, s0, s23, $0xb8;
	[tilespmem:$0x1E800] =	vst v63  }
0xb1: {  	_ =	swait.ge [sflag:s20], $0x4000  }
0xb2: {  	s1 =	smov.u32 s12;
	s0 =	sshra.s32 s11, $0x2;
	[sflag:s20] =	ssyncset.done $0x0  }
0xb3: {  	s1 =	sadd.s32 $0x8080, s0;
	[sflag:s20] =	ssyncadd.s32 $0xFFFFC000  }
0xb4: {  	[tilespmem:s24], [sflag:$0x2] =	stream.indirect.gather [hbm4b:s2+s23], $0x80, s1, s23, $0xb8;
	[tilespmem:$0x1E800] =	vst v63  }
0xb5: {  	_ =	swait.ge [sflag:s25], $0x4000  }
0xb6: {  	[sflag:s25] =	ssyncset.done $0x0  }
0xb7: {  	s11 =	sadd.s32 $0x9400, s0;
	[sflag:s25] =	ssyncadd.s32 $0xFFFFC000  }
0xb8: {  	[spmem:s3] =	stream.indirect.scatter.add.f32 [tilespmem:s4], [sflag:$0x3], $0x80, s11, s23, $0xb8;
	[tilespmem:$0x1E800] =	vst v63  }
0xb9: {  	_ =	swait.ge [sflag:s20], $0x4000  }
0xba: {  	[sflag:s20] =	ssyncset.done $0x0  }
0xbb: {  	s12 =	sadd.s32 $0x8100, s0;
	[sflag:s20] =	ssyncadd.s32 $0xFFFFC000  }
0xbc: {  	[tilespmem:s4], [sflag:$0x1] =	stream.indirect.gather [hbm4b:s2+s23], $0x80, s12, s23, $0xb8;
	[tilespmem:$0x1E800] =	vst v63  }
0xbd: {  	_ =	swait.ge [sflag:s26], $0x4000  }
0xbe: {  	[sflag:s26] =	ssyncset.done $0x0  }
0xbf: {  	s1 =	sadd.s32 $0x9480, s0;
	[sflag:s26] =	ssyncadd.s32 $0xFFFFC000  }
0xc0: {  	[spmem:s3] =	stream.indirect.scatter.add.f32 [tilespmem:s24], [sflag:$0x3], $0x80, s1, s23, $0xb8;
	[tilespmem:$0x1E800] =	vst v63  }
0xc1: {  	_ =	swait.ge [sflag:s20], $0x4000  }
0xc2: {  	[sflag:s20] =	ssyncset.done $0x0  }
0xc3: {  	[sflag:s20] =	ssyncadd.s32 $0xFFFFC000  }
0xc4: {  	[tilespmem:s24], [sflag:$0x2] =	stream.indirect.gather [hbm4b:s2+s23], $0x80, s28, s23, $0xb8;
	[tilespmem:$0x1E800] =	vst v63  }
0xc5: {  	_ =	swait.ge [sflag:s25], $0x4000  }
0xc6: {  	[sflag:s25] =	ssyncset.done $0x0  }
0xc7: {  	[sflag:s25] =	ssyncadd.s32 $0xFFFFC000  }
0xc8: {  	[spmem:s3] =	stream.indirect.scatter.add.f32 [tilespmem:s4], [sflag:$0x3], $0x80, s29, s23, $0xb8;
	[tilespmem:$0x1E800] =	vst v63  }
0xc9: {  	_ =	swait.ge [sflag:s20], $0x4000  }
0xca: {  	[sflag:s20] =	ssyncset.done $0x0  }
0xcb: {  	[sflag:s20] =	ssyncadd.s32 $0xFFFFC000  }
0xcc: {  	_ =	swait.ge [sflag:s26], $0x4000  }
0xcd: {  	[sflag:s26] =	ssyncset.done $0x0  }
0xce: {  	[sflag:s26] =	ssyncadd.s32 $0xFFFFC000  }
0xcf: {  	[spmem:s3] =	stream.indirect.scatter.add.f32 [tilespmem:s24], [sflag:$0x3], $0x80, s30, s23, $0xb8;
	[tilespmem:$0x1E800] =	vst v63  }
0xd0: {  	_ =	swait.ge [sflag:s20], $0x4000  }
0xd1: {  	s10 =	stileid.u32;
	[sflag:s20] =	ssyncset.done $0x0  }
0xd2: {  	s0 =	sshll.u32 s10, $0x6;
	[sflag:s20] =	ssyncadd.s32 $0xFFFFC000  }
0xd3: {  	s0 =	sor.u32 $0x1C03, s0;
	s11 =	sshrl.u32 s5, $0x3;
	[bflag:$0x0] =	sbarrier.arrive $0xFFFF  }
0xd4: {  	[hbm:s14], [sflag:s0] =	dma.local [spmem:s11], $0x800  }
0xd5: {  	_ =	swait.ge [sflag:s20], $0x800  }
0xd6: {  	[sflag:s20] =	ssyncset.done $0x0  }
0xd7: {  	s12 =	sshrl.u32 s6, $0x3;
	[sflag:s20] =	ssyncadd.s32 $0xFFFFF800  }
0xd8: {  	[hbm:s15], [sflag:s0] =	dma.local [spmem:s12], $0x800  }
0xd9: {  	_ =	swait.ge [sflag:s20], $0x800  }
0xda: {  	[sflag:s20] =	ssyncset.done $0x0  }
0xdb: {  	s10 =	sshrl.u32 s7, $0x3;
	[sflag:s20] =	ssyncadd.s32 $0xFFFFF800  }
0xdc: {  	[hbm:s16], [sflag:s0] =	dma.local [spmem:s10], $0x800  }
0xdd: {  	_ =	swait.ge [sflag:s20], $0x800  }
0xde: {  	[sflag:s20] =	ssyncset.done $0x0  }
0xdf: {  	s11 =	sshrl.u32 s8, $0x3;
	[sflag:s20] =	ssyncadd.s32 $0xFFFFF800  }
0xe0: {  	[hbm:s17], [sflag:s0] =	dma.local [spmem:s11], $0x800  }
0xe1: {  	s31 =	sadd.s32 $0x1, s31;
	_ =	swait.ge [sflag:s20], $0x800  }
0xe2: {  	p0 =	sne.s32 s31, s19;
	[sflag:s20] =	ssyncset.done $0x0  }
.Ltmp3:
0xe3: {  	s12 =	sshrl.u32 s9, $0x3;
	[sflag:s20] =	ssyncadd.s32 $0xFFFFF800;
	(pc) =	sbr.rel @p0 .LBB2_1-.Ltmp3, $4  }
0xe4: {  	[hbm:s18], [sflag:s0] =	dma.local [spmem:s12], $0x800  }
0xe5: {  	_ =	swait.ge [sflag:s20], $0x800  }
0xe6: {  	[sflag:s20] =	ssyncset.done $0x0  }
0xe7: {  	[sflag:s20] =	ssyncadd.s32 $0xFFFFF800  }
0xe8: {  	_ =	sfence.sel $0x180000  }
0xe9: {  	[bflag:$0x0] =	sbarrier.arrive $0xFFFF  }
0xea: {  	_ =	strace $0x9000004A  }
0xeb: {  	s0 =	stileid.u32;
	[bflag:$0x2] =	sbarrier.arrive $0xFFFF  }
0xec: {  	p0 =	sne.s32 s0, $0x0;
	s0 =	rddreg [dreg:$0x3]  }
0xed: {  	s0 =	sadd.s32 @!p0 $0x100000, s0  }
0xee: {  	[sflag:s0] =	ssyncadd.tile.s32 @!p0 $0x1;
	_ =	shalt  }
.Lfunc_end2:
_tile_overlayer_lowered:
.L_overlay_start_2:
0xef: {  	(tag) =	ssettag $0x2  }
0xf0: {  	s0 =	rddreg [dreg:$0x0];
	s2 =	stileid.u32  }
0xf1: {  	s1 =	rddreg [dreg:$0x1];
	p0 =	sne.s32 s2, $0x0  }
0xf2: {  	s3 =	rddreg [dreg:$0x2];
	[bflag:$0x3] =	sbarrier.arrive $0xFFFF;
	s2 =	simm.s32 @!p0 $0x1C03  }
0xf3: {  	[timem:s3], [sflag:s2] =	dma.local @!p0 [hbm:s0], s1  }
0xf4: {  	s0 =	simm.s32 @!p0 $0x3  }
0xf5: {  	_ =	swait.ge @!p0 [sflag:s0], s1  }
0xf6: {  	s1 =	ssub.s32 @!p0 $0x0, s1;
	[sflag:s0] =	ssyncset.done @!p0 $0x0  }
0xf7: {  	[sflag:s0] =	ssyncadd.s32 @!p0 s1  }
0xf8: {  	[bflag:$0x3] =	sbarrier.arrive $0xFFFF  }
0xf9: {  	_ =	shalt  }

</sc_bundles>
